<compile_context>
chip_gen: v7x
topology: tpu7x:2x2x1
jax: 0.10.2.dev20260603
libtpu: 0.0.44.dev20260713+nightly
codegen_flags: <defaults>
</compile_context>

<pallas_src>
import functools

import jax
import jax.numpy as jnp
import numpy as np
from jax import lax
from jax.experimental import pallas as pl
from jax.experimental.pallas import tpu as pltpu
from jax.experimental.pallas import tpu_sc as plsc

B = 8
N = 512
MV_OUT_CH = 10
EPS = 1e-05
SCALE = 1.0 / 8.0

_NS = 16
_LANES = 16
_CHUNKS = N // _LANES

_SEL = np.zeros((160, MV_OUT_CH), np.float32)
for _c in range(MV_OUT_CH):
    _SEL[16 * _c, _c] = 1.0
_S6 = np.zeros((6, 17), np.float32)
_S6[0, 1] = 1.0
_S6[0, 16] = 1.0
_S6[1, 4] = 1.0
for _c in range(4):
    _S6[2 + _c, 1 + _c] = 1.0
_SPREAD = np.zeros((MV_OUT_CH, 128), np.float32)
for _c in range(MV_OUT_CH):
    _SPREAD[_c, _c] = 1.0


def _consts_body(wq_ref, wk_ref, wv_ref, wmv_ref, sel_ref, s6_ref, spread_ref,
                 out_ref):
    wq = wq_ref[...]
    wk = wk_ref[...]
    wv = wv_ref[...]
    wmv = wmv_ref[...]

    qg = wq[1:2, :] + wq[16:17, :]
    kall = jnp.sum(wk * qg, axis=1, keepdims=True) * SCALE
    w4 = kall[1:5]
    lg = kall[1:2] + kall[16:17]
    lb = kall[4:5]

    wmv_sub = jnp.dot(wmv, sel_ref[...],
                      preferred_element_type=jnp.float32)
    t6 = jnp.dot(s6_ref[...], wv,
                 preferred_element_type=jnp.float32)
    u6 = jnp.dot(t6, wmv_sub, preferred_element_type=jnp.float32)
    rows6_11 = jnp.dot(u6, spread_ref[...],
                       preferred_element_type=jnp.float32)

    out_ref[...] = jnp.concatenate(
        [
            jnp.broadcast_to(w4, (4, 128)),
            jnp.broadcast_to(lg, (1, 128)),
            jnp.broadcast_to(lb, (1, 128)),
            rows6_11,
            jnp.zeros((4, 128), jnp.float32),
        ],
        axis=0,
    )


_consts_tc_call = pl.pallas_call(
    _consts_body,
    out_shape=jax.ShapeDtypeStruct((16, 128), jnp.float32),
)


def _consts_tc(wq, wk, wv, wmv):
    return _consts_tc_call(wq, wk, wv, wmv,
                           jnp.asarray(_SEL), jnp.asarray(_S6),
                           jnp.asarray(_SPREAD))


def _sc_body(batch_hbm, consts_hbm, out_hbm, bv, cv, ov, sem0, sem1):
    wid = lax.axis_index("s")

    @pl.when(wid < B)
    def _():
        cp_b = pltpu.async_copy(batch_hbm.at[wid], bv, sem0)
        cp_c = pltpu.async_copy(consts_hbm, cv, sem1)
        cp_b.wait()
        cp_c.wait()

        w0 = cv[0, pl.ds(0, _LANES)]
        w1 = cv[1, pl.ds(0, _LANES)]
        w2 = cv[2, pl.ds(0, _LANES)]
        w3 = cv[3, pl.ds(0, _LANES)]
        lgv = cv[4, pl.ds(0, _LANES)]
        lbv = cv[5, pl.ds(0, _LANES)]
        ugv = cv[6, pl.ds(0, _LANES)]
        ubv = cv[7, pl.ds(0, _LANES)]
        u40 = cv[8, pl.ds(0, _LANES)]
        u41 = cv[9, pl.ds(0, _LANES)]
        u42 = cv[10, pl.ds(0, _LANES)]
        u43 = cv[11, pl.ds(0, _LANES)]

        neg_inf = jnp.full((_LANES,), -jnp.inf, jnp.float32)

        mx = neg_inf
        for i in range(_CHUNKS):
            b0 = bv[0, pl.ds(i * _LANES, _LANES)]
            b1 = bv[1, pl.ds(i * _LANES, _LANES)]
            b2 = bv[2, pl.ds(i * _LANES, _LANES)]
            b3 = bv[3, pl.ds(i * _LANES, _LANES)]
            l = b0 * w0 + b1 * w1 + b2 * w2 + b3 * w3
            valid = ((jnp.abs(b0) > EPS) & (jnp.abs(b1) > EPS)
                     & (jnp.abs(b2) > EPS) & (jnp.abs(b3) > EPS))
            mx = jnp.maximum(mx, jnp.where(valid, l, neg_inf))
        m = jnp.maximum(jnp.maximum(jnp.max(mx), jnp.max(lgv)), jnp.max(lbv))

        zero = jnp.zeros((_LANES,), jnp.float32)
        esum = zero
        s0 = zero
        s1 = zero
        s2 = zero
        s3 = zero
        for i in range(_CHUNKS):
            b0 = bv[0, pl.ds(i * _LANES, _LANES)]
            b1 = bv[1, pl.ds(i * _LANES, _LANES)]
            b2 = bv[2, pl.ds(i * _LANES, _LANES)]
            b3 = bv[3, pl.ds(i * _LANES, _LANES)]
            l = b0 * w0 + b1 * w1 + b2 * w2 + b3 * w3
            valid = ((jnp.abs(b0) > EPS) & (jnp.abs(b1) > EPS)
                     & (jnp.abs(b2) > EPS) & (jnp.abs(b3) > EPS))
            e = jnp.where(valid, jnp.exp(l - m), 0.0)
            esum = esum + e
            s0 = s0 + e * b0
            s1 = s1 + e * b1
            s2 = s2 + e * b2
            s3 = s3 + e * b3

        egv = jnp.exp(lgv - m)
        ebv = jnp.exp(lbv - m)
        etot = jnp.sum(esum) + jnp.max(egv) + jnp.max(ebv)
        outv = (egv * ugv + ebv * ubv
                + jnp.sum(s0) * u40 + jnp.sum(s1) * u41
                + jnp.sum(s2) * u42 + jnp.sum(s3) * u43) / etot
        ov[...] = outv
        pltpu.sync_copy(ov, out_hbm.at[wid])


@functools.cache
def _sc_main():
    mesh = plsc.VectorSubcoreMesh(
        core_axis_name="c", subcore_axis_name="s",
        num_cores=1, num_subcores=_NS,
    )
    return pl.kernel(
        _sc_body,
        out_type=jax.ShapeDtypeStruct((B, _LANES), jnp.float32),
        mesh=mesh,
        compiler_params=pltpu.CompilerParams(needs_layout_passes=False),
        scratch_types=[
            pltpu.VMEM((4, N), jnp.float32),
            pltpu.VMEM((16, 128), jnp.float32),
            pltpu.VMEM((_LANES,), jnp.float32),
            pltpu.SemaphoreType.DMA,
            pltpu.SemaphoreType.DMA,
        ],
    )


@jax.jit
def kernel(batch, Wq, Wk, Wv, Wmv, Ws):
    del Ws
    consts = _consts_tc(Wq, Wk, Wv, Wmv)
    out2d = _sc_main()(batch, consts)
    return out2d[:, :MV_OUT_CH].reshape(B * MV_OUT_CH)

# --- scband reference (transcript-rebuilt; emitter-appended) ---
"""Pipeline reference for scband-top-tagging-pretrain-gatr-wrapper-29549374997064 (READ-ONLY COPY).

The authoritative reference and input builder live on the scoring server;
editing this copy changes nothing except your own understanding.
"""

import jax, jax.numpy as jnp
import numpy as np

B = 8
N = 512
HIDDEN = 64
MV_OUT_CH = 10

def embed_vector(v):
    out = jnp.zeros(v.shape[:-1] + (16,), dtype=v.dtype)
    return out.at[..., 1:5].set(v)

def extract_scalar(mv):
    return mv[..., 0:1]

def setup_inputs(seed: int = 0):
    key = jax.random.key(seed)
    k1, k2, k3, k4, k5, k6, k7 = jax.random.split(key, 7)
    batch = jax.random.normal(k1, (B, 4, N), dtype=jnp.float32)
    lengths = jax.random.randint(k2, (B,), N // 4, N + 1)
    keep = (jnp.arange(N)[None, :] < lengths[:, None])
    batch = batch * keep[:, None, :].astype(batch.dtype)
    d_in = 17
    Wq = jax.random.normal(k3, (d_in, HIDDEN), dtype=jnp.float32) * 0.1
    Wk = jax.random.normal(k4, (d_in, HIDDEN), dtype=jnp.float32) * 0.1
    Wv = jax.random.normal(k5, (d_in, HIDDEN), dtype=jnp.float32) * 0.1
    Wmv = jax.random.normal(k6, (HIDDEN, MV_OUT_CH * 16), dtype=jnp.float32) * 0.1
    Ws = jax.random.normal(k7, (HIDDEN, 1), dtype=jnp.float32) * 0.1
    return {"batch": batch, "Wq": Wq, "Wk": Wk, "Wv": Wv, "Wmv": Wmv, "Ws": Ws}

def _forward(batch, Wq, Wk, Wv, Wmv, Ws, valid_mask):
    batch_t = jnp.transpose(batch, (0, 2, 1))
    nb = batch_t.shape[0]
    nn = batch_t.shape[1]
    n_tok = nn + 2
    # spacelike beam reference [0,0,0,1], embedded as a vector multivector, as an extra token
    beam = embed_vector(jnp.array([0.0, 0.0, 0.0, 1.0], dtype=batch.dtype).reshape(1, 4))[:, None, :]
    gtok = jnp.zeros((nb, 1, 4), dtype=batch.dtype).at[:, :, 0].set(1.0)
    x = jnp.concatenate([gtok, batch_t], axis=1)
    x = embed_vector(x[:, :, None, :])
    beam_b = jnp.broadcast_to(beam[None], (nb, 1, 1, 16))
    x = jnp.concatenate([x, beam_b], axis=1)
    sig = jnp.zeros((nb, n_tok, 1), dtype=batch.dtype).at[:, 0, 0].set(1.0)
    T = nb * n_tok
    multivector = x.reshape(1, T, 1, 16)
    scalars = sig.reshape(1, T, 1)
    is_global = np.zeros((T, MV_OUT_CH, 1), dtype=bool)
    is_global[np.arange(nb) * n_tok] = True
    seg = jnp.repeat(jnp.arange(nb), n_tok)
    vtok = jnp.concatenate(
        [jnp.ones((nb, 1), dtype=bool), valid_mask, jnp.ones((nb, 1), dtype=bool)], axis=1
    ).reshape(T)
    # materialized BlockDiagonalMask: 0 within event, -inf across events
    bias = jnp.where((seg[:, None] == seg[None, :]) & vtok[None, :], 0.0, -jnp.inf).astype(batch.dtype)
    # stand-in GATr net: single attention block over (mv, scalars) features
    f = jnp.concatenate([multivector.reshape(1, T, 16), scalars], axis=-1)
    q = f @ Wq
    k = f @ Wk
    v = f @ Wv
    logits = jnp.einsum('btd,bsd->bts', q, k) / np.sqrt(float(HIDDEN)) + bias[None]
    attn = jax.nn.softmax(logits, axis=-1)
    out = jnp.einsum('bts,bsd->btd', attn, v)
    mv_out = (out @ Wmv).reshape(1, T, MV_OUT_CH, 16)
    s_out = out @ Ws  # scalar_outputs, unused by extract_from_ga (faithful)
    outputs = extract_scalar(mv_out).reshape(T, MV_OUT_CH)
    flat_idx = jnp.asarray(np.nonzero(is_global.reshape(-1))[0])
    labels = outputs.reshape(-1)[flat_idx]
    return labels

def reference(batch, Wq, Wk, Wv, Wmv, Ws):
    bt = jnp.transpose(batch, (0, 2, 1))
    valid_mask = jnp.all(jnp.abs(bt) > 1e-05, axis=-1)
    return _forward(batch, Wq, Wk, Wv, Wmv, Ws, valid_mask)

if __name__ == "__main__":
    import jax
    _d = setup_inputs()
    print(jax.jit(kernel)(*tuple(_d.values())))

</pallas_src>

<mosaic_0001>
#map = affine_map<(d0, d1) -> (0, 0, 0)>
#map1 = affine_map<(d0, d1) -> (0, 0)>
module attributes {stable_mosaic.version = 14 : i64} {
  func.func @_sc_body(%arg0: i32, %arg1: i32, %arg2: memref<8x4x512xf32, #tpu.memory_space<hbm>>, %arg3: memref<16x128xf32, #tpu.memory_space<hbm>>, %arg4: memref<8x16xf32, #tpu.memory_space<hbm>>, %arg5: memref<4x512xf32, #tpu.memory_space<vmem>>, %arg6: memref<16x128xf32, #tpu.memory_space<vmem>>, %arg7: memref<16xf32, #tpu.memory_space<vmem>>, %arg8: memref<!tpu.dma_semaphore, #tpu.memory_space<semaphore_mem>>, %arg9: memref<!tpu.dma_semaphore, #tpu.memory_space<semaphore_mem>>) attributes {dimension_semantics = [#tpu.dimension_semantics<core_parallel>, #tpu.dimension_semantics<subcore_parallel>], iteration_bounds = array<i64: 1, 16>, scalar_prefetch = 0 : i64, scratch_operands = 5 : i64, tpu.core_type = #tpu.core_type<sc_vector_subcore>, window_params = [{transform_indices = #map}, {transform_indices = #map1}, {transform_indices = #map1}]} {
    %lt3A = arith.constant 8 : i32
    %lt3A_0 = arith.cmpi slt, %arg1, %lt3A : i32
    %convert_element_type3A = arith.extui %lt3A_0 : i1 to i32
    %cond3A = arith.constant 0 : i32
    %cond3A_1 = arith.cmpi ne, %convert_element_type3A, %cond3A : i32
    scf.if %cond3A_1 {
      %dma_start3A = arith.constant 0 : i32
      %dma_start3A_2 = arith.constant 0 : i32
      %dma_start3A_3 = tpu.memref_slice %arg2[%arg1, %dma_start3A, %dma_start3A_2] : memref<8x4x512xf32, #tpu.memory_space<hbm>> -> memref<1x4x512xf32, #tpu.memory_space<hbm>>
      %dma_start3A_4 = tpu.memref_squeeze %dma_start3A_3 : memref<1x4x512xf32, #tpu.memory_space<hbm>> -> memref<4x512xf32, #tpu.memory_space<hbm>>
      %dma_start3A_5 = arith.constant 0 : i32
      %dma_start3A_6 = arith.constant 0 : i32
      %dma_start3A_7 = tpu.memref_slice %arg2[%arg1, %dma_start3A_5, %dma_start3A_6] : memref<8x4x512xf32, #tpu.memory_space<hbm>> -> memref<1x4x512xf32, #tpu.memory_space<hbm>>
      %dma_start3A_8 = tpu.memref_squeeze %dma_start3A_7 : memref<1x4x512xf32, #tpu.memory_space<hbm>> -> memref<4x512xf32, #tpu.memory_space<hbm>>
      tpu.enqueue_dma source(%dma_start3A_8 : memref<4x512xf32, #tpu.memory_space<hbm>>) target(%arg5 : memref<4x512xf32, #tpu.memory_space<vmem>>) target_semaphore(%arg8 : memref<!tpu.dma_semaphore, #tpu.memory_space<semaphore_mem>>)
      tpu.enqueue_dma source(%arg3 : memref<16x128xf32, #tpu.memory_space<hbm>>) target(%arg6 : memref<16x128xf32, #tpu.memory_space<vmem>>) target_semaphore(%arg9 : memref<!tpu.dma_semaphore, #tpu.memory_space<semaphore_mem>>)
      %dma_wait3A = arith.constant 0 : i32
      %dma_wait3A_9 = arith.constant 0 : i32
      %dma_wait3A_10 = tpu.memref_slice %arg2[%arg1, %dma_wait3A, %dma_wait3A_9] : memref<8x4x512xf32, #tpu.memory_space<hbm>> -> memref<1x4x512xf32, #tpu.memory_space<hbm>>
      %dma_wait3A_11 = tpu.memref_squeeze %dma_wait3A_10 : memref<1x4x512xf32, #tpu.memory_space<hbm>> -> memref<4x512xf32, #tpu.memory_space<hbm>>
      %dma_wait3A_12 = arith.constant 0 : i32
      %dma_wait3A_13 = arith.constant 0 : i32
      %dma_wait3A_14 = tpu.memref_slice %arg2[%arg1, %dma_wait3A_12, %dma_wait3A_13] : memref<8x4x512xf32, #tpu.memory_space<hbm>> -> memref<1x4x512xf32, #tpu.memory_space<hbm>>
      %dma_wait3A_15 = tpu.memref_squeeze %dma_wait3A_14 : memref<1x4x512xf32, #tpu.memory_space<hbm>> -> memref<4x512xf32, #tpu.memory_space<hbm>>
      tpu.wait_dma2 semaphore(%arg8 : memref<!tpu.dma_semaphore, #tpu.memory_space<semaphore_mem>>) src(%dma_wait3A_15 : memref<4x512xf32, #tpu.memory_space<hbm>>) dst(%arg5 : memref<4x512xf32, #tpu.memory_space<vmem>>)
      tpu.wait_dma2 semaphore(%arg9 : memref<!tpu.dma_semaphore, #tpu.memory_space<semaphore_mem>>) src(%arg3 : memref<16x128xf32, #tpu.memory_space<hbm>>) dst(%arg6 : memref<16x128xf32, #tpu.memory_space<vmem>>)
      %get3A = arith.constant 0 : i32
      %get3A_16 = arith.index_cast %get3A : i32 to index
      %get3A_17 = arith.constant 0 : index
      %get3A_18 = tpu.vector_load %arg6[%get3A_16, %get3A_17] {strides = array<i32>} : memref<16x128xf32, #tpu.memory_space<vmem>>, vector<16xf32>,
      %get3A_19 = arith.constant 1 : i32
      %get3A_20 = arith.index_cast %get3A_19 : i32 to index
      %get3A_21 = arith.constant 0 : index
      %get3A_22 = tpu.vector_load %arg6[%get3A_20, %get3A_21] {strides = array<i32>} : memref<16x128xf32, #tpu.memory_space<vmem>>, vector<16xf32>,
      %get3A_23 = arith.constant 2 : i32
      %get3A_24 = arith.index_cast %get3A_23 : i32 to index
      %get3A_25 = arith.constant 0 : index
      %get3A_26 = tpu.vector_load %arg6[%get3A_24, %get3A_25] {strides = array<i32>} : memref<16x128xf32, #tpu.memory_space<vmem>>, vector<16xf32>,
      %get3A_27 = arith.constant 3 : i32
      %get3A_28 = arith.index_cast %get3A_27 : i32 to index
      %get3A_29 = arith.constant 0 : index
      %get3A_30 = tpu.vector_load %arg6[%get3A_28, %get3A_29] {strides = array<i32>} : memref<16x128xf32, #tpu.memory_space<vmem>>, vector<16xf32>,
      %get3A_31 = arith.constant 4 : i32
      %get3A_32 = arith.index_cast %get3A_31 : i32 to index
      %get3A_33 = arith.constant 0 : index
      %get3A_34 = tpu.vector_load %arg6[%get3A_32, %get3A_33] {strides = array<i32>} : memref<16x128xf32, #tpu.memory_space<vmem>>, vector<16xf32>,
      %get3A_35 = arith.constant 5 : i32
      %get3A_36 = arith.index_cast %get3A_35 : i32 to index
      %get3A_37 = arith.constant 0 : index
      %get3A_38 = tpu.vector_load %arg6[%get3A_36, %get3A_37] {strides = array<i32>} : memref<16x128xf32, #tpu.memory_space<vmem>>, vector<16xf32>,
      %get3A_39 = arith.constant 6 : i32
      %get3A_40 = arith.index_cast %get3A_39 : i32 to index
      %get3A_41 = arith.constant 0 : index
      %get3A_42 = tpu.vector_load %arg6[%get3A_40, %get3A_41] {strides = array<i32>} : memref<16x128xf32, #tpu.memory_space<vmem>>, vector<16xf32>,
      %get3A_43 = arith.constant 7 : i32
      %get3A_44 = arith.index_cast %get3A_43 : i32 to index
      %get3A_45 = arith.constant 0 : index
      %get3A_46 = tpu.vector_load %arg6[%get3A_44, %get3A_45] {strides = array<i32>} : memref<16x128xf32, #tpu.memory_space<vmem>>, vector<16xf32>,
      %get3A_47 = arith.constant 8 : i32
      %get3A_48 = arith.index_cast %get3A_47 : i32 to index
      %get3A_49 = arith.constant 0 : index
      %get3A_50 = tpu.vector_load %arg6[%get3A_48, %get3A_49] {strides = array<i32>} : memref<16x128xf32, #tpu.memory_space<vmem>>, vector<16xf32>,
      %get3A_51 = arith.constant 9 : i32
      %get3A_52 = arith.index_cast %get3A_51 : i32 to index
      %get3A_53 = arith.constant 0 : index
      %get3A_54 = tpu.vector_load %arg6[%get3A_52, %get3A_53] {strides = array<i32>} : memref<16x128xf32, #tpu.memory_space<vmem>>, vector<16xf32>,
      %get3A_55 = arith.constant 10 : i32
      %get3A_56 = arith.index_cast %get3A_55 : i32 to index
      %get3A_57 = arith.constant 0 : index
      %get3A_58 = tpu.vector_load %arg6[%get3A_56, %get3A_57] {strides = array<i32>} : memref<16x128xf32, #tpu.memory_space<vmem>>, vector<16xf32>,
      %get3A_59 = arith.constant 11 : i32
      %get3A_60 = arith.index_cast %get3A_59 : i32 to index
      %get3A_61 = arith.constant 0 : index
      %get3A_62 = tpu.vector_load %arg6[%get3A_60, %get3A_61] {strides = array<i32>} : memref<16x128xf32, #tpu.memory_space<vmem>>, vector<16xf32>,
      %broadcast_in_dim3A = arith.constant 0xFF800000 : f32
      %broadcast_in_dim3A_63 = vector.broadcast %broadcast_in_dim3A : f32 to vector<16xf32>
      %get3A_64 = arith.constant 0 : i32
      %get3A_65 = arith.index_cast %get3A_64 : i32 to index
      %get3A_66 = arith.constant 0 : index
      %get3A_67 = tpu.vector_load %arg5[%get3A_65, %get3A_66] {strides = array<i32>} : memref<4x512xf32, #tpu.memory_space<vmem>>, vector<16xf32>,
      %get3A_68 = arith.constant 1 : i32
      %get3A_69 = arith.index_cast %get3A_68 : i32 to index
      %get3A_70 = arith.constant 0 : index
      %get3A_71 = tpu.vector_load %arg5[%get3A_69, %get3A_70] {strides = array<i32>} : memref<4x512xf32, #tpu.memory_space<vmem>>, vector<16xf32>,
      %get3A_72 = arith.constant 2 : i32
      %get3A_73 = arith.index_cast %get3A_72 : i32 to index
      %get3A_74 = arith.constant 0 : index
      %get3A_75 = tpu.vector_load %arg5[%get3A_73, %get3A_74] {strides = array<i32>} : memref<4x512xf32, #tpu.memory_space<vmem>>, vector<16xf32>,
      %get3A_76 = arith.constant 3 : i32
      %get3A_77 = arith.index_cast %get3A_76 : i32 to index
      %get3A_78 = arith.constant 0 : index
      %get3A_79 = tpu.vector_load %arg5[%get3A_77, %get3A_78] {strides = array<i32>} : memref<4x512xf32, #tpu.memory_space<vmem>>, vector<16xf32>,
      %mul3A = arith.mulf %get3A_67, %get3A_18 : vector<16xf32>
      %mul3A_80 = arith.mulf %get3A_71, %get3A_22 : vector<16xf32>
      %add3A = arith.addf %mul3A, %mul3A_80 : vector<16xf32>
      %mul3A_81 = arith.mulf %get3A_75, %get3A_26 : vector<16xf32>
      %add3A_82 = arith.addf %add3A, %mul3A_81 : vector<16xf32>
      %mul3A_83 = arith.mulf %get3A_79, %get3A_30 : vector<16xf32>
      %add3A_84 = arith.addf %add3A_82, %mul3A_83 : vector<16xf32>
      %abs3A = math.absf %get3A_67 : vector<16xf32>
      %gt3A = arith.constant 9.99999974E-6 : f32
      %gt3A_85 = vector.broadcast %gt3A : f32 to vector<16xf32>
      %gt3A_86 = arith.cmpf ogt, %abs3A, %gt3A_85 : vector<16xf32>
      %abs3A_87 = math.absf %get3A_71 : vector<16xf32>
      %gt3A_88 = arith.constant 9.99999974E-6 : f32
      %gt3A_89 = vector.broadcast %gt3A_88 : f32 to vector<16xf32>
      %gt3A_90 = arith.cmpf ogt, %abs3A_87, %gt3A_89 : vector<16xf32>
      %and3A = arith.andi %gt3A_86, %gt3A_90 : vector<16xi1>
      %abs3A_91 = math.absf %get3A_75 : vector<16xf32>
      %gt3A_92 = arith.constant 9.99999974E-6 : f32
      %gt3A_93 = vector.broadcast %gt3A_92 : f32 to vector<16xf32>
      %gt3A_94 = arith.cmpf ogt, %abs3A_91, %gt3A_93 : vector<16xf32>
      %and3A_95 = arith.andi %and3A, %gt3A_94 : vector<16xi1>
      %abs3A_96 = math.absf %get3A_79 : vector<16xf32>
      %gt3A_97 = arith.constant 9.99999974E-6 : f32
      %gt3A_98 = vector.broadcast %gt3A_97 : f32 to vector<16xf32>
      %gt3A_99 = arith.cmpf ogt, %abs3A_96, %gt3A_98 : vector<16xf32>
      %and3A_100 = arith.andi %and3A_95, %gt3A_99 : vector<16xi1>
      %select_n3A = arith.select %and3A_100, %add3A_84, %broadcast_in_dim3A_63 : vector<16xi1>, vector<16xf32>
      %max3A = arith.maximumf %broadcast_in_dim3A_63, %select_n3A : vector<16xf32>
      %get3A_101 = arith.constant 0 : i32
      %get3A_102 = arith.index_cast %get3A_101 : i32 to index
      %get3A_103 = arith.constant 16 : index
      %get3A_104 = tpu.vector_load %arg5[%get3A_102, %get3A_103] {strides = array<i32>} : memref<4x512xf32, #tpu.memory_space<vmem>>, vector<16xf32>,
      %get3A_105 = arith.constant 1 : i32
      %get3A_106 = arith.index_cast %get3A_105 : i32 to index
      %get3A_107 = arith.constant 16 : index
      %get3A_108 = tpu.vector_load %arg5[%get3A_106, %get3A_107] {strides = array<i32>} : memref<4x512xf32, #tpu.memory_space<vmem>>, vector<16xf32>,
      %get3A_109 = arith.constant 2 : i32
      %get3A_110 = arith.index_cast %get3A_109 : i32 to index
      %get3A_111 = arith.constant 16 : index
      %get3A_112 = tpu.vector_load %arg5[%get3A_110, %get3A_111] {strides = array<i32>} : memref<4x512xf32, #tpu.memory_space<vmem>>, vector<16xf32>,
      %get3A_113 = arith.constant 3 : i32
      %get3A_114 = arith.index_cast %get3A_113 : i32 to index
      %get3A_115 = arith.constant 16 : index
      %get3A_116 = tpu.vector_load %arg5[%get3A_114, %get3A_115] {strides = array<i32>} : memref<4x512xf32, #tpu.memory_space<vmem>>, vector<16xf32>,
      %mul3A_117 = arith.mulf %get3A_104, %get3A_18 : vector<16xf32>
      %mul3A_118 = arith.mulf %get3A_108, %get3A_22 : vector<16xf32>
      %add3A_119 = arith.addf %mul3A_117, %mul3A_118 : vector<16xf32>
      %mul3A_120 = arith.mulf %get3A_112, %get3A_26 : vector<16xf32>
      %add3A_121 = arith.addf %add3A_119, %mul3A_120 : vector<16xf32>
      %mul3A_122 = arith.mulf %get3A_116, %get3A_30 : vector<16xf32>
      %add3A_123 = arith.addf %add3A_121, %mul3A_122 : vector<16xf32>
      %abs3A_124 = math.absf %get3A_104 : vector<16xf32>
      %gt3A_125 = arith.constant 9.99999974E-6 : f32
      %gt3A_126 = vector.broadcast %gt3A_125 : f32 to vector<16xf32>
      %gt3A_127 = arith.cmpf ogt, %abs3A_124, %gt3A_126 : vector<16xf32>
      %abs3A_128 = math.absf %get3A_108 : vector<16xf32>
      %gt3A_129 = arith.constant 9.99999974E-6 : f32
      %gt3A_130 = vector.broadcast %gt3A_129 : f32 to vector<16xf32>
      %gt3A_131 = arith.cmpf ogt, %abs3A_128, %gt3A_130 : vector<16xf32>
      %and3A_132 = arith.andi %gt3A_127, %gt3A_131 : vector<16xi1>
      %abs3A_133 = math.absf %get3A_112 : vector<16xf32>
      %gt3A_134 = arith.constant 9.99999974E-6 : f32
      %gt3A_135 = vector.broadcast %gt3A_134 : f32 to vector<16xf32>
      %gt3A_136 = arith.cmpf ogt, %abs3A_133, %gt3A_135 : vector<16xf32>
      %and3A_137 = arith.andi %and3A_132, %gt3A_136 : vector<16xi1>
      %abs3A_138 = math.absf %get3A_116 : vector<16xf32>
      %gt3A_139 = arith.constant 9.99999974E-6 : f32
      %gt3A_140 = vector.broadcast %gt3A_139 : f32 to vector<16xf32>
      %gt3A_141 = arith.cmpf ogt, %abs3A_138, %gt3A_140 : vector<16xf32>
      %and3A_142 = arith.andi %and3A_137, %gt3A_141 : vector<16xi1>
      %select_n3A_143 = arith.select %and3A_142, %add3A_123, %broadcast_in_dim3A_63 : vector<16xi1>, vector<16xf32>
      %max3A_144 = arith.maximumf %max3A, %select_n3A_143 : vector<16xf32>
      %get3A_145 = arith.constant 0 : i32
      %get3A_146 = arith.index_cast %get3A_145 : i32 to index
      %get3A_147 = arith.constant 32 : index
      %get3A_148 = tpu.vector_load %arg5[%get3A_146, %get3A_147] {strides = array<i32>} : memref<4x512xf32, #tpu.memory_space<vmem>>, vector<16xf32>,
      %get3A_149 = arith.constant 1 : i32
      %get3A_150 = arith.index_cast %get3A_149 : i32 to index
      %get3A_151 = arith.constant 32 : index
      %get3A_152 = tpu.vector_load %arg5[%get3A_150, %get3A_151] {strides = array<i32>} : memref<4x512xf32, #tpu.memory_space<vmem>>, vector<16xf32>,
      %get3A_153 = arith.constant 2 : i32
      %get3A_154 = arith.index_cast %get3A_153 : i32 to index
      %get3A_155 = arith.constant 32 : index
      %get3A_156 = tpu.vector_load %arg5[%get3A_154, %get3A_155] {strides = array<i32>} : memref<4x512xf32, #tpu.memory_space<vmem>>, vector<16xf32>,
      %get3A_157 = arith.constant 3 : i32
      %get3A_158 = arith.index_cast %get3A_157 : i32 to index
      %get3A_159 = arith.constant 32 : index
      %get3A_160 = tpu.vector_load %arg5[%get3A_158, %get3A_159] {strides = array<i32>} : memref<4x512xf32, #tpu.memory_space<vmem>>, vector<16xf32>,
      %mul3A_161 = arith.mulf %get3A_148, %get3A_18 : vector<16xf32>
      %mul3A_162 = arith.mulf %get3A_152, %get3A_22 : vector<16xf32>
      %add3A_163 = arith.addf %mul3A_161, %mul3A_162 : vector<16xf32>
      %mul3A_164 = arith.mulf %get3A_156, %get3A_26 : vector<16xf32>
      %add3A_165 = arith.addf %add3A_163, %mul3A_164 : vector<16xf32>
      %mul3A_166 = arith.mulf %get3A_160, %get3A_30 : vector<16xf32>
      %add3A_167 = arith.addf %add3A_165, %mul3A_166 : vector<16xf32>
      %abs3A_168 = math.absf %get3A_148 : vector<16xf32>
      %gt3A_169 = arith.constant 9.99999974E-6 : f32
      %gt3A_170 = vector.broadcast %gt3A_169 : f32 to vector<16xf32>
      %gt3A_171 = arith.cmpf ogt, %abs3A_168, %gt3A_170 : vector<16xf32>
      %abs3A_172 = math.absf %get3A_152 : vector<16xf32>
      %gt3A_173 = arith.constant 9.99999974E-6 : f32
      %gt3A_174 = vector.broadcast %gt3A_173 : f32 to vector<16xf32>
      %gt3A_175 = arith.cmpf ogt, %abs3A_172, %gt3A_174 : vector<16xf32>
      %and3A_176 = arith.andi %gt3A_171, %gt3A_175 : vector<16xi1>
      %abs3A_177 = math.absf %get3A_156 : vector<16xf32>
      %gt3A_178 = arith.constant 9.99999974E-6 : f32
      %gt3A_179 = vector.broadcast %gt3A_178 : f32 to vector<16xf32>
      %gt3A_180 = arith.cmpf ogt, %abs3A_177, %gt3A_179 : vector<16xf32>
      %and3A_181 = arith.andi %and3A_176, %gt3A_180 : vector<16xi1>
      %abs3A_182 = math.absf %get3A_160 : vector<16xf32>
      %gt3A_183 = arith.constant 9.99999974E-6 : f32
      %gt3A_184 = vector.broadcast %gt3A_183 : f32 to vector<16xf32>
      %gt3A_185 = arith.cmpf ogt, %abs3A_182, %gt3A_184 : vector<16xf32>
      %and3A_186 = arith.andi %and3A_181, %gt3A_185 : vector<16xi1>
      %select_n3A_187 = arith.select %and3A_186, %add3A_167, %broadcast_in_dim3A_63 : vector<16xi1>, vector<16xf32>
      %max3A_188 = arith.maximumf %max3A_144, %select_n3A_187 : vector<16xf32>
      %get3A_189 = arith.constant 0 : i32
      %get3A_190 = arith.index_cast %get3A_189 : i32 to index
      %get3A_191 = arith.constant 48 : index
      %get3A_192 = tpu.vector_load %arg5[%get3A_190, %get3A_191] {strides = array<i32>} : memref<4x512xf32, #tpu.memory_space<vmem>>, vector<16xf32>,
      %get3A_193 = arith.constant 1 : i32
      %get3A_194 = arith.index_cast %get3A_193 : i32 to index
      %get3A_195 = arith.constant 48 : index
      %get3A_196 = tpu.vector_load %arg5[%get3A_194, %get3A_195] {strides = array<i32>} : memref<4x512xf32, #tpu.memory_space<vmem>>, vector<16xf32>,
      %get3A_197 = arith.constant 2 : i32
      %get3A_198 = arith.index_cast %get3A_197 : i32 to index
      %get3A_199 = arith.constant 48 : index
      %get3A_200 = tpu.vector_load %arg5[%get3A_198, %get3A_199] {strides = array<i32>} : memref<4x512xf32, #tpu.memory_space<vmem>>, vector<16xf32>,
      %get3A_201 = arith.constant 3 : i32
      %get3A_202 = arith.index_cast %get3A_201 : i32 to index
      %get3A_203 = arith.constant 48 : index
      %get3A_204 = tpu.vector_load %arg5[%get3A_202, %get3A_203] {strides = array<i32>} : memref<4x512xf32, #tpu.memory_space<vmem>>, vector<16xf32>,
      %mul3A_205 = arith.mulf %get3A_192, %get3A_18 : vector<16xf32>
      %mul3A_206 = arith.mulf %get3A_196, %get3A_22 : vector<16xf32>
      %add3A_207 = arith.addf %mul3A_205, %mul3A_206 : vector<16xf32>
      %mul3A_208 = arith.mulf %get3A_200, %get3A_26 : vector<16xf32>
      %add3A_209 = arith.addf %add3A_207, %mul3A_208 : vector<16xf32>
      %mul3A_210 = arith.mulf %get3A_204, %get3A_30 : vector<16xf32>
      %add3A_211 = arith.addf %add3A_209, %mul3A_210 : vector<16xf32>
      %abs3A_212 = math.absf %get3A_192 : vector<16xf32>
      %gt3A_213 = arith.constant 9.99999974E-6 : f32
      %gt3A_214 = vector.broadcast %gt3A_213 : f32 to vector<16xf32>
      %gt3A_215 = arith.cmpf ogt, %abs3A_212, %gt3A_214 : vector<16xf32>
      %abs3A_216 = math.absf %get3A_196 : vector<16xf32>
      %gt3A_217 = arith.constant 9.99999974E-6 : f32
      %gt3A_218 = vector.broadcast %gt3A_217 : f32 to vector<16xf32>
      %gt3A_219 = arith.cmpf ogt, %abs3A_216, %gt3A_218 : vector<16xf32>
      %and3A_220 = arith.andi %gt3A_215, %gt3A_219 : vector<16xi1>
      %abs3A_221 = math.absf %get3A_200 : vector<16xf32>
      %gt3A_222 = arith.constant 9.99999974E-6 : f32
      %gt3A_223 = vector.broadcast %gt3A_222 : f32 to vector<16xf32>
      %gt3A_224 = arith.cmpf ogt, %abs3A_221, %gt3A_223 : vector<16xf32>
      %and3A_225 = arith.andi %and3A_220, %gt3A_224 : vector<16xi1>
      %abs3A_226 = math.absf %get3A_204 : vector<16xf32>
      %gt3A_227 = arith.constant 9.99999974E-6 : f32
      %gt3A_228 = vector.broadcast %gt3A_227 : f32 to vector<16xf32>
      %gt3A_229 = arith.cmpf ogt, %abs3A_226, %gt3A_228 : vector<16xf32>
      %and3A_230 = arith.andi %and3A_225, %gt3A_229 : vector<16xi1>
      %select_n3A_231 = arith.select %and3A_230, %add3A_211, %broadcast_in_dim3A_63 : vector<16xi1>, vector<16xf32>
      %max3A_232 = arith.maximumf %max3A_188, %select_n3A_231 : vector<16xf32>
      %get3A_233 = arith.constant 0 : i32
      %get3A_234 = arith.index_cast %get3A_233 : i32 to index
      %get3A_235 = arith.constant 64 : index
      %get3A_236 = tpu.vector_load %arg5[%get3A_234, %get3A_235] {strides = array<i32>} : memref<4x512xf32, #tpu.memory_space<vmem>>, vector<16xf32>,
      %get3A_237 = arith.constant 1 : i32
      %get3A_238 = arith.index_cast %get3A_237 : i32 to index
      %get3A_239 = arith.constant 64 : index
      %get3A_240 = tpu.vector_load %arg5[%get3A_238, %get3A_239] {strides = array<i32>} : memref<4x512xf32, #tpu.memory_space<vmem>>, vector<16xf32>,
      %get3A_241 = arith.constant 2 : i32
      %get3A_242 = arith.index_cast %get3A_241 : i32 to index
      %get3A_243 = arith.constant 64 : index
      %get3A_244 = tpu.vector_load %arg5[%get3A_242, %get3A_243] {strides = array<i32>} : memref<4x512xf32, #tpu.memory_space<vmem>>, vector<16xf32>,
      %get3A_245 = arith.constant 3 : i32
      %get3A_246 = arith.index_cast %get3A_245 : i32 to index
      %get3A_247 = arith.constant 64 : index
      %get3A_248 = tpu.vector_load %arg5[%get3A_246, %get3A_247] {strides = array<i32>} : memref<4x512xf32, #tpu.memory_space<vmem>>, vector<16xf32>,
      %mul3A_249 = arith.mulf %get3A_236, %get3A_18 : vector<16xf32>
      %mul3A_250 = arith.mulf %get3A_240, %get3A_22 : vector<16xf32>
      %add3A_251 = arith.addf %mul3A_249, %mul3A_250 : vector<16xf32>
      %mul3A_252 = arith.mulf %get3A_244, %get3A_26 : vector<16xf32>
      %add3A_253 = arith.addf %add3A_251, %mul3A_252 : vector<16xf32>
      %mul3A_254 = arith.mulf %get3A_248, %get3A_30 : vector<16xf32>
      %add3A_255 = arith.addf %add3A_253, %mul3A_254 : vector<16xf32>
      %abs3A_256 = math.absf %get3A_236 : vector<16xf32>
      %gt3A_257 = arith.constant 9.99999974E-6 : f32
      %gt3A_258 = vector.broadcast %gt3A_257 : f32 to vector<16xf32>
      %gt3A_259 = arith.cmpf ogt, %abs3A_256, %gt3A_258 : vector<16xf32>
      %abs3A_260 = math.absf %get3A_240 : vector<16xf32>
      %gt3A_261 = arith.constant 9.99999974E-6 : f32
      %gt3A_262 = vector.broadcast %gt3A_261 : f32 to vector<16xf32>
      %gt3A_263 = arith.cmpf ogt, %abs3A_260, %gt3A_262 : vector<16xf32>
      %and3A_264 = arith.andi %gt3A_259, %gt3A_263 : vector<16xi1>
      %abs3A_265 = math.absf %get3A_244 : vector<16xf32>
      %gt3A_266 = arith.constant 9.99999974E-6 : f32
      %gt3A_267 = vector.broadcast %gt3A_266 : f32 to vector<16xf32>
      %gt3A_268 = arith.cmpf ogt, %abs3A_265, %gt3A_267 : vector<16xf32>
      %and3A_269 = arith.andi %and3A_264, %gt3A_268 : vector<16xi1>
      %abs3A_270 = math.absf %get3A_248 : vector<16xf32>
      %gt3A_271 = arith.constant 9.99999974E-6 : f32
      %gt3A_272 = vector.broadcast %gt3A_271 : f32 to vector<16xf32>
      %gt3A_273 = arith.cmpf ogt, %abs3A_270, %gt3A_272 : vector<16xf32>
      %and3A_274 = arith.andi %and3A_269, %gt3A_273 : vector<16xi1>
      %select_n3A_275 = arith.select %and3A_274, %add3A_255, %broadcast_in_dim3A_63 : vector<16xi1>, vector<16xf32>
      %max3A_276 = arith.maximumf %max3A_232, %select_n3A_275 : vector<16xf32>
      %get3A_277 = arith.constant 0 : i32
      %get3A_278 = arith.index_cast %get3A_277 : i32 to index
      %get3A_279 = arith.constant 80 : index
      %get3A_280 = tpu.vector_load %arg5[%get3A_278, %get3A_279] {strides = array<i32>} : memref<4x512xf32, #tpu.memory_space<vmem>>, vector<16xf32>,
      %get3A_281 = arith.constant 1 : i32
      %get3A_282 = arith.index_cast %get3A_281 : i32 to index
      %get3A_283 = arith.constant 80 : index
      %get3A_284 = tpu.vector_load %arg5[%get3A_282, %get3A_283] {strides = array<i32>} : memref<4x512xf32, #tpu.memory_space<vmem>>, vector<16xf32>,
      %get3A_285 = arith.constant 2 : i32
      %get3A_286 = arith.index_cast %get3A_285 : i32 to index
      %get3A_287 = arith.constant 80 : index
      %get3A_288 = tpu.vector_load %arg5[%get3A_286, %get3A_287] {strides = array<i32>} : memref<4x512xf32, #tpu.memory_space<vmem>>, vector<16xf32>,
      %get3A_289 = arith.constant 3 : i32
      %get3A_290 = arith.index_cast %get3A_289 : i32 to index
      %get3A_291 = arith.constant 80 : index
      %get3A_292 = tpu.vector_load %arg5[%get3A_290, %get3A_291] {strides = array<i32>} : memref<4x512xf32, #tpu.memory_space<vmem>>, vector<16xf32>,
      %mul3A_293 = arith.mulf %get3A_280, %get3A_18 : vector<16xf32>
      %mul3A_294 = arith.mulf %get3A_284, %get3A_22 : vector<16xf32>
      %add3A_295 = arith.addf %mul3A_293, %mul3A_294 : vector<16xf32>
      %mul3A_296 = arith.mulf %get3A_288, %get3A_26 : vector<16xf32>
      %add3A_297 = arith.addf %add3A_295, %mul3A_296 : vector<16xf32>
      %mul3A_298 = arith.mulf %get3A_292, %get3A_30 : vector<16xf32>
      %add3A_299 = arith.addf %add3A_297, %mul3A_298 : vector<16xf32>
      %abs3A_300 = math.absf %get3A_280 : vector<16xf32>
      %gt3A_301 = arith.constant 9.99999974E-6 : f32
      %gt3A_302 = vector.broadcast %gt3A_301 : f32 to vector<16xf32>
      %gt3A_303 = arith.cmpf ogt, %abs3A_300, %gt3A_302 : vector<16xf32>
      %abs3A_304 = math.absf %get3A_284 : vector<16xf32>
      %gt3A_305 = arith.constant 9.99999974E-6 : f32
      %gt3A_306 = vector.broadcast %gt3A_305 : f32 to vector<16xf32>
      %gt3A_307 = arith.cmpf ogt, %abs3A_304, %gt3A_306 : vector<16xf32>
      %and3A_308 = arith.andi %gt3A_303, %gt3A_307 : vector<16xi1>
      %abs3A_309 = math.absf %get3A_288 : vector<16xf32>
      %gt3A_310 = arith.constant 9.99999974E-6 : f32
      %gt3A_311 = vector.broadcast %gt3A_310 : f32 to vector<16xf32>
      %gt3A_312 = arith.cmpf ogt, %abs3A_309, %gt3A_311 : vector<16xf32>
      %and3A_313 = arith.andi %and3A_308, %gt3A_312 : vector<16xi1>
      %abs3A_314 = math.absf %get3A_292 : vector<16xf32>
      %gt3A_315 = arith.constant 9.99999974E-6 : f32
      %gt3A_316 = vector.broadcast %gt3A_315 : f32 to vector<16xf32>
      %gt3A_317 = arith.cmpf ogt, %abs3A_314, %gt3A_316 : vector<16xf32>
      %and3A_318 = arith.andi %and3A_313, %gt3A_317 : vector<16xi1>
      %select_n3A_319 = arith.select %and3A_318, %add3A_299, %broadcast_in_dim3A_63 : vector<16xi1>, vector<16xf32>
      %max3A_320 = arith.maximumf %max3A_276, %select_n3A_319 : vector<16xf32>
      %get3A_321 = arith.constant 0 : i32
      %get3A_322 = arith.index_cast %get3A_321 : i32 to index
      %get3A_323 = arith.constant 96 : index
      %get3A_324 = tpu.vector_load %arg5[%get3A_322, %get3A_323] {strides = array<i32>} : memref<4x512xf32, #tpu.memory_space<vmem>>, vector<16xf32>,
      %get3A_325 = arith.constant 1 : i32
      %get3A_326 = arith.index_cast %get3A_325 : i32 to index
      %get3A_327 = arith.constant 96 : index
      %get3A_328 = tpu.vector_load %arg5[%get3A_326, %get3A_327] {strides = array<i32>} : memref<4x512xf32, #tpu.memory_space<vmem>>, vector<16xf32>,
      %get3A_329 = arith.constant 2 : i32
      %get3A_330 = arith.index_cast %get3A_329 : i32 to index
      %get3A_331 = arith.constant 96 : index
      %get3A_332 = tpu.vector_load %arg5[%get3A_330, %get3A_331] {strides = array<i32>} : memref<4x512xf32, #tpu.memory_space<vmem>>, vector<16xf32>,
      %get3A_333 = arith.constant 3 : i32
      %get3A_334 = arith.index_cast %get3A_333 : i32 to index
      %get3A_335 = arith.constant 96 : index
      %get3A_336 = tpu.vector_load %arg5[%get3A_334, %get3A_335] {strides = array<i32>} : memref<4x512xf32, #tpu.memory_space<vmem>>, vector<16xf32>,
      %mul3A_337 = arith.mulf %get3A_324, %get3A_18 : vector<16xf32>
      %mul3A_338 = arith.mulf %get3A_328, %get3A_22 : vector<16xf32>
      %add3A_339 = arith.addf %mul3A_337, %mul3A_338 : vector<16xf32>
      %mul3A_340 = arith.mulf %get3A_332, %get3A_26 : vector<16xf32>
      %add3A_341 = arith.addf %add3A_339, %mul3A_340 : vector<16xf32>
      %mul3A_342 = arith.mulf %get3A_336, %get3A_30 : vector<16xf32>
      %add3A_343 = arith.addf %add3A_341, %mul3A_342 : vector<16xf32>
      %abs3A_344 = math.absf %get3A_324 : vector<16xf32>
      %gt3A_345 = arith.constant 9.99999974E-6 : f32
      %gt3A_346 = vector.broadcast %gt3A_345 : f32 to vector<16xf32>
      %gt3A_347 = arith.cmpf ogt, %abs3A_344, %gt3A_346 : vector<16xf32>
      %abs3A_348 = math.absf %get3A_328 : vector<16xf32>
      %gt3A_349 = arith.constant 9.99999974E-6 : f32
      %gt3A_350 = vector.broadcast %gt3A_349 : f32 to vector<16xf32>
      %gt3A_351 = arith.cmpf ogt, %abs3A_348, %gt3A_350 : vector<16xf32>
      %and3A_352 = arith.andi %gt3A_347, %gt3A_351 : vector<16xi1>
      %abs3A_353 = math.absf %get3A_332 : vector<16xf32>
      %gt3A_354 = arith.constant 9.99999974E-6 : f32
      %gt3A_355 = vector.broadcast %gt3A_354 : f32 to vector<16xf32>
      %gt3A_356 = arith.cmpf ogt, %abs3A_353, %gt3A_355 : vector<16xf32>
      %and3A_357 = arith.andi %and3A_352, %gt3A_356 : vector<16xi1>
      %abs3A_358 = math.absf %get3A_336 : vector<16xf32>
      %gt3A_359 = arith.constant 9.99999974E-6 : f32
      %gt3A_360 = vector.broadcast %gt3A_359 : f32 to vector<16xf32>
      %gt3A_361 = arith.cmpf ogt, %abs3A_358, %gt3A_360 : vector<16xf32>
      %and3A_362 = arith.andi %and3A_357, %gt3A_361 : vector<16xi1>
      %select_n3A_363 = arith.select %and3A_362, %add3A_343, %broadcast_in_dim3A_63 : vector<16xi1>, vector<16xf32>
      %max3A_364 = arith.maximumf %max3A_320, %select_n3A_363 : vector<16xf32>
      %get3A_365 = arith.constant 0 : i32
      %get3A_366 = arith.index_cast %get3A_365 : i32 to index
      %get3A_367 = arith.constant 112 : index
      %get3A_368 = tpu.vector_load %arg5[%get3A_366, %get3A_367] {strides = array<i32>} : memref<4x512xf32, #tpu.memory_space<vmem>>, vector<16xf32>,
      %get3A_369 = arith.constant 1 : i32
      %get3A_370 = arith.index_cast %get3A_369 : i32 to index
      %get3A_371 = arith.constant 112 : index
      %get3A_372 = tpu.vector_load %arg5[%get3A_370, %get3A_371] {strides = array<i32>} : memref<4x512xf32, #tpu.memory_space<vmem>>, vector<16xf32>,
      %get3A_373 = arith.constant 2 : i32
      %get3A_374 = arith.index_cast %get3A_373 : i32 to index
      %get3A_375 = arith.constant 112 : index
      %get3A_376 = tpu.vector_load %arg5[%get3A_374, %get3A_375] {strides = array<i32>} : memref<4x512xf32, #tpu.memory_space<vmem>>, vector<16xf32>,
      %get3A_377 = arith.constant 3 : i32
      %get3A_378 = arith.index_cast %get3A_377 : i32 to index
      %get3A_379 = arith.constant 112 : index
      %get3A_380 = tpu.vector_load %arg5[%get3A_378, %get3A_379] {strides = array<i32>} : memref<4x512xf32, #tpu.memory_space<vmem>>, vector<16xf32>,
      %mul3A_381 = arith.mulf %get3A_368, %get3A_18 : vector<16xf32>
      %mul3A_382 = arith.mulf %get3A_372, %get3A_22 : vector<16xf32>
      %add3A_383 = arith.addf %mul3A_381, %mul3A_382 : vector<16xf32>
      %mul3A_384 = arith.mulf %get3A_376, %get3A_26 : vector<16xf32>
      %add3A_385 = arith.addf %add3A_383, %mul3A_384 : vector<16xf32>
      %mul3A_386 = arith.mulf %get3A_380, %get3A_30 : vector<16xf32>
      %add3A_387 = arith.addf %add3A_385, %mul3A_386 : vector<16xf32>
      %abs3A_388 = math.absf %get3A_368 : vector<16xf32>
      %gt3A_389 = arith.constant 9.99999974E-6 : f32
      %gt3A_390 = vector.broadcast %gt3A_389 : f32 to vector<16xf32>
      %gt3A_391 = arith.cmpf ogt, %abs3A_388, %gt3A_390 : vector<16xf32>
      %abs3A_392 = math.absf %get3A_372 : vector<16xf32>
      %gt3A_393 = arith.constant 9.99999974E-6 : f32
      %gt3A_394 = vector.broadcast %gt3A_393 : f32 to vector<16xf32>
      %gt3A_395 = arith.cmpf ogt, %abs3A_392, %gt3A_394 : vector<16xf32>
      %and3A_396 = arith.andi %gt3A_391, %gt3A_395 : vector<16xi1>
      %abs3A_397 = math.absf %get3A_376 : vector<16xf32>
      %gt3A_398 = arith.constant 9.99999974E-6 : f32
      %gt3A_399 = vector.broadcast %gt3A_398 : f32 to vector<16xf32>
      %gt3A_400 = arith.cmpf ogt, %abs3A_397, %gt3A_399 : vector<16xf32>
      %and3A_401 = arith.andi %and3A_396, %gt3A_400 : vector<16xi1>
      %abs3A_402 = math.absf %get3A_380 : vector<16xf32>
      %gt3A_403 = arith.constant 9.99999974E-6 : f32
      %gt3A_404 = vector.broadcast %gt3A_403 : f32 to vector<16xf32>
      %gt3A_405 = arith.cmpf ogt, %abs3A_402, %gt3A_404 : vector<16xf32>
      %and3A_406 = arith.andi %and3A_401, %gt3A_405 : vector<16xi1>
      %select_n3A_407 = arith.select %and3A_406, %add3A_387, %broadcast_in_dim3A_63 : vector<16xi1>, vector<16xf32>
      %max3A_408 = arith.maximumf %max3A_364, %select_n3A_407 : vector<16xf32>
      %get3A_409 = arith.constant 0 : i32
      %get3A_410 = arith.index_cast %get3A_409 : i32 to index
      %get3A_411 = arith.constant 128 : index
      %get3A_412 = tpu.vector_load %arg5[%get3A_410, %get3A_411] {strides = array<i32>} : memref<4x512xf32, #tpu.memory_space<vmem>>, vector<16xf32>,
      %get3A_413 = arith.constant 1 : i32
      %get3A_414 = arith.index_cast %get3A_413 : i32 to index
      %get3A_415 = arith.constant 128 : index
      %get3A_416 = tpu.vector_load %arg5[%get3A_414, %get3A_415] {strides = array<i32>} : memref<4x512xf32, #tpu.memory_space<vmem>>, vector<16xf32>,
      %get3A_417 = arith.constant 2 : i32
      %get3A_418 = arith.index_cast %get3A_417 : i32 to index
      %get3A_419 = arith.constant 128 : index
      %get3A_420 = tpu.vector_load %arg5[%get3A_418, %get3A_419] {strides = array<i32>} : memref<4x512xf32, #tpu.memory_space<vmem>>, vector<16xf32>,
      %get3A_421 = arith.constant 3 : i32
      %get3A_422 = arith.index_cast %get3A_421 : i32 to index
      %get3A_423 = arith.constant 128 : index
      %get3A_424 = tpu.vector_load %arg5[%get3A_422, %get3A_423] {strides = array<i32>} : memref<4x512xf32, #tpu.memory_space<vmem>>, vector<16xf32>,
      %mul3A_425 = arith.mulf %get3A_412, %get3A_18 : vector<16xf32>
      %mul3A_426 = arith.mulf %get3A_416, %get3A_22 : vector<16xf32>
      %add3A_427 = arith.addf %mul3A_425, %mul3A_426 : vector<16xf32>
      %mul3A_428 = arith.mulf %get3A_420, %get3A_26 : vector<16xf32>
      %add3A_429 = arith.addf %add3A_427, %mul3A_428 : vector<16xf32>
      %mul3A_430 = arith.mulf %get3A_424, %get3A_30 : vector<16xf32>
      %add3A_431 = arith.addf %add3A_429, %mul3A_430 : vector<16xf32>
      %abs3A_432 = math.absf %get3A_412 : vector<16xf32>
      %gt3A_433 = arith.constant 9.99999974E-6 : f32
      %gt3A_434 = vector.broadcast %gt3A_433 : f32 to vector<16xf32>
      %gt3A_435 = arith.cmpf ogt, %abs3A_432, %gt3A_434 : vector<16xf32>
      %abs3A_436 = math.absf %get3A_416 : vector<16xf32>
      %gt3A_437 = arith.constant 9.99999974E-6 : f32
      %gt3A_438 = vector.broadcast %gt3A_437 : f32 to vector<16xf32>
      %gt3A_439 = arith.cmpf ogt, %abs3A_436, %gt3A_438 : vector<16xf32>
      %and3A_440 = arith.andi %gt3A_435, %gt3A_439 : vector<16xi1>
      %abs3A_441 = math.absf %get3A_420 : vector<16xf32>
      %gt3A_442 = arith.constant 9.99999974E-6 : f32
      %gt3A_443 = vector.broadcast %gt3A_442 : f32 to vector<16xf32>
      %gt3A_444 = arith.cmpf ogt, %abs3A_441, %gt3A_443 : vector<16xf32>
      %and3A_445 = arith.andi %and3A_440, %gt3A_444 : vector<16xi1>
      %abs3A_446 = math.absf %get3A_424 : vector<16xf32>
      %gt3A_447 = arith.constant 9.99999974E-6 : f32
      %gt3A_448 = vector.broadcast %gt3A_447 : f32 to vector<16xf32>
      %gt3A_449 = arith.cmpf ogt, %abs3A_446, %gt3A_448 : vector<16xf32>
      %and3A_450 = arith.andi %and3A_445, %gt3A_449 : vector<16xi1>
      %select_n3A_451 = arith.select %and3A_450, %add3A_431, %broadcast_in_dim3A_63 : vector<16xi1>, vector<16xf32>
      %max3A_452 = arith.maximumf %max3A_408, %select_n3A_451 : vector<16xf32>
      %get3A_453 = arith.constant 0 : i32
      %get3A_454 = arith.index_cast %get3A_453 : i32 to index
      %get3A_455 = arith.constant 144 : index
      %get3A_456 = tpu.vector_load %arg5[%get3A_454, %get3A_455] {strides = array<i32>} : memref<4x512xf32, #tpu.memory_space<vmem>>, vector<16xf32>,
      %get3A_457 = arith.constant 1 : i32
      %get3A_458 = arith.index_cast %get3A_457 : i32 to index
      %get3A_459 = arith.constant 144 : index
      %get3A_460 = tpu.vector_load %arg5[%get3A_458, %get3A_459] {strides = array<i32>} : memref<4x512xf32, #tpu.memory_space<vmem>>, vector<16xf32>,
      %get3A_461 = arith.constant 2 : i32
      %get3A_462 = arith.index_cast %get3A_461 : i32 to index
      %get3A_463 = arith.constant 144 : index
      %get3A_464 = tpu.vector_load %arg5[%get3A_462, %get3A_463] {strides = array<i32>} : memref<4x512xf32, #tpu.memory_space<vmem>>, vector<16xf32>,
      %get3A_465 = arith.constant 3 : i32
      %get3A_466 = arith.index_cast %get3A_465 : i32 to index
      %get3A_467 = arith.constant 144 : index
      %get3A_468 = tpu.vector_load %arg5[%get3A_466, %get3A_467] {strides = array<i32>} : memref<4x512xf32, #tpu.memory_space<vmem>>, vector<16xf32>,
      %mul3A_469 = arith.mulf %get3A_456, %get3A_18 : vector<16xf32>
      %mul3A_470 = arith.mulf %get3A_460, %get3A_22 : vector<16xf32>
      %add3A_471 = arith.addf %mul3A_469, %mul3A_470 : vector<16xf32>
      %mul3A_472 = arith.mulf %get3A_464, %get3A_26 : vector<16xf32>
      %add3A_473 = arith.addf %add3A_471, %mul3A_472 : vector<16xf32>
      %mul3A_474 = arith.mulf %get3A_468, %get3A_30 : vector<16xf32>
      %add3A_475 = arith.addf %add3A_473, %mul3A_474 : vector<16xf32>
      %abs3A_476 = math.absf %get3A_456 : vector<16xf32>
      %gt3A_477 = arith.constant 9.99999974E-6 : f32
      %gt3A_478 = vector.broadcast %gt3A_477 : f32 to vector<16xf32>
      %gt3A_479 = arith.cmpf ogt, %abs3A_476, %gt3A_478 : vector<16xf32>
      %abs3A_480 = math.absf %get3A_460 : vector<16xf32>
      %gt3A_481 = arith.constant 9.99999974E-6 : f32
      %gt3A_482 = vector.broadcast %gt3A_481 : f32 to vector<16xf32>
      %gt3A_483 = arith.cmpf ogt, %abs3A_480, %gt3A_482 : vector<16xf32>
      %and3A_484 = arith.andi %gt3A_479, %gt3A_483 : vector<16xi1>
      %abs3A_485 = math.absf %get3A_464 : vector<16xf32>
      %gt3A_486 = arith.constant 9.99999974E-6 : f32
      %gt3A_487 = vector.broadcast %gt3A_486 : f32 to vector<16xf32>
      %gt3A_488 = arith.cmpf ogt, %abs3A_485, %gt3A_487 : vector<16xf32>
      %and3A_489 = arith.andi %and3A_484, %gt3A_488 : vector<16xi1>
      %abs3A_490 = math.absf %get3A_468 : vector<16xf32>
      %gt3A_491 = arith.constant 9.99999974E-6 : f32
      %gt3A_492 = vector.broadcast %gt3A_491 : f32 to vector<16xf32>
      %gt3A_493 = arith.cmpf ogt, %abs3A_490, %gt3A_492 : vector<16xf32>
      %and3A_494 = arith.andi %and3A_489, %gt3A_493 : vector<16xi1>
      %select_n3A_495 = arith.select %and3A_494, %add3A_475, %broadcast_in_dim3A_63 : vector<16xi1>, vector<16xf32>
      %max3A_496 = arith.maximumf %max3A_452, %select_n3A_495 : vector<16xf32>
      %get3A_497 = arith.constant 0 : i32
      %get3A_498 = arith.index_cast %get3A_497 : i32 to index
      %get3A_499 = arith.constant 160 : index
      %get3A_500 = tpu.vector_load %arg5[%get3A_498, %get3A_499] {strides = array<i32>} : memref<4x512xf32, #tpu.memory_space<vmem>>, vector<16xf32>,
      %get3A_501 = arith.constant 1 : i32
      %get3A_502 = arith.index_cast %get3A_501 : i32 to index
      %get3A_503 = arith.constant 160 : index
      %get3A_504 = tpu.vector_load %arg5[%get3A_502, %get3A_503] {strides = array<i32>} : memref<4x512xf32, #tpu.memory_space<vmem>>, vector<16xf32>,
      %get3A_505 = arith.constant 2 : i32
      %get3A_506 = arith.index_cast %get3A_505 : i32 to index
      %get3A_507 = arith.constant 160 : index
      %get3A_508 = tpu.vector_load %arg5[%get3A_506, %get3A_507] {strides = array<i32>} : memref<4x512xf32, #tpu.memory_space<vmem>>, vector<16xf32>,
      %get3A_509 = arith.constant 3 : i32
      %get3A_510 = arith.index_cast %get3A_509 : i32 to index
      %get3A_511 = arith.constant 160 : index
      %get3A_512 = tpu.vector_load %arg5[%get3A_510, %get3A_511] {strides = array<i32>} : memref<4x512xf32, #tpu.memory_space<vmem>>, vector<16xf32>,
      %mul3A_513 = arith.mulf %get3A_500, %get3A_18 : vector<16xf32>
      %mul3A_514 = arith.mulf %get3A_504, %get3A_22 : vector<16xf32>
      %add3A_515 = arith.addf %mul3A_513, %mul3A_514 : vector<16xf32>
      %mul3A_516 = arith.mulf %get3A_508, %get3A_26 : vector<16xf32>
      %add3A_517 = arith.addf %add3A_515, %mul3A_516 : vector<16xf32>
      %mul3A_518 = arith.mulf %get3A_512, %get3A_30 : vector<16xf32>
      %add3A_519 = arith.addf %add3A_517, %mul3A_518 : vector<16xf32>
      %abs3A_520 = math.absf %get3A_500 : vector<16xf32>
      %gt3A_521 = arith.constant 9.99999974E-6 : f32
      %gt3A_522 = vector.broadcast %gt3A_521 : f32 to vector<16xf32>
      %gt3A_523 = arith.cmpf ogt, %abs3A_520, %gt3A_522 : vector<16xf32>
      %abs3A_524 = math.absf %get3A_504 : vector<16xf32>
      %gt3A_525 = arith.constant 9.99999974E-6 : f32
      %gt3A_526 = vector.broadcast %gt3A_525 : f32 to vector<16xf32>
      %gt3A_527 = arith.cmpf ogt, %abs3A_524, %gt3A_526 : vector<16xf32>
      %and3A_528 = arith.andi %gt3A_523, %gt3A_527 : vector<16xi1>
      %abs3A_529 = math.absf %get3A_508 : vector<16xf32>
      %gt3A_530 = arith.constant 9.99999974E-6 : f32
      %gt3A_531 = vector.broadcast %gt3A_530 : f32 to vector<16xf32>
      %gt3A_532 = arith.cmpf ogt, %abs3A_529, %gt3A_531 : vector<16xf32>
      %and3A_533 = arith.andi %and3A_528, %gt3A_532 : vector<16xi1>
      %abs3A_534 = math.absf %get3A_512 : vector<16xf32>
      %gt3A_535 = arith.constant 9.99999974E-6 : f32
      %gt3A_536 = vector.broadcast %gt3A_535 : f32 to vector<16xf32>
      %gt3A_537 = arith.cmpf ogt, %abs3A_534, %gt3A_536 : vector<16xf32>
      %and3A_538 = arith.andi %and3A_533, %gt3A_537 : vector<16xi1>
      %select_n3A_539 = arith.select %and3A_538, %add3A_519, %broadcast_in_dim3A_63 : vector<16xi1>, vector<16xf32>
      %max3A_540 = arith.maximumf %max3A_496, %select_n3A_539 : vector<16xf32>
      %get3A_541 = arith.constant 0 : i32
      %get3A_542 = arith.index_cast %get3A_541 : i32 to index
      %get3A_543 = arith.constant 176 : index
      %get3A_544 = tpu.vector_load %arg5[%get3A_542, %get3A_543] {strides = array<i32>} : memref<4x512xf32, #tpu.memory_space<vmem>>, vector<16xf32>,
      %get3A_545 = arith.constant 1 : i32
      %get3A_546 = arith.index_cast %get3A_545 : i32 to index
      %get3A_547 = arith.constant 176 : index
      %get3A_548 = tpu.vector_load %arg5[%get3A_546, %get3A_547] {strides = array<i32>} : memref<4x512xf32, #tpu.memory_space<vmem>>, vector<16xf32>,
      %get3A_549 = arith.constant 2 : i32
      %get3A_550 = arith.index_cast %get3A_549 : i32 to index
      %get3A_551 = arith.constant 176 : index
      %get3A_552 = tpu.vector_load %arg5[%get3A_550, %get3A_551] {strides = array<i32>} : memref<4x512xf32, #tpu.memory_space<vmem>>, vector<16xf32>,
      %get3A_553 = arith.constant 3 : i32
      %get3A_554 = arith.index_cast %get3A_553 : i32 to index
      %get3A_555 = arith.constant 176 : index
      %get3A_556 = tpu.vector_load %arg5[%get3A_554, %get3A_555] {strides = array<i32>} : memref<4x512xf32, #tpu.memory_space<vmem>>, vector<16xf32>,
      %mul3A_557 = arith.mulf %get3A_544, %get3A_18 : vector<16xf32>
      %mul3A_558 = arith.mulf %get3A_548, %get3A_22 : vector<16xf32>
      %add3A_559 = arith.addf %mul3A_557, %mul3A_558 : vector<16xf32>
      %mul3A_560 = arith.mulf %get3A_552, %get3A_26 : vector<16xf32>
      %add3A_561 = arith.addf %add3A_559, %mul3A_560 : vector<16xf32>
      %mul3A_562 = arith.mulf %get3A_556, %get3A_30 : vector<16xf32>
      %add3A_563 = arith.addf %add3A_561, %mul3A_562 : vector<16xf32>
      %abs3A_564 = math.absf %get3A_544 : vector<16xf32>
      %gt3A_565 = arith.constant 9.99999974E-6 : f32
      %gt3A_566 = vector.broadcast %gt3A_565 : f32 to vector<16xf32>
      %gt3A_567 = arith.cmpf ogt, %abs3A_564, %gt3A_566 : vector<16xf32>
      %abs3A_568 = math.absf %get3A_548 : vector<16xf32>
      %gt3A_569 = arith.constant 9.99999974E-6 : f32
      %gt3A_570 = vector.broadcast %gt3A_569 : f32 to vector<16xf32>
      %gt3A_571 = arith.cmpf ogt, %abs3A_568, %gt3A_570 : vector<16xf32>
      %and3A_572 = arith.andi %gt3A_567, %gt3A_571 : vector<16xi1>
      %abs3A_573 = math.absf %get3A_552 : vector<16xf32>
      %gt3A_574 = arith.constant 9.99999974E-6 : f32
      %gt3A_575 = vector.broadcast %gt3A_574 : f32 to vector<16xf32>
      %gt3A_576 = arith.cmpf ogt, %abs3A_573, %gt3A_575 : vector<16xf32>
      %and3A_577 = arith.andi %and3A_572, %gt3A_576 : vector<16xi1>
      %abs3A_578 = math.absf %get3A_556 : vector<16xf32>
      %gt3A_579 = arith.constant 9.99999974E-6 : f32
      %gt3A_580 = vector.broadcast %gt3A_579 : f32 to vector<16xf32>
      %gt3A_581 = arith.cmpf ogt, %abs3A_578, %gt3A_580 : vector<16xf32>
      %and3A_582 = arith.andi %and3A_577, %gt3A_581 : vector<16xi1>
      %select_n3A_583 = arith.select %and3A_582, %add3A_563, %broadcast_in_dim3A_63 : vector<16xi1>, vector<16xf32>
      %max3A_584 = arith.maximumf %max3A_540, %select_n3A_583 : vector<16xf32>
      %get3A_585 = arith.constant 0 : i32
      %get3A_586 = arith.index_cast %get3A_585 : i32 to index
      %get3A_587 = arith.constant 192 : index
      %get3A_588 = tpu.vector_load %arg5[%get3A_586, %get3A_587] {strides = array<i32>} : memref<4x512xf32, #tpu.memory_space<vmem>>, vector<16xf32>,
      %get3A_589 = arith.constant 1 : i32
      %get3A_590 = arith.index_cast %get3A_589 : i32 to index
      %get3A_591 = arith.constant 192 : index
      %get3A_592 = tpu.vector_load %arg5[%get3A_590, %get3A_591] {strides = array<i32>} : memref<4x512xf32, #tpu.memory_space<vmem>>, vector<16xf32>,
      %get3A_593 = arith.constant 2 : i32
      %get3A_594 = arith.index_cast %get3A_593 : i32 to index
      %get3A_595 = arith.constant 192 : index
      %get3A_596 = tpu.vector_load %arg5[%get3A_594, %get3A_595] {strides = array<i32>} : memref<4x512xf32, #tpu.memory_space<vmem>>, vector<16xf32>,
      %get3A_597 = arith.constant 3 : i32
      %get3A_598 = arith.index_cast %get3A_597 : i32 to index
      %get3A_599 = arith.constant 192 : index
      %get3A_600 = tpu.vector_load %arg5[%get3A_598, %get3A_599] {strides = array<i32>} : memref<4x512xf32, #tpu.memory_space<vmem>>, vector<16xf32>,
      %mul3A_601 = arith.mulf %get3A_588, %get3A_18 : vector<16xf32>
      %mul3A_602 = arith.mulf %get3A_592, %get3A_22 : vector<16xf32>
      %add3A_603 = arith.addf %mul3A_601, %mul3A_602 : vector<16xf32>
      %mul3A_604 = arith.mulf %get3A_596, %get3A_26 : vector<16xf32>
      %add3A_605 = arith.addf %add3A_603, %mul3A_604 : vector<16xf32>
      %mul3A_606 = arith.mulf %get3A_600, %get3A_30 : vector<16xf32>
      %add3A_607 = arith.addf %add3A_605, %mul3A_606 : vector<16xf32>
      %abs3A_608 = math.absf %get3A_588 : vector<16xf32>
      %gt3A_609 = arith.constant 9.99999974E-6 : f32
      %gt3A_610 = vector.broadcast %gt3A_609 : f32 to vector<16xf32>
      %gt3A_611 = arith.cmpf ogt, %abs3A_608, %gt3A_610 : vector<16xf32>
      %abs3A_612 = math.absf %get3A_592 : vector<16xf32>
      %gt3A_613 = arith.constant 9.99999974E-6 : f32
      %gt3A_614 = vector.broadcast %gt3A_613 : f32 to vector<16xf32>
      %gt3A_615 = arith.cmpf ogt, %abs3A_612, %gt3A_614 : vector<16xf32>
      %and3A_616 = arith.andi %gt3A_611, %gt3A_615 : vector<16xi1>
      %abs3A_617 = math.absf %get3A_596 : vector<16xf32>
      %gt3A_618 = arith.constant 9.99999974E-6 : f32
      %gt3A_619 = vector.broadcast %gt3A_618 : f32 to vector<16xf32>
      %gt3A_620 = arith.cmpf ogt, %abs3A_617, %gt3A_619 : vector<16xf32>
      %and3A_621 = arith.andi %and3A_616, %gt3A_620 : vector<16xi1>
      %abs3A_622 = math.absf %get3A_600 : vector<16xf32>
      %gt3A_623 = arith.constant 9.99999974E-6 : f32
      %gt3A_624 = vector.broadcast %gt3A_623 : f32 to vector<16xf32>
      %gt3A_625 = arith.cmpf ogt, %abs3A_622, %gt3A_624 : vector<16xf32>
      %and3A_626 = arith.andi %and3A_621, %gt3A_625 : vector<16xi1>
      %select_n3A_627 = arith.select %and3A_626, %add3A_607, %broadcast_in_dim3A_63 : vector<16xi1>, vector<16xf32>
      %max3A_628 = arith.maximumf %max3A_584, %select_n3A_627 : vector<16xf32>
      %get3A_629 = arith.constant 0 : i32
      %get3A_630 = arith.index_cast %get3A_629 : i32 to index
      %get3A_631 = arith.constant 208 : index
      %get3A_632 = tpu.vector_load %arg5[%get3A_630, %get3A_631] {strides = array<i32>} : memref<4x512xf32, #tpu.memory_space<vmem>>, vector<16xf32>,
      %get3A_633 = arith.constant 1 : i32
      %get3A_634 = arith.index_cast %get3A_633 : i32 to index
      %get3A_635 = arith.constant 208 : index
      %get3A_636 = tpu.vector_load %arg5[%get3A_634, %get3A_635] {strides = array<i32>} : memref<4x512xf32, #tpu.memory_space<vmem>>, vector<16xf32>,
      %get3A_637 = arith.constant 2 : i32
      %get3A_638 = arith.index_cast %get3A_637 : i32 to index
      %get3A_639 = arith.constant 208 : index
      %get3A_640 = tpu.vector_load %arg5[%get3A_638, %get3A_639] {strides = array<i32>} : memref<4x512xf32, #tpu.memory_space<vmem>>, vector<16xf32>,
      %get3A_641 = arith.constant 3 : i32
      %get3A_642 = arith.index_cast %get3A_641 : i32 to index
      %get3A_643 = arith.constant 208 : index
      %get3A_644 = tpu.vector_load %arg5[%get3A_642, %get3A_643] {strides = array<i32>} : memref<4x512xf32, #tpu.memory_space<vmem>>, vector<16xf32>,
      %mul3A_645 = arith.mulf %get3A_632, %get3A_18 : vector<16xf32>
      %mul3A_646 = arith.mulf %get3A_636, %get3A_22 : vector<16xf32>
      %add3A_647 = arith.addf %mul3A_645, %mul3A_646 : vector<16xf32>
      %mul3A_648 = arith.mulf %get3A_640, %get3A_26 : vector<16xf32>
      %add3A_649 = arith.addf %add3A_647, %mul3A_648 : vector<16xf32>
      %mul3A_650 = arith.mulf %get3A_644, %get3A_30 : vector<16xf32>
      %add3A_651 = arith.addf %add3A_649, %mul3A_650 : vector<16xf32>
      %abs3A_652 = math.absf %get3A_632 : vector<16xf32>
      %gt3A_653 = arith.constant 9.99999974E-6 : f32
      %gt3A_654 = vector.broadcast %gt3A_653 : f32 to vector<16xf32>
      %gt3A_655 = arith.cmpf ogt, %abs3A_652, %gt3A_654 : vector<16xf32>
      %abs3A_656 = math.absf %get3A_636 : vector<16xf32>
      %gt3A_657 = arith.constant 9.99999974E-6 : f32
      %gt3A_658 = vector.broadcast %gt3A_657 : f32 to vector<16xf32>
      %gt3A_659 = arith.cmpf ogt, %abs3A_656, %gt3A_658 : vector<16xf32>
      %and3A_660 = arith.andi %gt3A_655, %gt3A_659 : vector<16xi1>
      %abs3A_661 = math.absf %get3A_640 : vector<16xf32>
      %gt3A_662 = arith.constant 9.99999974E-6 : f32
      %gt3A_663 = vector.broadcast %gt3A_662 : f32 to vector<16xf32>
      %gt3A_664 = arith.cmpf ogt, %abs3A_661, %gt3A_663 : vector<16xf32>
      %and3A_665 = arith.andi %and3A_660, %gt3A_664 : vector<16xi1>
      %abs3A_666 = math.absf %get3A_644 : vector<16xf32>
      %gt3A_667 = arith.constant 9.99999974E-6 : f32
      %gt3A_668 = vector.broadcast %gt3A_667 : f32 to vector<16xf32>
      %gt3A_669 = arith.cmpf ogt, %abs3A_666, %gt3A_668 : vector<16xf32>
      %and3A_670 = arith.andi %and3A_665, %gt3A_669 : vector<16xi1>
      %select_n3A_671 = arith.select %and3A_670, %add3A_651, %broadcast_in_dim3A_63 : vector<16xi1>, vector<16xf32>
      %max3A_672 = arith.maximumf %max3A_628, %select_n3A_671 : vector<16xf32>
      %get3A_673 = arith.constant 0 : i32
      %get3A_674 = arith.index_cast %get3A_673 : i32 to index
      %get3A_675 = arith.constant 224 : index
      %get3A_676 = tpu.vector_load %arg5[%get3A_674, %get3A_675] {strides = array<i32>} : memref<4x512xf32, #tpu.memory_space<vmem>>, vector<16xf32>,
      %get3A_677 = arith.constant 1 : i32
      %get3A_678 = arith.index_cast %get3A_677 : i32 to index
      %get3A_679 = arith.constant 224 : index
      %get3A_680 = tpu.vector_load %arg5[%get3A_678, %get3A_679] {strides = array<i32>} : memref<4x512xf32, #tpu.memory_space<vmem>>, vector<16xf32>,
      %get3A_681 = arith.constant 2 : i32
      %get3A_682 = arith.index_cast %get3A_681 : i32 to index
      %get3A_683 = arith.constant 224 : index
      %get3A_684 = tpu.vector_load %arg5[%get3A_682, %get3A_683] {strides = array<i32>} : memref<4x512xf32, #tpu.memory_space<vmem>>, vector<16xf32>,
      %get3A_685 = arith.constant 3 : i32
      %get3A_686 = arith.index_cast %get3A_685 : i32 to index
      %get3A_687 = arith.constant 224 : index
      %get3A_688 = tpu.vector_load %arg5[%get3A_686, %get3A_687] {strides = array<i32>} : memref<4x512xf32, #tpu.memory_space<vmem>>, vector<16xf32>,
      %mul3A_689 = arith.mulf %get3A_676, %get3A_18 : vector<16xf32>
      %mul3A_690 = arith.mulf %get3A_680, %get3A_22 : vector<16xf32>
      %add3A_691 = arith.addf %mul3A_689, %mul3A_690 : vector<16xf32>
      %mul3A_692 = arith.mulf %get3A_684, %get3A_26 : vector<16xf32>
      %add3A_693 = arith.addf %add3A_691, %mul3A_692 : vector<16xf32>
      %mul3A_694 = arith.mulf %get3A_688, %get3A_30 : vector<16xf32>
      %add3A_695 = arith.addf %add3A_693, %mul3A_694 : vector<16xf32>
      %abs3A_696 = math.absf %get3A_676 : vector<16xf32>
      %gt3A_697 = arith.constant 9.99999974E-6 : f32
      %gt3A_698 = vector.broadcast %gt3A_697 : f32 to vector<16xf32>
      %gt3A_699 = arith.cmpf ogt, %abs3A_696, %gt3A_698 : vector<16xf32>
      %abs3A_700 = math.absf %get3A_680 : vector<16xf32>
      %gt3A_701 = arith.constant 9.99999974E-6 : f32
      %gt3A_702 = vector.broadcast %gt3A_701 : f32 to vector<16xf32>
      %gt3A_703 = arith.cmpf ogt, %abs3A_700, %gt3A_702 : vector<16xf32>
      %and3A_704 = arith.andi %gt3A_699, %gt3A_703 : vector<16xi1>
      %abs3A_705 = math.absf %get3A_684 : vector<16xf32>
      %gt3A_706 = arith.constant 9.99999974E-6 : f32
      %gt3A_707 = vector.broadcast %gt3A_706 : f32 to vector<16xf32>
      %gt3A_708 = arith.cmpf ogt, %abs3A_705, %gt3A_707 : vector<16xf32>
      %and3A_709 = arith.andi %and3A_704, %gt3A_708 : vector<16xi1>
      %abs3A_710 = math.absf %get3A_688 : vector<16xf32>
      %gt3A_711 = arith.constant 9.99999974E-6 : f32
      %gt3A_712 = vector.broadcast %gt3A_711 : f32 to vector<16xf32>
      %gt3A_713 = arith.cmpf ogt, %abs3A_710, %gt3A_712 : vector<16xf32>
      %and3A_714 = arith.andi %and3A_709, %gt3A_713 : vector<16xi1>
      %select_n3A_715 = arith.select %and3A_714, %add3A_695, %broadcast_in_dim3A_63 : vector<16xi1>, vector<16xf32>
      %max3A_716 = arith.maximumf %max3A_672, %select_n3A_715 : vector<16xf32>
      %get3A_717 = arith.constant 0 : i32
      %get3A_718 = arith.index_cast %get3A_717 : i32 to index
      %get3A_719 = arith.constant 240 : index
      %get3A_720 = tpu.vector_load %arg5[%get3A_718, %get3A_719] {strides = array<i32>} : memref<4x512xf32, #tpu.memory_space<vmem>>, vector<16xf32>,
      %get3A_721 = arith.constant 1 : i32
      %get3A_722 = arith.index_cast %get3A_721 : i32 to index
      %get3A_723 = arith.constant 240 : index
      %get3A_724 = tpu.vector_load %arg5[%get3A_722, %get3A_723] {strides = array<i32>} : memref<4x512xf32, #tpu.memory_space<vmem>>, vector<16xf32>,
      %get3A_725 = arith.constant 2 : i32
      %get3A_726 = arith.index_cast %get3A_725 : i32 to index
      %get3A_727 = arith.constant 240 : index
      %get3A_728 = tpu.vector_load %arg5[%get3A_726, %get3A_727] {strides = array<i32>} : memref<4x512xf32, #tpu.memory_space<vmem>>, vector<16xf32>,
      %get3A_729 = arith.constant 3 : i32
      %get3A_730 = arith.index_cast %get3A_729 : i32 to index
      %get3A_731 = arith.constant 240 : index
      %get3A_732 = tpu.vector_load %arg5[%get3A_730, %get3A_731] {strides = array<i32>} : memref<4x512xf32, #tpu.memory_space<vmem>>, vector<16xf32>,
      %mul3A_733 = arith.mulf %get3A_720, %get3A_18 : vector<16xf32>
      %mul3A_734 = arith.mulf %get3A_724, %get3A_22 : vector<16xf32>
      %add3A_735 = arith.addf %mul3A_733, %mul3A_734 : vector<16xf32>
      %mul3A_736 = arith.mulf %get3A_728, %get3A_26 : vector<16xf32>
      %add3A_737 = arith.addf %add3A_735, %mul3A_736 : vector<16xf32>
      %mul3A_738 = arith.mulf %get3A_732, %get3A_30 : vector<16xf32>
      %add3A_739 = arith.addf %add3A_737, %mul3A_738 : vector<16xf32>
      %abs3A_740 = math.absf %get3A_720 : vector<16xf32>
      %gt3A_741 = arith.constant 9.99999974E-6 : f32
      %gt3A_742 = vector.broadcast %gt3A_741 : f32 to vector<16xf32>
      %gt3A_743 = arith.cmpf ogt, %abs3A_740, %gt3A_742 : vector<16xf32>
      %abs3A_744 = math.absf %get3A_724 : vector<16xf32>
      %gt3A_745 = arith.constant 9.99999974E-6 : f32
      %gt3A_746 = vector.broadcast %gt3A_745 : f32 to vector<16xf32>
      %gt3A_747 = arith.cmpf ogt, %abs3A_744, %gt3A_746 : vector<16xf32>
      %and3A_748 = arith.andi %gt3A_743, %gt3A_747 : vector<16xi1>
      %abs3A_749 = math.absf %get3A_728 : vector<16xf32>
      %gt3A_750 = arith.constant 9.99999974E-6 : f32
      %gt3A_751 = vector.broadcast %gt3A_750 : f32 to vector<16xf32>
      %gt3A_752 = arith.cmpf ogt, %abs3A_749, %gt3A_751 : vector<16xf32>
      %and3A_753 = arith.andi %and3A_748, %gt3A_752 : vector<16xi1>
      %abs3A_754 = math.absf %get3A_732 : vector<16xf32>
      %gt3A_755 = arith.constant 9.99999974E-6 : f32
      %gt3A_756 = vector.broadcast %gt3A_755 : f32 to vector<16xf32>
      %gt3A_757 = arith.cmpf ogt, %abs3A_754, %gt3A_756 : vector<16xf32>
      %and3A_758 = arith.andi %and3A_753, %gt3A_757 : vector<16xi1>
      %select_n3A_759 = arith.select %and3A_758, %add3A_739, %broadcast_in_dim3A_63 : vector<16xi1>, vector<16xf32>
      %max3A_760 = arith.maximumf %max3A_716, %select_n3A_759 : vector<16xf32>
      %get3A_761 = arith.constant 0 : i32
      %get3A_762 = arith.index_cast %get3A_761 : i32 to index
      %get3A_763 = arith.constant 256 : index
      %get3A_764 = tpu.vector_load %arg5[%get3A_762, %get3A_763] {strides = array<i32>} : memref<4x512xf32, #tpu.memory_space<vmem>>, vector<16xf32>,
      %get3A_765 = arith.constant 1 : i32
      %get3A_766 = arith.index_cast %get3A_765 : i32 to index
      %get3A_767 = arith.constant 256 : index
      %get3A_768 = tpu.vector_load %arg5[%get3A_766, %get3A_767] {strides = array<i32>} : memref<4x512xf32, #tpu.memory_space<vmem>>, vector<16xf32>,
      %get3A_769 = arith.constant 2 : i32
      %get3A_770 = arith.index_cast %get3A_769 : i32 to index
      %get3A_771 = arith.constant 256 : index
      %get3A_772 = tpu.vector_load %arg5[%get3A_770, %get3A_771] {strides = array<i32>} : memref<4x512xf32, #tpu.memory_space<vmem>>, vector<16xf32>,
      %get3A_773 = arith.constant 3 : i32
      %get3A_774 = arith.index_cast %get3A_773 : i32 to index
      %get3A_775 = arith.constant 256 : index
      %get3A_776 = tpu.vector_load %arg5[%get3A_774, %get3A_775] {strides = array<i32>} : memref<4x512xf32, #tpu.memory_space<vmem>>, vector<16xf32>,
      %mul3A_777 = arith.mulf %get3A_764, %get3A_18 : vector<16xf32>
      %mul3A_778 = arith.mulf %get3A_768, %get3A_22 : vector<16xf32>
      %add3A_779 = arith.addf %mul3A_777, %mul3A_778 : vector<16xf32>
      %mul3A_780 = arith.mulf %get3A_772, %get3A_26 : vector<16xf32>
      %add3A_781 = arith.addf %add3A_779, %mul3A_780 : vector<16xf32>
      %mul3A_782 = arith.mulf %get3A_776, %get3A_30 : vector<16xf32>
      %add3A_783 = arith.addf %add3A_781, %mul3A_782 : vector<16xf32>
      %abs3A_784 = math.absf %get3A_764 : vector<16xf32>
      %gt3A_785 = arith.constant 9.99999974E-6 : f32
      %gt3A_786 = vector.broadcast %gt3A_785 : f32 to vector<16xf32>
      %gt3A_787 = arith.cmpf ogt, %abs3A_784, %gt3A_786 : vector<16xf32>
      %abs3A_788 = math.absf %get3A_768 : vector<16xf32>
      %gt3A_789 = arith.constant 9.99999974E-6 : f32
      %gt3A_790 = vector.broadcast %gt3A_789 : f32 to vector<16xf32>
      %gt3A_791 = arith.cmpf ogt, %abs3A_788, %gt3A_790 : vector<16xf32>
      %and3A_792 = arith.andi %gt3A_787, %gt3A_791 : vector<16xi1>
      %abs3A_793 = math.absf %get3A_772 : vector<16xf32>
      %gt3A_794 = arith.constant 9.99999974E-6 : f32
      %gt3A_795 = vector.broadcast %gt3A_794 : f32 to vector<16xf32>
      %gt3A_796 = arith.cmpf ogt, %abs3A_793, %gt3A_795 : vector<16xf32>
      %and3A_797 = arith.andi %and3A_792, %gt3A_796 : vector<16xi1>
      %abs3A_798 = math.absf %get3A_776 : vector<16xf32>
      %gt3A_799 = arith.constant 9.99999974E-6 : f32
      %gt3A_800 = vector.broadcast %gt3A_799 : f32 to vector<16xf32>
      %gt3A_801 = arith.cmpf ogt, %abs3A_798, %gt3A_800 : vector<16xf32>
      %and3A_802 = arith.andi %and3A_797, %gt3A_801 : vector<16xi1>
      %select_n3A_803 = arith.select %and3A_802, %add3A_783, %broadcast_in_dim3A_63 : vector<16xi1>, vector<16xf32>
      %max3A_804 = arith.maximumf %max3A_760, %select_n3A_803 : vector<16xf32>
      %get3A_805 = arith.constant 0 : i32
      %get3A_806 = arith.index_cast %get3A_805 : i32 to index
      %get3A_807 = arith.constant 272 : index
      %get3A_808 = tpu.vector_load %arg5[%get3A_806, %get3A_807] {strides = array<i32>} : memref<4x512xf32, #tpu.memory_space<vmem>>, vector<16xf32>,
      %get3A_809 = arith.constant 1 : i32
      %get3A_810 = arith.index_cast %get3A_809 : i32 to index
      %get3A_811 = arith.constant 272 : index
      %get3A_812 = tpu.vector_load %arg5[%get3A_810, %get3A_811] {strides = array<i32>} : memref<4x512xf32, #tpu.memory_space<vmem>>, vector<16xf32>,
      %get3A_813 = arith.constant 2 : i32
      %get3A_814 = arith.index_cast %get3A_813 : i32 to index
      %get3A_815 = arith.constant 272 : index
      %get3A_816 = tpu.vector_load %arg5[%get3A_814, %get3A_815] {strides = array<i32>} : memref<4x512xf32, #tpu.memory_space<vmem>>, vector<16xf32>,
      %get3A_817 = arith.constant 3 : i32
      %get3A_818 = arith.index_cast %get3A_817 : i32 to index
      %get3A_819 = arith.constant 272 : index
      %get3A_820 = tpu.vector_load %arg5[%get3A_818, %get3A_819] {strides = array<i32>} : memref<4x512xf32, #tpu.memory_space<vmem>>, vector<16xf32>,
      %mul3A_821 = arith.mulf %get3A_808, %get3A_18 : vector<16xf32>
      %mul3A_822 = arith.mulf %get3A_812, %get3A_22 : vector<16xf32>
      %add3A_823 = arith.addf %mul3A_821, %mul3A_822 : vector<16xf32>
      %mul3A_824 = arith.mulf %get3A_816, %get3A_26 : vector<16xf32>
      %add3A_825 = arith.addf %add3A_823, %mul3A_824 : vector<16xf32>
      %mul3A_826 = arith.mulf %get3A_820, %get3A_30 : vector<16xf32>
      %add3A_827 = arith.addf %add3A_825, %mul3A_826 : vector<16xf32>
      %abs3A_828 = math.absf %get3A_808 : vector<16xf32>
      %gt3A_829 = arith.constant 9.99999974E-6 : f32
      %gt3A_830 = vector.broadcast %gt3A_829 : f32 to vector<16xf32>
      %gt3A_831 = arith.cmpf ogt, %abs3A_828, %gt3A_830 : vector<16xf32>
      %abs3A_832 = math.absf %get3A_812 : vector<16xf32>
      %gt3A_833 = arith.constant 9.99999974E-6 : f32
      %gt3A_834 = vector.broadcast %gt3A_833 : f32 to vector<16xf32>
      %gt3A_835 = arith.cmpf ogt, %abs3A_832, %gt3A_834 : vector<16xf32>
      %and3A_836 = arith.andi %gt3A_831, %gt3A_835 : vector<16xi1>
      %abs3A_837 = math.absf %get3A_816 : vector<16xf32>
      %gt3A_838 = arith.constant 9.99999974E-6 : f32
      %gt3A_839 = vector.broadcast %gt3A_838 : f32 to vector<16xf32>
      %gt3A_840 = arith.cmpf ogt, %abs3A_837, %gt3A_839 : vector<16xf32>
      %and3A_841 = arith.andi %and3A_836, %gt3A_840 : vector<16xi1>
      %abs3A_842 = math.absf %get3A_820 : vector<16xf32>
      %gt3A_843 = arith.constant 9.99999974E-6 : f32
      %gt3A_844 = vector.broadcast %gt3A_843 : f32 to vector<16xf32>
      %gt3A_845 = arith.cmpf ogt, %abs3A_842, %gt3A_844 : vector<16xf32>
      %and3A_846 = arith.andi %and3A_841, %gt3A_845 : vector<16xi1>
      %select_n3A_847 = arith.select %and3A_846, %add3A_827, %broadcast_in_dim3A_63 : vector<16xi1>, vector<16xf32>
      %max3A_848 = arith.maximumf %max3A_804, %select_n3A_847 : vector<16xf32>
      %get3A_849 = arith.constant 0 : i32
      %get3A_850 = arith.index_cast %get3A_849 : i32 to index
      %get3A_851 = arith.constant 288 : index
      %get3A_852 = tpu.vector_load %arg5[%get3A_850, %get3A_851] {strides = array<i32>} : memref<4x512xf32, #tpu.memory_space<vmem>>, vector<16xf32>,
      %get3A_853 = arith.constant 1 : i32
      %get3A_854 = arith.index_cast %get3A_853 : i32 to index
      %get3A_855 = arith.constant 288 : index
      %get3A_856 = tpu.vector_load %arg5[%get3A_854, %get3A_855] {strides = array<i32>} : memref<4x512xf32, #tpu.memory_space<vmem>>, vector<16xf32>,
      %get3A_857 = arith.constant 2 : i32
      %get3A_858 = arith.index_cast %get3A_857 : i32 to index
      %get3A_859 = arith.constant 288 : index
      %get3A_860 = tpu.vector_load %arg5[%get3A_858, %get3A_859] {strides = array<i32>} : memref<4x512xf32, #tpu.memory_space<vmem>>, vector<16xf32>,
      %get3A_861 = arith.constant 3 : i32
      %get3A_862 = arith.index_cast %get3A_861 : i32 to index
      %get3A_863 = arith.constant 288 : index
      %get3A_864 = tpu.vector_load %arg5[%get3A_862, %get3A_863] {strides = array<i32>} : memref<4x512xf32, #tpu.memory_space<vmem>>, vector<16xf32>,
      %mul3A_865 = arith.mulf %get3A_852, %get3A_18 : vector<16xf32>
      %mul3A_866 = arith.mulf %get3A_856, %get3A_22 : vector<16xf32>
      %add3A_867 = arith.addf %mul3A_865, %mul3A_866 : vector<16xf32>
      %mul3A_868 = arith.mulf %get3A_860, %get3A_26 : vector<16xf32>
      %add3A_869 = arith.addf %add3A_867, %mul3A_868 : vector<16xf32>
      %mul3A_870 = arith.mulf %get3A_864, %get3A_30 : vector<16xf32>
      %add3A_871 = arith.addf %add3A_869, %mul3A_870 : vector<16xf32>
      %abs3A_872 = math.absf %get3A_852 : vector<16xf32>
      %gt3A_873 = arith.constant 9.99999974E-6 : f32
      %gt3A_874 = vector.broadcast %gt3A_873 : f32 to vector<16xf32>
      %gt3A_875 = arith.cmpf ogt, %abs3A_872, %gt3A_874 : vector<16xf32>
      %abs3A_876 = math.absf %get3A_856 : vector<16xf32>
      %gt3A_877 = arith.constant 9.99999974E-6 : f32
      %gt3A_878 = vector.broadcast %gt3A_877 : f32 to vector<16xf32>
      %gt3A_879 = arith.cmpf ogt, %abs3A_876, %gt3A_878 : vector<16xf32>
      %and3A_880 = arith.andi %gt3A_875, %gt3A_879 : vector<16xi1>
      %abs3A_881 = math.absf %get3A_860 : vector<16xf32>
      %gt3A_882 = arith.constant 9.99999974E-6 : f32
      %gt3A_883 = vector.broadcast %gt3A_882 : f32 to vector<16xf32>
      %gt3A_884 = arith.cmpf ogt, %abs3A_881, %gt3A_883 : vector<16xf32>
      %and3A_885 = arith.andi %and3A_880, %gt3A_884 : vector<16xi1>
      %abs3A_886 = math.absf %get3A_864 : vector<16xf32>
      %gt3A_887 = arith.constant 9.99999974E-6 : f32
      %gt3A_888 = vector.broadcast %gt3A_887 : f32 to vector<16xf32>
      %gt3A_889 = arith.cmpf ogt, %abs3A_886, %gt3A_888 : vector<16xf32>
      %and3A_890 = arith.andi %and3A_885, %gt3A_889 : vector<16xi1>
      %select_n3A_891 = arith.select %and3A_890, %add3A_871, %broadcast_in_dim3A_63 : vector<16xi1>, vector<16xf32>
      %max3A_892 = arith.maximumf %max3A_848, %select_n3A_891 : vector<16xf32>
      %get3A_893 = arith.constant 0 : i32
      %get3A_894 = arith.index_cast %get3A_893 : i32 to index
      %get3A_895 = arith.constant 304 : index
      %get3A_896 = tpu.vector_load %arg5[%get3A_894, %get3A_895] {strides = array<i32>} : memref<4x512xf32, #tpu.memory_space<vmem>>, vector<16xf32>,
      %get3A_897 = arith.constant 1 : i32
      %get3A_898 = arith.index_cast %get3A_897 : i32 to index
      %get3A_899 = arith.constant 304 : index
      %get3A_900 = tpu.vector_load %arg5[%get3A_898, %get3A_899] {strides = array<i32>} : memref<4x512xf32, #tpu.memory_space<vmem>>, vector<16xf32>,
      %get3A_901 = arith.constant 2 : i32
      %get3A_902 = arith.index_cast %get3A_901 : i32 to index
      %get3A_903 = arith.constant 304 : index
      %get3A_904 = tpu.vector_load %arg5[%get3A_902, %get3A_903] {strides = array<i32>} : memref<4x512xf32, #tpu.memory_space<vmem>>, vector<16xf32>,
      %get3A_905 = arith.constant 3 : i32
      %get3A_906 = arith.index_cast %get3A_905 : i32 to index
      %get3A_907 = arith.constant 304 : index
      %get3A_908 = tpu.vector_load %arg5[%get3A_906, %get3A_907] {strides = array<i32>} : memref<4x512xf32, #tpu.memory_space<vmem>>, vector<16xf32>,
      %mul3A_909 = arith.mulf %get3A_896, %get3A_18 : vector<16xf32>
      %mul3A_910 = arith.mulf %get3A_900, %get3A_22 : vector<16xf32>
      %add3A_911 = arith.addf %mul3A_909, %mul3A_910 : vector<16xf32>
      %mul3A_912 = arith.mulf %get3A_904, %get3A_26 : vector<16xf32>
      %add3A_913 = arith.addf %add3A_911, %mul3A_912 : vector<16xf32>
      %mul3A_914 = arith.mulf %get3A_908, %get3A_30 : vector<16xf32>
      %add3A_915 = arith.addf %add3A_913, %mul3A_914 : vector<16xf32>
      %abs3A_916 = math.absf %get3A_896 : vector<16xf32>
      %gt3A_917 = arith.constant 9.99999974E-6 : f32
      %gt3A_918 = vector.broadcast %gt3A_917 : f32 to vector<16xf32>
      %gt3A_919 = arith.cmpf ogt, %abs3A_916, %gt3A_918 : vector<16xf32>
      %abs3A_920 = math.absf %get3A_900 : vector<16xf32>
      %gt3A_921 = arith.constant 9.99999974E-6 : f32
      %gt3A_922 = vector.broadcast %gt3A_921 : f32 to vector<16xf32>
      %gt3A_923 = arith.cmpf ogt, %abs3A_920, %gt3A_922 : vector<16xf32>
      %and3A_924 = arith.andi %gt3A_919, %gt3A_923 : vector<16xi1>
      %abs3A_925 = math.absf %get3A_904 : vector<16xf32>
      %gt3A_926 = arith.constant 9.99999974E-6 : f32
      %gt3A_927 = vector.broadcast %gt3A_926 : f32 to vector<16xf32>
      %gt3A_928 = arith.cmpf ogt, %abs3A_925, %gt3A_927 : vector<16xf32>
      %and3A_929 = arith.andi %and3A_924, %gt3A_928 : vector<16xi1>
      %abs3A_930 = math.absf %get3A_908 : vector<16xf32>
      %gt3A_931 = arith.constant 9.99999974E-6 : f32
      %gt3A_932 = vector.broadcast %gt3A_931 : f32 to vector<16xf32>
      %gt3A_933 = arith.cmpf ogt, %abs3A_930, %gt3A_932 : vector<16xf32>
      %and3A_934 = arith.andi %and3A_929, %gt3A_933 : vector<16xi1>
      %select_n3A_935 = arith.select %and3A_934, %add3A_915, %broadcast_in_dim3A_63 : vector<16xi1>, vector<16xf32>
      %max3A_936 = arith.maximumf %max3A_892, %select_n3A_935 : vector<16xf32>
      %get3A_937 = arith.constant 0 : i32
      %get3A_938 = arith.index_cast %get3A_937 : i32 to index
      %get3A_939 = arith.constant 320 : index
      %get3A_940 = tpu.vector_load %arg5[%get3A_938, %get3A_939] {strides = array<i32>} : memref<4x512xf32, #tpu.memory_space<vmem>>, vector<16xf32>,
      %get3A_941 = arith.constant 1 : i32
      %get3A_942 = arith.index_cast %get3A_941 : i32 to index
      %get3A_943 = arith.constant 320 : index
      %get3A_944 = tpu.vector_load %arg5[%get3A_942, %get3A_943] {strides = array<i32>} : memref<4x512xf32, #tpu.memory_space<vmem>>, vector<16xf32>,
      %get3A_945 = arith.constant 2 : i32
      %get3A_946 = arith.index_cast %get3A_945 : i32 to index
      %get3A_947 = arith.constant 320 : index
      %get3A_948 = tpu.vector_load %arg5[%get3A_946, %get3A_947] {strides = array<i32>} : memref<4x512xf32, #tpu.memory_space<vmem>>, vector<16xf32>,
      %get3A_949 = arith.constant 3 : i32
      %get3A_950 = arith.index_cast %get3A_949 : i32 to index
      %get3A_951 = arith.constant 320 : index
      %get3A_952 = tpu.vector_load %arg5[%get3A_950, %get3A_951] {strides = array<i32>} : memref<4x512xf32, #tpu.memory_space<vmem>>, vector<16xf32>,
      %mul3A_953 = arith.mulf %get3A_940, %get3A_18 : vector<16xf32>
      %mul3A_954 = arith.mulf %get3A_944, %get3A_22 : vector<16xf32>
      %add3A_955 = arith.addf %mul3A_953, %mul3A_954 : vector<16xf32>
      %mul3A_956 = arith.mulf %get3A_948, %get3A_26 : vector<16xf32>
      %add3A_957 = arith.addf %add3A_955, %mul3A_956 : vector<16xf32>
      %mul3A_958 = arith.mulf %get3A_952, %get3A_30 : vector<16xf32>
      %add3A_959 = arith.addf %add3A_957, %mul3A_958 : vector<16xf32>
      %abs3A_960 = math.absf %get3A_940 : vector<16xf32>
      %gt3A_961 = arith.constant 9.99999974E-6 : f32
      %gt3A_962 = vector.broadcast %gt3A_961 : f32 to vector<16xf32>
      %gt3A_963 = arith.cmpf ogt, %abs3A_960, %gt3A_962 : vector<16xf32>
      %abs3A_964 = math.absf %get3A_944 : vector<16xf32>
      %gt3A_965 = arith.constant 9.99999974E-6 : f32
      %gt3A_966 = vector.broadcast %gt3A_965 : f32 to vector<16xf32>
      %gt3A_967 = arith.cmpf ogt, %abs3A_964, %gt3A_966 : vector<16xf32>
      %and3A_968 = arith.andi %gt3A_963, %gt3A_967 : vector<16xi1>
      %abs3A_969 = math.absf %get3A_948 : vector<16xf32>
      %gt3A_970 = arith.constant 9.99999974E-6 : f32
      %gt3A_971 = vector.broadcast %gt3A_970 : f32 to vector<16xf32>
      %gt3A_972 = arith.cmpf ogt, %abs3A_969, %gt3A_971 : vector<16xf32>
      %and3A_973 = arith.andi %and3A_968, %gt3A_972 : vector<16xi1>
      %abs3A_974 = math.absf %get3A_952 : vector<16xf32>
      %gt3A_975 = arith.constant 9.99999974E-6 : f32
      %gt3A_976 = vector.broadcast %gt3A_975 : f32 to vector<16xf32>
      %gt3A_977 = arith.cmpf ogt, %abs3A_974, %gt3A_976 : vector<16xf32>
      %and3A_978 = arith.andi %and3A_973, %gt3A_977 : vector<16xi1>
      %select_n3A_979 = arith.select %and3A_978, %add3A_959, %broadcast_in_dim3A_63 : vector<16xi1>, vector<16xf32>
      %max3A_980 = arith.maximumf %max3A_936, %select_n3A_979 : vector<16xf32>
      %get3A_981 = arith.constant 0 : i32
      %get3A_982 = arith.index_cast %get3A_981 : i32 to index
      %get3A_983 = arith.constant 336 : index
      %get3A_984 = tpu.vector_load %arg5[%get3A_982, %get3A_983] {strides = array<i32>} : memref<4x512xf32, #tpu.memory_space<vmem>>, vector<16xf32>,
      %get3A_985 = arith.constant 1 : i32
      %get3A_986 = arith.index_cast %get3A_985 : i32 to index
      %get3A_987 = arith.constant 336 : index
      %get3A_988 = tpu.vector_load %arg5[%get3A_986, %get3A_987] {strides = array<i32>} : memref<4x512xf32, #tpu.memory_space<vmem>>, vector<16xf32>,
      %get3A_989 = arith.constant 2 : i32
      %get3A_990 = arith.index_cast %get3A_989 : i32 to index
      %get3A_991 = arith.constant 336 : index
      %get3A_992 = tpu.vector_load %arg5[%get3A_990, %get3A_991] {strides = array<i32>} : memref<4x512xf32, #tpu.memory_space<vmem>>, vector<16xf32>,
      %get3A_993 = arith.constant 3 : i32
      %get3A_994 = arith.index_cast %get3A_993 : i32 to index
      %get3A_995 = arith.constant 336 : index
      %get3A_996 = tpu.vector_load %arg5[%get3A_994, %get3A_995] {strides = array<i32>} : memref<4x512xf32, #tpu.memory_space<vmem>>, vector<16xf32>,
      %mul3A_997 = arith.mulf %get3A_984, %get3A_18 : vector<16xf32>
      %mul3A_998 = arith.mulf %get3A_988, %get3A_22 : vector<16xf32>
      %add3A_999 = arith.addf %mul3A_997, %mul3A_998 : vector<16xf32>
      %mul3A_1000 = arith.mulf %get3A_992, %get3A_26 : vector<16xf32>
      %add3A_1001 = arith.addf %add3A_999, %mul3A_1000 : vector<16xf32>
      %mul3A_1002 = arith.mulf %get3A_996, %get3A_30 : vector<16xf32>
      %add3A_1003 = arith.addf %add3A_1001, %mul3A_1002 : vector<16xf32>
      %abs3A_1004 = math.absf %get3A_984 : vector<16xf32>
      %gt3A_1005 = arith.constant 9.99999974E-6 : f32
      %gt3A_1006 = vector.broadcast %gt3A_1005 : f32 to vector<16xf32>
      %gt3A_1007 = arith.cmpf ogt, %abs3A_1004, %gt3A_1006 : vector<16xf32>
      %abs3A_1008 = math.absf %get3A_988 : vector<16xf32>
      %gt3A_1009 = arith.constant 9.99999974E-6 : f32
      %gt3A_1010 = vector.broadcast %gt3A_1009 : f32 to vector<16xf32>
      %gt3A_1011 = arith.cmpf ogt, %abs3A_1008, %gt3A_1010 : vector<16xf32>
      %and3A_1012 = arith.andi %gt3A_1007, %gt3A_1011 : vector<16xi1>
      %abs3A_1013 = math.absf %get3A_992 : vector<16xf32>
      %gt3A_1014 = arith.constant 9.99999974E-6 : f32
      %gt3A_1015 = vector.broadcast %gt3A_1014 : f32 to vector<16xf32>
      %gt3A_1016 = arith.cmpf ogt, %abs3A_1013, %gt3A_1015 : vector<16xf32>
      %and3A_1017 = arith.andi %and3A_1012, %gt3A_1016 : vector<16xi1>
      %abs3A_1018 = math.absf %get3A_996 : vector<16xf32>
      %gt3A_1019 = arith.constant 9.99999974E-6 : f32
      %gt3A_1020 = vector.broadcast %gt3A_1019 : f32 to vector<16xf32>
      %gt3A_1021 = arith.cmpf ogt, %abs3A_1018, %gt3A_1020 : vector<16xf32>
      %and3A_1022 = arith.andi %and3A_1017, %gt3A_1021 : vector<16xi1>
      %select_n3A_1023 = arith.select %and3A_1022, %add3A_1003, %broadcast_in_dim3A_63 : vector<16xi1>, vector<16xf32>
      %max3A_1024 = arith.maximumf %max3A_980, %select_n3A_1023 : vector<16xf32>
      %get3A_1025 = arith.constant 0 : i32
      %get3A_1026 = arith.index_cast %get3A_1025 : i32 to index
      %get3A_1027 = arith.constant 352 : index
      %get3A_1028 = tpu.vector_load %arg5[%get3A_1026, %get3A_1027] {strides = array<i32>} : memref<4x512xf32, #tpu.memory_space<vmem>>, vector<16xf32>,
      %get3A_1029 = arith.constant 1 : i32
      %get3A_1030 = arith.index_cast %get3A_1029 : i32 to index
      %get3A_1031 = arith.constant 352 : index
      %get3A_1032 = tpu.vector_load %arg5[%get3A_1030, %get3A_1031] {strides = array<i32>} : memref<4x512xf32, #tpu.memory_space<vmem>>, vector<16xf32>,
      %get3A_1033 = arith.constant 2 : i32
      %get3A_1034 = arith.index_cast %get3A_1033 : i32 to index
      %get3A_1035 = arith.constant 352 : index
      %get3A_1036 = tpu.vector_load %arg5[%get3A_1034, %get3A_1035] {strides = array<i32>} : memref<4x512xf32, #tpu.memory_space<vmem>>, vector<16xf32>,
      %get3A_1037 = arith.constant 3 : i32
      %get3A_1038 = arith.index_cast %get3A_1037 : i32 to index
      %get3A_1039 = arith.constant 352 : index
      %get3A_1040 = tpu.vector_load %arg5[%get3A_1038, %get3A_1039] {strides = array<i32>} : memref<4x512xf32, #tpu.memory_space<vmem>>, vector<16xf32>,
      %mul3A_1041 = arith.mulf %get3A_1028, %get3A_18 : vector<16xf32>
      %mul3A_1042 = arith.mulf %get3A_1032, %get3A_22 : vector<16xf32>
      %add3A_1043 = arith.addf %mul3A_1041, %mul3A_1042 : vector<16xf32>
      %mul3A_1044 = arith.mulf %get3A_1036, %get3A_26 : vector<16xf32>
      %add3A_1045 = arith.addf %add3A_1043, %mul3A_1044 : vector<16xf32>
      %mul3A_1046 = arith.mulf %get3A_1040, %get3A_30 : vector<16xf32>
      %add3A_1047 = arith.addf %add3A_1045, %mul3A_1046 : vector<16xf32>
      %abs3A_1048 = math.absf %get3A_1028 : vector<16xf32>
      %gt3A_1049 = arith.constant 9.99999974E-6 : f32
      %gt3A_1050 = vector.broadcast %gt3A_1049 : f32 to vector<16xf32>
      %gt3A_1051 = arith.cmpf ogt, %abs3A_1048, %gt3A_1050 : vector<16xf32>
      %abs3A_1052 = math.absf %get3A_1032 : vector<16xf32>
      %gt3A_1053 = arith.constant 9.99999974E-6 : f32
      %gt3A_1054 = vector.broadcast %gt3A_1053 : f32 to vector<16xf32>
      %gt3A_1055 = arith.cmpf ogt, %abs3A_1052, %gt3A_1054 : vector<16xf32>
      %and3A_1056 = arith.andi %gt3A_1051, %gt3A_1055 : vector<16xi1>
      %abs3A_1057 = math.absf %get3A_1036 : vector<16xf32>
      %gt3A_1058 = arith.constant 9.99999974E-6 : f32
      %gt3A_1059 = vector.broadcast %gt3A_1058 : f32 to vector<16xf32>
      %gt3A_1060 = arith.cmpf ogt, %abs3A_1057, %gt3A_1059 : vector<16xf32>
      %and3A_1061 = arith.andi %and3A_1056, %gt3A_1060 : vector<16xi1>
      %abs3A_1062 = math.absf %get3A_1040 : vector<16xf32>
      %gt3A_1063 = arith.constant 9.99999974E-6 : f32
      %gt3A_1064 = vector.broadcast %gt3A_1063 : f32 to vector<16xf32>
      %gt3A_1065 = arith.cmpf ogt, %abs3A_1062, %gt3A_1064 : vector<16xf32>
      %and3A_1066 = arith.andi %and3A_1061, %gt3A_1065 : vector<16xi1>
      %select_n3A_1067 = arith.select %and3A_1066, %add3A_1047, %broadcast_in_dim3A_63 : vector<16xi1>, vector<16xf32>
      %max3A_1068 = arith.maximumf %max3A_1024, %select_n3A_1067 : vector<16xf32>
      %get3A_1069 = arith.constant 0 : i32
      %get3A_1070 = arith.index_cast %get3A_1069 : i32 to index
      %get3A_1071 = arith.constant 368 : index
      %get3A_1072 = tpu.vector_load %arg5[%get3A_1070, %get3A_1071] {strides = array<i32>} : memref<4x512xf32, #tpu.memory_space<vmem>>, vector<16xf32>,
      %get3A_1073 = arith.constant 1 : i32
      %get3A_1074 = arith.index_cast %get3A_1073 : i32 to index
      %get3A_1075 = arith.constant 368 : index
      %get3A_1076 = tpu.vector_load %arg5[%get3A_1074, %get3A_1075] {strides = array<i32>} : memref<4x512xf32, #tpu.memory_space<vmem>>, vector<16xf32>,
      %get3A_1077 = arith.constant 2 : i32
      %get3A_1078 = arith.index_cast %get3A_1077 : i32 to index
      %get3A_1079 = arith.constant 368 : index
      %get3A_1080 = tpu.vector_load %arg5[%get3A_1078, %get3A_1079] {strides = array<i32>} : memref<4x512xf32, #tpu.memory_space<vmem>>, vector<16xf32>,
      %get3A_1081 = arith.constant 3 : i32
      %get3A_1082 = arith.index_cast %get3A_1081 : i32 to index
      %get3A_1083 = arith.constant 368 : index
      %get3A_1084 = tpu.vector_load %arg5[%get3A_1082, %get3A_1083] {strides = array<i32>} : memref<4x512xf32, #tpu.memory_space<vmem>>, vector<16xf32>,
      %mul3A_1085 = arith.mulf %get3A_1072, %get3A_18 : vector<16xf32>
      %mul3A_1086 = arith.mulf %get3A_1076, %get3A_22 : vector<16xf32>
      %add3A_1087 = arith.addf %mul3A_1085, %mul3A_1086 : vector<16xf32>
      %mul3A_1088 = arith.mulf %get3A_1080, %get3A_26 : vector<16xf32>
      %add3A_1089 = arith.addf %add3A_1087, %mul3A_1088 : vector<16xf32>
      %mul3A_1090 = arith.mulf %get3A_1084, %get3A_30 : vector<16xf32>
      %add3A_1091 = arith.addf %add3A_1089, %mul3A_1090 : vector<16xf32>
      %abs3A_1092 = math.absf %get3A_1072 : vector<16xf32>
      %gt3A_1093 = arith.constant 9.99999974E-6 : f32
      %gt3A_1094 = vector.broadcast %gt3A_1093 : f32 to vector<16xf32>
      %gt3A_1095 = arith.cmpf ogt, %abs3A_1092, %gt3A_1094 : vector<16xf32>
      %abs3A_1096 = math.absf %get3A_1076 : vector<16xf32>
      %gt3A_1097 = arith.constant 9.99999974E-6 : f32
      %gt3A_1098 = vector.broadcast %gt3A_1097 : f32 to vector<16xf32>
      %gt3A_1099 = arith.cmpf ogt, %abs3A_1096, %gt3A_1098 : vector<16xf32>
      %and3A_1100 = arith.andi %gt3A_1095, %gt3A_1099 : vector<16xi1>
      %abs3A_1101 = math.absf %get3A_1080 : vector<16xf32>
      %gt3A_1102 = arith.constant 9.99999974E-6 : f32
      %gt3A_1103 = vector.broadcast %gt3A_1102 : f32 to vector<16xf32>
      %gt3A_1104 = arith.cmpf ogt, %abs3A_1101, %gt3A_1103 : vector<16xf32>
      %and3A_1105 = arith.andi %and3A_1100, %gt3A_1104 : vector<16xi1>
      %abs3A_1106 = math.absf %get3A_1084 : vector<16xf32>
      %gt3A_1107 = arith.constant 9.99999974E-6 : f32
      %gt3A_1108 = vector.broadcast %gt3A_1107 : f32 to vector<16xf32>
      %gt3A_1109 = arith.cmpf ogt, %abs3A_1106, %gt3A_1108 : vector<16xf32>
      %and3A_1110 = arith.andi %and3A_1105, %gt3A_1109 : vector<16xi1>
      %select_n3A_1111 = arith.select %and3A_1110, %add3A_1091, %broadcast_in_dim3A_63 : vector<16xi1>, vector<16xf32>
      %max3A_1112 = arith.maximumf %max3A_1068, %select_n3A_1111 : vector<16xf32>
      %get3A_1113 = arith.constant 0 : i32
      %get3A_1114 = arith.index_cast %get3A_1113 : i32 to index
      %get3A_1115 = arith.constant 384 : index
      %get3A_1116 = tpu.vector_load %arg5[%get3A_1114, %get3A_1115] {strides = array<i32>} : memref<4x512xf32, #tpu.memory_space<vmem>>, vector<16xf32>,
      %get3A_1117 = arith.constant 1 : i32
      %get3A_1118 = arith.index_cast %get3A_1117 : i32 to index
      %get3A_1119 = arith.constant 384 : index
      %get3A_1120 = tpu.vector_load %arg5[%get3A_1118, %get3A_1119] {strides = array<i32>} : memref<4x512xf32, #tpu.memory_space<vmem>>, vector<16xf32>,
      %get3A_1121 = arith.constant 2 : i32
      %get3A_1122 = arith.index_cast %get3A_1121 : i32 to index
      %get3A_1123 = arith.constant 384 : index
      %get3A_1124 = tpu.vector_load %arg5[%get3A_1122, %get3A_1123] {strides = array<i32>} : memref<4x512xf32, #tpu.memory_space<vmem>>, vector<16xf32>,
      %get3A_1125 = arith.constant 3 : i32
      %get3A_1126 = arith.index_cast %get3A_1125 : i32 to index
      %get3A_1127 = arith.constant 384 : index
      %get3A_1128 = tpu.vector_load %arg5[%get3A_1126, %get3A_1127] {strides = array<i32>} : memref<4x512xf32, #tpu.memory_space<vmem>>, vector<16xf32>,
      %mul3A_1129 = arith.mulf %get3A_1116, %get3A_18 : vector<16xf32>
      %mul3A_1130 = arith.mulf %get3A_1120, %get3A_22 : vector<16xf32>
      %add3A_1131 = arith.addf %mul3A_1129, %mul3A_1130 : vector<16xf32>
      %mul3A_1132 = arith.mulf %get3A_1124, %get3A_26 : vector<16xf32>
      %add3A_1133 = arith.addf %add3A_1131, %mul3A_1132 : vector<16xf32>
      %mul3A_1134 = arith.mulf %get3A_1128, %get3A_30 : vector<16xf32>
      %add3A_1135 = arith.addf %add3A_1133, %mul3A_1134 : vector<16xf32>
      %abs3A_1136 = math.absf %get3A_1116 : vector<16xf32>
      %gt3A_1137 = arith.constant 9.99999974E-6 : f32
      %gt3A_1138 = vector.broadcast %gt3A_1137 : f32 to vector<16xf32>
      %gt3A_1139 = arith.cmpf ogt, %abs3A_1136, %gt3A_1138 : vector<16xf32>
      %abs3A_1140 = math.absf %get3A_1120 : vector<16xf32>
      %gt3A_1141 = arith.constant 9.99999974E-6 : f32
      %gt3A_1142 = vector.broadcast %gt3A_1141 : f32 to vector<16xf32>
      %gt3A_1143 = arith.cmpf ogt, %abs3A_1140, %gt3A_1142 : vector<16xf32>
      %and3A_1144 = arith.andi %gt3A_1139, %gt3A_1143 : vector<16xi1>
      %abs3A_1145 = math.absf %get3A_1124 : vector<16xf32>
      %gt3A_1146 = arith.constant 9.99999974E-6 : f32
      %gt3A_1147 = vector.broadcast %gt3A_1146 : f32 to vector<16xf32>
      %gt3A_1148 = arith.cmpf ogt, %abs3A_1145, %gt3A_1147 : vector<16xf32>
      %and3A_1149 = arith.andi %and3A_1144, %gt3A_1148 : vector<16xi1>
      %abs3A_1150 = math.absf %get3A_1128 : vector<16xf32>
      %gt3A_1151 = arith.constant 9.99999974E-6 : f32
      %gt3A_1152 = vector.broadcast %gt3A_1151 : f32 to vector<16xf32>
      %gt3A_1153 = arith.cmpf ogt, %abs3A_1150, %gt3A_1152 : vector<16xf32>
      %and3A_1154 = arith.andi %and3A_1149, %gt3A_1153 : vector<16xi1>
      %select_n3A_1155 = arith.select %and3A_1154, %add3A_1135, %broadcast_in_dim3A_63 : vector<16xi1>, vector<16xf32>
      %max3A_1156 = arith.maximumf %max3A_1112, %select_n3A_1155 : vector<16xf32>
      %get3A_1157 = arith.constant 0 : i32
      %get3A_1158 = arith.index_cast %get3A_1157 : i32 to index
      %get3A_1159 = arith.constant 400 : index
      %get3A_1160 = tpu.vector_load %arg5[%get3A_1158, %get3A_1159] {strides = array<i32>} : memref<4x512xf32, #tpu.memory_space<vmem>>, vector<16xf32>,
      %get3A_1161 = arith.constant 1 : i32
      %get3A_1162 = arith.index_cast %get3A_1161 : i32 to index
      %get3A_1163 = arith.constant 400 : index
      %get3A_1164 = tpu.vector_load %arg5[%get3A_1162, %get3A_1163] {strides = array<i32>} : memref<4x512xf32, #tpu.memory_space<vmem>>, vector<16xf32>,
      %get3A_1165 = arith.constant 2 : i32
      %get3A_1166 = arith.index_cast %get3A_1165 : i32 to index
      %get3A_1167 = arith.constant 400 : index
      %get3A_1168 = tpu.vector_load %arg5[%get3A_1166, %get3A_1167] {strides = array<i32>} : memref<4x512xf32, #tpu.memory_space<vmem>>, vector<16xf32>,
      %get3A_1169 = arith.constant 3 : i32
      %get3A_1170 = arith.index_cast %get3A_1169 : i32 to index
      %get3A_1171 = arith.constant 400 : index
      %get3A_1172 = tpu.vector_load %arg5[%get3A_1170, %get3A_1171] {strides = array<i32>} : memref<4x512xf32, #tpu.memory_space<vmem>>, vector<16xf32>,
      %mul3A_1173 = arith.mulf %get3A_1160, %get3A_18 : vector<16xf32>
      %mul3A_1174 = arith.mulf %get3A_1164, %get3A_22 : vector<16xf32>
      %add3A_1175 = arith.addf %mul3A_1173, %mul3A_1174 : vector<16xf32>
      %mul3A_1176 = arith.mulf %get3A_1168, %get3A_26 : vector<16xf32>
      %add3A_1177 = arith.addf %add3A_1175, %mul3A_1176 : vector<16xf32>
      %mul3A_1178 = arith.mulf %get3A_1172, %get3A_30 : vector<16xf32>
      %add3A_1179 = arith.addf %add3A_1177, %mul3A_1178 : vector<16xf32>
      %abs3A_1180 = math.absf %get3A_1160 : vector<16xf32>
      %gt3A_1181 = arith.constant 9.99999974E-6 : f32
      %gt3A_1182 = vector.broadcast %gt3A_1181 : f32 to vector<16xf32>
      %gt3A_1183 = arith.cmpf ogt, %abs3A_1180, %gt3A_1182 : vector<16xf32>
      %abs3A_1184 = math.absf %get3A_1164 : vector<16xf32>
      %gt3A_1185 = arith.constant 9.99999974E-6 : f32
      %gt3A_1186 = vector.broadcast %gt3A_1185 : f32 to vector<16xf32>
      %gt3A_1187 = arith.cmpf ogt, %abs3A_1184, %gt3A_1186 : vector<16xf32>
      %and3A_1188 = arith.andi %gt3A_1183, %gt3A_1187 : vector<16xi1>
      %abs3A_1189 = math.absf %get3A_1168 : vector<16xf32>
      %gt3A_1190 = arith.constant 9.99999974E-6 : f32
      %gt3A_1191 = vector.broadcast %gt3A_1190 : f32 to vector<16xf32>
      %gt3A_1192 = arith.cmpf ogt, %abs3A_1189, %gt3A_1191 : vector<16xf32>
      %and3A_1193 = arith.andi %and3A_1188, %gt3A_1192 : vector<16xi1>
      %abs3A_1194 = math.absf %get3A_1172 : vector<16xf32>
      %gt3A_1195 = arith.constant 9.99999974E-6 : f32
      %gt3A_1196 = vector.broadcast %gt3A_1195 : f32 to vector<16xf32>
      %gt3A_1197 = arith.cmpf ogt, %abs3A_1194, %gt3A_1196 : vector<16xf32>
      %and3A_1198 = arith.andi %and3A_1193, %gt3A_1197 : vector<16xi1>
      %select_n3A_1199 = arith.select %and3A_1198, %add3A_1179, %broadcast_in_dim3A_63 : vector<16xi1>, vector<16xf32>
      %max3A_1200 = arith.maximumf %max3A_1156, %select_n3A_1199 : vector<16xf32>
      %get3A_1201 = arith.constant 0 : i32
      %get3A_1202 = arith.index_cast %get3A_1201 : i32 to index
      %get3A_1203 = arith.constant 416 : index
      %get3A_1204 = tpu.vector_load %arg5[%get3A_1202, %get3A_1203] {strides = array<i32>} : memref<4x512xf32, #tpu.memory_space<vmem>>, vector<16xf32>,
      %get3A_1205 = arith.constant 1 : i32
      %get3A_1206 = arith.index_cast %get3A_1205 : i32 to index
      %get3A_1207 = arith.constant 416 : index
      %get3A_1208 = tpu.vector_load %arg5[%get3A_1206, %get3A_1207] {strides = array<i32>} : memref<4x512xf32, #tpu.memory_space<vmem>>, vector<16xf32>,
      %get3A_1209 = arith.constant 2 : i32
      %get3A_1210 = arith.index_cast %get3A_1209 : i32 to index
      %get3A_1211 = arith.constant 416 : index
      %get3A_1212 = tpu.vector_load %arg5[%get3A_1210, %get3A_1211] {strides = array<i32>} : memref<4x512xf32, #tpu.memory_space<vmem>>, vector<16xf32>,
      %get3A_1213 = arith.constant 3 : i32
      %get3A_1214 = arith.index_cast %get3A_1213 : i32 to index
      %get3A_1215 = arith.constant 416 : index
      %get3A_1216 = tpu.vector_load %arg5[%get3A_1214, %get3A_1215] {strides = array<i32>} : memref<4x512xf32, #tpu.memory_space<vmem>>, vector<16xf32>,
      %mul3A_1217 = arith.mulf %get3A_1204, %get3A_18 : vector<16xf32>
      %mul3A_1218 = arith.mulf %get3A_1208, %get3A_22 : vector<16xf32>
      %add3A_1219 = arith.addf %mul3A_1217, %mul3A_1218 : vector<16xf32>
      %mul3A_1220 = arith.mulf %get3A_1212, %get3A_26 : vector<16xf32>
      %add3A_1221 = arith.addf %add3A_1219, %mul3A_1220 : vector<16xf32>
      %mul3A_1222 = arith.mulf %get3A_1216, %get3A_30 : vector<16xf32>
      %add3A_1223 = arith.addf %add3A_1221, %mul3A_1222 : vector<16xf32>
      %abs3A_1224 = math.absf %get3A_1204 : vector<16xf32>
      %gt3A_1225 = arith.constant 9.99999974E-6 : f32
      %gt3A_1226 = vector.broadcast %gt3A_1225 : f32 to vector<16xf32>
      %gt3A_1227 = arith.cmpf ogt, %abs3A_1224, %gt3A_1226 : vector<16xf32>
      %abs3A_1228 = math.absf %get3A_1208 : vector<16xf32>
      %gt3A_1229 = arith.constant 9.99999974E-6 : f32
      %gt3A_1230 = vector.broadcast %gt3A_1229 : f32 to vector<16xf32>
      %gt3A_1231 = arith.cmpf ogt, %abs3A_1228, %gt3A_1230 : vector<16xf32>
      %and3A_1232 = arith.andi %gt3A_1227, %gt3A_1231 : vector<16xi1>
      %abs3A_1233 = math.absf %get3A_1212 : vector<16xf32>
      %gt3A_1234 = arith.constant 9.99999974E-6 : f32
      %gt3A_1235 = vector.broadcast %gt3A_1234 : f32 to vector<16xf32>
      %gt3A_1236 = arith.cmpf ogt, %abs3A_1233, %gt3A_1235 : vector<16xf32>
      %and3A_1237 = arith.andi %and3A_1232, %gt3A_1236 : vector<16xi1>
      %abs3A_1238 = math.absf %get3A_1216 : vector<16xf32>
      %gt3A_1239 = arith.constant 9.99999974E-6 : f32
      %gt3A_1240 = vector.broadcast %gt3A_1239 : f32 to vector<16xf32>
      %gt3A_1241 = arith.cmpf ogt, %abs3A_1238, %gt3A_1240 : vector<16xf32>
      %and3A_1242 = arith.andi %and3A_1237, %gt3A_1241 : vector<16xi1>
      %select_n3A_1243 = arith.select %and3A_1242, %add3A_1223, %broadcast_in_dim3A_63 : vector<16xi1>, vector<16xf32>
      %max3A_1244 = arith.maximumf %max3A_1200, %select_n3A_1243 : vector<16xf32>
      %get3A_1245 = arith.constant 0 : i32
      %get3A_1246 = arith.index_cast %get3A_1245 : i32 to index
      %get3A_1247 = arith.constant 432 : index
      %get3A_1248 = tpu.vector_load %arg5[%get3A_1246, %get3A_1247] {strides = array<i32>} : memref<4x512xf32, #tpu.memory_space<vmem>>, vector<16xf32>,
      %get3A_1249 = arith.constant 1 : i32
      %get3A_1250 = arith.index_cast %get3A_1249 : i32 to index
      %get3A_1251 = arith.constant 432 : index
      %get3A_1252 = tpu.vector_load %arg5[%get3A_1250, %get3A_1251] {strides = array<i32>} : memref<4x512xf32, #tpu.memory_space<vmem>>, vector<16xf32>,
      %get3A_1253 = arith.constant 2 : i32
      %get3A_1254 = arith.index_cast %get3A_1253 : i32 to index
      %get3A_1255 = arith.constant 432 : index
      %get3A_1256 = tpu.vector_load %arg5[%get3A_1254, %get3A_1255] {strides = array<i32>} : memref<4x512xf32, #tpu.memory_space<vmem>>, vector<16xf32>,
      %get3A_1257 = arith.constant 3 : i32
      %get3A_1258 = arith.index_cast %get3A_1257 : i32 to index
      %get3A_1259 = arith.constant 432 : index
      %get3A_1260 = tpu.vector_load %arg5[%get3A_1258, %get3A_1259] {strides = array<i32>} : memref<4x512xf32, #tpu.memory_space<vmem>>, vector<16xf32>,
      %mul3A_1261 = arith.mulf %get3A_1248, %get3A_18 : vector<16xf32>
      %mul3A_1262 = arith.mulf %get3A_1252, %get3A_22 : vector<16xf32>
      %add3A_1263 = arith.addf %mul3A_1261, %mul3A_1262 : vector<16xf32>
      %mul3A_1264 = arith.mulf %get3A_1256, %get3A_26 : vector<16xf32>
      %add3A_1265 = arith.addf %add3A_1263, %mul3A_1264 : vector<16xf32>
      %mul3A_1266 = arith.mulf %get3A_1260, %get3A_30 : vector<16xf32>
      %add3A_1267 = arith.addf %add3A_1265, %mul3A_1266 : vector<16xf32>
      %abs3A_1268 = math.absf %get3A_1248 : vector<16xf32>
      %gt3A_1269 = arith.constant 9.99999974E-6 : f32
      %gt3A_1270 = vector.broadcast %gt3A_1269 : f32 to vector<16xf32>
      %gt3A_1271 = arith.cmpf ogt, %abs3A_1268, %gt3A_1270 : vector<16xf32>
      %abs3A_1272 = math.absf %get3A_1252 : vector<16xf32>
      %gt3A_1273 = arith.constant 9.99999974E-6 : f32
      %gt3A_1274 = vector.broadcast %gt3A_1273 : f32 to vector<16xf32>
      %gt3A_1275 = arith.cmpf ogt, %abs3A_1272, %gt3A_1274 : vector<16xf32>
      %and3A_1276 = arith.andi %gt3A_1271, %gt3A_1275 : vector<16xi1>
      %abs3A_1277 = math.absf %get3A_1256 : vector<16xf32>
      %gt3A_1278 = arith.constant 9.99999974E-6 : f32
      %gt3A_1279 = vector.broadcast %gt3A_1278 : f32 to vector<16xf32>
      %gt3A_1280 = arith.cmpf ogt, %abs3A_1277, %gt3A_1279 : vector<16xf32>
      %and3A_1281 = arith.andi %and3A_1276, %gt3A_1280 : vector<16xi1>
      %abs3A_1282 = math.absf %get3A_1260 : vector<16xf32>
      %gt3A_1283 = arith.constant 9.99999974E-6 : f32
      %gt3A_1284 = vector.broadcast %gt3A_1283 : f32 to vector<16xf32>
      %gt3A_1285 = arith.cmpf ogt, %abs3A_1282, %gt3A_1284 : vector<16xf32>
      %and3A_1286 = arith.andi %and3A_1281, %gt3A_1285 : vector<16xi1>
      %select_n3A_1287 = arith.select %and3A_1286, %add3A_1267, %broadcast_in_dim3A_63 : vector<16xi1>, vector<16xf32>
      %max3A_1288 = arith.maximumf %max3A_1244, %select_n3A_1287 : vector<16xf32>
      %get3A_1289 = arith.constant 0 : i32
      %get3A_1290 = arith.index_cast %get3A_1289 : i32 to index
      %get3A_1291 = arith.constant 448 : index
      %get3A_1292 = tpu.vector_load %arg5[%get3A_1290, %get3A_1291] {strides = array<i32>} : memref<4x512xf32, #tpu.memory_space<vmem>>, vector<16xf32>,
      %get3A_1293 = arith.constant 1 : i32
      %get3A_1294 = arith.index_cast %get3A_1293 : i32 to index
      %get3A_1295 = arith.constant 448 : index
      %get3A_1296 = tpu.vector_load %arg5[%get3A_1294, %get3A_1295] {strides = array<i32>} : memref<4x512xf32, #tpu.memory_space<vmem>>, vector<16xf32>,
      %get3A_1297 = arith.constant 2 : i32
      %get3A_1298 = arith.index_cast %get3A_1297 : i32 to index
      %get3A_1299 = arith.constant 448 : index
      %get3A_1300 = tpu.vector_load %arg5[%get3A_1298, %get3A_1299] {strides = array<i32>} : memref<4x512xf32, #tpu.memory_space<vmem>>, vector<16xf32>,
      %get3A_1301 = arith.constant 3 : i32
      %get3A_1302 = arith.index_cast %get3A_1301 : i32 to index
      %get3A_1303 = arith.constant 448 : index
      %get3A_1304 = tpu.vector_load %arg5[%get3A_1302, %get3A_1303] {strides = array<i32>} : memref<4x512xf32, #tpu.memory_space<vmem>>, vector<16xf32>,
      %mul3A_1305 = arith.mulf %get3A_1292, %get3A_18 : vector<16xf32>
      %mul3A_1306 = arith.mulf %get3A_1296, %get3A_22 : vector<16xf32>
      %add3A_1307 = arith.addf %mul3A_1305, %mul3A_1306 : vector<16xf32>
      %mul3A_1308 = arith.mulf %get3A_1300, %get3A_26 : vector<16xf32>
      %add3A_1309 = arith.addf %add3A_1307, %mul3A_1308 : vector<16xf32>
      %mul3A_1310 = arith.mulf %get3A_1304, %get3A_30 : vector<16xf32>
      %add3A_1311 = arith.addf %add3A_1309, %mul3A_1310 : vector<16xf32>
      %abs3A_1312 = math.absf %get3A_1292 : vector<16xf32>
      %gt3A_1313 = arith.constant 9.99999974E-6 : f32
      %gt3A_1314 = vector.broadcast %gt3A_1313 : f32 to vector<16xf32>
      %gt3A_1315 = arith.cmpf ogt, %abs3A_1312, %gt3A_1314 : vector<16xf32>
      %abs3A_1316 = math.absf %get3A_1296 : vector<16xf32>
      %gt3A_1317 = arith.constant 9.99999974E-6 : f32
      %gt3A_1318 = vector.broadcast %gt3A_1317 : f32 to vector<16xf32>
      %gt3A_1319 = arith.cmpf ogt, %abs3A_1316, %gt3A_1318 : vector<16xf32>
      %and3A_1320 = arith.andi %gt3A_1315, %gt3A_1319 : vector<16xi1>
      %abs3A_1321 = math.absf %get3A_1300 : vector<16xf32>
      %gt3A_1322 = arith.constant 9.99999974E-6 : f32
      %gt3A_1323 = vector.broadcast %gt3A_1322 : f32 to vector<16xf32>
      %gt3A_1324 = arith.cmpf ogt, %abs3A_1321, %gt3A_1323 : vector<16xf32>
      %and3A_1325 = arith.andi %and3A_1320, %gt3A_1324 : vector<16xi1>
      %abs3A_1326 = math.absf %get3A_1304 : vector<16xf32>
      %gt3A_1327 = arith.constant 9.99999974E-6 : f32
      %gt3A_1328 = vector.broadcast %gt3A_1327 : f32 to vector<16xf32>
      %gt3A_1329 = arith.cmpf ogt, %abs3A_1326, %gt3A_1328 : vector<16xf32>
      %and3A_1330 = arith.andi %and3A_1325, %gt3A_1329 : vector<16xi1>
      %select_n3A_1331 = arith.select %and3A_1330, %add3A_1311, %broadcast_in_dim3A_63 : vector<16xi1>, vector<16xf32>
      %max3A_1332 = arith.maximumf %max3A_1288, %select_n3A_1331 : vector<16xf32>
      %get3A_1333 = arith.constant 0 : i32
      %get3A_1334 = arith.index_cast %get3A_1333 : i32 to index
      %get3A_1335 = arith.constant 464 : index
      %get3A_1336 = tpu.vector_load %arg5[%get3A_1334, %get3A_1335] {strides = array<i32>} : memref<4x512xf32, #tpu.memory_space<vmem>>, vector<16xf32>,
      %get3A_1337 = arith.constant 1 : i32
      %get3A_1338 = arith.index_cast %get3A_1337 : i32 to index
      %get3A_1339 = arith.constant 464 : index
      %get3A_1340 = tpu.vector_load %arg5[%get3A_1338, %get3A_1339] {strides = array<i32>} : memref<4x512xf32, #tpu.memory_space<vmem>>, vector<16xf32>,
      %get3A_1341 = arith.constant 2 : i32
      %get3A_1342 = arith.index_cast %get3A_1341 : i32 to index
      %get3A_1343 = arith.constant 464 : index
      %get3A_1344 = tpu.vector_load %arg5[%get3A_1342, %get3A_1343] {strides = array<i32>} : memref<4x512xf32, #tpu.memory_space<vmem>>, vector<16xf32>,
      %get3A_1345 = arith.constant 3 : i32
      %get3A_1346 = arith.index_cast %get3A_1345 : i32 to index
      %get3A_1347 = arith.constant 464 : index
      %get3A_1348 = tpu.vector_load %arg5[%get3A_1346, %get3A_1347] {strides = array<i32>} : memref<4x512xf32, #tpu.memory_space<vmem>>, vector<16xf32>,
      %mul3A_1349 = arith.mulf %get3A_1336, %get3A_18 : vector<16xf32>
      %mul3A_1350 = arith.mulf %get3A_1340, %get3A_22 : vector<16xf32>
      %add3A_1351 = arith.addf %mul3A_1349, %mul3A_1350 : vector<16xf32>
      %mul3A_1352 = arith.mulf %get3A_1344, %get3A_26 : vector<16xf32>
      %add3A_1353 = arith.addf %add3A_1351, %mul3A_1352 : vector<16xf32>
      %mul3A_1354 = arith.mulf %get3A_1348, %get3A_30 : vector<16xf32>
      %add3A_1355 = arith.addf %add3A_1353, %mul3A_1354 : vector<16xf32>
      %abs3A_1356 = math.absf %get3A_1336 : vector<16xf32>
      %gt3A_1357 = arith.constant 9.99999974E-6 : f32
      %gt3A_1358 = vector.broadcast %gt3A_1357 : f32 to vector<16xf32>
      %gt3A_1359 = arith.cmpf ogt, %abs3A_1356, %gt3A_1358 : vector<16xf32>
      %abs3A_1360 = math.absf %get3A_1340 : vector<16xf32>
      %gt3A_1361 = arith.constant 9.99999974E-6 : f32
      %gt3A_1362 = vector.broadcast %gt3A_1361 : f32 to vector<16xf32>
      %gt3A_1363 = arith.cmpf ogt, %abs3A_1360, %gt3A_1362 : vector<16xf32>
      %and3A_1364 = arith.andi %gt3A_1359, %gt3A_1363 : vector<16xi1>
      %abs3A_1365 = math.absf %get3A_1344 : vector<16xf32>
      %gt3A_1366 = arith.constant 9.99999974E-6 : f32
      %gt3A_1367 = vector.broadcast %gt3A_1366 : f32 to vector<16xf32>
      %gt3A_1368 = arith.cmpf ogt, %abs3A_1365, %gt3A_1367 : vector<16xf32>
      %and3A_1369 = arith.andi %and3A_1364, %gt3A_1368 : vector<16xi1>
      %abs3A_1370 = math.absf %get3A_1348 : vector<16xf32>
      %gt3A_1371 = arith.constant 9.99999974E-6 : f32
      %gt3A_1372 = vector.broadcast %gt3A_1371 : f32 to vector<16xf32>
      %gt3A_1373 = arith.cmpf ogt, %abs3A_1370, %gt3A_1372 : vector<16xf32>
      %and3A_1374 = arith.andi %and3A_1369, %gt3A_1373 : vector<16xi1>
      %select_n3A_1375 = arith.select %and3A_1374, %add3A_1355, %broadcast_in_dim3A_63 : vector<16xi1>, vector<16xf32>
      %max3A_1376 = arith.maximumf %max3A_1332, %select_n3A_1375 : vector<16xf32>
      %get3A_1377 = arith.constant 0 : i32
      %get3A_1378 = arith.index_cast %get3A_1377 : i32 to index
      %get3A_1379 = arith.constant 480 : index
      %get3A_1380 = tpu.vector_load %arg5[%get3A_1378, %get3A_1379] {strides = array<i32>} : memref<4x512xf32, #tpu.memory_space<vmem>>, vector<16xf32>,
      %get3A_1381 = arith.constant 1 : i32
      %get3A_1382 = arith.index_cast %get3A_1381 : i32 to index
      %get3A_1383 = arith.constant 480 : index
      %get3A_1384 = tpu.vector_load %arg5[%get3A_1382, %get3A_1383] {strides = array<i32>} : memref<4x512xf32, #tpu.memory_space<vmem>>, vector<16xf32>,
      %get3A_1385 = arith.constant 2 : i32
      %get3A_1386 = arith.index_cast %get3A_1385 : i32 to index
      %get3A_1387 = arith.constant 480 : index
      %get3A_1388 = tpu.vector_load %arg5[%get3A_1386, %get3A_1387] {strides = array<i32>} : memref<4x512xf32, #tpu.memory_space<vmem>>, vector<16xf32>,
      %get3A_1389 = arith.constant 3 : i32
      %get3A_1390 = arith.index_cast %get3A_1389 : i32 to index
      %get3A_1391 = arith.constant 480 : index
      %get3A_1392 = tpu.vector_load %arg5[%get3A_1390, %get3A_1391] {strides = array<i32>} : memref<4x512xf32, #tpu.memory_space<vmem>>, vector<16xf32>,
      %mul3A_1393 = arith.mulf %get3A_1380, %get3A_18 : vector<16xf32>
      %mul3A_1394 = arith.mulf %get3A_1384, %get3A_22 : vector<16xf32>
      %add3A_1395 = arith.addf %mul3A_1393, %mul3A_1394 : vector<16xf32>
      %mul3A_1396 = arith.mulf %get3A_1388, %get3A_26 : vector<16xf32>
      %add3A_1397 = arith.addf %add3A_1395, %mul3A_1396 : vector<16xf32>
      %mul3A_1398 = arith.mulf %get3A_1392, %get3A_30 : vector<16xf32>
      %add3A_1399 = arith.addf %add3A_1397, %mul3A_1398 : vector<16xf32>
      %abs3A_1400 = math.absf %get3A_1380 : vector<16xf32>
      %gt3A_1401 = arith.constant 9.99999974E-6 : f32
      %gt3A_1402 = vector.broadcast %gt3A_1401 : f32 to vector<16xf32>
      %gt3A_1403 = arith.cmpf ogt, %abs3A_1400, %gt3A_1402 : vector<16xf32>
      %abs3A_1404 = math.absf %get3A_1384 : vector<16xf32>
      %gt3A_1405 = arith.constant 9.99999974E-6 : f32
      %gt3A_1406 = vector.broadcast %gt3A_1405 : f32 to vector<16xf32>
      %gt3A_1407 = arith.cmpf ogt, %abs3A_1404, %gt3A_1406 : vector<16xf32>
      %and3A_1408 = arith.andi %gt3A_1403, %gt3A_1407 : vector<16xi1>
      %abs3A_1409 = math.absf %get3A_1388 : vector<16xf32>
      %gt3A_1410 = arith.constant 9.99999974E-6 : f32
      %gt3A_1411 = vector.broadcast %gt3A_1410 : f32 to vector<16xf32>
      %gt3A_1412 = arith.cmpf ogt, %abs3A_1409, %gt3A_1411 : vector<16xf32>
      %and3A_1413 = arith.andi %and3A_1408, %gt3A_1412 : vector<16xi1>
      %abs3A_1414 = math.absf %get3A_1392 : vector<16xf32>
      %gt3A_1415 = arith.constant 9.99999974E-6 : f32
      %gt3A_1416 = vector.broadcast %gt3A_1415 : f32 to vector<16xf32>
      %gt3A_1417 = arith.cmpf ogt, %abs3A_1414, %gt3A_1416 : vector<16xf32>
      %and3A_1418 = arith.andi %and3A_1413, %gt3A_1417 : vector<16xi1>
      %select_n3A_1419 = arith.select %and3A_1418, %add3A_1399, %broadcast_in_dim3A_63 : vector<16xi1>, vector<16xf32>
      %max3A_1420 = arith.maximumf %max3A_1376, %select_n3A_1419 : vector<16xf32>
      %get3A_1421 = arith.constant 0 : i32
      %get3A_1422 = arith.index_cast %get3A_1421 : i32 to index
      %get3A_1423 = arith.constant 496 : index
      %get3A_1424 = tpu.vector_load %arg5[%get3A_1422, %get3A_1423] {strides = array<i32>} : memref<4x512xf32, #tpu.memory_space<vmem>>, vector<16xf32>,
      %get3A_1425 = arith.constant 1 : i32
      %get3A_1426 = arith.index_cast %get3A_1425 : i32 to index
      %get3A_1427 = arith.constant 496 : index
      %get3A_1428 = tpu.vector_load %arg5[%get3A_1426, %get3A_1427] {strides = array<i32>} : memref<4x512xf32, #tpu.memory_space<vmem>>, vector<16xf32>,
      %get3A_1429 = arith.constant 2 : i32
      %get3A_1430 = arith.index_cast %get3A_1429 : i32 to index
      %get3A_1431 = arith.constant 496 : index
      %get3A_1432 = tpu.vector_load %arg5[%get3A_1430, %get3A_1431] {strides = array<i32>} : memref<4x512xf32, #tpu.memory_space<vmem>>, vector<16xf32>,
      %get3A_1433 = arith.constant 3 : i32
      %get3A_1434 = arith.index_cast %get3A_1433 : i32 to index
      %get3A_1435 = arith.constant 496 : index
      %get3A_1436 = tpu.vector_load %arg5[%get3A_1434, %get3A_1435] {strides = array<i32>} : memref<4x512xf32, #tpu.memory_space<vmem>>, vector<16xf32>,
      %mul3A_1437 = arith.mulf %get3A_1424, %get3A_18 : vector<16xf32>
      %mul3A_1438 = arith.mulf %get3A_1428, %get3A_22 : vector<16xf32>
      %add3A_1439 = arith.addf %mul3A_1437, %mul3A_1438 : vector<16xf32>
      %mul3A_1440 = arith.mulf %get3A_1432, %get3A_26 : vector<16xf32>
      %add3A_1441 = arith.addf %add3A_1439, %mul3A_1440 : vector<16xf32>
      %mul3A_1442 = arith.mulf %get3A_1436, %get3A_30 : vector<16xf32>
      %add3A_1443 = arith.addf %add3A_1441, %mul3A_1442 : vector<16xf32>
      %abs3A_1444 = math.absf %get3A_1424 : vector<16xf32>
      %gt3A_1445 = arith.constant 9.99999974E-6 : f32
      %gt3A_1446 = vector.broadcast %gt3A_1445 : f32 to vector<16xf32>
      %gt3A_1447 = arith.cmpf ogt, %abs3A_1444, %gt3A_1446 : vector<16xf32>
      %abs3A_1448 = math.absf %get3A_1428 : vector<16xf32>
      %gt3A_1449 = arith.constant 9.99999974E-6 : f32
      %gt3A_1450 = vector.broadcast %gt3A_1449 : f32 to vector<16xf32>
      %gt3A_1451 = arith.cmpf ogt, %abs3A_1448, %gt3A_1450 : vector<16xf32>
      %and3A_1452 = arith.andi %gt3A_1447, %gt3A_1451 : vector<16xi1>
      %abs3A_1453 = math.absf %get3A_1432 : vector<16xf32>
      %gt3A_1454 = arith.constant 9.99999974E-6 : f32
      %gt3A_1455 = vector.broadcast %gt3A_1454 : f32 to vector<16xf32>
      %gt3A_1456 = arith.cmpf ogt, %abs3A_1453, %gt3A_1455 : vector<16xf32>
      %and3A_1457 = arith.andi %and3A_1452, %gt3A_1456 : vector<16xi1>
      %abs3A_1458 = math.absf %get3A_1436 : vector<16xf32>
      %gt3A_1459 = arith.constant 9.99999974E-6 : f32
      %gt3A_1460 = vector.broadcast %gt3A_1459 : f32 to vector<16xf32>
      %gt3A_1461 = arith.cmpf ogt, %abs3A_1458, %gt3A_1460 : vector<16xf32>
      %and3A_1462 = arith.andi %and3A_1457, %gt3A_1461 : vector<16xi1>
      %select_n3A_1463 = arith.select %and3A_1462, %add3A_1443, %broadcast_in_dim3A_63 : vector<16xi1>, vector<16xf32>
      %max3A_1464 = arith.maximumf %max3A_1420, %select_n3A_1463 : vector<16xf32>
      %reduce_max3A = arith.constant true
      %reduce_max3A_1465 = vector.broadcast %reduce_max3A : i1 to vector<16xi1>
      %reduce_max3A_1466 = tpu.scan <max>, %max3A_1464 masked %reduce_max3A_1465 : vector<16xf32>, vector<16xi1> -> vector<16xf32>
      %reduce_max3A_1467 = vector.extract %reduce_max3A_1466[15] : f32 from vector<16xf32>
      %reduce_max3A_1468 = arith.constant true
      %reduce_max3A_1469 = vector.broadcast %reduce_max3A_1468 : i1 to vector<16xi1>
      %reduce_max3A_1470 = tpu.scan <max>, %get3A_34 masked %reduce_max3A_1469 : vector<16xf32>, vector<16xi1> -> vector<16xf32>
      %reduce_max3A_1471 = vector.extract %reduce_max3A_1470[15] : f32 from vector<16xf32>
      %max3A_1472 = arith.maximumf %reduce_max3A_1467, %reduce_max3A_1471 : f32
      %reduce_max3A_1473 = arith.constant true
      %reduce_max3A_1474 = vector.broadcast %reduce_max3A_1473 : i1 to vector<16xi1>
      %reduce_max3A_1475 = tpu.scan <max>, %get3A_38 masked %reduce_max3A_1474 : vector<16xf32>, vector<16xi1> -> vector<16xf32>
      %reduce_max3A_1476 = vector.extract %reduce_max3A_1475[15] : f32 from vector<16xf32>
      %max3A_1477 = arith.maximumf %max3A_1472, %reduce_max3A_1476 : f32
      %broadcast_in_dim3A_1478 = arith.constant 0.000000e+00 : f32
      %broadcast_in_dim3A_1479 = vector.broadcast %broadcast_in_dim3A_1478 : f32 to vector<16xf32>
      %get3A_1480 = arith.constant 0 : i32
      %get3A_1481 = arith.index_cast %get3A_1480 : i32 to index
      %get3A_1482 = arith.constant 0 : index
      %get3A_1483 = tpu.vector_load %arg5[%get3A_1481, %get3A_1482] {strides = array<i32>} : memref<4x512xf32, #tpu.memory_space<vmem>>, vector<16xf32>,
      %get3A_1484 = arith.constant 1 : i32
      %get3A_1485 = arith.index_cast %get3A_1484 : i32 to index
      %get3A_1486 = arith.constant 0 : index
      %get3A_1487 = tpu.vector_load %arg5[%get3A_1485, %get3A_1486] {strides = array<i32>} : memref<4x512xf32, #tpu.memory_space<vmem>>, vector<16xf32>,
      %get3A_1488 = arith.constant 2 : i32
      %get3A_1489 = arith.index_cast %get3A_1488 : i32 to index
      %get3A_1490 = arith.constant 0 : index
      %get3A_1491 = tpu.vector_load %arg5[%get3A_1489, %get3A_1490] {strides = array<i32>} : memref<4x512xf32, #tpu.memory_space<vmem>>, vector<16xf32>,
      %get3A_1492 = arith.constant 3 : i32
      %get3A_1493 = arith.index_cast %get3A_1492 : i32 to index
      %get3A_1494 = arith.constant 0 : index
      %get3A_1495 = tpu.vector_load %arg5[%get3A_1493, %get3A_1494] {strides = array<i32>} : memref<4x512xf32, #tpu.memory_space<vmem>>, vector<16xf32>,
      %mul3A_1496 = arith.mulf %get3A_1483, %get3A_18 : vector<16xf32>
      %mul3A_1497 = arith.mulf %get3A_1487, %get3A_22 : vector<16xf32>
      %add3A_1498 = arith.addf %mul3A_1496, %mul3A_1497 : vector<16xf32>
      %mul3A_1499 = arith.mulf %get3A_1491, %get3A_26 : vector<16xf32>
      %add3A_1500 = arith.addf %add3A_1498, %mul3A_1499 : vector<16xf32>
      %mul3A_1501 = arith.mulf %get3A_1495, %get3A_30 : vector<16xf32>
      %add3A_1502 = arith.addf %add3A_1500, %mul3A_1501 : vector<16xf32>
      %abs3A_1503 = math.absf %get3A_1483 : vector<16xf32>
      %gt3A_1504 = arith.constant 9.99999974E-6 : f32
      %gt3A_1505 = vector.broadcast %gt3A_1504 : f32 to vector<16xf32>
      %gt3A_1506 = arith.cmpf ogt, %abs3A_1503, %gt3A_1505 : vector<16xf32>
      %abs3A_1507 = math.absf %get3A_1487 : vector<16xf32>
      %gt3A_1508 = arith.constant 9.99999974E-6 : f32
      %gt3A_1509 = vector.broadcast %gt3A_1508 : f32 to vector<16xf32>
      %gt3A_1510 = arith.cmpf ogt, %abs3A_1507, %gt3A_1509 : vector<16xf32>
      %and3A_1511 = arith.andi %gt3A_1506, %gt3A_1510 : vector<16xi1>
      %abs3A_1512 = math.absf %get3A_1491 : vector<16xf32>
      %gt3A_1513 = arith.constant 9.99999974E-6 : f32
      %gt3A_1514 = vector.broadcast %gt3A_1513 : f32 to vector<16xf32>
      %gt3A_1515 = arith.cmpf ogt, %abs3A_1512, %gt3A_1514 : vector<16xf32>
      %and3A_1516 = arith.andi %and3A_1511, %gt3A_1515 : vector<16xi1>
      %abs3A_1517 = math.absf %get3A_1495 : vector<16xf32>
      %gt3A_1518 = arith.constant 9.99999974E-6 : f32
      %gt3A_1519 = vector.broadcast %gt3A_1518 : f32 to vector<16xf32>
      %gt3A_1520 = arith.cmpf ogt, %abs3A_1517, %gt3A_1519 : vector<16xf32>
      %and3A_1521 = arith.andi %and3A_1516, %gt3A_1520 : vector<16xi1>
      %sub3A = vector.broadcast %max3A_1477 : f32 to vector<16xf32>
      %sub3A_1522 = arith.subf %add3A_1502, %sub3A : vector<16xf32>
      %exp3A = math.exp %sub3A_1522 : vector<16xf32>
      %jit3A = arith.constant 0.000000e+00 : f32
      %broadcast_in_dim3A_1523 = vector.broadcast %jit3A : f32 to vector<16xf32>
      %select_n3A_1524 = arith.select %and3A_1521, %exp3A, %broadcast_in_dim3A_1523 : vector<16xi1>, vector<16xf32>
      %add3A_1525 = arith.addf %broadcast_in_dim3A_1479, %select_n3A_1524 : vector<16xf32>
      %mul3A_1526 = arith.mulf %select_n3A_1524, %get3A_1483 : vector<16xf32>
      %add3A_1527 = arith.addf %broadcast_in_dim3A_1479, %mul3A_1526 : vector<16xf32>
      %mul3A_1528 = arith.mulf %select_n3A_1524, %get3A_1487 : vector<16xf32>
      %add3A_1529 = arith.addf %broadcast_in_dim3A_1479, %mul3A_1528 : vector<16xf32>
      %mul3A_1530 = arith.mulf %select_n3A_1524, %get3A_1491 : vector<16xf32>
      %add3A_1531 = arith.addf %broadcast_in_dim3A_1479, %mul3A_1530 : vector<16xf32>
      %mul3A_1532 = arith.mulf %select_n3A_1524, %get3A_1495 : vector<16xf32>
      %add3A_1533 = arith.addf %broadcast_in_dim3A_1479, %mul3A_1532 : vector<16xf32>
      %get3A_1534 = arith.constant 0 : i32
      %get3A_1535 = arith.index_cast %get3A_1534 : i32 to index
      %get3A_1536 = arith.constant 16 : index
      %get3A_1537 = tpu.vector_load %arg5[%get3A_1535, %get3A_1536] {strides = array<i32>} : memref<4x512xf32, #tpu.memory_space<vmem>>, vector<16xf32>,
      %get3A_1538 = arith.constant 1 : i32
      %get3A_1539 = arith.index_cast %get3A_1538 : i32 to index
      %get3A_1540 = arith.constant 16 : index
      %get3A_1541 = tpu.vector_load %arg5[%get3A_1539, %get3A_1540] {strides = array<i32>} : memref<4x512xf32, #tpu.memory_space<vmem>>, vector<16xf32>,
      %get3A_1542 = arith.constant 2 : i32
      %get3A_1543 = arith.index_cast %get3A_1542 : i32 to index
      %get3A_1544 = arith.constant 16 : index
      %get3A_1545 = tpu.vector_load %arg5[%get3A_1543, %get3A_1544] {strides = array<i32>} : memref<4x512xf32, #tpu.memory_space<vmem>>, vector<16xf32>,
      %get3A_1546 = arith.constant 3 : i32
      %get3A_1547 = arith.index_cast %get3A_1546 : i32 to index
      %get3A_1548 = arith.constant 16 : index
      %get3A_1549 = tpu.vector_load %arg5[%get3A_1547, %get3A_1548] {strides = array<i32>} : memref<4x512xf32, #tpu.memory_space<vmem>>, vector<16xf32>,
      %mul3A_1550 = arith.mulf %get3A_1537, %get3A_18 : vector<16xf32>
      %mul3A_1551 = arith.mulf %get3A_1541, %get3A_22 : vector<16xf32>
      %add3A_1552 = arith.addf %mul3A_1550, %mul3A_1551 : vector<16xf32>
      %mul3A_1553 = arith.mulf %get3A_1545, %get3A_26 : vector<16xf32>
      %add3A_1554 = arith.addf %add3A_1552, %mul3A_1553 : vector<16xf32>
      %mul3A_1555 = arith.mulf %get3A_1549, %get3A_30 : vector<16xf32>
      %add3A_1556 = arith.addf %add3A_1554, %mul3A_1555 : vector<16xf32>
      %abs3A_1557 = math.absf %get3A_1537 : vector<16xf32>
      %gt3A_1558 = arith.constant 9.99999974E-6 : f32
      %gt3A_1559 = vector.broadcast %gt3A_1558 : f32 to vector<16xf32>
      %gt3A_1560 = arith.cmpf ogt, %abs3A_1557, %gt3A_1559 : vector<16xf32>
      %abs3A_1561 = math.absf %get3A_1541 : vector<16xf32>
      %gt3A_1562 = arith.constant 9.99999974E-6 : f32
      %gt3A_1563 = vector.broadcast %gt3A_1562 : f32 to vector<16xf32>
      %gt3A_1564 = arith.cmpf ogt, %abs3A_1561, %gt3A_1563 : vector<16xf32>
      %and3A_1565 = arith.andi %gt3A_1560, %gt3A_1564 : vector<16xi1>
      %abs3A_1566 = math.absf %get3A_1545 : vector<16xf32>
      %gt3A_1567 = arith.constant 9.99999974E-6 : f32
      %gt3A_1568 = vector.broadcast %gt3A_1567 : f32 to vector<16xf32>
      %gt3A_1569 = arith.cmpf ogt, %abs3A_1566, %gt3A_1568 : vector<16xf32>
      %and3A_1570 = arith.andi %and3A_1565, %gt3A_1569 : vector<16xi1>
      %abs3A_1571 = math.absf %get3A_1549 : vector<16xf32>
      %gt3A_1572 = arith.constant 9.99999974E-6 : f32
      %gt3A_1573 = vector.broadcast %gt3A_1572 : f32 to vector<16xf32>
      %gt3A_1574 = arith.cmpf ogt, %abs3A_1571, %gt3A_1573 : vector<16xf32>
      %and3A_1575 = arith.andi %and3A_1570, %gt3A_1574 : vector<16xi1>
      %sub3A_1576 = vector.broadcast %max3A_1477 : f32 to vector<16xf32>
      %sub3A_1577 = arith.subf %add3A_1556, %sub3A_1576 : vector<16xf32>
      %exp3A_1578 = math.exp %sub3A_1577 : vector<16xf32>
      %jit3A_1579 = arith.constant 0.000000e+00 : f32
      %broadcast_in_dim3A_1580 = vector.broadcast %jit3A_1579 : f32 to vector<16xf32>
      %select_n3A_1581 = arith.select %and3A_1575, %exp3A_1578, %broadcast_in_dim3A_1580 : vector<16xi1>, vector<16xf32>
      %add3A_1582 = arith.addf %add3A_1525, %select_n3A_1581 : vector<16xf32>
      %mul3A_1583 = arith.mulf %select_n3A_1581, %get3A_1537 : vector<16xf32>
      %add3A_1584 = arith.addf %add3A_1527, %mul3A_1583 : vector<16xf32>
      %mul3A_1585 = arith.mulf %select_n3A_1581, %get3A_1541 : vector<16xf32>
      %add3A_1586 = arith.addf %add3A_1529, %mul3A_1585 : vector<16xf32>
      %mul3A_1587 = arith.mulf %select_n3A_1581, %get3A_1545 : vector<16xf32>
      %add3A_1588 = arith.addf %add3A_1531, %mul3A_1587 : vector<16xf32>
      %mul3A_1589 = arith.mulf %select_n3A_1581, %get3A_1549 : vector<16xf32>
      %add3A_1590 = arith.addf %add3A_1533, %mul3A_1589 : vector<16xf32>
      %get3A_1591 = arith.constant 0 : i32
      %get3A_1592 = arith.index_cast %get3A_1591 : i32 to index
      %get3A_1593 = arith.constant 32 : index
      %get3A_1594 = tpu.vector_load %arg5[%get3A_1592, %get3A_1593] {strides = array<i32>} : memref<4x512xf32, #tpu.memory_space<vmem>>, vector<16xf32>,
      %get3A_1595 = arith.constant 1 : i32
      %get3A_1596 = arith.index_cast %get3A_1595 : i32 to index
      %get3A_1597 = arith.constant 32 : index
      %get3A_1598 = tpu.vector_load %arg5[%get3A_1596, %get3A_1597] {strides = array<i32>} : memref<4x512xf32, #tpu.memory_space<vmem>>, vector<16xf32>,
      %get3A_1599 = arith.constant 2 : i32
      %get3A_1600 = arith.index_cast %get3A_1599 : i32 to index
      %get3A_1601 = arith.constant 32 : index
      %get3A_1602 = tpu.vector_load %arg5[%get3A_1600, %get3A_1601] {strides = array<i32>} : memref<4x512xf32, #tpu.memory_space<vmem>>, vector<16xf32>,
      %get3A_1603 = arith.constant 3 : i32
      %get3A_1604 = arith.index_cast %get3A_1603 : i32 to index
      %get3A_1605 = arith.constant 32 : index
      %get3A_1606 = tpu.vector_load %arg5[%get3A_1604, %get3A_1605] {strides = array<i32>} : memref<4x512xf32, #tpu.memory_space<vmem>>, vector<16xf32>,
      %mul3A_1607 = arith.mulf %get3A_1594, %get3A_18 : vector<16xf32>
      %mul3A_1608 = arith.mulf %get3A_1598, %get3A_22 : vector<16xf32>
      %add3A_1609 = arith.addf %mul3A_1607, %mul3A_1608 : vector<16xf32>
      %mul3A_1610 = arith.mulf %get3A_1602, %get3A_26 : vector<16xf32>
      %add3A_1611 = arith.addf %add3A_1609, %mul3A_1610 : vector<16xf32>
      %mul3A_1612 = arith.mulf %get3A_1606, %get3A_30 : vector<16xf32>
      %add3A_1613 = arith.addf %add3A_1611, %mul3A_1612 : vector<16xf32>
      %abs3A_1614 = math.absf %get3A_1594 : vector<16xf32>
      %gt3A_1615 = arith.constant 9.99999974E-6 : f32
      %gt3A_1616 = vector.broadcast %gt3A_1615 : f32 to vector<16xf32>
      %gt3A_1617 = arith.cmpf ogt, %abs3A_1614, %gt3A_1616 : vector<16xf32>
      %abs3A_1618 = math.absf %get3A_1598 : vector<16xf32>
      %gt3A_1619 = arith.constant 9.99999974E-6 : f32
      %gt3A_1620 = vector.broadcast %gt3A_1619 : f32 to vector<16xf32>
      %gt3A_1621 = arith.cmpf ogt, %abs3A_1618, %gt3A_1620 : vector<16xf32>
      %and3A_1622 = arith.andi %gt3A_1617, %gt3A_1621 : vector<16xi1>
      %abs3A_1623 = math.absf %get3A_1602 : vector<16xf32>
      %gt3A_1624 = arith.constant 9.99999974E-6 : f32
      %gt3A_1625 = vector.broadcast %gt3A_1624 : f32 to vector<16xf32>
      %gt3A_1626 = arith.cmpf ogt, %abs3A_1623, %gt3A_1625 : vector<16xf32>
      %and3A_1627 = arith.andi %and3A_1622, %gt3A_1626 : vector<16xi1>
      %abs3A_1628 = math.absf %get3A_1606 : vector<16xf32>
      %gt3A_1629 = arith.constant 9.99999974E-6 : f32
      %gt3A_1630 = vector.broadcast %gt3A_1629 : f32 to vector<16xf32>
      %gt3A_1631 = arith.cmpf ogt, %abs3A_1628, %gt3A_1630 : vector<16xf32>
      %and3A_1632 = arith.andi %and3A_1627, %gt3A_1631 : vector<16xi1>
      %sub3A_1633 = vector.broadcast %max3A_1477 : f32 to vector<16xf32>
      %sub3A_1634 = arith.subf %add3A_1613, %sub3A_1633 : vector<16xf32>
      %exp3A_1635 = math.exp %sub3A_1634 : vector<16xf32>
      %jit3A_1636 = arith.constant 0.000000e+00 : f32
      %broadcast_in_dim3A_1637 = vector.broadcast %jit3A_1636 : f32 to vector<16xf32>
      %select_n3A_1638 = arith.select %and3A_1632, %exp3A_1635, %broadcast_in_dim3A_1637 : vector<16xi1>, vector<16xf32>
      %add3A_1639 = arith.addf %add3A_1582, %select_n3A_1638 : vector<16xf32>
      %mul3A_1640 = arith.mulf %select_n3A_1638, %get3A_1594 : vector<16xf32>
      %add3A_1641 = arith.addf %add3A_1584, %mul3A_1640 : vector<16xf32>
      %mul3A_1642 = arith.mulf %select_n3A_1638, %get3A_1598 : vector<16xf32>
      %add3A_1643 = arith.addf %add3A_1586, %mul3A_1642 : vector<16xf32>
      %mul3A_1644 = arith.mulf %select_n3A_1638, %get3A_1602 : vector<16xf32>
      %add3A_1645 = arith.addf %add3A_1588, %mul3A_1644 : vector<16xf32>
      %mul3A_1646 = arith.mulf %select_n3A_1638, %get3A_1606 : vector<16xf32>
      %add3A_1647 = arith.addf %add3A_1590, %mul3A_1646 : vector<16xf32>
      %get3A_1648 = arith.constant 0 : i32
      %get3A_1649 = arith.index_cast %get3A_1648 : i32 to index
      %get3A_1650 = arith.constant 48 : index
      %get3A_1651 = tpu.vector_load %arg5[%get3A_1649, %get3A_1650] {strides = array<i32>} : memref<4x512xf32, #tpu.memory_space<vmem>>, vector<16xf32>,
      %get3A_1652 = arith.constant 1 : i32
      %get3A_1653 = arith.index_cast %get3A_1652 : i32 to index
      %get3A_1654 = arith.constant 48 : index
      %get3A_1655 = tpu.vector_load %arg5[%get3A_1653, %get3A_1654] {strides = array<i32>} : memref<4x512xf32, #tpu.memory_space<vmem>>, vector<16xf32>,
      %get3A_1656 = arith.constant 2 : i32
      %get3A_1657 = arith.index_cast %get3A_1656 : i32 to index
      %get3A_1658 = arith.constant 48 : index
      %get3A_1659 = tpu.vector_load %arg5[%get3A_1657, %get3A_1658] {strides = array<i32>} : memref<4x512xf32, #tpu.memory_space<vmem>>, vector<16xf32>,
      %get3A_1660 = arith.constant 3 : i32
      %get3A_1661 = arith.index_cast %get3A_1660 : i32 to index
      %get3A_1662 = arith.constant 48 : index
      %get3A_1663 = tpu.vector_load %arg5[%get3A_1661, %get3A_1662] {strides = array<i32>} : memref<4x512xf32, #tpu.memory_space<vmem>>, vector<16xf32>,
      %mul3A_1664 = arith.mulf %get3A_1651, %get3A_18 : vector<16xf32>
      %mul3A_1665 = arith.mulf %get3A_1655, %get3A_22 : vector<16xf32>
      %add3A_1666 = arith.addf %mul3A_1664, %mul3A_1665 : vector<16xf32>
      %mul3A_1667 = arith.mulf %get3A_1659, %get3A_26 : vector<16xf32>
      %add3A_1668 = arith.addf %add3A_1666, %mul3A_1667 : vector<16xf32>
      %mul3A_1669 = arith.mulf %get3A_1663, %get3A_30 : vector<16xf32>
      %add3A_1670 = arith.addf %add3A_1668, %mul3A_1669 : vector<16xf32>
      %abs3A_1671 = math.absf %get3A_1651 : vector<16xf32>
      %gt3A_1672 = arith.constant 9.99999974E-6 : f32
      %gt3A_1673 = vector.broadcast %gt3A_1672 : f32 to vector<16xf32>
      %gt3A_1674 = arith.cmpf ogt, %abs3A_1671, %gt3A_1673 : vector<16xf32>
      %abs3A_1675 = math.absf %get3A_1655 : vector<16xf32>
      %gt3A_1676 = arith.constant 9.99999974E-6 : f32
      %gt3A_1677 = vector.broadcast %gt3A_1676 : f32 to vector<16xf32>
      %gt3A_1678 = arith.cmpf ogt, %abs3A_1675, %gt3A_1677 : vector<16xf32>
      %and3A_1679 = arith.andi %gt3A_1674, %gt3A_1678 : vector<16xi1>
      %abs3A_1680 = math.absf %get3A_1659 : vector<16xf32>
      %gt3A_1681 = arith.constant 9.99999974E-6 : f32
      %gt3A_1682 = vector.broadcast %gt3A_1681 : f32 to vector<16xf32>
      %gt3A_1683 = arith.cmpf ogt, %abs3A_1680, %gt3A_1682 : vector<16xf32>
      %and3A_1684 = arith.andi %and3A_1679, %gt3A_1683 : vector<16xi1>
      %abs3A_1685 = math.absf %get3A_1663 : vector<16xf32>
      %gt3A_1686 = arith.constant 9.99999974E-6 : f32
      %gt3A_1687 = vector.broadcast %gt3A_1686 : f32 to vector<16xf32>
      %gt3A_1688 = arith.cmpf ogt, %abs3A_1685, %gt3A_1687 : vector<16xf32>
      %and3A_1689 = arith.andi %and3A_1684, %gt3A_1688 : vector<16xi1>
      %sub3A_1690 = vector.broadcast %max3A_1477 : f32 to vector<16xf32>
      %sub3A_1691 = arith.subf %add3A_1670, %sub3A_1690 : vector<16xf32>
      %exp3A_1692 = math.exp %sub3A_1691 : vector<16xf32>
      %jit3A_1693 = arith.constant 0.000000e+00 : f32
      %broadcast_in_dim3A_1694 = vector.broadcast %jit3A_1693 : f32 to vector<16xf32>
      %select_n3A_1695 = arith.select %and3A_1689, %exp3A_1692, %broadcast_in_dim3A_1694 : vector<16xi1>, vector<16xf32>
      %add3A_1696 = arith.addf %add3A_1639, %select_n3A_1695 : vector<16xf32>
      %mul3A_1697 = arith.mulf %select_n3A_1695, %get3A_1651 : vector<16xf32>
      %add3A_1698 = arith.addf %add3A_1641, %mul3A_1697 : vector<16xf32>
      %mul3A_1699 = arith.mulf %select_n3A_1695, %get3A_1655 : vector<16xf32>
      %add3A_1700 = arith.addf %add3A_1643, %mul3A_1699 : vector<16xf32>
      %mul3A_1701 = arith.mulf %select_n3A_1695, %get3A_1659 : vector<16xf32>
      %add3A_1702 = arith.addf %add3A_1645, %mul3A_1701 : vector<16xf32>
      %mul3A_1703 = arith.mulf %select_n3A_1695, %get3A_1663 : vector<16xf32>
      %add3A_1704 = arith.addf %add3A_1647, %mul3A_1703 : vector<16xf32>
      %get3A_1705 = arith.constant 0 : i32
      %get3A_1706 = arith.index_cast %get3A_1705 : i32 to index
      %get3A_1707 = arith.constant 64 : index
      %get3A_1708 = tpu.vector_load %arg5[%get3A_1706, %get3A_1707] {strides = array<i32>} : memref<4x512xf32, #tpu.memory_space<vmem>>, vector<16xf32>,
      %get3A_1709 = arith.constant 1 : i32
      %get3A_1710 = arith.index_cast %get3A_1709 : i32 to index
      %get3A_1711 = arith.constant 64 : index
      %get3A_1712 = tpu.vector_load %arg5[%get3A_1710, %get3A_1711] {strides = array<i32>} : memref<4x512xf32, #tpu.memory_space<vmem>>, vector<16xf32>,
      %get3A_1713 = arith.constant 2 : i32
      %get3A_1714 = arith.index_cast %get3A_1713 : i32 to index
      %get3A_1715 = arith.constant 64 : index
      %get3A_1716 = tpu.vector_load %arg5[%get3A_1714, %get3A_1715] {strides = array<i32>} : memref<4x512xf32, #tpu.memory_space<vmem>>, vector<16xf32>,
      %get3A_1717 = arith.constant 3 : i32
      %get3A_1718 = arith.index_cast %get3A_1717 : i32 to index
      %get3A_1719 = arith.constant 64 : index
      %get3A_1720 = tpu.vector_load %arg5[%get3A_1718, %get3A_1719] {strides = array<i32>} : memref<4x512xf32, #tpu.memory_space<vmem>>, vector<16xf32>,
      %mul3A_1721 = arith.mulf %get3A_1708, %get3A_18 : vector<16xf32>
      %mul3A_1722 = arith.mulf %get3A_1712, %get3A_22 : vector<16xf32>
      %add3A_1723 = arith.addf %mul3A_1721, %mul3A_1722 : vector<16xf32>
      %mul3A_1724 = arith.mulf %get3A_1716, %get3A_26 : vector<16xf32>
      %add3A_1725 = arith.addf %add3A_1723, %mul3A_1724 : vector<16xf32>
      %mul3A_1726 = arith.mulf %get3A_1720, %get3A_30 : vector<16xf32>
      %add3A_1727 = arith.addf %add3A_1725, %mul3A_1726 : vector<16xf32>
      %abs3A_1728 = math.absf %get3A_1708 : vector<16xf32>
      %gt3A_1729 = arith.constant 9.99999974E-6 : f32
      %gt3A_1730 = vector.broadcast %gt3A_1729 : f32 to vector<16xf32>
      %gt3A_1731 = arith.cmpf ogt, %abs3A_1728, %gt3A_1730 : vector<16xf32>
      %abs3A_1732 = math.absf %get3A_1712 : vector<16xf32>
      %gt3A_1733 = arith.constant 9.99999974E-6 : f32
      %gt3A_1734 = vector.broadcast %gt3A_1733 : f32 to vector<16xf32>
      %gt3A_1735 = arith.cmpf ogt, %abs3A_1732, %gt3A_1734 : vector<16xf32>
      %and3A_1736 = arith.andi %gt3A_1731, %gt3A_1735 : vector<16xi1>
      %abs3A_1737 = math.absf %get3A_1716 : vector<16xf32>
      %gt3A_1738 = arith.constant 9.99999974E-6 : f32
      %gt3A_1739 = vector.broadcast %gt3A_1738 : f32 to vector<16xf32>
      %gt3A_1740 = arith.cmpf ogt, %abs3A_1737, %gt3A_1739 : vector<16xf32>
      %and3A_1741 = arith.andi %and3A_1736, %gt3A_1740 : vector<16xi1>
      %abs3A_1742 = math.absf %get3A_1720 : vector<16xf32>
      %gt3A_1743 = arith.constant 9.99999974E-6 : f32
      %gt3A_1744 = vector.broadcast %gt3A_1743 : f32 to vector<16xf32>
      %gt3A_1745 = arith.cmpf ogt, %abs3A_1742, %gt3A_1744 : vector<16xf32>
      %and3A_1746 = arith.andi %and3A_1741, %gt3A_1745 : vector<16xi1>
      %sub3A_1747 = vector.broadcast %max3A_1477 : f32 to vector<16xf32>
      %sub3A_1748 = arith.subf %add3A_1727, %sub3A_1747 : vector<16xf32>
      %exp3A_1749 = math.exp %sub3A_1748 : vector<16xf32>
      %jit3A_1750 = arith.constant 0.000000e+00 : f32
      %broadcast_in_dim3A_1751 = vector.broadcast %jit3A_1750 : f32 to vector<16xf32>
      %select_n3A_1752 = arith.select %and3A_1746, %exp3A_1749, %broadcast_in_dim3A_1751 : vector<16xi1>, vector<16xf32>
      %add3A_1753 = arith.addf %add3A_1696, %select_n3A_1752 : vector<16xf32>
      %mul3A_1754 = arith.mulf %select_n3A_1752, %get3A_1708 : vector<16xf32>
      %add3A_1755 = arith.addf %add3A_1698, %mul3A_1754 : vector<16xf32>
      %mul3A_1756 = arith.mulf %select_n3A_1752, %get3A_1712 : vector<16xf32>
      %add3A_1757 = arith.addf %add3A_1700, %mul3A_1756 : vector<16xf32>
      %mul3A_1758 = arith.mulf %select_n3A_1752, %get3A_1716 : vector<16xf32>
      %add3A_1759 = arith.addf %add3A_1702, %mul3A_1758 : vector<16xf32>
      %mul3A_1760 = arith.mulf %select_n3A_1752, %get3A_1720 : vector<16xf32>
      %add3A_1761 = arith.addf %add3A_1704, %mul3A_1760 : vector<16xf32>
      %get3A_1762 = arith.constant 0 : i32
      %get3A_1763 = arith.index_cast %get3A_1762 : i32 to index
      %get3A_1764 = arith.constant 80 : index
      %get3A_1765 = tpu.vector_load %arg5[%get3A_1763, %get3A_1764] {strides = array<i32>} : memref<4x512xf32, #tpu.memory_space<vmem>>, vector<16xf32>,
      %get3A_1766 = arith.constant 1 : i32
      %get3A_1767 = arith.index_cast %get3A_1766 : i32 to index
      %get3A_1768 = arith.constant 80 : index
      %get3A_1769 = tpu.vector_load %arg5[%get3A_1767, %get3A_1768] {strides = array<i32>} : memref<4x512xf32, #tpu.memory_space<vmem>>, vector<16xf32>,
      %get3A_1770 = arith.constant 2 : i32
      %get3A_1771 = arith.index_cast %get3A_1770 : i32 to index
      %get3A_1772 = arith.constant 80 : index
      %get3A_1773 = tpu.vector_load %arg5[%get3A_1771, %get3A_1772] {strides = array<i32>} : memref<4x512xf32, #tpu.memory_space<vmem>>, vector<16xf32>,
      %get3A_1774 = arith.constant 3 : i32
      %get3A_1775 = arith.index_cast %get3A_1774 : i32 to index
      %get3A_1776 = arith.constant 80 : index
      %get3A_1777 = tpu.vector_load %arg5[%get3A_1775, %get3A_1776] {strides = array<i32>} : memref<4x512xf32, #tpu.memory_space<vmem>>, vector<16xf32>,
      %mul3A_1778 = arith.mulf %get3A_1765, %get3A_18 : vector<16xf32>
      %mul3A_1779 = arith.mulf %get3A_1769, %get3A_22 : vector<16xf32>
      %add3A_1780 = arith.addf %mul3A_1778, %mul3A_1779 : vector<16xf32>
      %mul3A_1781 = arith.mulf %get3A_1773, %get3A_26 : vector<16xf32>
      %add3A_1782 = arith.addf %add3A_1780, %mul3A_1781 : vector<16xf32>
      %mul3A_1783 = arith.mulf %get3A_1777, %get3A_30 : vector<16xf32>
      %add3A_1784 = arith.addf %add3A_1782, %mul3A_1783 : vector<16xf32>
      %abs3A_1785 = math.absf %get3A_1765 : vector<16xf32>
      %gt3A_1786 = arith.constant 9.99999974E-6 : f32
      %gt3A_1787 = vector.broadcast %gt3A_1786 : f32 to vector<16xf32>
      %gt3A_1788 = arith.cmpf ogt, %abs3A_1785, %gt3A_1787 : vector<16xf32>
      %abs3A_1789 = math.absf %get3A_1769 : vector<16xf32>
      %gt3A_1790 = arith.constant 9.99999974E-6 : f32
      %gt3A_1791 = vector.broadcast %gt3A_1790 : f32 to vector<16xf32>
      %gt3A_1792 = arith.cmpf ogt, %abs3A_1789, %gt3A_1791 : vector<16xf32>
      %and3A_1793 = arith.andi %gt3A_1788, %gt3A_1792 : vector<16xi1>
      %abs3A_1794 = math.absf %get3A_1773 : vector<16xf32>
      %gt3A_1795 = arith.constant 9.99999974E-6 : f32
      %gt3A_1796 = vector.broadcast %gt3A_1795 : f32 to vector<16xf32>
      %gt3A_1797 = arith.cmpf ogt, %abs3A_1794, %gt3A_1796 : vector<16xf32>
      %and3A_1798 = arith.andi %and3A_1793, %gt3A_1797 : vector<16xi1>
      %abs3A_1799 = math.absf %get3A_1777 : vector<16xf32>
      %gt3A_1800 = arith.constant 9.99999974E-6 : f32
      %gt3A_1801 = vector.broadcast %gt3A_1800 : f32 to vector<16xf32>
      %gt3A_1802 = arith.cmpf ogt, %abs3A_1799, %gt3A_1801 : vector<16xf32>
      %and3A_1803 = arith.andi %and3A_1798, %gt3A_1802 : vector<16xi1>
      %sub3A_1804 = vector.broadcast %max3A_1477 : f32 to vector<16xf32>
      %sub3A_1805 = arith.subf %add3A_1784, %sub3A_1804 : vector<16xf32>
      %exp3A_1806 = math.exp %sub3A_1805 : vector<16xf32>
      %jit3A_1807 = arith.constant 0.000000e+00 : f32
      %broadcast_in_dim3A_1808 = vector.broadcast %jit3A_1807 : f32 to vector<16xf32>
      %select_n3A_1809 = arith.select %and3A_1803, %exp3A_1806, %broadcast_in_dim3A_1808 : vector<16xi1>, vector<16xf32>
      %add3A_1810 = arith.addf %add3A_1753, %select_n3A_1809 : vector<16xf32>
      %mul3A_1811 = arith.mulf %select_n3A_1809, %get3A_1765 : vector<16xf32>
      %add3A_1812 = arith.addf %add3A_1755, %mul3A_1811 : vector<16xf32>
      %mul3A_1813 = arith.mulf %select_n3A_1809, %get3A_1769 : vector<16xf32>
      %add3A_1814 = arith.addf %add3A_1757, %mul3A_1813 : vector<16xf32>
      %mul3A_1815 = arith.mulf %select_n3A_1809, %get3A_1773 : vector<16xf32>
      %add3A_1816 = arith.addf %add3A_1759, %mul3A_1815 : vector<16xf32>
      %mul3A_1817 = arith.mulf %select_n3A_1809, %get3A_1777 : vector<16xf32>
      %add3A_1818 = arith.addf %add3A_1761, %mul3A_1817 : vector<16xf32>
      %get3A_1819 = arith.constant 0 : i32
      %get3A_1820 = arith.index_cast %get3A_1819 : i32 to index
      %get3A_1821 = arith.constant 96 : index
      %get3A_1822 = tpu.vector_load %arg5[%get3A_1820, %get3A_1821] {strides = array<i32>} : memref<4x512xf32, #tpu.memory_space<vmem>>, vector<16xf32>,
      %get3A_1823 = arith.constant 1 : i32
      %get3A_1824 = arith.index_cast %get3A_1823 : i32 to index
      %get3A_1825 = arith.constant 96 : index
      %get3A_1826 = tpu.vector_load %arg5[%get3A_1824, %get3A_1825] {strides = array<i32>} : memref<4x512xf32, #tpu.memory_space<vmem>>, vector<16xf32>,
      %get3A_1827 = arith.constant 2 : i32
      %get3A_1828 = arith.index_cast %get3A_1827 : i32 to index
      %get3A_1829 = arith.constant 96 : index
      %get3A_1830 = tpu.vector_load %arg5[%get3A_1828, %get3A_1829] {strides = array<i32>} : memref<4x512xf32, #tpu.memory_space<vmem>>, vector<16xf32>,
      %get3A_1831 = arith.constant 3 : i32
      %get3A_1832 = arith.index_cast %get3A_1831 : i32 to index
      %get3A_1833 = arith.constant 96 : index
      %get3A_1834 = tpu.vector_load %arg5[%get3A_1832, %get3A_1833] {strides = array<i32>} : memref<4x512xf32, #tpu.memory_space<vmem>>, vector<16xf32>,
      %mul3A_1835 = arith.mulf %get3A_1822, %get3A_18 : vector<16xf32>
      %mul3A_1836 = arith.mulf %get3A_1826, %get3A_22 : vector<16xf32>
      %add3A_1837 = arith.addf %mul3A_1835, %mul3A_1836 : vector<16xf32>
      %mul3A_1838 = arith.mulf %get3A_1830, %get3A_26 : vector<16xf32>
      %add3A_1839 = arith.addf %add3A_1837, %mul3A_1838 : vector<16xf32>
      %mul3A_1840 = arith.mulf %get3A_1834, %get3A_30 : vector<16xf32>
      %add3A_1841 = arith.addf %add3A_1839, %mul3A_1840 : vector<16xf32>
      %abs3A_1842 = math.absf %get3A_1822 : vector<16xf32>
      %gt3A_1843 = arith.constant 9.99999974E-6 : f32
      %gt3A_1844 = vector.broadcast %gt3A_1843 : f32 to vector<16xf32>
      %gt3A_1845 = arith.cmpf ogt, %abs3A_1842, %gt3A_1844 : vector<16xf32>
      %abs3A_1846 = math.absf %get3A_1826 : vector<16xf32>
      %gt3A_1847 = arith.constant 9.99999974E-6 : f32
      %gt3A_1848 = vector.broadcast %gt3A_1847 : f32 to vector<16xf32>
      %gt3A_1849 = arith.cmpf ogt, %abs3A_1846, %gt3A_1848 : vector<16xf32>
      %and3A_1850 = arith.andi %gt3A_1845, %gt3A_1849 : vector<16xi1>
      %abs3A_1851 = math.absf %get3A_1830 : vector<16xf32>
      %gt3A_1852 = arith.constant 9.99999974E-6 : f32
      %gt3A_1853 = vector.broadcast %gt3A_1852 : f32 to vector<16xf32>
      %gt3A_1854 = arith.cmpf ogt, %abs3A_1851, %gt3A_1853 : vector<16xf32>
      %and3A_1855 = arith.andi %and3A_1850, %gt3A_1854 : vector<16xi1>
      %abs3A_1856 = math.absf %get3A_1834 : vector<16xf32>
      %gt3A_1857 = arith.constant 9.99999974E-6 : f32
      %gt3A_1858 = vector.broadcast %gt3A_1857 : f32 to vector<16xf32>
      %gt3A_1859 = arith.cmpf ogt, %abs3A_1856, %gt3A_1858 : vector<16xf32>
      %and3A_1860 = arith.andi %and3A_1855, %gt3A_1859 : vector<16xi1>
      %sub3A_1861 = vector.broadcast %max3A_1477 : f32 to vector<16xf32>
      %sub3A_1862 = arith.subf %add3A_1841, %sub3A_1861 : vector<16xf32>
      %exp3A_1863 = math.exp %sub3A_1862 : vector<16xf32>
      %jit3A_1864 = arith.constant 0.000000e+00 : f32
      %broadcast_in_dim3A_1865 = vector.broadcast %jit3A_1864 : f32 to vector<16xf32>
      %select_n3A_1866 = arith.select %and3A_1860, %exp3A_1863, %broadcast_in_dim3A_1865 : vector<16xi1>, vector<16xf32>
      %add3A_1867 = arith.addf %add3A_1810, %select_n3A_1866 : vector<16xf32>
      %mul3A_1868 = arith.mulf %select_n3A_1866, %get3A_1822 : vector<16xf32>
      %add3A_1869 = arith.addf %add3A_1812, %mul3A_1868 : vector<16xf32>
      %mul3A_1870 = arith.mulf %select_n3A_1866, %get3A_1826 : vector<16xf32>
      %add3A_1871 = arith.addf %add3A_1814, %mul3A_1870 : vector<16xf32>
      %mul3A_1872 = arith.mulf %select_n3A_1866, %get3A_1830 : vector<16xf32>
      %add3A_1873 = arith.addf %add3A_1816, %mul3A_1872 : vector<16xf32>
      %mul3A_1874 = arith.mulf %select_n3A_1866, %get3A_1834 : vector<16xf32>
      %add3A_1875 = arith.addf %add3A_1818, %mul3A_1874 : vector<16xf32>
      %get3A_1876 = arith.constant 0 : i32
      %get3A_1877 = arith.index_cast %get3A_1876 : i32 to index
      %get3A_1878 = arith.constant 112 : index
      %get3A_1879 = tpu.vector_load %arg5[%get3A_1877, %get3A_1878] {strides = array<i32>} : memref<4x512xf32, #tpu.memory_space<vmem>>, vector<16xf32>,
      %get3A_1880 = arith.constant 1 : i32
      %get3A_1881 = arith.index_cast %get3A_1880 : i32 to index
      %get3A_1882 = arith.constant 112 : index
      %get3A_1883 = tpu.vector_load %arg5[%get3A_1881, %get3A_1882] {strides = array<i32>} : memref<4x512xf32, #tpu.memory_space<vmem>>, vector<16xf32>,
      %get3A_1884 = arith.constant 2 : i32
      %get3A_1885 = arith.index_cast %get3A_1884 : i32 to index
      %get3A_1886 = arith.constant 112 : index
      %get3A_1887 = tpu.vector_load %arg5[%get3A_1885, %get3A_1886] {strides = array<i32>} : memref<4x512xf32, #tpu.memory_space<vmem>>, vector<16xf32>,
      %get3A_1888 = arith.constant 3 : i32
      %get3A_1889 = arith.index_cast %get3A_1888 : i32 to index
      %get3A_1890 = arith.constant 112 : index
      %get3A_1891 = tpu.vector_load %arg5[%get3A_1889, %get3A_1890] {strides = array<i32>} : memref<4x512xf32, #tpu.memory_space<vmem>>, vector<16xf32>,
      %mul3A_1892 = arith.mulf %get3A_1879, %get3A_18 : vector<16xf32>
      %mul3A_1893 = arith.mulf %get3A_1883, %get3A_22 : vector<16xf32>
      %add3A_1894 = arith.addf %mul3A_1892, %mul3A_1893 : vector<16xf32>
      %mul3A_1895 = arith.mulf %get3A_1887, %get3A_26 : vector<16xf32>
      %add3A_1896 = arith.addf %add3A_1894, %mul3A_1895 : vector<16xf32>
      %mul3A_1897 = arith.mulf %get3A_1891, %get3A_30 : vector<16xf32>
      %add3A_1898 = arith.addf %add3A_1896, %mul3A_1897 : vector<16xf32>
      %abs3A_1899 = math.absf %get3A_1879 : vector<16xf32>
      %gt3A_1900 = arith.constant 9.99999974E-6 : f32
      %gt3A_1901 = vector.broadcast %gt3A_1900 : f32 to vector<16xf32>
      %gt3A_1902 = arith.cmpf ogt, %abs3A_1899, %gt3A_1901 : vector<16xf32>
      %abs3A_1903 = math.absf %get3A_1883 : vector<16xf32>
      %gt3A_1904 = arith.constant 9.99999974E-6 : f32
      %gt3A_1905 = vector.broadcast %gt3A_1904 : f32 to vector<16xf32>
      %gt3A_1906 = arith.cmpf ogt, %abs3A_1903, %gt3A_1905 : vector<16xf32>
      %and3A_1907 = arith.andi %gt3A_1902, %gt3A_1906 : vector<16xi1>
      %abs3A_1908 = math.absf %get3A_1887 : vector<16xf32>
      %gt3A_1909 = arith.constant 9.99999974E-6 : f32
      %gt3A_1910 = vector.broadcast %gt3A_1909 : f32 to vector<16xf32>
      %gt3A_1911 = arith.cmpf ogt, %abs3A_1908, %gt3A_1910 : vector<16xf32>
      %and3A_1912 = arith.andi %and3A_1907, %gt3A_1911 : vector<16xi1>
      %abs3A_1913 = math.absf %get3A_1891 : vector<16xf32>
      %gt3A_1914 = arith.constant 9.99999974E-6 : f32
      %gt3A_1915 = vector.broadcast %gt3A_1914 : f32 to vector<16xf32>
      %gt3A_1916 = arith.cmpf ogt, %abs3A_1913, %gt3A_1915 : vector<16xf32>
      %and3A_1917 = arith.andi %and3A_1912, %gt3A_1916 : vector<16xi1>
      %sub3A_1918 = vector.broadcast %max3A_1477 : f32 to vector<16xf32>
      %sub3A_1919 = arith.subf %add3A_1898, %sub3A_1918 : vector<16xf32>
      %exp3A_1920 = math.exp %sub3A_1919 : vector<16xf32>
      %jit3A_1921 = arith.constant 0.000000e+00 : f32
      %broadcast_in_dim3A_1922 = vector.broadcast %jit3A_1921 : f32 to vector<16xf32>
      %select_n3A_1923 = arith.select %and3A_1917, %exp3A_1920, %broadcast_in_dim3A_1922 : vector<16xi1>, vector<16xf32>
      %add3A_1924 = arith.addf %add3A_1867, %select_n3A_1923 : vector<16xf32>
      %mul3A_1925 = arith.mulf %select_n3A_1923, %get3A_1879 : vector<16xf32>
      %add3A_1926 = arith.addf %add3A_1869, %mul3A_1925 : vector<16xf32>
      %mul3A_1927 = arith.mulf %select_n3A_1923, %get3A_1883 : vector<16xf32>
      %add3A_1928 = arith.addf %add3A_1871, %mul3A_1927 : vector<16xf32>
      %mul3A_1929 = arith.mulf %select_n3A_1923, %get3A_1887 : vector<16xf32>
      %add3A_1930 = arith.addf %add3A_1873, %mul3A_1929 : vector<16xf32>
      %mul3A_1931 = arith.mulf %select_n3A_1923, %get3A_1891 : vector<16xf32>
      %add3A_1932 = arith.addf %add3A_1875, %mul3A_1931 : vector<16xf32>
      %get3A_1933 = arith.constant 0 : i32
      %get3A_1934 = arith.index_cast %get3A_1933 : i32 to index
      %get3A_1935 = arith.constant 128 : index
      %get3A_1936 = tpu.vector_load %arg5[%get3A_1934, %get3A_1935] {strides = array<i32>} : memref<4x512xf32, #tpu.memory_space<vmem>>, vector<16xf32>,
      %get3A_1937 = arith.constant 1 : i32
      %get3A_1938 = arith.index_cast %get3A_1937 : i32 to index
      %get3A_1939 = arith.constant 128 : index
      %get3A_1940 = tpu.vector_load %arg5[%get3A_1938, %get3A_1939] {strides = array<i32>} : memref<4x512xf32, #tpu.memory_space<vmem>>, vector<16xf32>,
      %get3A_1941 = arith.constant 2 : i32
      %get3A_1942 = arith.index_cast %get3A_1941 : i32 to index
      %get3A_1943 = arith.constant 128 : index
      %get3A_1944 = tpu.vector_load %arg5[%get3A_1942, %get3A_1943] {strides = array<i32>} : memref<4x512xf32, #tpu.memory_space<vmem>>, vector<16xf32>,
      %get3A_1945 = arith.constant 3 : i32
      %get3A_1946 = arith.index_cast %get3A_1945 : i32 to index
      %get3A_1947 = arith.constant 128 : index
      %get3A_1948 = tpu.vector_load %arg5[%get3A_1946, %get3A_1947] {strides = array<i32>} : memref<4x512xf32, #tpu.memory_space<vmem>>, vector<16xf32>,
      %mul3A_1949 = arith.mulf %get3A_1936, %get3A_18 : vector<16xf32>
      %mul3A_1950 = arith.mulf %get3A_1940, %get3A_22 : vector<16xf32>
      %add3A_1951 = arith.addf %mul3A_1949, %mul3A_1950 : vector<16xf32>
      %mul3A_1952 = arith.mulf %get3A_1944, %get3A_26 : vector<16xf32>
      %add3A_1953 = arith.addf %add3A_1951, %mul3A_1952 : vector<16xf32>
      %mul3A_1954 = arith.mulf %get3A_1948, %get3A_30 : vector<16xf32>
      %add3A_1955 = arith.addf %add3A_1953, %mul3A_1954 : vector<16xf32>
      %abs3A_1956 = math.absf %get3A_1936 : vector<16xf32>
      %gt3A_1957 = arith.constant 9.99999974E-6 : f32
      %gt3A_1958 = vector.broadcast %gt3A_1957 : f32 to vector<16xf32>
      %gt3A_1959 = arith.cmpf ogt, %abs3A_1956, %gt3A_1958 : vector<16xf32>
      %abs3A_1960 = math.absf %get3A_1940 : vector<16xf32>
      %gt3A_1961 = arith.constant 9.99999974E-6 : f32
      %gt3A_1962 = vector.broadcast %gt3A_1961 : f32 to vector<16xf32>
      %gt3A_1963 = arith.cmpf ogt, %abs3A_1960, %gt3A_1962 : vector<16xf32>
      %and3A_1964 = arith.andi %gt3A_1959, %gt3A_1963 : vector<16xi1>
      %abs3A_1965 = math.absf %get3A_1944 : vector<16xf32>
      %gt3A_1966 = arith.constant 9.99999974E-6 : f32
      %gt3A_1967 = vector.broadcast %gt3A_1966 : f32 to vector<16xf32>
      %gt3A_1968 = arith.cmpf ogt, %abs3A_1965, %gt3A_1967 : vector<16xf32>
      %and3A_1969 = arith.andi %and3A_1964, %gt3A_1968 : vector<16xi1>
      %abs3A_1970 = math.absf %get3A_1948 : vector<16xf32>
      %gt3A_1971 = arith.constant 9.99999974E-6 : f32
      %gt3A_1972 = vector.broadcast %gt3A_1971 : f32 to vector<16xf32>
      %gt3A_1973 = arith.cmpf ogt, %abs3A_1970, %gt3A_1972 : vector<16xf32>
      %and3A_1974 = arith.andi %and3A_1969, %gt3A_1973 : vector<16xi1>
      %sub3A_1975 = vector.broadcast %max3A_1477 : f32 to vector<16xf32>
      %sub3A_1976 = arith.subf %add3A_1955, %sub3A_1975 : vector<16xf32>
      %exp3A_1977 = math.exp %sub3A_1976 : vector<16xf32>
      %jit3A_1978 = arith.constant 0.000000e+00 : f32
      %broadcast_in_dim3A_1979 = vector.broadcast %jit3A_1978 : f32 to vector<16xf32>
      %select_n3A_1980 = arith.select %and3A_1974, %exp3A_1977, %broadcast_in_dim3A_1979 : vector<16xi1>, vector<16xf32>
      %add3A_1981 = arith.addf %add3A_1924, %select_n3A_1980 : vector<16xf32>
      %mul3A_1982 = arith.mulf %select_n3A_1980, %get3A_1936 : vector<16xf32>
      %add3A_1983 = arith.addf %add3A_1926, %mul3A_1982 : vector<16xf32>
      %mul3A_1984 = arith.mulf %select_n3A_1980, %get3A_1940 : vector<16xf32>
      %add3A_1985 = arith.addf %add3A_1928, %mul3A_1984 : vector<16xf32>
      %mul3A_1986 = arith.mulf %select_n3A_1980, %get3A_1944 : vector<16xf32>
      %add3A_1987 = arith.addf %add3A_1930, %mul3A_1986 : vector<16xf32>
      %mul3A_1988 = arith.mulf %select_n3A_1980, %get3A_1948 : vector<16xf32>
      %add3A_1989 = arith.addf %add3A_1932, %mul3A_1988 : vector<16xf32>
      %get3A_1990 = arith.constant 0 : i32
      %get3A_1991 = arith.index_cast %get3A_1990 : i32 to index
      %get3A_1992 = arith.constant 144 : index
      %get3A_1993 = tpu.vector_load %arg5[%get3A_1991, %get3A_1992] {strides = array<i32>} : memref<4x512xf32, #tpu.memory_space<vmem>>, vector<16xf32>,
      %get3A_1994 = arith.constant 1 : i32
      %get3A_1995 = arith.index_cast %get3A_1994 : i32 to index
      %get3A_1996 = arith.constant 144 : index
      %get3A_1997 = tpu.vector_load %arg5[%get3A_1995, %get3A_1996] {strides = array<i32>} : memref<4x512xf32, #tpu.memory_space<vmem>>, vector<16xf32>,
      %get3A_1998 = arith.constant 2 : i32
      %get3A_1999 = arith.index_cast %get3A_1998 : i32 to index
      %get3A_2000 = arith.constant 144 : index
      %get3A_2001 = tpu.vector_load %arg5[%get3A_1999, %get3A_2000] {strides = array<i32>} : memref<4x512xf32, #tpu.memory_space<vmem>>, vector<16xf32>,
      %get3A_2002 = arith.constant 3 : i32
      %get3A_2003 = arith.index_cast %get3A_2002 : i32 to index
      %get3A_2004 = arith.constant 144 : index
      %get3A_2005 = tpu.vector_load %arg5[%get3A_2003, %get3A_2004] {strides = array<i32>} : memref<4x512xf32, #tpu.memory_space<vmem>>, vector<16xf32>,
      %mul3A_2006 = arith.mulf %get3A_1993, %get3A_18 : vector<16xf32>
      %mul3A_2007 = arith.mulf %get3A_1997, %get3A_22 : vector<16xf32>
      %add3A_2008 = arith.addf %mul3A_2006, %mul3A_2007 : vector<16xf32>
      %mul3A_2009 = arith.mulf %get3A_2001, %get3A_26 : vector<16xf32>
      %add3A_2010 = arith.addf %add3A_2008, %mul3A_2009 : vector<16xf32>
      %mul3A_2011 = arith.mulf %get3A_2005, %get3A_30 : vector<16xf32>
      %add3A_2012 = arith.addf %add3A_2010, %mul3A_2011 : vector<16xf32>
      %abs3A_2013 = math.absf %get3A_1993 : vector<16xf32>
      %gt3A_2014 = arith.constant 9.99999974E-6 : f32
      %gt3A_2015 = vector.broadcast %gt3A_2014 : f32 to vector<16xf32>
      %gt3A_2016 = arith.cmpf ogt, %abs3A_2013, %gt3A_2015 : vector<16xf32>
      %abs3A_2017 = math.absf %get3A_1997 : vector<16xf32>
      %gt3A_2018 = arith.constant 9.99999974E-6 : f32
      %gt3A_2019 = vector.broadcast %gt3A_2018 : f32 to vector<16xf32>
      %gt3A_2020 = arith.cmpf ogt, %abs3A_2017, %gt3A_2019 : vector<16xf32>
      %and3A_2021 = arith.andi %gt3A_2016, %gt3A_2020 : vector<16xi1>
      %abs3A_2022 = math.absf %get3A_2001 : vector<16xf32>
      %gt3A_2023 = arith.constant 9.99999974E-6 : f32
      %gt3A_2024 = vector.broadcast %gt3A_2023 : f32 to vector<16xf32>
      %gt3A_2025 = arith.cmpf ogt, %abs3A_2022, %gt3A_2024 : vector<16xf32>
      %and3A_2026 = arith.andi %and3A_2021, %gt3A_2025 : vector<16xi1>
      %abs3A_2027 = math.absf %get3A_2005 : vector<16xf32>
      %gt3A_2028 = arith.constant 9.99999974E-6 : f32
      %gt3A_2029 = vector.broadcast %gt3A_2028 : f32 to vector<16xf32>
      %gt3A_2030 = arith.cmpf ogt, %abs3A_2027, %gt3A_2029 : vector<16xf32>
      %and3A_2031 = arith.andi %and3A_2026, %gt3A_2030 : vector<16xi1>
      %sub3A_2032 = vector.broadcast %max3A_1477 : f32 to vector<16xf32>
      %sub3A_2033 = arith.subf %add3A_2012, %sub3A_2032 : vector<16xf32>
      %exp3A_2034 = math.exp %sub3A_2033 : vector<16xf32>
      %jit3A_2035 = arith.constant 0.000000e+00 : f32
      %broadcast_in_dim3A_2036 = vector.broadcast %jit3A_2035 : f32 to vector<16xf32>
      %select_n3A_2037 = arith.select %and3A_2031, %exp3A_2034, %broadcast_in_dim3A_2036 : vector<16xi1>, vector<16xf32>
      %add3A_2038 = arith.addf %add3A_1981, %select_n3A_2037 : vector<16xf32>
      %mul3A_2039 = arith.mulf %select_n3A_2037, %get3A_1993 : vector<16xf32>
      %add3A_2040 = arith.addf %add3A_1983, %mul3A_2039 : vector<16xf32>
      %mul3A_2041 = arith.mulf %select_n3A_2037, %get3A_1997 : vector<16xf32>
      %add3A_2042 = arith.addf %add3A_1985, %mul3A_2041 : vector<16xf32>
      %mul3A_2043 = arith.mulf %select_n3A_2037, %get3A_2001 : vector<16xf32>
      %add3A_2044 = arith.addf %add3A_1987, %mul3A_2043 : vector<16xf32>
      %mul3A_2045 = arith.mulf %select_n3A_2037, %get3A_2005 : vector<16xf32>
      %add3A_2046 = arith.addf %add3A_1989, %mul3A_2045 : vector<16xf32>
      %get3A_2047 = arith.constant 0 : i32
      %get3A_2048 = arith.index_cast %get3A_2047 : i32 to index
      %get3A_2049 = arith.constant 160 : index
      %get3A_2050 = tpu.vector_load %arg5[%get3A_2048, %get3A_2049] {strides = array<i32>} : memref<4x512xf32, #tpu.memory_space<vmem>>, vector<16xf32>,
      %get3A_2051 = arith.constant 1 : i32
      %get3A_2052 = arith.index_cast %get3A_2051 : i32 to index
      %get3A_2053 = arith.constant 160 : index
      %get3A_2054 = tpu.vector_load %arg5[%get3A_2052, %get3A_2053] {strides = array<i32>} : memref<4x512xf32, #tpu.memory_space<vmem>>, vector<16xf32>,
      %get3A_2055 = arith.constant 2 : i32
      %get3A_2056 = arith.index_cast %get3A_2055 : i32 to index
      %get3A_2057 = arith.constant 160 : index
      %get3A_2058 = tpu.vector_load %arg5[%get3A_2056, %get3A_2057] {strides = array<i32>} : memref<4x512xf32, #tpu.memory_space<vmem>>, vector<16xf32>,
      %get3A_2059 = arith.constant 3 : i32
      %get3A_2060 = arith.index_cast %get3A_2059 : i32 to index
      %get3A_2061 = arith.constant 160 : index
      %get3A_2062 = tpu.vector_load %arg5[%get3A_2060, %get3A_2061] {strides = array<i32>} : memref<4x512xf32, #tpu.memory_space<vmem>>, vector<16xf32>,
      %mul3A_2063 = arith.mulf %get3A_2050, %get3A_18 : vector<16xf32>
      %mul3A_2064 = arith.mulf %get3A_2054, %get3A_22 : vector<16xf32>
      %add3A_2065 = arith.addf %mul3A_2063, %mul3A_2064 : vector<16xf32>
      %mul3A_2066 = arith.mulf %get3A_2058, %get3A_26 : vector<16xf32>
      %add3A_2067 = arith.addf %add3A_2065, %mul3A_2066 : vector<16xf32>
      %mul3A_2068 = arith.mulf %get3A_2062, %get3A_30 : vector<16xf32>
      %add3A_2069 = arith.addf %add3A_2067, %mul3A_2068 : vector<16xf32>
      %abs3A_2070 = math.absf %get3A_2050 : vector<16xf32>
      %gt3A_2071 = arith.constant 9.99999974E-6 : f32
      %gt3A_2072 = vector.broadcast %gt3A_2071 : f32 to vector<16xf32>
      %gt3A_2073 = arith.cmpf ogt, %abs3A_2070, %gt3A_2072 : vector<16xf32>
      %abs3A_2074 = math.absf %get3A_2054 : vector<16xf32>
      %gt3A_2075 = arith.constant 9.99999974E-6 : f32
      %gt3A_2076 = vector.broadcast %gt3A_2075 : f32 to vector<16xf32>
      %gt3A_2077 = arith.cmpf ogt, %abs3A_2074, %gt3A_2076 : vector<16xf32>
      %and3A_2078 = arith.andi %gt3A_2073, %gt3A_2077 : vector<16xi1>
      %abs3A_2079 = math.absf %get3A_2058 : vector<16xf32>
      %gt3A_2080 = arith.constant 9.99999974E-6 : f32
      %gt3A_2081 = vector.broadcast %gt3A_2080 : f32 to vector<16xf32>
      %gt3A_2082 = arith.cmpf ogt, %abs3A_2079, %gt3A_2081 : vector<16xf32>
      %and3A_2083 = arith.andi %and3A_2078, %gt3A_2082 : vector<16xi1>
      %abs3A_2084 = math.absf %get3A_2062 : vector<16xf32>
      %gt3A_2085 = arith.constant 9.99999974E-6 : f32
      %gt3A_2086 = vector.broadcast %gt3A_2085 : f32 to vector<16xf32>
      %gt3A_2087 = arith.cmpf ogt, %abs3A_2084, %gt3A_2086 : vector<16xf32>
      %and3A_2088 = arith.andi %and3A_2083, %gt3A_2087 : vector<16xi1>
      %sub3A_2089 = vector.broadcast %max3A_1477 : f32 to vector<16xf32>
      %sub3A_2090 = arith.subf %add3A_2069, %sub3A_2089 : vector<16xf32>
      %exp3A_2091 = math.exp %sub3A_2090 : vector<16xf32>
      %jit3A_2092 = arith.constant 0.000000e+00 : f32
      %broadcast_in_dim3A_2093 = vector.broadcast %jit3A_2092 : f32 to vector<16xf32>
      %select_n3A_2094 = arith.select %and3A_2088, %exp3A_2091, %broadcast_in_dim3A_2093 : vector<16xi1>, vector<16xf32>
      %add3A_2095 = arith.addf %add3A_2038, %select_n3A_2094 : vector<16xf32>
      %mul3A_2096 = arith.mulf %select_n3A_2094, %get3A_2050 : vector<16xf32>
      %add3A_2097 = arith.addf %add3A_2040, %mul3A_2096 : vector<16xf32>
      %mul3A_2098 = arith.mulf %select_n3A_2094, %get3A_2054 : vector<16xf32>
      %add3A_2099 = arith.addf %add3A_2042, %mul3A_2098 : vector<16xf32>
      %mul3A_2100 = arith.mulf %select_n3A_2094, %get3A_2058 : vector<16xf32>
      %add3A_2101 = arith.addf %add3A_2044, %mul3A_2100 : vector<16xf32>
      %mul3A_2102 = arith.mulf %select_n3A_2094, %get3A_2062 : vector<16xf32>
      %add3A_2103 = arith.addf %add3A_2046, %mul3A_2102 : vector<16xf32>
      %get3A_2104 = arith.constant 0 : i32
      %get3A_2105 = arith.index_cast %get3A_2104 : i32 to index
      %get3A_2106 = arith.constant 176 : index
      %get3A_2107 = tpu.vector_load %arg5[%get3A_2105, %get3A_2106] {strides = array<i32>} : memref<4x512xf32, #tpu.memory_space<vmem>>, vector<16xf32>,
      %get3A_2108 = arith.constant 1 : i32
      %get3A_2109 = arith.index_cast %get3A_2108 : i32 to index
      %get3A_2110 = arith.constant 176 : index
      %get3A_2111 = tpu.vector_load %arg5[%get3A_2109, %get3A_2110] {strides = array<i32>} : memref<4x512xf32, #tpu.memory_space<vmem>>, vector<16xf32>,
      %get3A_2112 = arith.constant 2 : i32
      %get3A_2113 = arith.index_cast %get3A_2112 : i32 to index
      %get3A_2114 = arith.constant 176 : index
      %get3A_2115 = tpu.vector_load %arg5[%get3A_2113, %get3A_2114] {strides = array<i32>} : memref<4x512xf32, #tpu.memory_space<vmem>>, vector<16xf32>,
      %get3A_2116 = arith.constant 3 : i32
      %get3A_2117 = arith.index_cast %get3A_2116 : i32 to index
      %get3A_2118 = arith.constant 176 : index
      %get3A_2119 = tpu.vector_load %arg5[%get3A_2117, %get3A_2118] {strides = array<i32>} : memref<4x512xf32, #tpu.memory_space<vmem>>, vector<16xf32>,
      %mul3A_2120 = arith.mulf %get3A_2107, %get3A_18 : vector<16xf32>
      %mul3A_2121 = arith.mulf %get3A_2111, %get3A_22 : vector<16xf32>
      %add3A_2122 = arith.addf %mul3A_2120, %mul3A_2121 : vector<16xf32>
      %mul3A_2123 = arith.mulf %get3A_2115, %get3A_26 : vector<16xf32>
      %add3A_2124 = arith.addf %add3A_2122, %mul3A_2123 : vector<16xf32>
      %mul3A_2125 = arith.mulf %get3A_2119, %get3A_30 : vector<16xf32>
      %add3A_2126 = arith.addf %add3A_2124, %mul3A_2125 : vector<16xf32>
      %abs3A_2127 = math.absf %get3A_2107 : vector<16xf32>
      %gt3A_2128 = arith.constant 9.99999974E-6 : f32
      %gt3A_2129 = vector.broadcast %gt3A_2128 : f32 to vector<16xf32>
      %gt3A_2130 = arith.cmpf ogt, %abs3A_2127, %gt3A_2129 : vector<16xf32>
      %abs3A_2131 = math.absf %get3A_2111 : vector<16xf32>
      %gt3A_2132 = arith.constant 9.99999974E-6 : f32
      %gt3A_2133 = vector.broadcast %gt3A_2132 : f32 to vector<16xf32>
      %gt3A_2134 = arith.cmpf ogt, %abs3A_2131, %gt3A_2133 : vector<16xf32>
      %and3A_2135 = arith.andi %gt3A_2130, %gt3A_2134 : vector<16xi1>
      %abs3A_2136 = math.absf %get3A_2115 : vector<16xf32>
      %gt3A_2137 = arith.constant 9.99999974E-6 : f32
      %gt3A_2138 = vector.broadcast %gt3A_2137 : f32 to vector<16xf32>
      %gt3A_2139 = arith.cmpf ogt, %abs3A_2136, %gt3A_2138 : vector<16xf32>
      %and3A_2140 = arith.andi %and3A_2135, %gt3A_2139 : vector<16xi1>
      %abs3A_2141 = math.absf %get3A_2119 : vector<16xf32>
      %gt3A_2142 = arith.constant 9.99999974E-6 : f32
      %gt3A_2143 = vector.broadcast %gt3A_2142 : f32 to vector<16xf32>
      %gt3A_2144 = arith.cmpf ogt, %abs3A_2141, %gt3A_2143 : vector<16xf32>
      %and3A_2145 = arith.andi %and3A_2140, %gt3A_2144 : vector<16xi1>
      %sub3A_2146 = vector.broadcast %max3A_1477 : f32 to vector<16xf32>
      %sub3A_2147 = arith.subf %add3A_2126, %sub3A_2146 : vector<16xf32>
      %exp3A_2148 = math.exp %sub3A_2147 : vector<16xf32>
      %jit3A_2149 = arith.constant 0.000000e+00 : f32
      %broadcast_in_dim3A_2150 = vector.broadcast %jit3A_2149 : f32 to vector<16xf32>
      %select_n3A_2151 = arith.select %and3A_2145, %exp3A_2148, %broadcast_in_dim3A_2150 : vector<16xi1>, vector<16xf32>
      %add3A_2152 = arith.addf %add3A_2095, %select_n3A_2151 : vector<16xf32>
      %mul3A_2153 = arith.mulf %select_n3A_2151, %get3A_2107 : vector<16xf32>
      %add3A_2154 = arith.addf %add3A_2097, %mul3A_2153 : vector<16xf32>
      %mul3A_2155 = arith.mulf %select_n3A_2151, %get3A_2111 : vector<16xf32>
      %add3A_2156 = arith.addf %add3A_2099, %mul3A_2155 : vector<16xf32>
      %mul3A_2157 = arith.mulf %select_n3A_2151, %get3A_2115 : vector<16xf32>
      %add3A_2158 = arith.addf %add3A_2101, %mul3A_2157 : vector<16xf32>
      %mul3A_2159 = arith.mulf %select_n3A_2151, %get3A_2119 : vector<16xf32>
      %add3A_2160 = arith.addf %add3A_2103, %mul3A_2159 : vector<16xf32>
      %get3A_2161 = arith.constant 0 : i32
      %get3A_2162 = arith.index_cast %get3A_2161 : i32 to index
      %get3A_2163 = arith.constant 192 : index
      %get3A_2164 = tpu.vector_load %arg5[%get3A_2162, %get3A_2163] {strides = array<i32>} : memref<4x512xf32, #tpu.memory_space<vmem>>, vector<16xf32>,
      %get3A_2165 = arith.constant 1 : i32
      %get3A_2166 = arith.index_cast %get3A_2165 : i32 to index
      %get3A_2167 = arith.constant 192 : index
      %get3A_2168 = tpu.vector_load %arg5[%get3A_2166, %get3A_2167] {strides = array<i32>} : memref<4x512xf32, #tpu.memory_space<vmem>>, vector<16xf32>,
      %get3A_2169 = arith.constant 2 : i32
      %get3A_2170 = arith.index_cast %get3A_2169 : i32 to index
      %get3A_2171 = arith.constant 192 : index
      %get3A_2172 = tpu.vector_load %arg5[%get3A_2170, %get3A_2171] {strides = array<i32>} : memref<4x512xf32, #tpu.memory_space<vmem>>, vector<16xf32>,
      %get3A_2173 = arith.constant 3 : i32
      %get3A_2174 = arith.index_cast %get3A_2173 : i32 to index
      %get3A_2175 = arith.constant 192 : index
      %get3A_2176 = tpu.vector_load %arg5[%get3A_2174, %get3A_2175] {strides = array<i32>} : memref<4x512xf32, #tpu.memory_space<vmem>>, vector<16xf32>,
      %mul3A_2177 = arith.mulf %get3A_2164, %get3A_18 : vector<16xf32>
      %mul3A_2178 = arith.mulf %get3A_2168, %get3A_22 : vector<16xf32>
      %add3A_2179 = arith.addf %mul3A_2177, %mul3A_2178 : vector<16xf32>
      %mul3A_2180 = arith.mulf %get3A_2172, %get3A_26 : vector<16xf32>
      %add3A_2181 = arith.addf %add3A_2179, %mul3A_2180 : vector<16xf32>
      %mul3A_2182 = arith.mulf %get3A_2176, %get3A_30 : vector<16xf32>
      %add3A_2183 = arith.addf %add3A_2181, %mul3A_2182 : vector<16xf32>
      %abs3A_2184 = math.absf %get3A_2164 : vector<16xf32>
      %gt3A_2185 = arith.constant 9.99999974E-6 : f32
      %gt3A_2186 = vector.broadcast %gt3A_2185 : f32 to vector<16xf32>
      %gt3A_2187 = arith.cmpf ogt, %abs3A_2184, %gt3A_2186 : vector<16xf32>
      %abs3A_2188 = math.absf %get3A_2168 : vector<16xf32>
      %gt3A_2189 = arith.constant 9.99999974E-6 : f32
      %gt3A_2190 = vector.broadcast %gt3A_2189 : f32 to vector<16xf32>
      %gt3A_2191 = arith.cmpf ogt, %abs3A_2188, %gt3A_2190 : vector<16xf32>
      %and3A_2192 = arith.andi %gt3A_2187, %gt3A_2191 : vector<16xi1>
      %abs3A_2193 = math.absf %get3A_2172 : vector<16xf32>
      %gt3A_2194 = arith.constant 9.99999974E-6 : f32
      %gt3A_2195 = vector.broadcast %gt3A_2194 : f32 to vector<16xf32>
      %gt3A_2196 = arith.cmpf ogt, %abs3A_2193, %gt3A_2195 : vector<16xf32>
      %and3A_2197 = arith.andi %and3A_2192, %gt3A_2196 : vector<16xi1>
      %abs3A_2198 = math.absf %get3A_2176 : vector<16xf32>
      %gt3A_2199 = arith.constant 9.99999974E-6 : f32
      %gt3A_2200 = vector.broadcast %gt3A_2199 : f32 to vector<16xf32>
      %gt3A_2201 = arith.cmpf ogt, %abs3A_2198, %gt3A_2200 : vector<16xf32>
      %and3A_2202 = arith.andi %and3A_2197, %gt3A_2201 : vector<16xi1>
      %sub3A_2203 = vector.broadcast %max3A_1477 : f32 to vector<16xf32>
      %sub3A_2204 = arith.subf %add3A_2183, %sub3A_2203 : vector<16xf32>
      %exp3A_2205 = math.exp %sub3A_2204 : vector<16xf32>
      %jit3A_2206 = arith.constant 0.000000e+00 : f32
      %broadcast_in_dim3A_2207 = vector.broadcast %jit3A_2206 : f32 to vector<16xf32>
      %select_n3A_2208 = arith.select %and3A_2202, %exp3A_2205, %broadcast_in_dim3A_2207 : vector<16xi1>, vector<16xf32>
      %add3A_2209 = arith.addf %add3A_2152, %select_n3A_2208 : vector<16xf32>
      %mul3A_2210 = arith.mulf %select_n3A_2208, %get3A_2164 : vector<16xf32>
      %add3A_2211 = arith.addf %add3A_2154, %mul3A_2210 : vector<16xf32>
      %mul3A_2212 = arith.mulf %select_n3A_2208, %get3A_2168 : vector<16xf32>
      %add3A_2213 = arith.addf %add3A_2156, %mul3A_2212 : vector<16xf32>
      %mul3A_2214 = arith.mulf %select_n3A_2208, %get3A_2172 : vector<16xf32>
      %add3A_2215 = arith.addf %add3A_2158, %mul3A_2214 : vector<16xf32>
      %mul3A_2216 = arith.mulf %select_n3A_2208, %get3A_2176 : vector<16xf32>
      %add3A_2217 = arith.addf %add3A_2160, %mul3A_2216 : vector<16xf32>
      %get3A_2218 = arith.constant 0 : i32
      %get3A_2219 = arith.index_cast %get3A_2218 : i32 to index
      %get3A_2220 = arith.constant 208 : index
      %get3A_2221 = tpu.vector_load %arg5[%get3A_2219, %get3A_2220] {strides = array<i32>} : memref<4x512xf32, #tpu.memory_space<vmem>>, vector<16xf32>,
      %get3A_2222 = arith.constant 1 : i32
      %get3A_2223 = arith.index_cast %get3A_2222 : i32 to index
      %get3A_2224 = arith.constant 208 : index
      %get3A_2225 = tpu.vector_load %arg5[%get3A_2223, %get3A_2224] {strides = array<i32>} : memref<4x512xf32, #tpu.memory_space<vmem>>, vector<16xf32>,
      %get3A_2226 = arith.constant 2 : i32
      %get3A_2227 = arith.index_cast %get3A_2226 : i32 to index
      %get3A_2228 = arith.constant 208 : index
      %get3A_2229 = tpu.vector_load %arg5[%get3A_2227, %get3A_2228] {strides = array<i32>} : memref<4x512xf32, #tpu.memory_space<vmem>>, vector<16xf32>,
      %get3A_2230 = arith.constant 3 : i32
      %get3A_2231 = arith.index_cast %get3A_2230 : i32 to index
      %get3A_2232 = arith.constant 208 : index
      %get3A_2233 = tpu.vector_load %arg5[%get3A_2231, %get3A_2232] {strides = array<i32>} : memref<4x512xf32, #tpu.memory_space<vmem>>, vector<16xf32>,
      %mul3A_2234 = arith.mulf %get3A_2221, %get3A_18 : vector<16xf32>
      %mul3A_2235 = arith.mulf %get3A_2225, %get3A_22 : vector<16xf32>
      %add3A_2236 = arith.addf %mul3A_2234, %mul3A_2235 : vector<16xf32>
      %mul3A_2237 = arith.mulf %get3A_2229, %get3A_26 : vector<16xf32>
      %add3A_2238 = arith.addf %add3A_2236, %mul3A_2237 : vector<16xf32>
      %mul3A_2239 = arith.mulf %get3A_2233, %get3A_30 : vector<16xf32>
      %add3A_2240 = arith.addf %add3A_2238, %mul3A_2239 : vector<16xf32>
      %abs3A_2241 = math.absf %get3A_2221 : vector<16xf32>
      %gt3A_2242 = arith.constant 9.99999974E-6 : f32
      %gt3A_2243 = vector.broadcast %gt3A_2242 : f32 to vector<16xf32>
      %gt3A_2244 = arith.cmpf ogt, %abs3A_2241, %gt3A_2243 : vector<16xf32>
      %abs3A_2245 = math.absf %get3A_2225 : vector<16xf32>
      %gt3A_2246 = arith.constant 9.99999974E-6 : f32
      %gt3A_2247 = vector.broadcast %gt3A_2246 : f32 to vector<16xf32>
      %gt3A_2248 = arith.cmpf ogt, %abs3A_2245, %gt3A_2247 : vector<16xf32>
      %and3A_2249 = arith.andi %gt3A_2244, %gt3A_2248 : vector<16xi1>
      %abs3A_2250 = math.absf %get3A_2229 : vector<16xf32>
      %gt3A_2251 = arith.constant 9.99999974E-6 : f32
      %gt3A_2252 = vector.broadcast %gt3A_2251 : f32 to vector<16xf32>
      %gt3A_2253 = arith.cmpf ogt, %abs3A_2250, %gt3A_2252 : vector<16xf32>
      %and3A_2254 = arith.andi %and3A_2249, %gt3A_2253 : vector<16xi1>
      %abs3A_2255 = math.absf %get3A_2233 : vector<16xf32>
      %gt3A_2256 = arith.constant 9.99999974E-6 : f32
      %gt3A_2257 = vector.broadcast %gt3A_2256 : f32 to vector<16xf32>
      %gt3A_2258 = arith.cmpf ogt, %abs3A_2255, %gt3A_2257 : vector<16xf32>
      %and3A_2259 = arith.andi %and3A_2254, %gt3A_2258 : vector<16xi1>
      %sub3A_2260 = vector.broadcast %max3A_1477 : f32 to vector<16xf32>
      %sub3A_2261 = arith.subf %add3A_2240, %sub3A_2260 : vector<16xf32>
      %exp3A_2262 = math.exp %sub3A_2261 : vector<16xf32>
      %jit3A_2263 = arith.constant 0.000000e+00 : f32
      %broadcast_in_dim3A_2264 = vector.broadcast %jit3A_2263 : f32 to vector<16xf32>
      %select_n3A_2265 = arith.select %and3A_2259, %exp3A_2262, %broadcast_in_dim3A_2264 : vector<16xi1>, vector<16xf32>
      %add3A_2266 = arith.addf %add3A_2209, %select_n3A_2265 : vector<16xf32>
      %mul3A_2267 = arith.mulf %select_n3A_2265, %get3A_2221 : vector<16xf32>
      %add3A_2268 = arith.addf %add3A_2211, %mul3A_2267 : vector<16xf32>
      %mul3A_2269 = arith.mulf %select_n3A_2265, %get3A_2225 : vector<16xf32>
      %add3A_2270 = arith.addf %add3A_2213, %mul3A_2269 : vector<16xf32>
      %mul3A_2271 = arith.mulf %select_n3A_2265, %get3A_2229 : vector<16xf32>
      %add3A_2272 = arith.addf %add3A_2215, %mul3A_2271 : vector<16xf32>
      %mul3A_2273 = arith.mulf %select_n3A_2265, %get3A_2233 : vector<16xf32>
      %add3A_2274 = arith.addf %add3A_2217, %mul3A_2273 : vector<16xf32>
      %get3A_2275 = arith.constant 0 : i32
      %get3A_2276 = arith.index_cast %get3A_2275 : i32 to index
      %get3A_2277 = arith.constant 224 : index
      %get3A_2278 = tpu.vector_load %arg5[%get3A_2276, %get3A_2277] {strides = array<i32>} : memref<4x512xf32, #tpu.memory_space<vmem>>, vector<16xf32>,
      %get3A_2279 = arith.constant 1 : i32
      %get3A_2280 = arith.index_cast %get3A_2279 : i32 to index
      %get3A_2281 = arith.constant 224 : index
      %get3A_2282 = tpu.vector_load %arg5[%get3A_2280, %get3A_2281] {strides = array<i32>} : memref<4x512xf32, #tpu.memory_space<vmem>>, vector<16xf32>,
      %get3A_2283 = arith.constant 2 : i32
      %get3A_2284 = arith.index_cast %get3A_2283 : i32 to index
      %get3A_2285 = arith.constant 224 : index
      %get3A_2286 = tpu.vector_load %arg5[%get3A_2284, %get3A_2285] {strides = array<i32>} : memref<4x512xf32, #tpu.memory_space<vmem>>, vector<16xf32>,
      %get3A_2287 = arith.constant 3 : i32
      %get3A_2288 = arith.index_cast %get3A_2287 : i32 to index
      %get3A_2289 = arith.constant 224 : index
      %get3A_2290 = tpu.vector_load %arg5[%get3A_2288, %get3A_2289] {strides = array<i32>} : memref<4x512xf32, #tpu.memory_space<vmem>>, vector<16xf32>,
      %mul3A_2291 = arith.mulf %get3A_2278, %get3A_18 : vector<16xf32>
      %mul3A_2292 = arith.mulf %get3A_2282, %get3A_22 : vector<16xf32>
      %add3A_2293 = arith.addf %mul3A_2291, %mul3A_2292 : vector<16xf32>
      %mul3A_2294 = arith.mulf %get3A_2286, %get3A_26 : vector<16xf32>
      %add3A_2295 = arith.addf %add3A_2293, %mul3A_2294 : vector<16xf32>
      %mul3A_2296 = arith.mulf %get3A_2290, %get3A_30 : vector<16xf32>
      %add3A_2297 = arith.addf %add3A_2295, %mul3A_2296 : vector<16xf32>
      %abs3A_2298 = math.absf %get3A_2278 : vector<16xf32>
      %gt3A_2299 = arith.constant 9.99999974E-6 : f32
      %gt3A_2300 = vector.broadcast %gt3A_2299 : f32 to vector<16xf32>
      %gt3A_2301 = arith.cmpf ogt, %abs3A_2298, %gt3A_2300 : vector<16xf32>
      %abs3A_2302 = math.absf %get3A_2282 : vector<16xf32>
      %gt3A_2303 = arith.constant 9.99999974E-6 : f32
      %gt3A_2304 = vector.broadcast %gt3A_2303 : f32 to vector<16xf32>
      %gt3A_2305 = arith.cmpf ogt, %abs3A_2302, %gt3A_2304 : vector<16xf32>
      %and3A_2306 = arith.andi %gt3A_2301, %gt3A_2305 : vector<16xi1>
      %abs3A_2307 = math.absf %get3A_2286 : vector<16xf32>
      %gt3A_2308 = arith.constant 9.99999974E-6 : f32
      %gt3A_2309 = vector.broadcast %gt3A_2308 : f32 to vector<16xf32>
      %gt3A_2310 = arith.cmpf ogt, %abs3A_2307, %gt3A_2309 : vector<16xf32>
      %and3A_2311 = arith.andi %and3A_2306, %gt3A_2310 : vector<16xi1>
      %abs3A_2312 = math.absf %get3A_2290 : vector<16xf32>
      %gt3A_2313 = arith.constant 9.99999974E-6 : f32
      %gt3A_2314 = vector.broadcast %gt3A_2313 : f32 to vector<16xf32>
      %gt3A_2315 = arith.cmpf ogt, %abs3A_2312, %gt3A_2314 : vector<16xf32>
      %and3A_2316 = arith.andi %and3A_2311, %gt3A_2315 : vector<16xi1>
      %sub3A_2317 = vector.broadcast %max3A_1477 : f32 to vector<16xf32>
      %sub3A_2318 = arith.subf %add3A_2297, %sub3A_2317 : vector<16xf32>
      %exp3A_2319 = math.exp %sub3A_2318 : vector<16xf32>
      %jit3A_2320 = arith.constant 0.000000e+00 : f32
      %broadcast_in_dim3A_2321 = vector.broadcast %jit3A_2320 : f32 to vector<16xf32>
      %select_n3A_2322 = arith.select %and3A_2316, %exp3A_2319, %broadcast_in_dim3A_2321 : vector<16xi1>, vector<16xf32>
      %add3A_2323 = arith.addf %add3A_2266, %select_n3A_2322 : vector<16xf32>
      %mul3A_2324 = arith.mulf %select_n3A_2322, %get3A_2278 : vector<16xf32>
      %add3A_2325 = arith.addf %add3A_2268, %mul3A_2324 : vector<16xf32>
      %mul3A_2326 = arith.mulf %select_n3A_2322, %get3A_2282 : vector<16xf32>
      %add3A_2327 = arith.addf %add3A_2270, %mul3A_2326 : vector<16xf32>
      %mul3A_2328 = arith.mulf %select_n3A_2322, %get3A_2286 : vector<16xf32>
      %add3A_2329 = arith.addf %add3A_2272, %mul3A_2328 : vector<16xf32>
      %mul3A_2330 = arith.mulf %select_n3A_2322, %get3A_2290 : vector<16xf32>
      %add3A_2331 = arith.addf %add3A_2274, %mul3A_2330 : vector<16xf32>
      %get3A_2332 = arith.constant 0 : i32
      %get3A_2333 = arith.index_cast %get3A_2332 : i32 to index
      %get3A_2334 = arith.constant 240 : index
      %get3A_2335 = tpu.vector_load %arg5[%get3A_2333, %get3A_2334] {strides = array<i32>} : memref<4x512xf32, #tpu.memory_space<vmem>>, vector<16xf32>,
      %get3A_2336 = arith.constant 1 : i32
      %get3A_2337 = arith.index_cast %get3A_2336 : i32 to index
      %get3A_2338 = arith.constant 240 : index
      %get3A_2339 = tpu.vector_load %arg5[%get3A_2337, %get3A_2338] {strides = array<i32>} : memref<4x512xf32, #tpu.memory_space<vmem>>, vector<16xf32>,
      %get3A_2340 = arith.constant 2 : i32
      %get3A_2341 = arith.index_cast %get3A_2340 : i32 to index
      %get3A_2342 = arith.constant 240 : index
      %get3A_2343 = tpu.vector_load %arg5[%get3A_2341, %get3A_2342] {strides = array<i32>} : memref<4x512xf32, #tpu.memory_space<vmem>>, vector<16xf32>,
      %get3A_2344 = arith.constant 3 : i32
      %get3A_2345 = arith.index_cast %get3A_2344 : i32 to index
      %get3A_2346 = arith.constant 240 : index
      %get3A_2347 = tpu.vector_load %arg5[%get3A_2345, %get3A_2346] {strides = array<i32>} : memref<4x512xf32, #tpu.memory_space<vmem>>, vector<16xf32>,
      %mul3A_2348 = arith.mulf %get3A_2335, %get3A_18 : vector<16xf32>
      %mul3A_2349 = arith.mulf %get3A_2339, %get3A_22 : vector<16xf32>
      %add3A_2350 = arith.addf %mul3A_2348, %mul3A_2349 : vector<16xf32>
      %mul3A_2351 = arith.mulf %get3A_2343, %get3A_26 : vector<16xf32>
      %add3A_2352 = arith.addf %add3A_2350, %mul3A_2351 : vector<16xf32>
      %mul3A_2353 = arith.mulf %get3A_2347, %get3A_30 : vector<16xf32>
      %add3A_2354 = arith.addf %add3A_2352, %mul3A_2353 : vector<16xf32>
      %abs3A_2355 = math.absf %get3A_2335 : vector<16xf32>
      %gt3A_2356 = arith.constant 9.99999974E-6 : f32
      %gt3A_2357 = vector.broadcast %gt3A_2356 : f32 to vector<16xf32>
      %gt3A_2358 = arith.cmpf ogt, %abs3A_2355, %gt3A_2357 : vector<16xf32>
      %abs3A_2359 = math.absf %get3A_2339 : vector<16xf32>
      %gt3A_2360 = arith.constant 9.99999974E-6 : f32
      %gt3A_2361 = vector.broadcast %gt3A_2360 : f32 to vector<16xf32>
      %gt3A_2362 = arith.cmpf ogt, %abs3A_2359, %gt3A_2361 : vector<16xf32>
      %and3A_2363 = arith.andi %gt3A_2358, %gt3A_2362 : vector<16xi1>
      %abs3A_2364 = math.absf %get3A_2343 : vector<16xf32>
      %gt3A_2365 = arith.constant 9.99999974E-6 : f32
      %gt3A_2366 = vector.broadcast %gt3A_2365 : f32 to vector<16xf32>
      %gt3A_2367 = arith.cmpf ogt, %abs3A_2364, %gt3A_2366 : vector<16xf32>
      %and3A_2368 = arith.andi %and3A_2363, %gt3A_2367 : vector<16xi1>
      %abs3A_2369 = math.absf %get3A_2347 : vector<16xf32>
      %gt3A_2370 = arith.constant 9.99999974E-6 : f32
      %gt3A_2371 = vector.broadcast %gt3A_2370 : f32 to vector<16xf32>
      %gt3A_2372 = arith.cmpf ogt, %abs3A_2369, %gt3A_2371 : vector<16xf32>
      %and3A_2373 = arith.andi %and3A_2368, %gt3A_2372 : vector<16xi1>
      %sub3A_2374 = vector.broadcast %max3A_1477 : f32 to vector<16xf32>
      %sub3A_2375 = arith.subf %add3A_2354, %sub3A_2374 : vector<16xf32>
      %exp3A_2376 = math.exp %sub3A_2375 : vector<16xf32>
      %jit3A_2377 = arith.constant 0.000000e+00 : f32
      %broadcast_in_dim3A_2378 = vector.broadcast %jit3A_2377 : f32 to vector<16xf32>
      %select_n3A_2379 = arith.select %and3A_2373, %exp3A_2376, %broadcast_in_dim3A_2378 : vector<16xi1>, vector<16xf32>
      %add3A_2380 = arith.addf %add3A_2323, %select_n3A_2379 : vector<16xf32>
      %mul3A_2381 = arith.mulf %select_n3A_2379, %get3A_2335 : vector<16xf32>
      %add3A_2382 = arith.addf %add3A_2325, %mul3A_2381 : vector<16xf32>
      %mul3A_2383 = arith.mulf %select_n3A_2379, %get3A_2339 : vector<16xf32>
      %add3A_2384 = arith.addf %add3A_2327, %mul3A_2383 : vector<16xf32>
      %mul3A_2385 = arith.mulf %select_n3A_2379, %get3A_2343 : vector<16xf32>
      %add3A_2386 = arith.addf %add3A_2329, %mul3A_2385 : vector<16xf32>
      %mul3A_2387 = arith.mulf %select_n3A_2379, %get3A_2347 : vector<16xf32>
      %add3A_2388 = arith.addf %add3A_2331, %mul3A_2387 : vector<16xf32>
      %get3A_2389 = arith.constant 0 : i32
      %get3A_2390 = arith.index_cast %get3A_2389 : i32 to index
      %get3A_2391 = arith.constant 256 : index
      %get3A_2392 = tpu.vector_load %arg5[%get3A_2390, %get3A_2391] {strides = array<i32>} : memref<4x512xf32, #tpu.memory_space<vmem>>, vector<16xf32>,
      %get3A_2393 = arith.constant 1 : i32
      %get3A_2394 = arith.index_cast %get3A_2393 : i32 to index
      %get3A_2395 = arith.constant 256 : index
      %get3A_2396 = tpu.vector_load %arg5[%get3A_2394, %get3A_2395] {strides = array<i32>} : memref<4x512xf32, #tpu.memory_space<vmem>>, vector<16xf32>,
      %get3A_2397 = arith.constant 2 : i32
      %get3A_2398 = arith.index_cast %get3A_2397 : i32 to index
      %get3A_2399 = arith.constant 256 : index
      %get3A_2400 = tpu.vector_load %arg5[%get3A_2398, %get3A_2399] {strides = array<i32>} : memref<4x512xf32, #tpu.memory_space<vmem>>, vector<16xf32>,
      %get3A_2401 = arith.constant 3 : i32
      %get3A_2402 = arith.index_cast %get3A_2401 : i32 to index
      %get3A_2403 = arith.constant 256 : index
      %get3A_2404 = tpu.vector_load %arg5[%get3A_2402, %get3A_2403] {strides = array<i32>} : memref<4x512xf32, #tpu.memory_space<vmem>>, vector<16xf32>,
      %mul3A_2405 = arith.mulf %get3A_2392, %get3A_18 : vector<16xf32>
      %mul3A_2406 = arith.mulf %get3A_2396, %get3A_22 : vector<16xf32>
      %add3A_2407 = arith.addf %mul3A_2405, %mul3A_2406 : vector<16xf32>
      %mul3A_2408 = arith.mulf %get3A_2400, %get3A_26 : vector<16xf32>
      %add3A_2409 = arith.addf %add3A_2407, %mul3A_2408 : vector<16xf32>
      %mul3A_2410 = arith.mulf %get3A_2404, %get3A_30 : vector<16xf32>
      %add3A_2411 = arith.addf %add3A_2409, %mul3A_2410 : vector<16xf32>
      %abs3A_2412 = math.absf %get3A_2392 : vector<16xf32>
      %gt3A_2413 = arith.constant 9.99999974E-6 : f32
      %gt3A_2414 = vector.broadcast %gt3A_2413 : f32 to vector<16xf32>
      %gt3A_2415 = arith.cmpf ogt, %abs3A_2412, %gt3A_2414 : vector<16xf32>
      %abs3A_2416 = math.absf %get3A_2396 : vector<16xf32>
      %gt3A_2417 = arith.constant 9.99999974E-6 : f32
      %gt3A_2418 = vector.broadcast %gt3A_2417 : f32 to vector<16xf32>
      %gt3A_2419 = arith.cmpf ogt, %abs3A_2416, %gt3A_2418 : vector<16xf32>
      %and3A_2420 = arith.andi %gt3A_2415, %gt3A_2419 : vector<16xi1>
      %abs3A_2421 = math.absf %get3A_2400 : vector<16xf32>
      %gt3A_2422 = arith.constant 9.99999974E-6 : f32
      %gt3A_2423 = vector.broadcast %gt3A_2422 : f32 to vector<16xf32>
      %gt3A_2424 = arith.cmpf ogt, %abs3A_2421, %gt3A_2423 : vector<16xf32>
      %and3A_2425 = arith.andi %and3A_2420, %gt3A_2424 : vector<16xi1>
      %abs3A_2426 = math.absf %get3A_2404 : vector<16xf32>
      %gt3A_2427 = arith.constant 9.99999974E-6 : f32
      %gt3A_2428 = vector.broadcast %gt3A_2427 : f32 to vector<16xf32>
      %gt3A_2429 = arith.cmpf ogt, %abs3A_2426, %gt3A_2428 : vector<16xf32>
      %and3A_2430 = arith.andi %and3A_2425, %gt3A_2429 : vector<16xi1>
      %sub3A_2431 = vector.broadcast %max3A_1477 : f32 to vector<16xf32>
      %sub3A_2432 = arith.subf %add3A_2411, %sub3A_2431 : vector<16xf32>
      %exp3A_2433 = math.exp %sub3A_2432 : vector<16xf32>
      %jit3A_2434 = arith.constant 0.000000e+00 : f32
      %broadcast_in_dim3A_2435 = vector.broadcast %jit3A_2434 : f32 to vector<16xf32>
      %select_n3A_2436 = arith.select %and3A_2430, %exp3A_2433, %broadcast_in_dim3A_2435 : vector<16xi1>, vector<16xf32>
      %add3A_2437 = arith.addf %add3A_2380, %select_n3A_2436 : vector<16xf32>
      %mul3A_2438 = arith.mulf %select_n3A_2436, %get3A_2392 : vector<16xf32>
      %add3A_2439 = arith.addf %add3A_2382, %mul3A_2438 : vector<16xf32>
      %mul3A_2440 = arith.mulf %select_n3A_2436, %get3A_2396 : vector<16xf32>
      %add3A_2441 = arith.addf %add3A_2384, %mul3A_2440 : vector<16xf32>
      %mul3A_2442 = arith.mulf %select_n3A_2436, %get3A_2400 : vector<16xf32>
      %add3A_2443 = arith.addf %add3A_2386, %mul3A_2442 : vector<16xf32>
      %mul3A_2444 = arith.mulf %select_n3A_2436, %get3A_2404 : vector<16xf32>
      %add3A_2445 = arith.addf %add3A_2388, %mul3A_2444 : vector<16xf32>
      %get3A_2446 = arith.constant 0 : i32
      %get3A_2447 = arith.index_cast %get3A_2446 : i32 to index
      %get3A_2448 = arith.constant 272 : index
      %get3A_2449 = tpu.vector_load %arg5[%get3A_2447, %get3A_2448] {strides = array<i32>} : memref<4x512xf32, #tpu.memory_space<vmem>>, vector<16xf32>,
      %get3A_2450 = arith.constant 1 : i32
      %get3A_2451 = arith.index_cast %get3A_2450 : i32 to index
      %get3A_2452 = arith.constant 272 : index
      %get3A_2453 = tpu.vector_load %arg5[%get3A_2451, %get3A_2452] {strides = array<i32>} : memref<4x512xf32, #tpu.memory_space<vmem>>, vector<16xf32>,
      %get3A_2454 = arith.constant 2 : i32
      %get3A_2455 = arith.index_cast %get3A_2454 : i32 to index
      %get3A_2456 = arith.constant 272 : index
      %get3A_2457 = tpu.vector_load %arg5[%get3A_2455, %get3A_2456] {strides = array<i32>} : memref<4x512xf32, #tpu.memory_space<vmem>>, vector<16xf32>,
      %get3A_2458 = arith.constant 3 : i32
      %get3A_2459 = arith.index_cast %get3A_2458 : i32 to index
      %get3A_2460 = arith.constant 272 : index
      %get3A_2461 = tpu.vector_load %arg5[%get3A_2459, %get3A_2460] {strides = array<i32>} : memref<4x512xf32, #tpu.memory_space<vmem>>, vector<16xf32>,
      %mul3A_2462 = arith.mulf %get3A_2449, %get3A_18 : vector<16xf32>
      %mul3A_2463 = arith.mulf %get3A_2453, %get3A_22 : vector<16xf32>
      %add3A_2464 = arith.addf %mul3A_2462, %mul3A_2463 : vector<16xf32>
      %mul3A_2465 = arith.mulf %get3A_2457, %get3A_26 : vector<16xf32>
      %add3A_2466 = arith.addf %add3A_2464, %mul3A_2465 : vector<16xf32>
      %mul3A_2467 = arith.mulf %get3A_2461, %get3A_30 : vector<16xf32>
      %add3A_2468 = arith.addf %add3A_2466, %mul3A_2467 : vector<16xf32>
      %abs3A_2469 = math.absf %get3A_2449 : vector<16xf32>
      %gt3A_2470 = arith.constant 9.99999974E-6 : f32
      %gt3A_2471 = vector.broadcast %gt3A_2470 : f32 to vector<16xf32>
      %gt3A_2472 = arith.cmpf ogt, %abs3A_2469, %gt3A_2471 : vector<16xf32>
      %abs3A_2473 = math.absf %get3A_2453 : vector<16xf32>
      %gt3A_2474 = arith.constant 9.99999974E-6 : f32
      %gt3A_2475 = vector.broadcast %gt3A_2474 : f32 to vector<16xf32>
      %gt3A_2476 = arith.cmpf ogt, %abs3A_2473, %gt3A_2475 : vector<16xf32>
      %and3A_2477 = arith.andi %gt3A_2472, %gt3A_2476 : vector<16xi1>
      %abs3A_2478 = math.absf %get3A_2457 : vector<16xf32>
      %gt3A_2479 = arith.constant 9.99999974E-6 : f32
      %gt3A_2480 = vector.broadcast %gt3A_2479 : f32 to vector<16xf32>
      %gt3A_2481 = arith.cmpf ogt, %abs3A_2478, %gt3A_2480 : vector<16xf32>
      %and3A_2482 = arith.andi %and3A_2477, %gt3A_2481 : vector<16xi1>
      %abs3A_2483 = math.absf %get3A_2461 : vector<16xf32>
      %gt3A_2484 = arith.constant 9.99999974E-6 : f32
      %gt3A_2485 = vector.broadcast %gt3A_2484 : f32 to vector<16xf32>
      %gt3A_2486 = arith.cmpf ogt, %abs3A_2483, %gt3A_2485 : vector<16xf32>
      %and3A_2487 = arith.andi %and3A_2482, %gt3A_2486 : vector<16xi1>
      %sub3A_2488 = vector.broadcast %max3A_1477 : f32 to vector<16xf32>
      %sub3A_2489 = arith.subf %add3A_2468, %sub3A_2488 : vector<16xf32>
      %exp3A_2490 = math.exp %sub3A_2489 : vector<16xf32>
      %jit3A_2491 = arith.constant 0.000000e+00 : f32
      %broadcast_in_dim3A_2492 = vector.broadcast %jit3A_2491 : f32 to vector<16xf32>
      %select_n3A_2493 = arith.select %and3A_2487, %exp3A_2490, %broadcast_in_dim3A_2492 : vector<16xi1>, vector<16xf32>
      %add3A_2494 = arith.addf %add3A_2437, %select_n3A_2493 : vector<16xf32>
      %mul3A_2495 = arith.mulf %select_n3A_2493, %get3A_2449 : vector<16xf32>
      %add3A_2496 = arith.addf %add3A_2439, %mul3A_2495 : vector<16xf32>
      %mul3A_2497 = arith.mulf %select_n3A_2493, %get3A_2453 : vector<16xf32>
      %add3A_2498 = arith.addf %add3A_2441, %mul3A_2497 : vector<16xf32>
      %mul3A_2499 = arith.mulf %select_n3A_2493, %get3A_2457 : vector<16xf32>
      %add3A_2500 = arith.addf %add3A_2443, %mul3A_2499 : vector<16xf32>
      %mul3A_2501 = arith.mulf %select_n3A_2493, %get3A_2461 : vector<16xf32>
      %add3A_2502 = arith.addf %add3A_2445, %mul3A_2501 : vector<16xf32>
      %get3A_2503 = arith.constant 0 : i32
      %get3A_2504 = arith.index_cast %get3A_2503 : i32 to index
      %get3A_2505 = arith.constant 288 : index
      %get3A_2506 = tpu.vector_load %arg5[%get3A_2504, %get3A_2505] {strides = array<i32>} : memref<4x512xf32, #tpu.memory_space<vmem>>, vector<16xf32>,
      %get3A_2507 = arith.constant 1 : i32
      %get3A_2508 = arith.index_cast %get3A_2507 : i32 to index
      %get3A_2509 = arith.constant 288 : index
      %get3A_2510 = tpu.vector_load %arg5[%get3A_2508, %get3A_2509] {strides = array<i32>} : memref<4x512xf32, #tpu.memory_space<vmem>>, vector<16xf32>,
      %get3A_2511 = arith.constant 2 : i32
      %get3A_2512 = arith.index_cast %get3A_2511 : i32 to index
      %get3A_2513 = arith.constant 288 : index
      %get3A_2514 = tpu.vector_load %arg5[%get3A_2512, %get3A_2513] {strides = array<i32>} : memref<4x512xf32, #tpu.memory_space<vmem>>, vector<16xf32>,
      %get3A_2515 = arith.constant 3 : i32
      %get3A_2516 = arith.index_cast %get3A_2515 : i32 to index
      %get3A_2517 = arith.constant 288 : index
      %get3A_2518 = tpu.vector_load %arg5[%get3A_2516, %get3A_2517] {strides = array<i32>} : memref<4x512xf32, #tpu.memory_space<vmem>>, vector<16xf32>,
      %mul3A_2519 = arith.mulf %get3A_2506, %get3A_18 : vector<16xf32>
      %mul3A_2520 = arith.mulf %get3A_2510, %get3A_22 : vector<16xf32>
      %add3A_2521 = arith.addf %mul3A_2519, %mul3A_2520 : vector<16xf32>
      %mul3A_2522 = arith.mulf %get3A_2514, %get3A_26 : vector<16xf32>
      %add3A_2523 = arith.addf %add3A_2521, %mul3A_2522 : vector<16xf32>
      %mul3A_2524 = arith.mulf %get3A_2518, %get3A_30 : vector<16xf32>
      %add3A_2525 = arith.addf %add3A_2523, %mul3A_2524 : vector<16xf32>
      %abs3A_2526 = math.absf %get3A_2506 : vector<16xf32>
      %gt3A_2527 = arith.constant 9.99999974E-6 : f32
      %gt3A_2528 = vector.broadcast %gt3A_2527 : f32 to vector<16xf32>
      %gt3A_2529 = arith.cmpf ogt, %abs3A_2526, %gt3A_2528 : vector<16xf32>
      %abs3A_2530 = math.absf %get3A_2510 : vector<16xf32>
      %gt3A_2531 = arith.constant 9.99999974E-6 : f32
      %gt3A_2532 = vector.broadcast %gt3A_2531 : f32 to vector<16xf32>
      %gt3A_2533 = arith.cmpf ogt, %abs3A_2530, %gt3A_2532 : vector<16xf32>
      %and3A_2534 = arith.andi %gt3A_2529, %gt3A_2533 : vector<16xi1>
      %abs3A_2535 = math.absf %get3A_2514 : vector<16xf32>
      %gt3A_2536 = arith.constant 9.99999974E-6 : f32
      %gt3A_2537 = vector.broadcast %gt3A_2536 : f32 to vector<16xf32>
      %gt3A_2538 = arith.cmpf ogt, %abs3A_2535, %gt3A_2537 : vector<16xf32>
      %and3A_2539 = arith.andi %and3A_2534, %gt3A_2538 : vector<16xi1>
      %abs3A_2540 = math.absf %get3A_2518 : vector<16xf32>
      %gt3A_2541 = arith.constant 9.99999974E-6 : f32
      %gt3A_2542 = vector.broadcast %gt3A_2541 : f32 to vector<16xf32>
      %gt3A_2543 = arith.cmpf ogt, %abs3A_2540, %gt3A_2542 : vector<16xf32>
      %and3A_2544 = arith.andi %and3A_2539, %gt3A_2543 : vector<16xi1>
      %sub3A_2545 = vector.broadcast %max3A_1477 : f32 to vector<16xf32>
      %sub3A_2546 = arith.subf %add3A_2525, %sub3A_2545 : vector<16xf32>
      %exp3A_2547 = math.exp %sub3A_2546 : vector<16xf32>
      %jit3A_2548 = arith.constant 0.000000e+00 : f32
      %broadcast_in_dim3A_2549 = vector.broadcast %jit3A_2548 : f32 to vector<16xf32>
      %select_n3A_2550 = arith.select %and3A_2544, %exp3A_2547, %broadcast_in_dim3A_2549 : vector<16xi1>, vector<16xf32>
      %add3A_2551 = arith.addf %add3A_2494, %select_n3A_2550 : vector<16xf32>
      %mul3A_2552 = arith.mulf %select_n3A_2550, %get3A_2506 : vector<16xf32>
      %add3A_2553 = arith.addf %add3A_2496, %mul3A_2552 : vector<16xf32>
      %mul3A_2554 = arith.mulf %select_n3A_2550, %get3A_2510 : vector<16xf32>
      %add3A_2555 = arith.addf %add3A_2498, %mul3A_2554 : vector<16xf32>
      %mul3A_2556 = arith.mulf %select_n3A_2550, %get3A_2514 : vector<16xf32>
      %add3A_2557 = arith.addf %add3A_2500, %mul3A_2556 : vector<16xf32>
      %mul3A_2558 = arith.mulf %select_n3A_2550, %get3A_2518 : vector<16xf32>
      %add3A_2559 = arith.addf %add3A_2502, %mul3A_2558 : vector<16xf32>
      %get3A_2560 = arith.constant 0 : i32
      %get3A_2561 = arith.index_cast %get3A_2560 : i32 to index
      %get3A_2562 = arith.constant 304 : index
      %get3A_2563 = tpu.vector_load %arg5[%get3A_2561, %get3A_2562] {strides = array<i32>} : memref<4x512xf32, #tpu.memory_space<vmem>>, vector<16xf32>,
      %get3A_2564 = arith.constant 1 : i32
      %get3A_2565 = arith.index_cast %get3A_2564 : i32 to index
      %get3A_2566 = arith.constant 304 : index
      %get3A_2567 = tpu.vector_load %arg5[%get3A_2565, %get3A_2566] {strides = array<i32>} : memref<4x512xf32, #tpu.memory_space<vmem>>, vector<16xf32>,
      %get3A_2568 = arith.constant 2 : i32
      %get3A_2569 = arith.index_cast %get3A_2568 : i32 to index
      %get3A_2570 = arith.constant 304 : index
      %get3A_2571 = tpu.vector_load %arg5[%get3A_2569, %get3A_2570] {strides = array<i32>} : memref<4x512xf32, #tpu.memory_space<vmem>>, vector<16xf32>,
      %get3A_2572 = arith.constant 3 : i32
      %get3A_2573 = arith.index_cast %get3A_2572 : i32 to index
      %get3A_2574 = arith.constant 304 : index
      %get3A_2575 = tpu.vector_load %arg5[%get3A_2573, %get3A_2574] {strides = array<i32>} : memref<4x512xf32, #tpu.memory_space<vmem>>, vector<16xf32>,
      %mul3A_2576 = arith.mulf %get3A_2563, %get3A_18 : vector<16xf32>
      %mul3A_2577 = arith.mulf %get3A_2567, %get3A_22 : vector<16xf32>
      %add3A_2578 = arith.addf %mul3A_2576, %mul3A_2577 : vector<16xf32>
      %mul3A_2579 = arith.mulf %get3A_2571, %get3A_26 : vector<16xf32>
      %add3A_2580 = arith.addf %add3A_2578, %mul3A_2579 : vector<16xf32>
      %mul3A_2581 = arith.mulf %get3A_2575, %get3A_30 : vector<16xf32>
      %add3A_2582 = arith.addf %add3A_2580, %mul3A_2581 : vector<16xf32>
      %abs3A_2583 = math.absf %get3A_2563 : vector<16xf32>
      %gt3A_2584 = arith.constant 9.99999974E-6 : f32
      %gt3A_2585 = vector.broadcast %gt3A_2584 : f32 to vector<16xf32>
      %gt3A_2586 = arith.cmpf ogt, %abs3A_2583, %gt3A_2585 : vector<16xf32>
      %abs3A_2587 = math.absf %get3A_2567 : vector<16xf32>
      %gt3A_2588 = arith.constant 9.99999974E-6 : f32
      %gt3A_2589 = vector.broadcast %gt3A_2588 : f32 to vector<16xf32>
      %gt3A_2590 = arith.cmpf ogt, %abs3A_2587, %gt3A_2589 : vector<16xf32>
      %and3A_2591 = arith.andi %gt3A_2586, %gt3A_2590 : vector<16xi1>
      %abs3A_2592 = math.absf %get3A_2571 : vector<16xf32>
      %gt3A_2593 = arith.constant 9.99999974E-6 : f32
      %gt3A_2594 = vector.broadcast %gt3A_2593 : f32 to vector<16xf32>
      %gt3A_2595 = arith.cmpf ogt, %abs3A_2592, %gt3A_2594 : vector<16xf32>
      %and3A_2596 = arith.andi %and3A_2591, %gt3A_2595 : vector<16xi1>
      %abs3A_2597 = math.absf %get3A_2575 : vector<16xf32>
      %gt3A_2598 = arith.constant 9.99999974E-6 : f32
      %gt3A_2599 = vector.broadcast %gt3A_2598 : f32 to vector<16xf32>
      %gt3A_2600 = arith.cmpf ogt, %abs3A_2597, %gt3A_2599 : vector<16xf32>
      %and3A_2601 = arith.andi %and3A_2596, %gt3A_2600 : vector<16xi1>
      %sub3A_2602 = vector.broadcast %max3A_1477 : f32 to vector<16xf32>
      %sub3A_2603 = arith.subf %add3A_2582, %sub3A_2602 : vector<16xf32>
      %exp3A_2604 = math.exp %sub3A_2603 : vector<16xf32>
      %jit3A_2605 = arith.constant 0.000000e+00 : f32
      %broadcast_in_dim3A_2606 = vector.broadcast %jit3A_2605 : f32 to vector<16xf32>
      %select_n3A_2607 = arith.select %and3A_2601, %exp3A_2604, %broadcast_in_dim3A_2606 : vector<16xi1>, vector<16xf32>
      %add3A_2608 = arith.addf %add3A_2551, %select_n3A_2607 : vector<16xf32>
      %mul3A_2609 = arith.mulf %select_n3A_2607, %get3A_2563 : vector<16xf32>
      %add3A_2610 = arith.addf %add3A_2553, %mul3A_2609 : vector<16xf32>
      %mul3A_2611 = arith.mulf %select_n3A_2607, %get3A_2567 : vector<16xf32>
      %add3A_2612 = arith.addf %add3A_2555, %mul3A_2611 : vector<16xf32>
      %mul3A_2613 = arith.mulf %select_n3A_2607, %get3A_2571 : vector<16xf32>
      %add3A_2614 = arith.addf %add3A_2557, %mul3A_2613 : vector<16xf32>
      %mul3A_2615 = arith.mulf %select_n3A_2607, %get3A_2575 : vector<16xf32>
      %add3A_2616 = arith.addf %add3A_2559, %mul3A_2615 : vector<16xf32>
      %get3A_2617 = arith.constant 0 : i32
      %get3A_2618 = arith.index_cast %get3A_2617 : i32 to index
      %get3A_2619 = arith.constant 320 : index
      %get3A_2620 = tpu.vector_load %arg5[%get3A_2618, %get3A_2619] {strides = array<i32>} : memref<4x512xf32, #tpu.memory_space<vmem>>, vector<16xf32>,
      %get3A_2621 = arith.constant 1 : i32
      %get3A_2622 = arith.index_cast %get3A_2621 : i32 to index
      %get3A_2623 = arith.constant 320 : index
      %get3A_2624 = tpu.vector_load %arg5[%get3A_2622, %get3A_2623] {strides = array<i32>} : memref<4x512xf32, #tpu.memory_space<vmem>>, vector<16xf32>,
      %get3A_2625 = arith.constant 2 : i32
      %get3A_2626 = arith.index_cast %get3A_2625 : i32 to index
      %get3A_2627 = arith.constant 320 : index
      %get3A_2628 = tpu.vector_load %arg5[%get3A_2626, %get3A_2627] {strides = array<i32>} : memref<4x512xf32, #tpu.memory_space<vmem>>, vector<16xf32>,
      %get3A_2629 = arith.constant 3 : i32
      %get3A_2630 = arith.index_cast %get3A_2629 : i32 to index
      %get3A_2631 = arith.constant 320 : index
      %get3A_2632 = tpu.vector_load %arg5[%get3A_2630, %get3A_2631] {strides = array<i32>} : memref<4x512xf32, #tpu.memory_space<vmem>>, vector<16xf32>,
      %mul3A_2633 = arith.mulf %get3A_2620, %get3A_18 : vector<16xf32>
      %mul3A_2634 = arith.mulf %get3A_2624, %get3A_22 : vector<16xf32>
      %add3A_2635 = arith.addf %mul3A_2633, %mul3A_2634 : vector<16xf32>
      %mul3A_2636 = arith.mulf %get3A_2628, %get3A_26 : vector<16xf32>
      %add3A_2637 = arith.addf %add3A_2635, %mul3A_2636 : vector<16xf32>
      %mul3A_2638 = arith.mulf %get3A_2632, %get3A_30 : vector<16xf32>
      %add3A_2639 = arith.addf %add3A_2637, %mul3A_2638 : vector<16xf32>
      %abs3A_2640 = math.absf %get3A_2620 : vector<16xf32>
      %gt3A_2641 = arith.constant 9.99999974E-6 : f32
      %gt3A_2642 = vector.broadcast %gt3A_2641 : f32 to vector<16xf32>
      %gt3A_2643 = arith.cmpf ogt, %abs3A_2640, %gt3A_2642 : vector<16xf32>
      %abs3A_2644 = math.absf %get3A_2624 : vector<16xf32>
      %gt3A_2645 = arith.constant 9.99999974E-6 : f32
      %gt3A_2646 = vector.broadcast %gt3A_2645 : f32 to vector<16xf32>
      %gt3A_2647 = arith.cmpf ogt, %abs3A_2644, %gt3A_2646 : vector<16xf32>
      %and3A_2648 = arith.andi %gt3A_2643, %gt3A_2647 : vector<16xi1>
      %abs3A_2649 = math.absf %get3A_2628 : vector<16xf32>
      %gt3A_2650 = arith.constant 9.99999974E-6 : f32
      %gt3A_2651 = vector.broadcast %gt3A_2650 : f32 to vector<16xf32>
      %gt3A_2652 = arith.cmpf ogt, %abs3A_2649, %gt3A_2651 : vector<16xf32>
      %and3A_2653 = arith.andi %and3A_2648, %gt3A_2652 : vector<16xi1>
      %abs3A_2654 = math.absf %get3A_2632 : vector<16xf32>
      %gt3A_2655 = arith.constant 9.99999974E-6 : f32
      %gt3A_2656 = vector.broadcast %gt3A_2655 : f32 to vector<16xf32>
      %gt3A_2657 = arith.cmpf ogt, %abs3A_2654, %gt3A_2656 : vector<16xf32>
      %and3A_2658 = arith.andi %and3A_2653, %gt3A_2657 : vector<16xi1>
      %sub3A_2659 = vector.broadcast %max3A_1477 : f32 to vector<16xf32>
      %sub3A_2660 = arith.subf %add3A_2639, %sub3A_2659 : vector<16xf32>
      %exp3A_2661 = math.exp %sub3A_2660 : vector<16xf32>
      %jit3A_2662 = arith.constant 0.000000e+00 : f32
      %broadcast_in_dim3A_2663 = vector.broadcast %jit3A_2662 : f32 to vector<16xf32>
      %select_n3A_2664 = arith.select %and3A_2658, %exp3A_2661, %broadcast_in_dim3A_2663 : vector<16xi1>, vector<16xf32>
      %add3A_2665 = arith.addf %add3A_2608, %select_n3A_2664 : vector<16xf32>
      %mul3A_2666 = arith.mulf %select_n3A_2664, %get3A_2620 : vector<16xf32>
      %add3A_2667 = arith.addf %add3A_2610, %mul3A_2666 : vector<16xf32>
      %mul3A_2668 = arith.mulf %select_n3A_2664, %get3A_2624 : vector<16xf32>
      %add3A_2669 = arith.addf %add3A_2612, %mul3A_2668 : vector<16xf32>
      %mul3A_2670 = arith.mulf %select_n3A_2664, %get3A_2628 : vector<16xf32>
      %add3A_2671 = arith.addf %add3A_2614, %mul3A_2670 : vector<16xf32>
      %mul3A_2672 = arith.mulf %select_n3A_2664, %get3A_2632 : vector<16xf32>
      %add3A_2673 = arith.addf %add3A_2616, %mul3A_2672 : vector<16xf32>
      %get3A_2674 = arith.constant 0 : i32
      %get3A_2675 = arith.index_cast %get3A_2674 : i32 to index
      %get3A_2676 = arith.constant 336 : index
      %get3A_2677 = tpu.vector_load %arg5[%get3A_2675, %get3A_2676] {strides = array<i32>} : memref<4x512xf32, #tpu.memory_space<vmem>>, vector<16xf32>,
      %get3A_2678 = arith.constant 1 : i32
      %get3A_2679 = arith.index_cast %get3A_2678 : i32 to index
      %get3A_2680 = arith.constant 336 : index
      %get3A_2681 = tpu.vector_load %arg5[%get3A_2679, %get3A_2680] {strides = array<i32>} : memref<4x512xf32, #tpu.memory_space<vmem>>, vector<16xf32>,
      %get3A_2682 = arith.constant 2 : i32
      %get3A_2683 = arith.index_cast %get3A_2682 : i32 to index
      %get3A_2684 = arith.constant 336 : index
      %get3A_2685 = tpu.vector_load %arg5[%get3A_2683, %get3A_2684] {strides = array<i32>} : memref<4x512xf32, #tpu.memory_space<vmem>>, vector<16xf32>,
      %get3A_2686 = arith.constant 3 : i32
      %get3A_2687 = arith.index_cast %get3A_2686 : i32 to index
      %get3A_2688 = arith.constant 336 : index
      %get3A_2689 = tpu.vector_load %arg5[%get3A_2687, %get3A_2688] {strides = array<i32>} : memref<4x512xf32, #tpu.memory_space<vmem>>, vector<16xf32>,
      %mul3A_2690 = arith.mulf %get3A_2677, %get3A_18 : vector<16xf32>
      %mul3A_2691 = arith.mulf %get3A_2681, %get3A_22 : vector<16xf32>
      %add3A_2692 = arith.addf %mul3A_2690, %mul3A_2691 : vector<16xf32>
      %mul3A_2693 = arith.mulf %get3A_2685, %get3A_26 : vector<16xf32>
      %add3A_2694 = arith.addf %add3A_2692, %mul3A_2693 : vector<16xf32>
      %mul3A_2695 = arith.mulf %get3A_2689, %get3A_30 : vector<16xf32>
      %add3A_2696 = arith.addf %add3A_2694, %mul3A_2695 : vector<16xf32>
      %abs3A_2697 = math.absf %get3A_2677 : vector<16xf32>
      %gt3A_2698 = arith.constant 9.99999974E-6 : f32
      %gt3A_2699 = vector.broadcast %gt3A_2698 : f32 to vector<16xf32>
      %gt3A_2700 = arith.cmpf ogt, %abs3A_2697, %gt3A_2699 : vector<16xf32>
      %abs3A_2701 = math.absf %get3A_2681 : vector<16xf32>
      %gt3A_2702 = arith.constant 9.99999974E-6 : f32
      %gt3A_2703 = vector.broadcast %gt3A_2702 : f32 to vector<16xf32>
      %gt3A_2704 = arith.cmpf ogt, %abs3A_2701, %gt3A_2703 : vector<16xf32>
      %and3A_2705 = arith.andi %gt3A_2700, %gt3A_2704 : vector<16xi1>
      %abs3A_2706 = math.absf %get3A_2685 : vector<16xf32>
      %gt3A_2707 = arith.constant 9.99999974E-6 : f32
      %gt3A_2708 = vector.broadcast %gt3A_2707 : f32 to vector<16xf32>
      %gt3A_2709 = arith.cmpf ogt, %abs3A_2706, %gt3A_2708 : vector<16xf32>
      %and3A_2710 = arith.andi %and3A_2705, %gt3A_2709 : vector<16xi1>
      %abs3A_2711 = math.absf %get3A_2689 : vector<16xf32>
      %gt3A_2712 = arith.constant 9.99999974E-6 : f32
      %gt3A_2713 = vector.broadcast %gt3A_2712 : f32 to vector<16xf32>
      %gt3A_2714 = arith.cmpf ogt, %abs3A_2711, %gt3A_2713 : vector<16xf32>
      %and3A_2715 = arith.andi %and3A_2710, %gt3A_2714 : vector<16xi1>
      %sub3A_2716 = vector.broadcast %max3A_1477 : f32 to vector<16xf32>
      %sub3A_2717 = arith.subf %add3A_2696, %sub3A_2716 : vector<16xf32>
      %exp3A_2718 = math.exp %sub3A_2717 : vector<16xf32>
      %jit3A_2719 = arith.constant 0.000000e+00 : f32
      %broadcast_in_dim3A_2720 = vector.broadcast %jit3A_2719 : f32 to vector<16xf32>
      %select_n3A_2721 = arith.select %and3A_2715, %exp3A_2718, %broadcast_in_dim3A_2720 : vector<16xi1>, vector<16xf32>
      %add3A_2722 = arith.addf %add3A_2665, %select_n3A_2721 : vector<16xf32>
      %mul3A_2723 = arith.mulf %select_n3A_2721, %get3A_2677 : vector<16xf32>
      %add3A_2724 = arith.addf %add3A_2667, %mul3A_2723 : vector<16xf32>
      %mul3A_2725 = arith.mulf %select_n3A_2721, %get3A_2681 : vector<16xf32>
      %add3A_2726 = arith.addf %add3A_2669, %mul3A_2725 : vector<16xf32>
      %mul3A_2727 = arith.mulf %select_n3A_2721, %get3A_2685 : vector<16xf32>
      %add3A_2728 = arith.addf %add3A_2671, %mul3A_2727 : vector<16xf32>
      %mul3A_2729 = arith.mulf %select_n3A_2721, %get3A_2689 : vector<16xf32>
      %add3A_2730 = arith.addf %add3A_2673, %mul3A_2729 : vector<16xf32>
      %get3A_2731 = arith.constant 0 : i32
      %get3A_2732 = arith.index_cast %get3A_2731 : i32 to index
      %get3A_2733 = arith.constant 352 : index
      %get3A_2734 = tpu.vector_load %arg5[%get3A_2732, %get3A_2733] {strides = array<i32>} : memref<4x512xf32, #tpu.memory_space<vmem>>, vector<16xf32>,
      %get3A_2735 = arith.constant 1 : i32
      %get3A_2736 = arith.index_cast %get3A_2735 : i32 to index
      %get3A_2737 = arith.constant 352 : index
      %get3A_2738 = tpu.vector_load %arg5[%get3A_2736, %get3A_2737] {strides = array<i32>} : memref<4x512xf32, #tpu.memory_space<vmem>>, vector<16xf32>,
      %get3A_2739 = arith.constant 2 : i32
      %get3A_2740 = arith.index_cast %get3A_2739 : i32 to index
      %get3A_2741 = arith.constant 352 : index
      %get3A_2742 = tpu.vector_load %arg5[%get3A_2740, %get3A_2741] {strides = array<i32>} : memref<4x512xf32, #tpu.memory_space<vmem>>, vector<16xf32>,
      %get3A_2743 = arith.constant 3 : i32
      %get3A_2744 = arith.index_cast %get3A_2743 : i32 to index
      %get3A_2745 = arith.constant 352 : index
      %get3A_2746 = tpu.vector_load %arg5[%get3A_2744, %get3A_2745] {strides = array<i32>} : memref<4x512xf32, #tpu.memory_space<vmem>>, vector<16xf32>,
      %mul3A_2747 = arith.mulf %get3A_2734, %get3A_18 : vector<16xf32>
      %mul3A_2748 = arith.mulf %get3A_2738, %get3A_22 : vector<16xf32>
      %add3A_2749 = arith.addf %mul3A_2747, %mul3A_2748 : vector<16xf32>
      %mul3A_2750 = arith.mulf %get3A_2742, %get3A_26 : vector<16xf32>
      %add3A_2751 = arith.addf %add3A_2749, %mul3A_2750 : vector<16xf32>
      %mul3A_2752 = arith.mulf %get3A_2746, %get3A_30 : vector<16xf32>
      %add3A_2753 = arith.addf %add3A_2751, %mul3A_2752 : vector<16xf32>
      %abs3A_2754 = math.absf %get3A_2734 : vector<16xf32>
      %gt3A_2755 = arith.constant 9.99999974E-6 : f32
      %gt3A_2756 = vector.broadcast %gt3A_2755 : f32 to vector<16xf32>
      %gt3A_2757 = arith.cmpf ogt, %abs3A_2754, %gt3A_2756 : vector<16xf32>
      %abs3A_2758 = math.absf %get3A_2738 : vector<16xf32>
      %gt3A_2759 = arith.constant 9.99999974E-6 : f32
      %gt3A_2760 = vector.broadcast %gt3A_2759 : f32 to vector<16xf32>
      %gt3A_2761 = arith.cmpf ogt, %abs3A_2758, %gt3A_2760 : vector<16xf32>
      %and3A_2762 = arith.andi %gt3A_2757, %gt3A_2761 : vector<16xi1>
      %abs3A_2763 = math.absf %get3A_2742 : vector<16xf32>
      %gt3A_2764 = arith.constant 9.99999974E-6 : f32
      %gt3A_2765 = vector.broadcast %gt3A_2764 : f32 to vector<16xf32>
      %gt3A_2766 = arith.cmpf ogt, %abs3A_2763, %gt3A_2765 : vector<16xf32>
      %and3A_2767 = arith.andi %and3A_2762, %gt3A_2766 : vector<16xi1>
      %abs3A_2768 = math.absf %get3A_2746 : vector<16xf32>
      %gt3A_2769 = arith.constant 9.99999974E-6 : f32
      %gt3A_2770 = vector.broadcast %gt3A_2769 : f32 to vector<16xf32>
      %gt3A_2771 = arith.cmpf ogt, %abs3A_2768, %gt3A_2770 : vector<16xf32>
      %and3A_2772 = arith.andi %and3A_2767, %gt3A_2771 : vector<16xi1>
      %sub3A_2773 = vector.broadcast %max3A_1477 : f32 to vector<16xf32>
      %sub3A_2774 = arith.subf %add3A_2753, %sub3A_2773 : vector<16xf32>
      %exp3A_2775 = math.exp %sub3A_2774 : vector<16xf32>
      %jit3A_2776 = arith.constant 0.000000e+00 : f32
      %broadcast_in_dim3A_2777 = vector.broadcast %jit3A_2776 : f32 to vector<16xf32>
      %select_n3A_2778 = arith.select %and3A_2772, %exp3A_2775, %broadcast_in_dim3A_2777 : vector<16xi1>, vector<16xf32>
      %add3A_2779 = arith.addf %add3A_2722, %select_n3A_2778 : vector<16xf32>
      %mul3A_2780 = arith.mulf %select_n3A_2778, %get3A_2734 : vector<16xf32>
      %add3A_2781 = arith.addf %add3A_2724, %mul3A_2780 : vector<16xf32>
      %mul3A_2782 = arith.mulf %select_n3A_2778, %get3A_2738 : vector<16xf32>
      %add3A_2783 = arith.addf %add3A_2726, %mul3A_2782 : vector<16xf32>
      %mul3A_2784 = arith.mulf %select_n3A_2778, %get3A_2742 : vector<16xf32>
      %add3A_2785 = arith.addf %add3A_2728, %mul3A_2784 : vector<16xf32>
      %mul3A_2786 = arith.mulf %select_n3A_2778, %get3A_2746 : vector<16xf32>
      %add3A_2787 = arith.addf %add3A_2730, %mul3A_2786 : vector<16xf32>
      %get3A_2788 = arith.constant 0 : i32
      %get3A_2789 = arith.index_cast %get3A_2788 : i32 to index
      %get3A_2790 = arith.constant 368 : index
      %get3A_2791 = tpu.vector_load %arg5[%get3A_2789, %get3A_2790] {strides = array<i32>} : memref<4x512xf32, #tpu.memory_space<vmem>>, vector<16xf32>,
      %get3A_2792 = arith.constant 1 : i32
      %get3A_2793 = arith.index_cast %get3A_2792 : i32 to index
      %get3A_2794 = arith.constant 368 : index
      %get3A_2795 = tpu.vector_load %arg5[%get3A_2793, %get3A_2794] {strides = array<i32>} : memref<4x512xf32, #tpu.memory_space<vmem>>, vector<16xf32>,
      %get3A_2796 = arith.constant 2 : i32
      %get3A_2797 = arith.index_cast %get3A_2796 : i32 to index
      %get3A_2798 = arith.constant 368 : index
      %get3A_2799 = tpu.vector_load %arg5[%get3A_2797, %get3A_2798] {strides = array<i32>} : memref<4x512xf32, #tpu.memory_space<vmem>>, vector<16xf32>,
      %get3A_2800 = arith.constant 3 : i32
      %get3A_2801 = arith.index_cast %get3A_2800 : i32 to index
      %get3A_2802 = arith.constant 368 : index
      %get3A_2803 = tpu.vector_load %arg5[%get3A_2801, %get3A_2802] {strides = array<i32>} : memref<4x512xf32, #tpu.memory_space<vmem>>, vector<16xf32>,
      %mul3A_2804 = arith.mulf %get3A_2791, %get3A_18 : vector<16xf32>
      %mul3A_2805 = arith.mulf %get3A_2795, %get3A_22 : vector<16xf32>
      %add3A_2806 = arith.addf %mul3A_2804, %mul3A_2805 : vector<16xf32>
      %mul3A_2807 = arith.mulf %get3A_2799, %get3A_26 : vector<16xf32>
      %add3A_2808 = arith.addf %add3A_2806, %mul3A_2807 : vector<16xf32>
      %mul3A_2809 = arith.mulf %get3A_2803, %get3A_30 : vector<16xf32>
      %add3A_2810 = arith.addf %add3A_2808, %mul3A_2809 : vector<16xf32>
      %abs3A_2811 = math.absf %get3A_2791 : vector<16xf32>
      %gt3A_2812 = arith.constant 9.99999974E-6 : f32
      %gt3A_2813 = vector.broadcast %gt3A_2812 : f32 to vector<16xf32>
      %gt3A_2814 = arith.cmpf ogt, %abs3A_2811, %gt3A_2813 : vector<16xf32>
      %abs3A_2815 = math.absf %get3A_2795 : vector<16xf32>
      %gt3A_2816 = arith.constant 9.99999974E-6 : f32
      %gt3A_2817 = vector.broadcast %gt3A_2816 : f32 to vector<16xf32>
      %gt3A_2818 = arith.cmpf ogt, %abs3A_2815, %gt3A_2817 : vector<16xf32>
      %and3A_2819 = arith.andi %gt3A_2814, %gt3A_2818 : vector<16xi1>
      %abs3A_2820 = math.absf %get3A_2799 : vector<16xf32>
      %gt3A_2821 = arith.constant 9.99999974E-6 : f32
      %gt3A_2822 = vector.broadcast %gt3A_2821 : f32 to vector<16xf32>
      %gt3A_2823 = arith.cmpf ogt, %abs3A_2820, %gt3A_2822 : vector<16xf32>
      %and3A_2824 = arith.andi %and3A_2819, %gt3A_2823 : vector<16xi1>
      %abs3A_2825 = math.absf %get3A_2803 : vector<16xf32>
      %gt3A_2826 = arith.constant 9.99999974E-6 : f32
      %gt3A_2827 = vector.broadcast %gt3A_2826 : f32 to vector<16xf32>
      %gt3A_2828 = arith.cmpf ogt, %abs3A_2825, %gt3A_2827 : vector<16xf32>
      %and3A_2829 = arith.andi %and3A_2824, %gt3A_2828 : vector<16xi1>
      %sub3A_2830 = vector.broadcast %max3A_1477 : f32 to vector<16xf32>
      %sub3A_2831 = arith.subf %add3A_2810, %sub3A_2830 : vector<16xf32>
      %exp3A_2832 = math.exp %sub3A_2831 : vector<16xf32>
      %jit3A_2833 = arith.constant 0.000000e+00 : f32
      %broadcast_in_dim3A_2834 = vector.broadcast %jit3A_2833 : f32 to vector<16xf32>
      %select_n3A_2835 = arith.select %and3A_2829, %exp3A_2832, %broadcast_in_dim3A_2834 : vector<16xi1>, vector<16xf32>
      %add3A_2836 = arith.addf %add3A_2779, %select_n3A_2835 : vector<16xf32>
      %mul3A_2837 = arith.mulf %select_n3A_2835, %get3A_2791 : vector<16xf32>
      %add3A_2838 = arith.addf %add3A_2781, %mul3A_2837 : vector<16xf32>
      %mul3A_2839 = arith.mulf %select_n3A_2835, %get3A_2795 : vector<16xf32>
      %add3A_2840 = arith.addf %add3A_2783, %mul3A_2839 : vector<16xf32>
      %mul3A_2841 = arith.mulf %select_n3A_2835, %get3A_2799 : vector<16xf32>
      %add3A_2842 = arith.addf %add3A_2785, %mul3A_2841 : vector<16xf32>
      %mul3A_2843 = arith.mulf %select_n3A_2835, %get3A_2803 : vector<16xf32>
      %add3A_2844 = arith.addf %add3A_2787, %mul3A_2843 : vector<16xf32>
      %get3A_2845 = arith.constant 0 : i32
      %get3A_2846 = arith.index_cast %get3A_2845 : i32 to index
      %get3A_2847 = arith.constant 384 : index
      %get3A_2848 = tpu.vector_load %arg5[%get3A_2846, %get3A_2847] {strides = array<i32>} : memref<4x512xf32, #tpu.memory_space<vmem>>, vector<16xf32>,
      %get3A_2849 = arith.constant 1 : i32
      %get3A_2850 = arith.index_cast %get3A_2849 : i32 to index
      %get3A_2851 = arith.constant 384 : index
      %get3A_2852 = tpu.vector_load %arg5[%get3A_2850, %get3A_2851] {strides = array<i32>} : memref<4x512xf32, #tpu.memory_space<vmem>>, vector<16xf32>,
      %get3A_2853 = arith.constant 2 : i32
      %get3A_2854 = arith.index_cast %get3A_2853 : i32 to index
      %get3A_2855 = arith.constant 384 : index
      %get3A_2856 = tpu.vector_load %arg5[%get3A_2854, %get3A_2855] {strides = array<i32>} : memref<4x512xf32, #tpu.memory_space<vmem>>, vector<16xf32>,
      %get3A_2857 = arith.constant 3 : i32
      %get3A_2858 = arith.index_cast %get3A_2857 : i32 to index
      %get3A_2859 = arith.constant 384 : index
      %get3A_2860 = tpu.vector_load %arg5[%get3A_2858, %get3A_2859] {strides = array<i32>} : memref<4x512xf32, #tpu.memory_space<vmem>>, vector<16xf32>,
      %mul3A_2861 = arith.mulf %get3A_2848, %get3A_18 : vector<16xf32>
      %mul3A_2862 = arith.mulf %get3A_2852, %get3A_22 : vector<16xf32>
      %add3A_2863 = arith.addf %mul3A_2861, %mul3A_2862 : vector<16xf32>
      %mul3A_2864 = arith.mulf %get3A_2856, %get3A_26 : vector<16xf32>
      %add3A_2865 = arith.addf %add3A_2863, %mul3A_2864 : vector<16xf32>
      %mul3A_2866 = arith.mulf %get3A_2860, %get3A_30 : vector<16xf32>
      %add3A_2867 = arith.addf %add3A_2865, %mul3A_2866 : vector<16xf32>
      %abs3A_2868 = math.absf %get3A_2848 : vector<16xf32>
      %gt3A_2869 = arith.constant 9.99999974E-6 : f32
      %gt3A_2870 = vector.broadcast %gt3A_2869 : f32 to vector<16xf32>
      %gt3A_2871 = arith.cmpf ogt, %abs3A_2868, %gt3A_2870 : vector<16xf32>
      %abs3A_2872 = math.absf %get3A_2852 : vector<16xf32>
      %gt3A_2873 = arith.constant 9.99999974E-6 : f32
      %gt3A_2874 = vector.broadcast %gt3A_2873 : f32 to vector<16xf32>
      %gt3A_2875 = arith.cmpf ogt, %abs3A_2872, %gt3A_2874 : vector<16xf32>
      %and3A_2876 = arith.andi %gt3A_2871, %gt3A_2875 : vector<16xi1>
      %abs3A_2877 = math.absf %get3A_2856 : vector<16xf32>
      %gt3A_2878 = arith.constant 9.99999974E-6 : f32
      %gt3A_2879 = vector.broadcast %gt3A_2878 : f32 to vector<16xf32>
      %gt3A_2880 = arith.cmpf ogt, %abs3A_2877, %gt3A_2879 : vector<16xf32>
      %and3A_2881 = arith.andi %and3A_2876, %gt3A_2880 : vector<16xi1>
      %abs3A_2882 = math.absf %get3A_2860 : vector<16xf32>
      %gt3A_2883 = arith.constant 9.99999974E-6 : f32
      %gt3A_2884 = vector.broadcast %gt3A_2883 : f32 to vector<16xf32>
      %gt3A_2885 = arith.cmpf ogt, %abs3A_2882, %gt3A_2884 : vector<16xf32>
      %and3A_2886 = arith.andi %and3A_2881, %gt3A_2885 : vector<16xi1>
      %sub3A_2887 = vector.broadcast %max3A_1477 : f32 to vector<16xf32>
      %sub3A_2888 = arith.subf %add3A_2867, %sub3A_2887 : vector<16xf32>
      %exp3A_2889 = math.exp %sub3A_2888 : vector<16xf32>
      %jit3A_2890 = arith.constant 0.000000e+00 : f32
      %broadcast_in_dim3A_2891 = vector.broadcast %jit3A_2890 : f32 to vector<16xf32>
      %select_n3A_2892 = arith.select %and3A_2886, %exp3A_2889, %broadcast_in_dim3A_2891 : vector<16xi1>, vector<16xf32>
      %add3A_2893 = arith.addf %add3A_2836, %select_n3A_2892 : vector<16xf32>
      %mul3A_2894 = arith.mulf %select_n3A_2892, %get3A_2848 : vector<16xf32>
      %add3A_2895 = arith.addf %add3A_2838, %mul3A_2894 : vector<16xf32>
      %mul3A_2896 = arith.mulf %select_n3A_2892, %get3A_2852 : vector<16xf32>
      %add3A_2897 = arith.addf %add3A_2840, %mul3A_2896 : vector<16xf32>
      %mul3A_2898 = arith.mulf %select_n3A_2892, %get3A_2856 : vector<16xf32>
      %add3A_2899 = arith.addf %add3A_2842, %mul3A_2898 : vector<16xf32>
      %mul3A_2900 = arith.mulf %select_n3A_2892, %get3A_2860 : vector<16xf32>
      %add3A_2901 = arith.addf %add3A_2844, %mul3A_2900 : vector<16xf32>
      %get3A_2902 = arith.constant 0 : i32
      %get3A_2903 = arith.index_cast %get3A_2902 : i32 to index
      %get3A_2904 = arith.constant 400 : index
      %get3A_2905 = tpu.vector_load %arg5[%get3A_2903, %get3A_2904] {strides = array<i32>} : memref<4x512xf32, #tpu.memory_space<vmem>>, vector<16xf32>,
      %get3A_2906 = arith.constant 1 : i32
      %get3A_2907 = arith.index_cast %get3A_2906 : i32 to index
      %get3A_2908 = arith.constant 400 : index
      %get3A_2909 = tpu.vector_load %arg5[%get3A_2907, %get3A_2908] {strides = array<i32>} : memref<4x512xf32, #tpu.memory_space<vmem>>, vector<16xf32>,
      %get3A_2910 = arith.constant 2 : i32
      %get3A_2911 = arith.index_cast %get3A_2910 : i32 to index
      %get3A_2912 = arith.constant 400 : index
      %get3A_2913 = tpu.vector_load %arg5[%get3A_2911, %get3A_2912] {strides = array<i32>} : memref<4x512xf32, #tpu.memory_space<vmem>>, vector<16xf32>,
      %get3A_2914 = arith.constant 3 : i32
      %get3A_2915 = arith.index_cast %get3A_2914 : i32 to index
      %get3A_2916 = arith.constant 400 : index
      %get3A_2917 = tpu.vector_load %arg5[%get3A_2915, %get3A_2916] {strides = array<i32>} : memref<4x512xf32, #tpu.memory_space<vmem>>, vector<16xf32>,
      %mul3A_2918 = arith.mulf %get3A_2905, %get3A_18 : vector<16xf32>
      %mul3A_2919 = arith.mulf %get3A_2909, %get3A_22 : vector<16xf32>
      %add3A_2920 = arith.addf %mul3A_2918, %mul3A_2919 : vector<16xf32>
      %mul3A_2921 = arith.mulf %get3A_2913, %get3A_26 : vector<16xf32>
      %add3A_2922 = arith.addf %add3A_2920, %mul3A_2921 : vector<16xf32>
      %mul3A_2923 = arith.mulf %get3A_2917, %get3A_30 : vector<16xf32>
      %add3A_2924 = arith.addf %add3A_2922, %mul3A_2923 : vector<16xf32>
      %abs3A_2925 = math.absf %get3A_2905 : vector<16xf32>
      %gt3A_2926 = arith.constant 9.99999974E-6 : f32
      %gt3A_2927 = vector.broadcast %gt3A_2926 : f32 to vector<16xf32>
      %gt3A_2928 = arith.cmpf ogt, %abs3A_2925, %gt3A_2927 : vector<16xf32>
      %abs3A_2929 = math.absf %get3A_2909 : vector<16xf32>
      %gt3A_2930 = arith.constant 9.99999974E-6 : f32
      %gt3A_2931 = vector.broadcast %gt3A_2930 : f32 to vector<16xf32>
      %gt3A_2932 = arith.cmpf ogt, %abs3A_2929, %gt3A_2931 : vector<16xf32>
      %and3A_2933 = arith.andi %gt3A_2928, %gt3A_2932 : vector<16xi1>
      %abs3A_2934 = math.absf %get3A_2913 : vector<16xf32>
      %gt3A_2935 = arith.constant 9.99999974E-6 : f32
      %gt3A_2936 = vector.broadcast %gt3A_2935 : f32 to vector<16xf32>
      %gt3A_2937 = arith.cmpf ogt, %abs3A_2934, %gt3A_2936 : vector<16xf32>
      %and3A_2938 = arith.andi %and3A_2933, %gt3A_2937 : vector<16xi1>
      %abs3A_2939 = math.absf %get3A_2917 : vector<16xf32>
      %gt3A_2940 = arith.constant 9.99999974E-6 : f32
      %gt3A_2941 = vector.broadcast %gt3A_2940 : f32 to vector<16xf32>
      %gt3A_2942 = arith.cmpf ogt, %abs3A_2939, %gt3A_2941 : vector<16xf32>
      %and3A_2943 = arith.andi %and3A_2938, %gt3A_2942 : vector<16xi1>
      %sub3A_2944 = vector.broadcast %max3A_1477 : f32 to vector<16xf32>
      %sub3A_2945 = arith.subf %add3A_2924, %sub3A_2944 : vector<16xf32>
      %exp3A_2946 = math.exp %sub3A_2945 : vector<16xf32>
      %jit3A_2947 = arith.constant 0.000000e+00 : f32
      %broadcast_in_dim3A_2948 = vector.broadcast %jit3A_2947 : f32 to vector<16xf32>
      %select_n3A_2949 = arith.select %and3A_2943, %exp3A_2946, %broadcast_in_dim3A_2948 : vector<16xi1>, vector<16xf32>
      %add3A_2950 = arith.addf %add3A_2893, %select_n3A_2949 : vector<16xf32>
      %mul3A_2951 = arith.mulf %select_n3A_2949, %get3A_2905 : vector<16xf32>
      %add3A_2952 = arith.addf %add3A_2895, %mul3A_2951 : vector<16xf32>
      %mul3A_2953 = arith.mulf %select_n3A_2949, %get3A_2909 : vector<16xf32>
      %add3A_2954 = arith.addf %add3A_2897, %mul3A_2953 : vector<16xf32>
      %mul3A_2955 = arith.mulf %select_n3A_2949, %get3A_2913 : vector<16xf32>
      %add3A_2956 = arith.addf %add3A_2899, %mul3A_2955 : vector<16xf32>
      %mul3A_2957 = arith.mulf %select_n3A_2949, %get3A_2917 : vector<16xf32>
      %add3A_2958 = arith.addf %add3A_2901, %mul3A_2957 : vector<16xf32>
      %get3A_2959 = arith.constant 0 : i32
      %get3A_2960 = arith.index_cast %get3A_2959 : i32 to index
      %get3A_2961 = arith.constant 416 : index
      %get3A_2962 = tpu.vector_load %arg5[%get3A_2960, %get3A_2961] {strides = array<i32>} : memref<4x512xf32, #tpu.memory_space<vmem>>, vector<16xf32>,
      %get3A_2963 = arith.constant 1 : i32
      %get3A_2964 = arith.index_cast %get3A_2963 : i32 to index
      %get3A_2965 = arith.constant 416 : index
      %get3A_2966 = tpu.vector_load %arg5[%get3A_2964, %get3A_2965] {strides = array<i32>} : memref<4x512xf32, #tpu.memory_space<vmem>>, vector<16xf32>,
      %get3A_2967 = arith.constant 2 : i32
      %get3A_2968 = arith.index_cast %get3A_2967 : i32 to index
      %get3A_2969 = arith.constant 416 : index
      %get3A_2970 = tpu.vector_load %arg5[%get3A_2968, %get3A_2969] {strides = array<i32>} : memref<4x512xf32, #tpu.memory_space<vmem>>, vector<16xf32>,
      %get3A_2971 = arith.constant 3 : i32
      %get3A_2972 = arith.index_cast %get3A_2971 : i32 to index
      %get3A_2973 = arith.constant 416 : index
      %get3A_2974 = tpu.vector_load %arg5[%get3A_2972, %get3A_2973] {strides = array<i32>} : memref<4x512xf32, #tpu.memory_space<vmem>>, vector<16xf32>,
      %mul3A_2975 = arith.mulf %get3A_2962, %get3A_18 : vector<16xf32>
      %mul3A_2976 = arith.mulf %get3A_2966, %get3A_22 : vector<16xf32>
      %add3A_2977 = arith.addf %mul3A_2975, %mul3A_2976 : vector<16xf32>
      %mul3A_2978 = arith.mulf %get3A_2970, %get3A_26 : vector<16xf32>
      %add3A_2979 = arith.addf %add3A_2977, %mul3A_2978 : vector<16xf32>
      %mul3A_2980 = arith.mulf %get3A_2974, %get3A_30 : vector<16xf32>
      %add3A_2981 = arith.addf %add3A_2979, %mul3A_2980 : vector<16xf32>
      %abs3A_2982 = math.absf %get3A_2962 : vector<16xf32>
      %gt3A_2983 = arith.constant 9.99999974E-6 : f32
      %gt3A_2984 = vector.broadcast %gt3A_2983 : f32 to vector<16xf32>
      %gt3A_2985 = arith.cmpf ogt, %abs3A_2982, %gt3A_2984 : vector<16xf32>
      %abs3A_2986 = math.absf %get3A_2966 : vector<16xf32>
      %gt3A_2987 = arith.constant 9.99999974E-6 : f32
      %gt3A_2988 = vector.broadcast %gt3A_2987 : f32 to vector<16xf32>
      %gt3A_2989 = arith.cmpf ogt, %abs3A_2986, %gt3A_2988 : vector<16xf32>
      %and3A_2990 = arith.andi %gt3A_2985, %gt3A_2989 : vector<16xi1>
      %abs3A_2991 = math.absf %get3A_2970 : vector<16xf32>
      %gt3A_2992 = arith.constant 9.99999974E-6 : f32
      %gt3A_2993 = vector.broadcast %gt3A_2992 : f32 to vector<16xf32>
      %gt3A_2994 = arith.cmpf ogt, %abs3A_2991, %gt3A_2993 : vector<16xf32>
      %and3A_2995 = arith.andi %and3A_2990, %gt3A_2994 : vector<16xi1>
      %abs3A_2996 = math.absf %get3A_2974 : vector<16xf32>
      %gt3A_2997 = arith.constant 9.99999974E-6 : f32
      %gt3A_2998 = vector.broadcast %gt3A_2997 : f32 to vector<16xf32>
      %gt3A_2999 = arith.cmpf ogt, %abs3A_2996, %gt3A_2998 : vector<16xf32>
      %and3A_3000 = arith.andi %and3A_2995, %gt3A_2999 : vector<16xi1>
      %sub3A_3001 = vector.broadcast %max3A_1477 : f32 to vector<16xf32>
      %sub3A_3002 = arith.subf %add3A_2981, %sub3A_3001 : vector<16xf32>
      %exp3A_3003 = math.exp %sub3A_3002 : vector<16xf32>
      %jit3A_3004 = arith.constant 0.000000e+00 : f32
      %broadcast_in_dim3A_3005 = vector.broadcast %jit3A_3004 : f32 to vector<16xf32>
      %select_n3A_3006 = arith.select %and3A_3000, %exp3A_3003, %broadcast_in_dim3A_3005 : vector<16xi1>, vector<16xf32>
      %add3A_3007 = arith.addf %add3A_2950, %select_n3A_3006 : vector<16xf32>
      %mul3A_3008 = arith.mulf %select_n3A_3006, %get3A_2962 : vector<16xf32>
      %add3A_3009 = arith.addf %add3A_2952, %mul3A_3008 : vector<16xf32>
      %mul3A_3010 = arith.mulf %select_n3A_3006, %get3A_2966 : vector<16xf32>
      %add3A_3011 = arith.addf %add3A_2954, %mul3A_3010 : vector<16xf32>
      %mul3A_3012 = arith.mulf %select_n3A_3006, %get3A_2970 : vector<16xf32>
      %add3A_3013 = arith.addf %add3A_2956, %mul3A_3012 : vector<16xf32>
      %mul3A_3014 = arith.mulf %select_n3A_3006, %get3A_2974 : vector<16xf32>
      %add3A_3015 = arith.addf %add3A_2958, %mul3A_3014 : vector<16xf32>
      %get3A_3016 = arith.constant 0 : i32
      %get3A_3017 = arith.index_cast %get3A_3016 : i32 to index
      %get3A_3018 = arith.constant 432 : index
      %get3A_3019 = tpu.vector_load %arg5[%get3A_3017, %get3A_3018] {strides = array<i32>} : memref<4x512xf32, #tpu.memory_space<vmem>>, vector<16xf32>,
      %get3A_3020 = arith.constant 1 : i32
      %get3A_3021 = arith.index_cast %get3A_3020 : i32 to index
      %get3A_3022 = arith.constant 432 : index
      %get3A_3023 = tpu.vector_load %arg5[%get3A_3021, %get3A_3022] {strides = array<i32>} : memref<4x512xf32, #tpu.memory_space<vmem>>, vector<16xf32>,
      %get3A_3024 = arith.constant 2 : i32
      %get3A_3025 = arith.index_cast %get3A_3024 : i32 to index
      %get3A_3026 = arith.constant 432 : index
      %get3A_3027 = tpu.vector_load %arg5[%get3A_3025, %get3A_3026] {strides = array<i32>} : memref<4x512xf32, #tpu.memory_space<vmem>>, vector<16xf32>,
      %get3A_3028 = arith.constant 3 : i32
      %get3A_3029 = arith.index_cast %get3A_3028 : i32 to index
      %get3A_3030 = arith.constant 432 : index
      %get3A_3031 = tpu.vector_load %arg5[%get3A_3029, %get3A_3030] {strides = array<i32>} : memref<4x512xf32, #tpu.memory_space<vmem>>, vector<16xf32>,
      %mul3A_3032 = arith.mulf %get3A_3019, %get3A_18 : vector<16xf32>
      %mul3A_3033 = arith.mulf %get3A_3023, %get3A_22 : vector<16xf32>
      %add3A_3034 = arith.addf %mul3A_3032, %mul3A_3033 : vector<16xf32>
      %mul3A_3035 = arith.mulf %get3A_3027, %get3A_26 : vector<16xf32>
      %add3A_3036 = arith.addf %add3A_3034, %mul3A_3035 : vector<16xf32>
      %mul3A_3037 = arith.mulf %get3A_3031, %get3A_30 : vector<16xf32>
      %add3A_3038 = arith.addf %add3A_3036, %mul3A_3037 : vector<16xf32>
      %abs3A_3039 = math.absf %get3A_3019 : vector<16xf32>
      %gt3A_3040 = arith.constant 9.99999974E-6 : f32
      %gt3A_3041 = vector.broadcast %gt3A_3040 : f32 to vector<16xf32>
      %gt3A_3042 = arith.cmpf ogt, %abs3A_3039, %gt3A_3041 : vector<16xf32>
      %abs3A_3043 = math.absf %get3A_3023 : vector<16xf32>
      %gt3A_3044 = arith.constant 9.99999974E-6 : f32
      %gt3A_3045 = vector.broadcast %gt3A_3044 : f32 to vector<16xf32>
      %gt3A_3046 = arith.cmpf ogt, %abs3A_3043, %gt3A_3045 : vector<16xf32>
      %and3A_3047 = arith.andi %gt3A_3042, %gt3A_3046 : vector<16xi1>
      %abs3A_3048 = math.absf %get3A_3027 : vector<16xf32>
      %gt3A_3049 = arith.constant 9.99999974E-6 : f32
      %gt3A_3050 = vector.broadcast %gt3A_3049 : f32 to vector<16xf32>
      %gt3A_3051 = arith.cmpf ogt, %abs3A_3048, %gt3A_3050 : vector<16xf32>
      %and3A_3052 = arith.andi %and3A_3047, %gt3A_3051 : vector<16xi1>
      %abs3A_3053 = math.absf %get3A_3031 : vector<16xf32>
      %gt3A_3054 = arith.constant 9.99999974E-6 : f32
      %gt3A_3055 = vector.broadcast %gt3A_3054 : f32 to vector<16xf32>
      %gt3A_3056 = arith.cmpf ogt, %abs3A_3053, %gt3A_3055 : vector<16xf32>
      %and3A_3057 = arith.andi %and3A_3052, %gt3A_3056 : vector<16xi1>
      %sub3A_3058 = vector.broadcast %max3A_1477 : f32 to vector<16xf32>
      %sub3A_3059 = arith.subf %add3A_3038, %sub3A_3058 : vector<16xf32>
      %exp3A_3060 = math.exp %sub3A_3059 : vector<16xf32>
      %jit3A_3061 = arith.constant 0.000000e+00 : f32
      %broadcast_in_dim3A_3062 = vector.broadcast %jit3A_3061 : f32 to vector<16xf32>
      %select_n3A_3063 = arith.select %and3A_3057, %exp3A_3060, %broadcast_in_dim3A_3062 : vector<16xi1>, vector<16xf32>
      %add3A_3064 = arith.addf %add3A_3007, %select_n3A_3063 : vector<16xf32>
      %mul3A_3065 = arith.mulf %select_n3A_3063, %get3A_3019 : vector<16xf32>
      %add3A_3066 = arith.addf %add3A_3009, %mul3A_3065 : vector<16xf32>
      %mul3A_3067 = arith.mulf %select_n3A_3063, %get3A_3023 : vector<16xf32>
      %add3A_3068 = arith.addf %add3A_3011, %mul3A_3067 : vector<16xf32>
      %mul3A_3069 = arith.mulf %select_n3A_3063, %get3A_3027 : vector<16xf32>
      %add3A_3070 = arith.addf %add3A_3013, %mul3A_3069 : vector<16xf32>
      %mul3A_3071 = arith.mulf %select_n3A_3063, %get3A_3031 : vector<16xf32>
      %add3A_3072 = arith.addf %add3A_3015, %mul3A_3071 : vector<16xf32>
      %get3A_3073 = arith.constant 0 : i32
      %get3A_3074 = arith.index_cast %get3A_3073 : i32 to index
      %get3A_3075 = arith.constant 448 : index
      %get3A_3076 = tpu.vector_load %arg5[%get3A_3074, %get3A_3075] {strides = array<i32>} : memref<4x512xf32, #tpu.memory_space<vmem>>, vector<16xf32>,
      %get3A_3077 = arith.constant 1 : i32
      %get3A_3078 = arith.index_cast %get3A_3077 : i32 to index
      %get3A_3079 = arith.constant 448 : index
      %get3A_3080 = tpu.vector_load %arg5[%get3A_3078, %get3A_3079] {strides = array<i32>} : memref<4x512xf32, #tpu.memory_space<vmem>>, vector<16xf32>,
      %get3A_3081 = arith.constant 2 : i32
      %get3A_3082 = arith.index_cast %get3A_3081 : i32 to index
      %get3A_3083 = arith.constant 448 : index
      %get3A_3084 = tpu.vector_load %arg5[%get3A_3082, %get3A_3083] {strides = array<i32>} : memref<4x512xf32, #tpu.memory_space<vmem>>, vector<16xf32>,
      %get3A_3085 = arith.constant 3 : i32
      %get3A_3086 = arith.index_cast %get3A_3085 : i32 to index
      %get3A_3087 = arith.constant 448 : index
      %get3A_3088 = tpu.vector_load %arg5[%get3A_3086, %get3A_3087] {strides = array<i32>} : memref<4x512xf32, #tpu.memory_space<vmem>>, vector<16xf32>,
      %mul3A_3089 = arith.mulf %get3A_3076, %get3A_18 : vector<16xf32>
      %mul3A_3090 = arith.mulf %get3A_3080, %get3A_22 : vector<16xf32>
      %add3A_3091 = arith.addf %mul3A_3089, %mul3A_3090 : vector<16xf32>
      %mul3A_3092 = arith.mulf %get3A_3084, %get3A_26 : vector<16xf32>
      %add3A_3093 = arith.addf %add3A_3091, %mul3A_3092 : vector<16xf32>
      %mul3A_3094 = arith.mulf %get3A_3088, %get3A_30 : vector<16xf32>
      %add3A_3095 = arith.addf %add3A_3093, %mul3A_3094 : vector<16xf32>
      %abs3A_3096 = math.absf %get3A_3076 : vector<16xf32>
      %gt3A_3097 = arith.constant 9.99999974E-6 : f32
      %gt3A_3098 = vector.broadcast %gt3A_3097 : f32 to vector<16xf32>
      %gt3A_3099 = arith.cmpf ogt, %abs3A_3096, %gt3A_3098 : vector<16xf32>
      %abs3A_3100 = math.absf %get3A_3080 : vector<16xf32>
      %gt3A_3101 = arith.constant 9.99999974E-6 : f32
      %gt3A_3102 = vector.broadcast %gt3A_3101 : f32 to vector<16xf32>
      %gt3A_3103 = arith.cmpf ogt, %abs3A_3100, %gt3A_3102 : vector<16xf32>
      %and3A_3104 = arith.andi %gt3A_3099, %gt3A_3103 : vector<16xi1>
      %abs3A_3105 = math.absf %get3A_3084 : vector<16xf32>
      %gt3A_3106 = arith.constant 9.99999974E-6 : f32
      %gt3A_3107 = vector.broadcast %gt3A_3106 : f32 to vector<16xf32>
      %gt3A_3108 = arith.cmpf ogt, %abs3A_3105, %gt3A_3107 : vector<16xf32>
      %and3A_3109 = arith.andi %and3A_3104, %gt3A_3108 : vector<16xi1>
      %abs3A_3110 = math.absf %get3A_3088 : vector<16xf32>
      %gt3A_3111 = arith.constant 9.99999974E-6 : f32
      %gt3A_3112 = vector.broadcast %gt3A_3111 : f32 to vector<16xf32>
      %gt3A_3113 = arith.cmpf ogt, %abs3A_3110, %gt3A_3112 : vector<16xf32>
      %and3A_3114 = arith.andi %and3A_3109, %gt3A_3113 : vector<16xi1>
      %sub3A_3115 = vector.broadcast %max3A_1477 : f32 to vector<16xf32>
      %sub3A_3116 = arith.subf %add3A_3095, %sub3A_3115 : vector<16xf32>
      %exp3A_3117 = math.exp %sub3A_3116 : vector<16xf32>
      %jit3A_3118 = arith.constant 0.000000e+00 : f32
      %broadcast_in_dim3A_3119 = vector.broadcast %jit3A_3118 : f32 to vector<16xf32>
      %select_n3A_3120 = arith.select %and3A_3114, %exp3A_3117, %broadcast_in_dim3A_3119 : vector<16xi1>, vector<16xf32>
      %add3A_3121 = arith.addf %add3A_3064, %select_n3A_3120 : vector<16xf32>
      %mul3A_3122 = arith.mulf %select_n3A_3120, %get3A_3076 : vector<16xf32>
      %add3A_3123 = arith.addf %add3A_3066, %mul3A_3122 : vector<16xf32>
      %mul3A_3124 = arith.mulf %select_n3A_3120, %get3A_3080 : vector<16xf32>
      %add3A_3125 = arith.addf %add3A_3068, %mul3A_3124 : vector<16xf32>
      %mul3A_3126 = arith.mulf %select_n3A_3120, %get3A_3084 : vector<16xf32>
      %add3A_3127 = arith.addf %add3A_3070, %mul3A_3126 : vector<16xf32>
      %mul3A_3128 = arith.mulf %select_n3A_3120, %get3A_3088 : vector<16xf32>
      %add3A_3129 = arith.addf %add3A_3072, %mul3A_3128 : vector<16xf32>
      %get3A_3130 = arith.constant 0 : i32
      %get3A_3131 = arith.index_cast %get3A_3130 : i32 to index
      %get3A_3132 = arith.constant 464 : index
      %get3A_3133 = tpu.vector_load %arg5[%get3A_3131, %get3A_3132] {strides = array<i32>} : memref<4x512xf32, #tpu.memory_space<vmem>>, vector<16xf32>,
      %get3A_3134 = arith.constant 1 : i32
      %get3A_3135 = arith.index_cast %get3A_3134 : i32 to index
      %get3A_3136 = arith.constant 464 : index
      %get3A_3137 = tpu.vector_load %arg5[%get3A_3135, %get3A_3136] {strides = array<i32>} : memref<4x512xf32, #tpu.memory_space<vmem>>, vector<16xf32>,
      %get3A_3138 = arith.constant 2 : i32
      %get3A_3139 = arith.index_cast %get3A_3138 : i32 to index
      %get3A_3140 = arith.constant 464 : index
      %get3A_3141 = tpu.vector_load %arg5[%get3A_3139, %get3A_3140] {strides = array<i32>} : memref<4x512xf32, #tpu.memory_space<vmem>>, vector<16xf32>,
      %get3A_3142 = arith.constant 3 : i32
      %get3A_3143 = arith.index_cast %get3A_3142 : i32 to index
      %get3A_3144 = arith.constant 464 : index
      %get3A_3145 = tpu.vector_load %arg5[%get3A_3143, %get3A_3144] {strides = array<i32>} : memref<4x512xf32, #tpu.memory_space<vmem>>, vector<16xf32>,
      %mul3A_3146 = arith.mulf %get3A_3133, %get3A_18 : vector<16xf32>
      %mul3A_3147 = arith.mulf %get3A_3137, %get3A_22 : vector<16xf32>
      %add3A_3148 = arith.addf %mul3A_3146, %mul3A_3147 : vector<16xf32>
      %mul3A_3149 = arith.mulf %get3A_3141, %get3A_26 : vector<16xf32>
      %add3A_3150 = arith.addf %add3A_3148, %mul3A_3149 : vector<16xf32>
      %mul3A_3151 = arith.mulf %get3A_3145, %get3A_30 : vector<16xf32>
      %add3A_3152 = arith.addf %add3A_3150, %mul3A_3151 : vector<16xf32>
      %abs3A_3153 = math.absf %get3A_3133 : vector<16xf32>
      %gt3A_3154 = arith.constant 9.99999974E-6 : f32
      %gt3A_3155 = vector.broadcast %gt3A_3154 : f32 to vector<16xf32>
      %gt3A_3156 = arith.cmpf ogt, %abs3A_3153, %gt3A_3155 : vector<16xf32>
      %abs3A_3157 = math.absf %get3A_3137 : vector<16xf32>
      %gt3A_3158 = arith.constant 9.99999974E-6 : f32
      %gt3A_3159 = vector.broadcast %gt3A_3158 : f32 to vector<16xf32>
      %gt3A_3160 = arith.cmpf ogt, %abs3A_3157, %gt3A_3159 : vector<16xf32>
      %and3A_3161 = arith.andi %gt3A_3156, %gt3A_3160 : vector<16xi1>
      %abs3A_3162 = math.absf %get3A_3141 : vector<16xf32>
      %gt3A_3163 = arith.constant 9.99999974E-6 : f32
      %gt3A_3164 = vector.broadcast %gt3A_3163 : f32 to vector<16xf32>
      %gt3A_3165 = arith.cmpf ogt, %abs3A_3162, %gt3A_3164 : vector<16xf32>
      %and3A_3166 = arith.andi %and3A_3161, %gt3A_3165 : vector<16xi1>
      %abs3A_3167 = math.absf %get3A_3145 : vector<16xf32>
      %gt3A_3168 = arith.constant 9.99999974E-6 : f32
      %gt3A_3169 = vector.broadcast %gt3A_3168 : f32 to vector<16xf32>
      %gt3A_3170 = arith.cmpf ogt, %abs3A_3167, %gt3A_3169 : vector<16xf32>
      %and3A_3171 = arith.andi %and3A_3166, %gt3A_3170 : vector<16xi1>
      %sub3A_3172 = vector.broadcast %max3A_1477 : f32 to vector<16xf32>
      %sub3A_3173 = arith.subf %add3A_3152, %sub3A_3172 : vector<16xf32>
      %exp3A_3174 = math.exp %sub3A_3173 : vector<16xf32>
      %jit3A_3175 = arith.constant 0.000000e+00 : f32
      %broadcast_in_dim3A_3176 = vector.broadcast %jit3A_3175 : f32 to vector<16xf32>
      %select_n3A_3177 = arith.select %and3A_3171, %exp3A_3174, %broadcast_in_dim3A_3176 : vector<16xi1>, vector<16xf32>
      %add3A_3178 = arith.addf %add3A_3121, %select_n3A_3177 : vector<16xf32>
      %mul3A_3179 = arith.mulf %select_n3A_3177, %get3A_3133 : vector<16xf32>
      %add3A_3180 = arith.addf %add3A_3123, %mul3A_3179 : vector<16xf32>
      %mul3A_3181 = arith.mulf %select_n3A_3177, %get3A_3137 : vector<16xf32>
      %add3A_3182 = arith.addf %add3A_3125, %mul3A_3181 : vector<16xf32>
      %mul3A_3183 = arith.mulf %select_n3A_3177, %get3A_3141 : vector<16xf32>
      %add3A_3184 = arith.addf %add3A_3127, %mul3A_3183 : vector<16xf32>
      %mul3A_3185 = arith.mulf %select_n3A_3177, %get3A_3145 : vector<16xf32>
      %add3A_3186 = arith.addf %add3A_3129, %mul3A_3185 : vector<16xf32>
      %get3A_3187 = arith.constant 0 : i32
      %get3A_3188 = arith.index_cast %get3A_3187 : i32 to index
      %get3A_3189 = arith.constant 480 : index
      %get3A_3190 = tpu.vector_load %arg5[%get3A_3188, %get3A_3189] {strides = array<i32>} : memref<4x512xf32, #tpu.memory_space<vmem>>, vector<16xf32>,
      %get3A_3191 = arith.constant 1 : i32
      %get3A_3192 = arith.index_cast %get3A_3191 : i32 to index
      %get3A_3193 = arith.constant 480 : index
      %get3A_3194 = tpu.vector_load %arg5[%get3A_3192, %get3A_3193] {strides = array<i32>} : memref<4x512xf32, #tpu.memory_space<vmem>>, vector<16xf32>,
      %get3A_3195 = arith.constant 2 : i32
      %get3A_3196 = arith.index_cast %get3A_3195 : i32 to index
      %get3A_3197 = arith.constant 480 : index
      %get3A_3198 = tpu.vector_load %arg5[%get3A_3196, %get3A_3197] {strides = array<i32>} : memref<4x512xf32, #tpu.memory_space<vmem>>, vector<16xf32>,
      %get3A_3199 = arith.constant 3 : i32
      %get3A_3200 = arith.index_cast %get3A_3199 : i32 to index
      %get3A_3201 = arith.constant 480 : index
      %get3A_3202 = tpu.vector_load %arg5[%get3A_3200, %get3A_3201] {strides = array<i32>} : memref<4x512xf32, #tpu.memory_space<vmem>>, vector<16xf32>,
      %mul3A_3203 = arith.mulf %get3A_3190, %get3A_18 : vector<16xf32>
      %mul3A_3204 = arith.mulf %get3A_3194, %get3A_22 : vector<16xf32>
      %add3A_3205 = arith.addf %mul3A_3203, %mul3A_3204 : vector<16xf32>
      %mul3A_3206 = arith.mulf %get3A_3198, %get3A_26 : vector<16xf32>
      %add3A_3207 = arith.addf %add3A_3205, %mul3A_3206 : vector<16xf32>
      %mul3A_3208 = arith.mulf %get3A_3202, %get3A_30 : vector<16xf32>
      %add3A_3209 = arith.addf %add3A_3207, %mul3A_3208 : vector<16xf32>
      %abs3A_3210 = math.absf %get3A_3190 : vector<16xf32>
      %gt3A_3211 = arith.constant 9.99999974E-6 : f32
      %gt3A_3212 = vector.broadcast %gt3A_3211 : f32 to vector<16xf32>
      %gt3A_3213 = arith.cmpf ogt, %abs3A_3210, %gt3A_3212 : vector<16xf32>
      %abs3A_3214 = math.absf %get3A_3194 : vector<16xf32>
      %gt3A_3215 = arith.constant 9.99999974E-6 : f32
      %gt3A_3216 = vector.broadcast %gt3A_3215 : f32 to vector<16xf32>
      %gt3A_3217 = arith.cmpf ogt, %abs3A_3214, %gt3A_3216 : vector<16xf32>
      %and3A_3218 = arith.andi %gt3A_3213, %gt3A_3217 : vector<16xi1>
      %abs3A_3219 = math.absf %get3A_3198 : vector<16xf32>
      %gt3A_3220 = arith.constant 9.99999974E-6 : f32
      %gt3A_3221 = vector.broadcast %gt3A_3220 : f32 to vector<16xf32>
      %gt3A_3222 = arith.cmpf ogt, %abs3A_3219, %gt3A_3221 : vector<16xf32>
      %and3A_3223 = arith.andi %and3A_3218, %gt3A_3222 : vector<16xi1>
      %abs3A_3224 = math.absf %get3A_3202 : vector<16xf32>
      %gt3A_3225 = arith.constant 9.99999974E-6 : f32
      %gt3A_3226 = vector.broadcast %gt3A_3225 : f32 to vector<16xf32>
      %gt3A_3227 = arith.cmpf ogt, %abs3A_3224, %gt3A_3226 : vector<16xf32>
      %and3A_3228 = arith.andi %and3A_3223, %gt3A_3227 : vector<16xi1>
      %sub3A_3229 = vector.broadcast %max3A_1477 : f32 to vector<16xf32>
      %sub3A_3230 = arith.subf %add3A_3209, %sub3A_3229 : vector<16xf32>
      %exp3A_3231 = math.exp %sub3A_3230 : vector<16xf32>
      %jit3A_3232 = arith.constant 0.000000e+00 : f32
      %broadcast_in_dim3A_3233 = vector.broadcast %jit3A_3232 : f32 to vector<16xf32>
      %select_n3A_3234 = arith.select %and3A_3228, %exp3A_3231, %broadcast_in_dim3A_3233 : vector<16xi1>, vector<16xf32>
      %add3A_3235 = arith.addf %add3A_3178, %select_n3A_3234 : vector<16xf32>
      %mul3A_3236 = arith.mulf %select_n3A_3234, %get3A_3190 : vector<16xf32>
      %add3A_3237 = arith.addf %add3A_3180, %mul3A_3236 : vector<16xf32>
      %mul3A_3238 = arith.mulf %select_n3A_3234, %get3A_3194 : vector<16xf32>
      %add3A_3239 = arith.addf %add3A_3182, %mul3A_3238 : vector<16xf32>
      %mul3A_3240 = arith.mulf %select_n3A_3234, %get3A_3198 : vector<16xf32>
      %add3A_3241 = arith.addf %add3A_3184, %mul3A_3240 : vector<16xf32>
      %mul3A_3242 = arith.mulf %select_n3A_3234, %get3A_3202 : vector<16xf32>
      %add3A_3243 = arith.addf %add3A_3186, %mul3A_3242 : vector<16xf32>
      %get3A_3244 = arith.constant 0 : i32
      %get3A_3245 = arith.index_cast %get3A_3244 : i32 to index
      %get3A_3246 = arith.constant 496 : index
      %get3A_3247 = tpu.vector_load %arg5[%get3A_3245, %get3A_3246] {strides = array<i32>} : memref<4x512xf32, #tpu.memory_space<vmem>>, vector<16xf32>,
      %get3A_3248 = arith.constant 1 : i32
      %get3A_3249 = arith.index_cast %get3A_3248 : i32 to index
      %get3A_3250 = arith.constant 496 : index
      %get3A_3251 = tpu.vector_load %arg5[%get3A_3249, %get3A_3250] {strides = array<i32>} : memref<4x512xf32, #tpu.memory_space<vmem>>, vector<16xf32>,
      %get3A_3252 = arith.constant 2 : i32
      %get3A_3253 = arith.index_cast %get3A_3252 : i32 to index
      %get3A_3254 = arith.constant 496 : index
      %get3A_3255 = tpu.vector_load %arg5[%get3A_3253, %get3A_3254] {strides = array<i32>} : memref<4x512xf32, #tpu.memory_space<vmem>>, vector<16xf32>,
      %get3A_3256 = arith.constant 3 : i32
      %get3A_3257 = arith.index_cast %get3A_3256 : i32 to index
      %get3A_3258 = arith.constant 496 : index
      %get3A_3259 = tpu.vector_load %arg5[%get3A_3257, %get3A_3258] {strides = array<i32>} : memref<4x512xf32, #tpu.memory_space<vmem>>, vector<16xf32>,
      %mul3A_3260 = arith.mulf %get3A_3247, %get3A_18 : vector<16xf32>
      %mul3A_3261 = arith.mulf %get3A_3251, %get3A_22 : vector<16xf32>
      %add3A_3262 = arith.addf %mul3A_3260, %mul3A_3261 : vector<16xf32>
      %mul3A_3263 = arith.mulf %get3A_3255, %get3A_26 : vector<16xf32>
      %add3A_3264 = arith.addf %add3A_3262, %mul3A_3263 : vector<16xf32>
      %mul3A_3265 = arith.mulf %get3A_3259, %get3A_30 : vector<16xf32>
      %add3A_3266 = arith.addf %add3A_3264, %mul3A_3265 : vector<16xf32>
      %abs3A_3267 = math.absf %get3A_3247 : vector<16xf32>
      %gt3A_3268 = arith.constant 9.99999974E-6 : f32
      %gt3A_3269 = vector.broadcast %gt3A_3268 : f32 to vector<16xf32>
      %gt3A_3270 = arith.cmpf ogt, %abs3A_3267, %gt3A_3269 : vector<16xf32>
      %abs3A_3271 = math.absf %get3A_3251 : vector<16xf32>
      %gt3A_3272 = arith.constant 9.99999974E-6 : f32
      %gt3A_3273 = vector.broadcast %gt3A_3272 : f32 to vector<16xf32>
      %gt3A_3274 = arith.cmpf ogt, %abs3A_3271, %gt3A_3273 : vector<16xf32>
      %and3A_3275 = arith.andi %gt3A_3270, %gt3A_3274 : vector<16xi1>
      %abs3A_3276 = math.absf %get3A_3255 : vector<16xf32>
      %gt3A_3277 = arith.constant 9.99999974E-6 : f32
      %gt3A_3278 = vector.broadcast %gt3A_3277 : f32 to vector<16xf32>
      %gt3A_3279 = arith.cmpf ogt, %abs3A_3276, %gt3A_3278 : vector<16xf32>
      %and3A_3280 = arith.andi %and3A_3275, %gt3A_3279 : vector<16xi1>
      %abs3A_3281 = math.absf %get3A_3259 : vector<16xf32>
      %gt3A_3282 = arith.constant 9.99999974E-6 : f32
      %gt3A_3283 = vector.broadcast %gt3A_3282 : f32 to vector<16xf32>
      %gt3A_3284 = arith.cmpf ogt, %abs3A_3281, %gt3A_3283 : vector<16xf32>
      %and3A_3285 = arith.andi %and3A_3280, %gt3A_3284 : vector<16xi1>
      %sub3A_3286 = vector.broadcast %max3A_1477 : f32 to vector<16xf32>
      %sub3A_3287 = arith.subf %add3A_3266, %sub3A_3286 : vector<16xf32>
      %exp3A_3288 = math.exp %sub3A_3287 : vector<16xf32>
      %jit3A_3289 = arith.constant 0.000000e+00 : f32
      %broadcast_in_dim3A_3290 = vector.broadcast %jit3A_3289 : f32 to vector<16xf32>
      %select_n3A_3291 = arith.select %and3A_3285, %exp3A_3288, %broadcast_in_dim3A_3290 : vector<16xi1>, vector<16xf32>
      %add3A_3292 = arith.addf %add3A_3235, %select_n3A_3291 : vector<16xf32>
      %mul3A_3293 = arith.mulf %select_n3A_3291, %get3A_3247 : vector<16xf32>
      %add3A_3294 = arith.addf %add3A_3237, %mul3A_3293 : vector<16xf32>
      %mul3A_3295 = arith.mulf %select_n3A_3291, %get3A_3251 : vector<16xf32>
      %add3A_3296 = arith.addf %add3A_3239, %mul3A_3295 : vector<16xf32>
      %mul3A_3297 = arith.mulf %select_n3A_3291, %get3A_3255 : vector<16xf32>
      %add3A_3298 = arith.addf %add3A_3241, %mul3A_3297 : vector<16xf32>
      %mul3A_3299 = arith.mulf %select_n3A_3291, %get3A_3259 : vector<16xf32>
      %add3A_3300 = arith.addf %add3A_3243, %mul3A_3299 : vector<16xf32>
      %sub3A_3301 = vector.broadcast %max3A_1477 : f32 to vector<16xf32>
      %sub3A_3302 = arith.subf %get3A_34, %sub3A_3301 : vector<16xf32>
      %exp3A_3303 = math.exp %sub3A_3302 : vector<16xf32>
      %sub3A_3304 = vector.broadcast %max3A_1477 : f32 to vector<16xf32>
      %sub3A_3305 = arith.subf %get3A_38, %sub3A_3304 : vector<16xf32>
      %exp3A_3306 = math.exp %sub3A_3305 : vector<16xf32>
      %reduce_sum3A = arith.constant true
      %reduce_sum3A_3307 = vector.broadcast %reduce_sum3A : i1 to vector<16xi1>
      %reduce_sum3A_3308 = tpu.scan <sum>, %add3A_3292 masked %reduce_sum3A_3307 : vector<16xf32>, vector<16xi1> -> vector<16xf32>
      %reduce_sum3A_3309 = vector.extract %reduce_sum3A_3308[15] : f32 from vector<16xf32>
      %reduce_max3A_3310 = arith.constant true
      %reduce_max3A_3311 = vector.broadcast %reduce_max3A_3310 : i1 to vector<16xi1>
      %reduce_max3A_3312 = tpu.scan <max>, %exp3A_3303 masked %reduce_max3A_3311 : vector<16xf32>, vector<16xi1> -> vector<16xf32>
      %reduce_max3A_3313 = vector.extract %reduce_max3A_3312[15] : f32 from vector<16xf32>
      %add3A_3314 = arith.addf %reduce_sum3A_3309, %reduce_max3A_3313 : f32
      %reduce_max3A_3315 = arith.constant true
      %reduce_max3A_3316 = vector.broadcast %reduce_max3A_3315 : i1 to vector<16xi1>
      %reduce_max3A_3317 = tpu.scan <max>, %exp3A_3306 masked %reduce_max3A_3316 : vector<16xf32>, vector<16xi1> -> vector<16xf32>
      %reduce_max3A_3318 = vector.extract %reduce_max3A_3317[15] : f32 from vector<16xf32>
      %add3A_3319 = arith.addf %add3A_3314, %reduce_max3A_3318 : f32
      %mul3A_3320 = arith.mulf %exp3A_3303, %get3A_42 : vector<16xf32>
      %mul3A_3321 = arith.mulf %exp3A_3306, %get3A_46 : vector<16xf32>
      %add3A_3322 = arith.addf %mul3A_3320, %mul3A_3321 : vector<16xf32>
      %reduce_sum3A_3323 = arith.constant true
      %reduce_sum3A_3324 = vector.broadcast %reduce_sum3A_3323 : i1 to vector<16xi1>
      %reduce_sum3A_3325 = tpu.scan <sum>, %add3A_3294 masked %reduce_sum3A_3324 : vector<16xf32>, vector<16xi1> -> vector<16xf32>
      %reduce_sum3A_3326 = vector.extract %reduce_sum3A_3325[15] : f32 from vector<16xf32>
      %mul3A_3327 = vector.broadcast %reduce_sum3A_3326 : f32 to vector<16xf32>
      %mul3A_3328 = arith.mulf %mul3A_3327, %get3A_50 : vector<16xf32>
      %add3A_3329 = arith.addf %add3A_3322, %mul3A_3328 : vector<16xf32>
      %reduce_sum3A_3330 = arith.constant true
      %reduce_sum3A_3331 = vector.broadcast %reduce_sum3A_3330 : i1 to vector<16xi1>
      %reduce_sum3A_3332 = tpu.scan <sum>, %add3A_3296 masked %reduce_sum3A_3331 : vector<16xf32>, vector<16xi1> -> vector<16xf32>
      %reduce_sum3A_3333 = vector.extract %reduce_sum3A_3332[15] : f32 from vector<16xf32>
      %mul3A_3334 = vector.broadcast %reduce_sum3A_3333 : f32 to vector<16xf32>
      %mul3A_3335 = arith.mulf %mul3A_3334, %get3A_54 : vector<16xf32>
      %add3A_3336 = arith.addf %add3A_3329, %mul3A_3335 : vector<16xf32>
      %reduce_sum3A_3337 = arith.constant true
      %reduce_sum3A_3338 = vector.broadcast %reduce_sum3A_3337 : i1 to vector<16xi1>
      %reduce_sum3A_3339 = tpu.scan <sum>, %add3A_3298 masked %reduce_sum3A_3338 : vector<16xf32>, vector<16xi1> -> vector<16xf32>
      %reduce_sum3A_3340 = vector.extract %reduce_sum3A_3339[15] : f32 from vector<16xf32>
      %mul3A_3341 = vector.broadcast %reduce_sum3A_3340 : f32 to vector<16xf32>
      %mul3A_3342 = arith.mulf %mul3A_3341, %get3A_58 : vector<16xf32>
      %add3A_3343 = arith.addf %add3A_3336, %mul3A_3342 : vector<16xf32>
      %reduce_sum3A_3344 = arith.constant true
      %reduce_sum3A_3345 = vector.broadcast %reduce_sum3A_3344 : i1 to vector<16xi1>
      %reduce_sum3A_3346 = tpu.scan <sum>, %add3A_3300 masked %reduce_sum3A_3345 : vector<16xf32>, vector<16xi1> -> vector<16xf32>
      %reduce_sum3A_3347 = vector.extract %reduce_sum3A_3346[15] : f32 from vector<16xf32>
      %mul3A_3348 = vector.broadcast %reduce_sum3A_3347 : f32 to vector<16xf32>
      %mul3A_3349 = arith.mulf %mul3A_3348, %get3A_62 : vector<16xf32>
      %add3A_3350 = arith.addf %add3A_3343, %mul3A_3349 : vector<16xf32>
      %div3A = vector.broadcast %add3A_3319 : f32 to vector<16xf32>
      %div3A_3351 = arith.divf %add3A_3350, %div3A : vector<16xf32>
      %swap3A = arith.constant 0 : index
      %swap3A_3352 = tpu.vector_load %arg7[%swap3A] {strides = array<i32>} : memref<16xf32, #tpu.memory_space<vmem>>, vector<16xf32>,
      tpu.vector_store %arg7[%swap3A], %div3A_3351 {strides = array<i32>} : memref<16xf32, #tpu.memory_space<vmem>>, vector<16xf32>,
      "tpu.region"() ({
        %run_scoped3A = tpu.sem_alloc : memref<!tpu.dma_semaphore, #tpu.memory_space<semaphore_mem>>
        %dma_start3A_3353 = arith.constant 0 : i32
        %dma_start3A_3354 = tpu.memref_slice %arg4[%arg1, %dma_start3A_3353] : memref<8x16xf32, #tpu.memory_space<hbm>> -> memref<1x16xf32, #tpu.memory_space<hbm>>
        %dma_start3A_3355 = tpu.memref_squeeze %dma_start3A_3354 : memref<1x16xf32, #tpu.memory_space<hbm>> -> memref<16xf32, #tpu.memory_space<hbm>>
        %dma_start3A_3356 = arith.constant 0 : i32
        %dma_start3A_3357 = tpu.memref_slice %arg4[%arg1, %dma_start3A_3356] : memref<8x16xf32, #tpu.memory_space<hbm>> -> memref<1x16xf32, #tpu.memory_space<hbm>>
        %dma_start3A_3358 = tpu.memref_squeeze %dma_start3A_3357 : memref<1x16xf32, #tpu.memory_space<hbm>> -> memref<16xf32, #tpu.memory_space<hbm>>
        tpu.enqueue_dma source(%arg7 : memref<16xf32, #tpu.memory_space<vmem>>) target(%dma_start3A_3358 : memref<16xf32, #tpu.memory_space<hbm>>) target_semaphore(%run_scoped3A : memref<!tpu.dma_semaphore, #tpu.memory_space<semaphore_mem>>)
        %dma_wait3A_3359 = arith.constant 0 : i32
        %dma_wait3A_3360 = tpu.memref_slice %arg4[%arg1, %dma_wait3A_3359] : memref<8x16xf32, #tpu.memory_space<hbm>> -> memref<1x16xf32, #tpu.memory_space<hbm>>
        %dma_wait3A_3361 = tpu.memref_squeeze %dma_wait3A_3360 : memref<1x16xf32, #tpu.memory_space<hbm>> -> memref<16xf32, #tpu.memory_space<hbm>>
        %dma_wait3A_3362 = arith.constant 0 : i32
        %dma_wait3A_3363 = tpu.memref_slice %arg4[%arg1, %dma_wait3A_3362] : memref<8x16xf32, #tpu.memory_space<hbm>> -> memref<1x16xf32, #tpu.memory_space<hbm>>
        %dma_wait3A_3364 = tpu.memref_squeeze %dma_wait3A_3363 : memref<1x16xf32, #tpu.memory_space<hbm>> -> memref<16xf32, #tpu.memory_space<hbm>>
        tpu.wait_dma2 semaphore(%run_scoped3A : memref<!tpu.dma_semaphore, #tpu.memory_space<semaphore_mem>>) src(%arg7 : memref<16xf32, #tpu.memory_space<vmem>>) dst(%dma_wait3A_3364 : memref<16xf32, #tpu.memory_space<hbm>>)
        tpu.yield
      }) : () -> ()
    } else {
    }
    return
  }
}

module attributes {stable_mosaic.version = 14 : i64} {
  func.func @_consts_body(%arg0: memref<17x64xf32, #tpu.memory_space<vmem>>, %arg1: memref<17x64xf32, #tpu.memory_space<vmem>>, %arg2: memref<17x64xf32, #tpu.memory_space<vmem>>, %arg3: memref<64x160xf32, #tpu.memory_space<vmem>>, %arg4: memref<160x10xf32, #tpu.memory_space<vmem>>, %arg5: memref<6x17xf32, #tpu.memory_space<vmem>>, %arg6: memref<10x128xf32, #tpu.memory_space<vmem>>, %arg7: memref<16x128xf32, #tpu.memory_space<vmem>>) attributes {dimension_semantics = [], scalar_prefetch = 0 : i64, scratch_operands = 0 : i64, tpu.core_type = #tpu.core_type<tc>} {
    %get3A = arith.constant 0 : index
    %get3A_0 = arith.constant 0 : index
    %get3A_1 = vector.load %arg0[%get3A, %get3A_0] : memref<17x64xf32, #tpu.memory_space<vmem>>, vector<17x64xf32>
    %get3A_2 = arith.constant 0 : index
    %get3A_3 = arith.constant 0 : index
    %get3A_4 = vector.load %arg1[%get3A_2, %get3A_3] : memref<17x64xf32, #tpu.memory_space<vmem>>, vector<17x64xf32>
    %get3A_5 = arith.constant 0 : index
    %get3A_6 = arith.constant 0 : index
    %get3A_7 = vector.load %arg2[%get3A_5, %get3A_6] : memref<17x64xf32, #tpu.memory_space<vmem>>, vector<17x64xf32>
    %get3A_8 = arith.constant 0 : index
    %get3A_9 = arith.constant 0 : index
    %get3A_10 = vector.load %arg3[%get3A_8, %get3A_9] : memref<64x160xf32, #tpu.memory_space<vmem>>, vector<64x160xf32>
    %slice3A = vector.extract_strided_slice %get3A_1 {offsets = [1, 0], sizes = [1, 64], strides = [1, 1]} : vector<17x64xf32> to vector<1x64xf32>
    %slice3A_11 = vector.extract_strided_slice %get3A_1 {offsets = [16, 0], sizes = [1, 64], strides = [1, 1]} : vector<17x64xf32> to vector<1x64xf32>
    %add3A = arith.addf %slice3A, %slice3A_11 : vector<1x64xf32>
    %mul3A = vector.broadcast %add3A : vector<1x64xf32> to vector<17x64xf32>
    %mul3A_12 = arith.mulf %get3A_4, %mul3A : vector<17x64xf32>
    %reduce_sum3A = arith.constant dense<0.000000e+00> : vector<17xf32>
    %reduce_sum3A_13 = vector.multi_reduction <add>, %mul3A_12, %reduce_sum3A [1] : vector<17x64xf32> to vector<17xf32>
    %broadcast_in_dim3A = vector.shape_cast %reduce_sum3A_13 : vector<17xf32> to vector<17x1xf32>
    %mul3A_14 = arith.constant 1.250000e-01 : f32
    %mul3A_15 = vector.broadcast %mul3A_14 : f32 to vector<17x1xf32>
    %mul3A_16 = arith.mulf %broadcast_in_dim3A, %mul3A_15 : vector<17x1xf32>
    %slice3A_17 = vector.extract_strided_slice %mul3A_16 {offsets = [1, 0], sizes = [4, 1], strides = [1, 1]} : vector<17x1xf32> to vector<4x1xf32>
    %slice3A_18 = vector.extract_strided_slice %mul3A_16 {offsets = [1, 0], sizes = [1, 1], strides = [1, 1]} : vector<17x1xf32> to vector<1x1xf32>
    %slice3A_19 = vector.extract_strided_slice %mul3A_16 {offsets = [16, 0], sizes = [1, 1], strides = [1, 1]} : vector<17x1xf32> to vector<1x1xf32>
    %add3A_20 = arith.addf %slice3A_18, %slice3A_19 : vector<1x1xf32>
    %slice3A_21 = vector.extract_strided_slice %mul3A_16 {offsets = [4, 0], sizes = [1, 1], strides = [1, 1]} : vector<17x1xf32> to vector<1x1xf32>
    %get3A_22 = arith.constant 0 : index
    %get3A_23 = arith.constant 0 : index
    %get3A_24 = vector.load %arg4[%get3A_22, %get3A_23] : memref<160x10xf32, #tpu.memory_space<vmem>>, vector<160x10xf32>
    %dot_general3A = arith.constant dense<0.000000e+00> : vector<64x10xf32>
    %dot_general3A_25 = tpu.matmul %get3A_10, %get3A_24, %dot_general3A {dimension_numbers = #tpu.dot_dimension_numbers<[1], [0], [0], [1], [0, 0, 1, 1], [], []>, transpose_lhs_hint = false} : vector<64x160xf32>, vector<160x10xf32>, vector<64x10xf32> -> vector<64x10xf32>
    %get3A_26 = arith.constant 0 : index
    %get3A_27 = arith.constant 0 : index
    %get3A_28 = vector.load %arg5[%get3A_26, %get3A_27] : memref<6x17xf32, #tpu.memory_space<vmem>>, vector<6x17xf32>
    %dot_general3A_29 = arith.constant dense<0.000000e+00> : vector<6x64xf32>
    %dot_general3A_30 = tpu.matmul %get3A_28, %get3A_7, %dot_general3A_29 {dimension_numbers = #tpu.dot_dimension_numbers<[1], [0], [0], [1], [0, 0, 1, 1], [], []>, transpose_lhs_hint = false} : vector<6x17xf32>, vector<17x64xf32>, vector<6x64xf32> -> vector<6x64xf32>
    %dot_general3A_31 = arith.constant dense<0.000000e+00> : vector<6x10xf32>
    %dot_general3A_32 = tpu.matmul %dot_general3A_30, %dot_general3A_25, %dot_general3A_31 {dimension_numbers = #tpu.dot_dimension_numbers<[1], [0], [0], [1], [0, 0, 1, 1], [], []>, transpose_lhs_hint = false} : vector<6x64xf32>, vector<64x10xf32>, vector<6x10xf32> -> vector<6x10xf32>
    %get3A_33 = arith.constant 0 : index
    %get3A_34 = arith.constant 0 : index
    %get3A_35 = vector.load %arg6[%get3A_33, %get3A_34] : memref<10x128xf32, #tpu.memory_space<vmem>>, vector<10x128xf32>
    %dot_general3A_36 = arith.constant dense<0.000000e+00> : vector<6x128xf32>
    %dot_general3A_37 = tpu.matmul %dot_general3A_32, %get3A_35, %dot_general3A_36 {dimension_numbers = #tpu.dot_dimension_numbers<[1], [0], [0], [1], [0, 0, 1, 1], [], []>, transpose_lhs_hint = false} : vector<6x10xf32>, vector<10x128xf32>, vector<6x128xf32> -> vector<6x128xf32>
    %broadcast_in_dim3A_38 = vector.shape_cast %slice3A_17 : vector<4x1xf32> to vector<4x1xf32>
    %broadcast_in_dim3A_39 = vector.broadcast %broadcast_in_dim3A_38 : vector<4x1xf32> to vector<4x128xf32>
    %broadcast_in_dim3A_40 = vector.shape_cast %add3A_20 : vector<1x1xf32> to vector<1x1xf32>
    %broadcast_in_dim3A_41 = vector.broadcast %broadcast_in_dim3A_40 : vector<1x1xf32> to vector<1x128xf32>
    %broadcast_in_dim3A_42 = vector.shape_cast %slice3A_21 : vector<1x1xf32> to vector<1x1xf32>
    %broadcast_in_dim3A_43 = vector.broadcast %broadcast_in_dim3A_42 : vector<1x1xf32> to vector<1x128xf32>
    %broadcast_in_dim3A_44 = arith.constant 0.000000e+00 : f32
    %broadcast_in_dim3A_45 = vector.broadcast %broadcast_in_dim3A_44 : f32 to vector<4x128xf32>
    %concatenate3A = tpu.concatenate %broadcast_in_dim3A_39, %broadcast_in_dim3A_41, %broadcast_in_dim3A_43, %dot_general3A_37, %broadcast_in_dim3A_45 in 0 : vector<4x128xf32>, vector<1x128xf32>, vector<1x128xf32>, vector<6x128xf32>, vector<4x128xf32> -> vector<16x128xf32>
    %swap3A = arith.constant 0 : index
    %swap3A_46 = arith.constant 0 : index
    %swap3A_47 = vector.load %arg7[%swap3A, %swap3A_46] : memref<16x128xf32, #tpu.memory_space<vmem>>, vector<16x128xf32>
    tpu.vector_store %arg7[%swap3A, %swap3A_46], %concatenate3A {strides = array<i32>} : memref<16x128xf32, #tpu.memory_space<vmem>>, vector<16x128xf32>,
    return
  }
}

</mosaic_0001>

<sc_bundles>
// kernel: kernel.4.cloned.1.call-start
scs
__scs_entry_jumppad:
0x0: {  	(pc) =	sbr.rel $0x88, $3  }
0x1: {  	(tag) =	ssettag $0x0;
	lr =	simm.s32 $0x1  }
0x2: {  	[smem:$0x3F9C] =	sst lr;
	_ =	strace $0xD0000000  }
0x3: {  	_ = 	snop  }
0x4: {  	_ = 	snop  }
0x5: {  	_ = 	snop  }
0x6: {  	_ = 	snop  }
0x7: {  	_ = 	snop  }
__scs_overlays_trampoline_lowered:
0x8: {  	[smem:$0x3FAB] =	sst s0  }
0x9: {  	[smem:$0x3FAC] =	sst s1  }
0xa: {  	[smem:$0x3FAD] =	sst s2  }
0xb: {  	[smem:$0x3FAE] =	sst s3  }
0xc: {  	[smem:$0x3FAF] =	sst s4  }
0xd: {  	[smem:$0x3FB0] =	sst s5  }
0xe: {  	[smem:$0x3FB1] =	sst s6  }
0xf: {  	[smem:$0x3FB2] =	sst s7  }
0x10: {  	[smem:$0x3FB3] =	sst s8  }
0x11: {  	[smem:$0x3FB4] =	sst s9;
	s0 =	simm.s32 @!p0 $0x0  }
0x12: {  	s1 =	sld [smem:$0x3F9A];
	s0 =	simm.s32 @p0 $0x1  }
0x13: {  	[smem:$0x3FB5] =	sst s0;
	s0 =	simm.s32 @!p1 $0x0  }
0x14: {  	s2 =	sld [smem:$0x3F99];
	s0 =	simm.s32 @p1 $0x1  }
0x15: {  	[smem:$0x3FB6] =	sst s0;
	s0 =	simm.s32 @!p2 $0x0  }
0x16: {  	s3 =	sld [smem:$0x3FDB];
	s0 =	simm.s32 @p2 $0x1  }
0x17: {  	s4 =	simm.s32 $0x1BF5;
	[smem:$0x3FB8] =	sst s0  }
0x18: {  	s0 =	sld [smem:$0x3F9B];
	_ =	swait.ge [sflag:s4], $0x0  }
0x19: {  	s7 =	sld [smem:$0x3F9C]  }
0x1a: {  	s8 =	sadd.s32 $0xFFFFE003, lr  }
0x1b: {  	s9 =	sadd.s32 $0xFFFFFEF7, lr;
	s5 =	simm.s32 $0xFFFFFFFF;
	p2 =	slt.u32 s8, $0xFFFFF086  }
0x1c: {  	p1 =	slt.u32 s9, $0xF7A;
	s5 =	simm.s32 @!p2 $0x0  }
0x1d: {  	s5 =	simm.s32 @p1 $0x1;
	p0 =	seq.s32 s7, s2  }
0x1e: {  	s7 =	smul.u32 @!p0 $0xF7A, s2;
	p2 =	seq.s32 @!p0 s5, $0x0  }
0x1f: {  	s9 =	smul.u32 $0xF7A, s1;
	s8 =	simm.s32 @!p0 $0x1BF5;
	p2 =	por !p2, p0  }
0x20: {  	[sflag:s8] =	ssyncset.s32 @!p0 $0xFFFFF086;
	s6 =	sadd.s32 @!p0 s3, s7;
	s7 =	simm.s32 @!p0 $0x108  }
0x21: {  	s3 =	sadd.s32 s3, s9;
	s6 =	sadd.s32 @!p0 $0x88, s6;
	s7 =	simm.s32 @p2 $0x1082  }
0x22: {  	[simem:s7], [sflag:s8] =	dma.local @!p0 [hbm:s6], $0xF7A  }
0x23: {  	s9 =	sor.u32 $0xD0000000, s2;
	s6 =	simm.s32 $0x108;
	_ =	swait.ge @!p0 [sflag:s8], $0x0  }
0x24: {  	s3 =	sadd.s32 $0x88, s3;
	s6 =	simm.s32 @!p1 $0x1082;
	[sflag:s4] =	ssyncset.s32 $0xFFFFF086  }
0x25: {  	[simem:s6], [sflag:s4] =	dma.local [hbm:s3], $0xF7A  }
0x26: {  	[smem:$0x3F9C] =	sst s1;
	(tag) =	ssettag s2;
	_ =	strace s9  }
0x27: {  	s1 =	sld [smem:$0x3FAC]  }
0x28: {  	s2 =	sld [smem:$0x3FAD]  }
0x29: {  	s4 =	sld [smem:$0x3FAF]  }
0x2a: {  	p0 =	seq.s32 s5, $0x0;
	s5 =	sld [smem:$0x3FB0]  }
0x2b: {  	s6 =	sld [smem:$0x3FB1]  }
0x2c: {  	s7 =	sld [smem:$0x3FB2]  }
0x2d: {  	s3 =	simm.s32 $0x108;
	s8 =	sld [smem:$0x3FB3]  }
0x2e: {  	s3 =	simm.s32 @!p0 $0x1082;
	s9 =	sld [smem:$0x3FB4]  }
0x2f: {  	lr =	sadd.s32 s0, s3;
	s0 =	sld [smem:$0x3FAB]  }
0x30: {  	s3 =	sld [smem:$0x3FAE]  }
0x31: {  	[smem:$0x3FB7] =	sst s10  }
0x32: {  	s10 =	sld [smem:$0x3FB5];
	_ =	sdelay $0x3  }
0x33: {  	p0 =	seq.s32 s10, $0x1;
	s10 =	sld [smem:$0x3FB7];
	_ =	sdelay $0x3  }
0x34: {  	[smem:$0x3FB7] =	sst s10  }
0x35: {  	s10 =	sld [smem:$0x3FB6];
	_ =	sdelay $0x3  }
0x36: {  	p1 =	seq.s32 s10, $0x1;
	s10 =	sld [smem:$0x3FB7];
	_ =	sdelay $0x3  }
0x37: {  	[smem:$0x3FB7] =	sst s10  }
0x38: {  	s10 =	sld [smem:$0x3FB8]  }
0x39: {  	_ = 	snop;
	(pc) =	sbr.ind lr, $3  }
0x3a: {  	_ = 	snop  }
0x3b: {  	_ = 	snop  }
0x3c: {  	p2 =	seq.s32 s10, $0x1;
	s10 =	sld [smem:$0x3FB7]  }
0x3d: {  	_ =	shalt  }
0x3e: {  	_ =	shalt  }
0x3f: {  	_ =	shalt  }
0x40: {  	_ =	shalt  }
0x41: {  	_ =	shalt  }
0x42: {  	_ =	shalt  }
0x43: {  	_ =	shalt  }
0x44: {  	_ =	shalt  }
0x45: {  	_ =	shalt  }
0x46: {  	_ =	shalt  }
0x47: {  	_ =	shalt  }
0x48: {  	_ =	shalt  }
0x49: {  	_ =	shalt  }
0x4a: {  	_ =	shalt  }
0x4b: {  	_ =	shalt  }
0x4c: {  	_ =	shalt  }
0x4d: {  	_ =	shalt  }
0x4e: {  	_ =	shalt  }
0x4f: {  	_ =	shalt  }
0x50: {  	_ =	shalt  }
0x51: {  	_ =	shalt  }
0x52: {  	_ =	shalt  }
0x53: {  	_ =	shalt  }
0x54: {  	_ =	shalt  }
0x55: {  	_ =	shalt  }
0x56: {  	_ =	shalt  }
0x57: {  	_ =	shalt  }
0x58: {  	_ =	shalt  }
0x59: {  	_ =	shalt  }
0x5a: {  	_ =	shalt  }
0x5b: {  	_ =	shalt  }
0x5c: {  	_ =	shalt  }
0x5d: {  	_ =	shalt  }
0x5e: {  	_ =	shalt  }
0x5f: {  	_ =	shalt  }
0x60: {  	_ =	shalt  }
0x61: {  	_ =	shalt  }
0x62: {  	_ =	shalt  }
0x63: {  	_ =	shalt  }
0x64: {  	_ =	shalt  }
0x65: {  	_ =	shalt  }
0x66: {  	_ =	shalt  }
0x67: {  	_ =	shalt  }
0x68: {  	_ =	shalt  }
0x69: {  	_ =	shalt  }
0x6a: {  	_ =	shalt  }
0x6b: {  	_ =	shalt  }
0x6c: {  	_ =	shalt  }
0x6d: {  	_ =	shalt  }
0x6e: {  	_ =	shalt  }
0x6f: {  	_ =	shalt  }
0x70: {  	_ =	shalt  }
0x71: {  	_ =	shalt  }
0x72: {  	_ =	shalt  }
0x73: {  	_ =	shalt  }
0x74: {  	_ =	shalt  }
0x75: {  	_ =	shalt  }
0x76: {  	_ =	shalt  }
0x77: {  	_ =	shalt  }
0x78: {  	_ =	shalt  }
0x79: {  	_ =	shalt  }
0x7a: {  	_ =	shalt  }
0x7b: {  	_ =	shalt  }
0x7c: {  	_ =	shalt  }
0x7d: {  	_ =	shalt  }
0x7e: {  	_ =	shalt  }
0x7f: {  	_ =	shalt  }
0x80: {  	_ =	shalt  }
0x81: {  	_ =	shalt  }
0x82: {  	_ =	shalt  }
0x83: {  	_ =	shalt  }
0x84: {  	_ =	shalt  }
0x85: {  	_ =	shalt  }
0x86: {  	_ =	shalt  }
0x87: {  	_ =	shalt  }
.Lfunc_end0:
.L_simem_size_0:
called_computation_lowered:
.L_overlay_start_0:
0x88: {  	s0 =	sld [smem:$0x3FD9]  }
0x89: {  	s1 =	sld [smem:$0x3FFE];
	_ =	sdelay $0x3  }
0x8a: {  	s0 =	sadd.s32 s1, s0  }
0x8b: {  	[smem:$0x3FC3] =	sst s0  }
0x8c: {  	_ = 	snop  }
0x8d: {  	s0 =	sld [smem:$0x3FC9];
	(tm) =	ssettm $0x1  }
0x8e: {  	s16 =	sld [smem:$0x3FFB];
	_ =	sdelay $0x3  }
0x8f: {  	_ =	strace s16  }
0x90: {  	s1 =	sld [smem:$0x3FFC];
	_ =	sdelay $0x3  }
0x91: {  	_ =	strace s1  }
0x92: {  	s1 =	sld [smem:$0x3FFD];
	_ =	sdelay $0x3  }
0x93: {  	_ =	strace s1  }
0x94: {  	_ =	strace $0x8FFFFFFF  }
0x95: {  	s17 =	sld [smem:$0x3FDB];
	_ =	sdelay $0x1  }
0x96: {  	s2 =	simm.s32 $_scs_section_size  }
0x97: {  	s3 =	simm.s32 $_size__tile_overlayer_lowered;
	s4 =	simm.s32 $_tile_overlayer_lowered  }
0x98: {  	s20 =	simm.s32 $0x1BFF;
	s19 =	sshll.u32 s4, $0x1;
	s1 =	sadd.s32 s2, s17  }
0x99: {  	s5 =	simm.s32 $0x0;
	s18 =	sshll.u32 s3, $0x1;
	s3 =	sadd.s32 s19, s1  }
0x9a: {  	[timem:s5], [sflag:s20] =	dma.local [hbm:s3], s18  }
0x9b: {  	_ =	swait.ge [sflag:s20], s18  }
0x9c: {  	s2 =	ssub.s32 $0x0, s18;
	[sflag:s20] =	ssyncset.done $0x0  }
0x9d: {  	[sflag:s20] =	ssyncadd.s32 s2;
	_ =	sdelay $0x1  }
0x9e: {  	s21 =	simm.s32 $0x1B8B  }
0x9f: {  	_ =	swait.ge [sflag:s21], $0x1  }
0xa0: {  	[sflag:s21] =	ssyncset.done $0x0  }
0xa1: {  	s23 =	simm.s32 $0x1B8E;
	s22 =	sld [smem:$0x3FFE];
	[sflag:s21] =	ssyncadd.s32 $0xFFFFFFFF  }
0xa2: {  	s24 =	simm.s32 $execute0_lowered;
	[smem:$0x3FD2] =	sst s23  }
0xa3: {  	s3 =	sshll.u32 s24, $0x1;
	_ =	strace $0x80000046;
	[dreg:$0x1] =	wrdreg $0xFFFFFFFF  }
0xa4: {  	s25 =	simm.s32 $_size_execute0_lowered;
	s1 =	sadd.s32 s1, s3;
	[dreg:$0x0] =	wrdreg $0x0  }
0xa5: {  	s3 =	sshll.u32 s25, $0x1;
	[dreg:$0x2] =	wrdreg s1  }
0xa6: {  	[dreg:$0x3] =	wrdreg s3  }
0xa7: {  	[dreg:$0x4] =	wrdreg $0xC0  }
0xa8: {  	_ =	task [dreg:s5], $0x5FFFF  }
0xa9: {  	[dreg:$0x1] =	wrdreg $0xFFFFFFFF  }
0xaa: {  	[dreg:$0x0] =	wrdreg $0x60  }
0xab: {  	[dreg:$0x2] =	wrdreg s0  }
0xac: {  	[dreg:$0x3] =	wrdreg s22  }
0xad: {  	[dreg:$0x4] =	wrdreg $0x9  }
0xae: {  	_ =	task.clear_ibuf [dreg:s5], $0x5FFFF;
	_ =	strace $0x90000046  }
0xaf: {  	s26 =	simm.s32 $0x9;
	_ =	strace $0x80000048  }
0xb0: {  	_ =	swait.ge [sflag:s26], $0x1  }
0xb1: {  	[sflag:s26] =	ssyncadd.s32 $0xFFFFFFFF  }
0xb2: {  	_ =	strace $0x90000048  }
0xb3: {  	_ =	sfence  }
0xb4: {  	s28 =	sld [smem:$0x0];
	_ =	sdelay $0x1  }
0xb5: {  	s29 =	srdreg.scid  }
0xb6: {  	s30 =	sshll.u32 s29, $0xD;
	s31 =	sshrl.u32 s29, $0x2  }
0xb7: {  	s2 =	sand.u32 $0x4000, s30;
	s1 =	sand.u32 $0x1, s29;
	s0 =	sadd.s32 s31, s28  }
0xb8: {  	s1 =	sor.u32 s2, s1;
	s0 =	sshll.u32 s0, $0x11  }
0xb9: {  	s0 =	sor.u32 s0, s1  }
0xba: {  	s0 =	sadd.s32 $0x8F2B, s0  }
0xbb: {  	[sflag:s0] =	ssyncadd.remote.s32 $0x1  }
0xbc: {  	_ =	sfence.sel $0xFFFF  }
0xbd: {  	[dreg:$0x0] =	wrdreg $0xFFFFFFFF;
	(pc) =	sbr.abs _section_cstart, $3  }
0xbe: {  	[dreg:$0x1] =	wrdreg $0xFFFFFFFF  }
0xbf: {  	_ =	task.clear_ibuf [dreg:s5], $0x2FFFF;
	_ =	strace $0x9FFFFFFF  }
0xc0: {  	(tm) =	ssettm $0x7FFFFFFF  }
0xc1: {  	_ =	shalt  }
tec
execute0_lowered:
.L_overlay_start_1:
0x0: {  	(tag) =	ssettag $0x1  }
0x1: {  	s1 =	stileid.u32  }
0x2: {  	p0 =	sgt.u32 s1, $0x7  }
.Ltmp0:
0x3: {  	_ = 	snop;
	(pc) =	sbr.rel @p0 .LBB2_2-.Ltmp0, $4  }
0x4: {  	s4 =	rddreg [dreg:$0x0]  }
0x5: {  	s3 =	rddreg [dreg:$0x1];
	s2 =	simm.s32 $0x0  }
0x6: {  	[smem:$0x7FF] =	sst s2  }
0x7: {  	s0 =	rddreg [dreg:$0x2];
	_ =	strace $0x80000047  }
0x8: {  	s5 =	sshll.u32 s1, $0x8  }
0x9: {  	s4 =	sadd.s32 s4, s5  }
0xa: {  	[tilespmem:s2], [sflag:$0x1] =	stream.linear.gather [hbm4b:s4+s2], $0x800, $0x38;
	[tilespmem:$0x1080] =	vst v63  }
0xb: {  	s17 =	sadd.s32 $0x1400, s3;
	s18 =	simm.s32 $0x800;
	s19 =	simm.s32 $0x1  }
0xc: {  	[tilespmem:s18], [sflag:$0x2] =	stream.linear.gather [hbm4b:s17+s2], $0x800, $0x38;
	[tilespmem:$0x1080] =	vst v63  }
0xd: {  	_ =	swait.ge [sflag:s19], $0x800  }
0xe: {  	[sflag:s19] =	ssyncset.done $0x0  }
0xf: {  	s20 =	simm.s32 $0x2;
	[sflag:s19] =	ssyncadd.s32 $0xFFFFF800  }
0x10: {  	_ =	swait.ge [sflag:s20], $0x800  }
0x11: {  	[sflag:s20] =	ssyncset.done $0x0  }
0x12: {  	[sflag:s20] =	ssyncadd.s32 $0xFFFFF800  }
0x13: {  	v1 =	vld [tilespmem:$0x0]  }
0x14: {  	v6 =	vld [tilespmem:$0x80]  }
0x15: {  	v0 =	vld [tilespmem:$0x100]  }
0x16: {  	v10 =	vld [tilespmem:$0x180]  }
0x17: {  	v8 =	vld [tilespmem:$0x10]  }
0x18: {  	v3 =	vld [tilespmem:$0x90]  }
0x19: {  	v9 =	vld [tilespmem:$0x110]  }
0x1a: {  	v17 =	vld [tilespmem:$0x190];
	[tilespmem:$0x1F880] =	vst v1  }
0x1b: {  	v18 =	vld [tilespmem:$0x20];
	[tilespmem:$0x1F890] =	vst v6  }
0x1c: {  	v16 =	vld [tilespmem:$0xA0];
	[tilespmem:$0x1F8C0] =	vst v0  }
0x1d: {  	v14 =	vld [tilespmem:$0x120];
	[tilespmem:$0x1F8D0] =	vst v10  }
0x1e: {  	v15 =	vld [tilespmem:$0x1A0];
	[tilespmem:$0x1F8A0] =	vst v8  }
0x1f: {  	v11 =	vld [tilespmem:$0x30];
	[tilespmem:$0x1F8E0] =	vst v3  }
0x20: {  	v5 =	vld [tilespmem:$0xB0];
	[tilespmem:$0x1F8F0] =	vst v9  }
0x21: {  	v4 =	vld [tilespmem:$0x130];
	[tilespmem:$0x1F900] =	vst v17  }
0x22: {  	v54 =	vld [tilespmem:$0x1B0];
	[tilespmem:$0x1F910] =	vst v18  }
0x23: {  	v7 =	vld [tilespmem:$0x40];
	[tilespmem:$0x1F920] =	vst v16  }
0x24: {  	v56 =	vld [tilespmem:$0xC0];
	[tilespmem:$0x1F930] =	vst v14  }
0x25: {  	v59 =	vld [tilespmem:$0x140];
	[tilespmem:$0x1F940] =	vst v15  }
0x26: {  	v61 =	vld [tilespmem:$0x1C0];
	[tilespmem:$0x1F950] =	vst v11  }
0x27: {  	v63 =	vld [tilespmem:$0x50];
	[tilespmem:$0x1F960] =	vst v5  }
0x28: {  	v35 =	vld [tilespmem:$0xD0];
	[tilespmem:$0x1F970] =	vst v4  }
0x29: {  	v28 =	vimm.s32 $0x0;
	v29 =	vimm.s32 $0x0;
	v24 =	vld [tilespmem:$0x150];
	[tilespmem:$0x1F980] =	vst v54  }
0x2a: {  	v37 =	vimm.s32 $0x0;
	v26 =	vld [tilespmem:$0x1D0];
	v1 =	vand.u32 $0x7FFFFFFF, v1;
	v2 =	vand.u32 $0x7FFFFFFF, v6;
	[tilespmem:$0x1F990] =	vst v7  }
0x2b: {  	v27 =	vld [tilespmem:$0x60];
	v55 =	vand.u32 $0x7FFFFFFF, v0;
	[tilespmem:$0x1F9A0] =	vst v56;
	v57 =	vand.u32 $0x7FFFFFFF, v8;
	v58 =	vand.u32 $0x7FFFFFFF, v3  }
0x2c: {  	v30 =	vld [tilespmem:$0xE0];
	[tilespmem:$0x1F9B0] =	vst v59;
	v60 =	vand.u32 $0x7FFFFFFF, v9;
	v62 =	vand.u32 $0x7FFFFFFF, v10;
	v21 =	vand.u32 $0x7FFFFFFF, v17  }
0x2d: {  	v42 =	vld [tilespmem:$0xF0];
	[tilespmem:$0x1F9C0] =	vst v61;
	v22 =	vand.u32 $0x7FFFFFFF, v18;
	v23 =	vand.u32 $0x7FFFFFFF, v16;
	v25 =	vand.u32 $0x7FFFFFFF, v14  }
0x2e: {  	[tilespmem:$0x1F9D0] =	vst v63;
	v31 =	vand.u32 $0x7FFFFFFF, v15;
	v32 =	vand.u32 $0x7FFFFFFF, v11;
	v33 =	vand.u32 $0x7FFFFFFF, v5  }
0x2f: {  	v34 =	vld [tilespmem:$0x160];
	[tilespmem:$0x1F9F0] =	vst v24;
	v38 =	vand.u32 $0x7FFFFFFF, v4;
	v40 =	vand.u32 $0x7FFFFFFF, v7;
	v41 =	vand.u32 $0x7FFFFFFF, v56  }
0x30: {  	v36 =	vld [tilespmem:$0x1E0];
	[tilespmem:$0x1FA00] =	vst v26;
	v43 =	vand.u32 $0x7FFFFFFF, v59;
	v45 =	vand.u32 $0x7FFFFFFF, v54;
	v48 =	vand.u32 $0x7FFFFFFF, v61  }
0x31: {  	v39 =	vld [tilespmem:$0x70];
	[tilespmem:$0x1FA10] =	vst v27;
	v49 =	vand.u32 $0x7FFFFFFF, v63;
	v50 =	vand.u32 $0x7FFFFFFF, v35;
	v52 =	vand.u32 $0x7FFFFFFF, v24  }
0x32: {  	v44 =	vld [tilespmem:$0x170];
	[tilespmem:$0x1FA30] =	vst v30;
	v56 =	vand.u32 $0x7FFFFFFF, v26;
	v61 =	vimm.s32 $0x0;
	v24 =	vand.u32 $0x7FFFFFFF, v42  }
0x33: {  	v46 =	vld [tilespmem:$0x1F0];
	[tilespmem:$0x1FA80] =	vst v42;
	v42 =	vimm.s32 $0x0;
	v11 =	vimm.s32 $0x0;
	v14 =	vimm.s32 $0x0  }
0x34: {  	v47 =	vld [tilespmem:$0x200];
	[tilespmem:$0x1FA40] =	vst v34;
	vm0 =	vgt.f32 v1, $9.999999740e-06;
	vm1 =	vgt.f32 v2, $9.999999740e-06;
	vm6 =	vgt.f32 v55, $9.999999740e-06  }
0x35: {  	[tilespmem:$0x1FA50] =	vst v36;
	vm2 =	vgt.f32 v57, $9.999999740e-06;
	vm3 =	vgt.f32 v58, $9.999999740e-06;
	vm7 =	vgt.f32 v60, $9.999999740e-06  }
0x36: {  	v51 =	vld [tilespmem:$0x280];
	[tilespmem:$0x1FA70] =	vst v39;
	vm8 =	vgt.f32 v62, $9.999999740e-06;
	vm9 =	vgt.f32 v22, $9.999999740e-06;
	vm4 =	vgt.f32 v23, $9.999999740e-06  }
0x37: {  	v53 =	vld [tilespmem:$0x300];
	[tilespmem:$0x1FA90] =	vst v44;
	vm5 =	vgt.f32 v21, $9.999999740e-06;
	vm10 =	vgt.f32 v25, $9.999999740e-06;
	vm13 =	vgt.f32 v31, $9.999999740e-06  }
0x38: {  	v13 =	vld [tilespmem:$0x210];
	[tilespmem:$0x1FAA0] =	vst v46;
	vm14 =	vgt.f32 v32, $9.999999740e-06;
	vm15 =	vgt.f32 v33, $9.999999740e-06;
	v55 =	vimm.s32 $0x0  }
0x39: {  	[tilespmem:$0x1FAB0] =	vst v47;
	v54 =	vld [tilespmem:$0x380];
	v57 =	vand.u32 $0x7FFFFFFF, v27;
	v58 =	vand.u32 $0x7FFFFFFF, v30;
	v62 =	vand.u32 $0x7FFFFFFF, v34  }
0x3a: {  	[tilespmem:$0x1F9E0] =	vst v35;
	v59 =	vld [tilespmem:$0x290];
	v23 =	vand.u32 $0x7FFFFFFF, v39;
	v25 =	vand.u32 $0x7FFFFFFF, v44;
	v27 =	vand.u32 $0x7FFFFFFF, v36  }
0x3b: {  	[tilespmem:$0x1FAC0] =	vst v51;
	v63 =	vld [tilespmem:$0x390];
	v30 =	vand.u32 $0x7FFFFFFF, v46;
	v31 =	vand.u32 $0x7FFFFFFF, v47;
	v32 =	vand.u32 $0x7FFFFFFF, v51  }
0x3c: {  	[tilespmem:$0x1FAD0] =	vst v53;
	v26 =	vld [tilespmem:$0x2A0];
	v33 =	vand.u32 $0x7FFFFFFF, v53;
	vm0 =	vmand vm0, vm1;
	vm2 =	vmand vm2, vm3  }
0x3d: {  	[tilespmem:$0x1FAF0] =	vst v13;
	vm3 =	vmand vm9, vm4;
	vm9 =	vgt.f32 v41, $9.999999740e-06;
	vm0 =	vmand vm0, vm6  }
0x3e: {  	v60 =	vld [tilespmem:$0x310];
	vm2 =	vmand vm2, vm7;
	vm12 =	vmand vm3, vm10;
	vm6 =	vmand vm14, vm15;
	[tilespmem:$0x1FAE0] =	vst v54  }
0x3f: {  	v34 =	vld [tilespmem:$0x330];
	vm7 =	vgt.f32 v38, $9.999999740e-06;
	vm10 =	vgt.f32 v43, $9.999999740e-06;
	vm14 =	vgt.f32 v48, $9.999999740e-06;
	[tilespmem:$0x1FB00] =	vst v59  }
0x40: {  	vm15 =	vgt.f32 v52, $9.999999740e-06;
	v38 =	vand.u32 $0x7FFFFFFF, v13;
	vm0 =	vmand vm0, vm8;
	[tilespmem:$0x1FB20] =	vst v63  }
0x41: {  	v36 =	vld [tilespmem:$0x3B0];
	v52 =	vimm.s32 $0x0;
	vm8 =	vgt.f32 v40, $9.999999740e-06;
	v1 =	vsel vm0, $0xFFFFFFFF, v28;
	[tilespmem:$0x1FB50] =	vst v26  }
0x42: {  	vm11 =	vmand vm2, vm5;
	vm0 =	vmand vm12, vm13;
	vm2 =	vmand vm8, vm9;
	[tilespmem:$0x1F830] =	vst v1  }
0x43: {  	v17 =	vld [tilespmem:$0x220];
	vm12 =	vgt.f32 v49, $9.999999740e-06;
	vm13 =	vgt.f32 v50, $9.999999740e-06;
	vm8 =	vgt.f32 v25, $9.999999740e-06;
	[tilespmem:$0x1FB10] =	vst v60  }
0x44: {  	v28 =	vld [tilespmem:$0x320];
	v39 =	vand.u32 $0x7FFFFFFF, v59;
	v43 =	vand.u32 $0x7FFFFFFF, v63;
	v1 =	vsel vm11, $0xFFFFFFFF, v29;
	[tilespmem:$0x1FBB0] =	vst v34  }
0x45: {  	v22 =	vld [tilespmem:$0x2C0];
	vm11 =	vgt.f32 v45, $9.999999740e-06;
	[tilespmem:$0x1F840] =	vst v1;
	v1 =	vsel vm0, $0xFFFFFFFF, v37;
	vm0 =	vmand vm6, vm7  }
0x46: {  	vm2 =	vmand vm2, vm10;
	vm3 =	vmand vm12, vm13;
	v29 =	vld [tilespmem:$0x3A0];
	[tilespmem:$0x1FBC0] =	vst v36;
	vm0 =	vmand vm0, vm11  }
0x47: {  	vm10 =	vgt.f32 v56, $9.999999740e-06;
	vm9 =	vmand vm3, vm15;
	[tilespmem:$0x1F850] =	vst v1;
	v1 =	vsel vm0, $0xFFFFFFFF, v55  }
0x48: {  	v21 =	vld [tilespmem:$0x240];
	v46 =	vand.u32 $0x7FFFFFFF, v26;
	vm12 =	vgt.f32 v58, $9.999999740e-06;
	vm0 =	vmand vm9, vm10;
	[tilespmem:$0x1F860] =	vst v1  }
0x49: {  	v12 =	vld [tilespmem:$0x800];
	v40 =	vand.u32 $0x7FFFFFFF, v60;
	v45 =	vand.u32 $0x7FFFFFFF, v17;
	v1 =	vsel vm0, $0xFFFFFFFF, v61;
	[tilespmem:$0x1FB60] =	vst v28  }
0x4a: {  	v20 =	vld [tilespmem:$0x230];
	v58 =	vand.u32 $0x7FFFFFFF, v34;
	v60 =	vand.u32 $0x7FFFFFFF, v36;
	v13 =	vand.u32 $0x7FFFFFFF, v22;
	[tilespmem:$0x1F870] =	vst v1  }
0x4b: {  	vm7 =	vmand vm2, vm14;
	vm14 =	vgt.f32 v62, $9.999999740e-06;
	vm15 =	vgt.f32 v23, $9.999999740e-06;
	v23 =	vld [tilespmem:$0x2B0];
	[tilespmem:$0x1FB70] =	vst v29  }
0x4c: {  	vm6 =	vgt.f32 v24, $9.999999740e-06;
	v37 =	vand.u32 $0x7FFFFFFF, v54;
	v54 =	vimm.s32 $0x0;
	v41 =	vld [tilespmem:$0x340]  }
0x4d: {  	v62 =	vand.u32 $0x7FFFFFFF, v21;
	vm11 =	vgt.f32 v57, $9.999999740e-06;
	vm2 =	vmand vm15, vm6;
	v44 =	vld [tilespmem:$0x3C0]  }
0x4e: {  	vm15 =	vgt.f32 v38, $9.999999740e-06;
	vm6 =	vgt.f32 v39, $9.999999740e-06;
	v39 =	vimm.s32 $0x0;
	v47 =	vld [tilespmem:$0x250]  }
0x4f: {  	vm13 =	vmand vm11, vm12;
	vm9 =	vgt.f32 v27, $9.999999740e-06;
	vm2 =	vmand vm2, vm8;
	v49 =	vld [tilespmem:$0x2D0]  }
0x50: {  	vm10 =	vgt.f32 v31, $9.999999740e-06;
	vm11 =	vgt.f32 v32, $9.999999740e-06;
	vm12 =	vgt.f32 v30, $9.999999740e-06;
	v51 =	vld [tilespmem:$0x350]  }
0x51: {  	vm8 =	vgt.f32 v37, $9.999999740e-06;
	vm1 =	vmand vm15, vm6;
	v55 =	vand.u32 $0x7FFFFFFF, v20;
	v53 =	vld [tilespmem:$0x3D0]  }
0x52: {  	vm0 =	vmand vm13, vm14;
	vm3 =	vmand vm10, vm11;
	vm13 =	vgt.f32 v33, $9.999999740e-06;
	v57 =	vld [tilespmem:$0x260]  }
0x53: {  	vm5 =	vmand vm2, vm12;
	vm10 =	vgt.f32 v40, $9.999999740e-06;
	vm12 =	vgt.f32 v43, $9.999999740e-06;
	v59 =	vld [tilespmem:$0x2E0]  }
0x54: {  	v48 =	vand.u32 $0x7FFFFFFF, v28;
	v28 =	vimm.s32 $0x0;
	v33 =	vimm.s32 $0x0;
	v61 =	vld [tilespmem:$0x360]  }
0x55: {  	vm9 =	vmand vm0, vm9;
	vm14 =	vmand vm3, vm13;
	vm11 =	vmand vm1, vm10;
	v63 =	vld [tilespmem:$0x3E0]  }
0x56: {  	vm13 =	vgt.f32 v45, $9.999999740e-06;
	vm15 =	vgt.f32 v48, $9.999999740e-06;
	v50 =	vand.u32 $0x7FFFFFFF, v29;
	v16 =	vld [tilespmem:$0x270]  }
0x57: {  	vm10 =	vgt.f32 v55, $9.999999740e-06;
	vm6 =	vmand vm14, vm8;
	vm14 =	vgt.f32 v46, $9.999999740e-06;
	v19 =	vld [tilespmem:$0x2F0]  }
0x58: {  	vm0 =	vmand vm11, vm12;
	vm8 =	vgt.f32 v50, $9.999999740e-06;
	v56 =	vand.u32 $0x7FFFFFFF, v23;
	v32 =	vld [tilespmem:$0x400]  }
0x59: {  	vm12 =	vgt.f32 v58, $9.999999740e-06;
	v24 =	vld [tilespmem:$0x480];
	v1 =	vsel vm6, $0xFFFFFFFF, v42;
	vm2 =	vmand vm13, vm14  }
0x5a: {  	v26 =	vld [tilespmem:$0x500];
	v2 =	vsel vm0, $0xFFFFFFFF, v52;
	vm11 =	vgt.f32 v56, $9.999999740e-06;
	vm4 =	vmand vm2, vm15  }
0x5b: {  	v38 =	vld [tilespmem:$0x410];
	vm13 =	vgt.f32 v60, $9.999999740e-06;
	vm14 =	vgt.f32 v62, $9.999999740e-06;
	vm0 =	vmand vm4, vm8  }
0x5c: {  	v43 =	vld [tilespmem:$0x580];
	[tilespmem:$0x1F8B0] =	vst v1;
	vm15 =	vgt.f32 v13, $9.999999740e-06;
	v1 =	vsel vm0, $0xFFFFFFFF, v54;
	vm0 =	vmand vm10, vm11  }
0x5d: {  	v48 =	vld [tilespmem:$0x510];
	[tilespmem:$0x1FC00] =	vst v41;
	vm0 =	vmand vm0, vm12;
	v15 =	vand.u32 $0x7FFFFFFF, v41;
	v18 =	vand.u32 $0x7FFFFFFF, v44  }
0x5e: {  	v46 =	vld [tilespmem:$0x520];
	[tilespmem:$0x1FC20] =	vst v47;
	v29 =	vand.u32 $0x7FFFFFFF, v47;
	v30 =	vand.u32 $0x7FFFFFFF, v49;
	v31 =	vand.u32 $0x7FFFFFFF, v51  }
0x5f: {  	v25 =	vld [tilespmem:$0x370];
	[tilespmem:$0x1FC30] =	vst v49;
	v34 =	vand.u32 $0x7FFFFFFF, v53;
	v36 =	vand.u32 $0x7FFFFFFF, v57;
	v37 =	vand.u32 $0x7FFFFFFF, v59  }
0x60: {  	v55 =	vld [tilespmem:$0x420];
	[tilespmem:$0x1FC50] =	vst v53;
	v40 =	vand.u32 $0x7FFFFFFF, v61;
	v42 =	vand.u32 $0x7FFFFFFF, v63;
	v47 =	vand.u32 $0x7FFFFFFF, v16  }
0x61: {  	v58 =	vld [tilespmem:$0x4B0];
	[tilespmem:$0x1FCA0] =	vst v63;
	v49 =	vimm.s32 $0x0;
	v50 =	vand.u32 $0x7FFFFFFF, v19;
	v52 =	vand.u32 $0x7FFFFFFF, v32  }
0x62: {  	v60 =	vld [tilespmem:$0x540];
	[tilespmem:$0x1FCD0] =	vst v19;
	v53 =	vand.u32 $0x7FFFFFFF, v24;
	v54 =	vand.u32 $0x7FFFFFFF, v38;
	v19 =	vand.u32 $0x7FFFFFFF, v26  }
0x63: {  	v13 =	vld [tilespmem:$0x3F0];
	[tilespmem:$0x1FD00] =	vst v32;
	v27 =	vand.u32 $0x7FFFFFFF, v48;
	v32 =	vand.u32 $0x7FFFFFFF, v43;
	v63 =	vand.u32 $0x7FFFFFFF, v46  }
0x64: {  	[tilespmem:$0x1FC10] =	vst v44;
	v41 =	vld [tilespmem:$0x490];
	vm10 =	vgt.f32 v15, $9.999999740e-06;
	vm0 =	vmand vm0, vm13;
	vm12 =	vgt.f32 v18, $9.999999740e-06  }
0x65: {  	[tilespmem:$0x1FC40] =	vst v51;
	v51 =	vld [tilespmem:$0x590];
	vm13 =	vmand vm14, vm15;
	vm14 =	vgt.f32 v29, $9.999999740e-06;
	vm15 =	vgt.f32 v30, $9.999999740e-06  }
0x66: {  	[tilespmem:$0x1FD70] =	vst v48;
	v48 =	vld [tilespmem:$0x530];
	vm4 =	vgt.f32 v31, $9.999999740e-06;
	vm11 =	vgt.f32 v36, $9.999999740e-06;
	v18 =	vand.u32 $0x7FFFFFFF, v25  }
0x67: {  	[tilespmem:$0x1FC70] =	vst v57;
	v44 =	vld [tilespmem:$0x5B0];
	v7 =	vand.u32 $0x7FFFFFFF, v60;
	v3 =	vsel vm0, $0xFFFFFFFF, v28;
	vm1 =	vmand vm13, vm10  }
0x68: {  	[tilespmem:$0x1FC90] =	vst v61;
	v57 =	vld [tilespmem:$0x5C0];
	vm8 =	vmand vm14, vm15;
	vm10 =	vgt.f32 v34, $9.999999740e-06;
	vm13 =	vgt.f32 v40, $9.999999740e-06  }
0x69: {  	[tilespmem:$0x1FD50] =	vst v38;
	v61 =	vld [tilespmem:$0x450];
	vm14 =	vgt.f32 v42, $9.999999740e-06;
	vm15 =	vgt.f32 v50, $9.999999740e-06;
	v31 =	vand.u32 $0x7FFFFFFF, v13  }
0x6a: {  	v38 =	vld [tilespmem:$0x5E0];
	[tilespmem:$0x1FCF0] =	vst v13;
	v50 =	vimm.s32 $0x0;
	v13 =	vimm.s32 $0x0;
	vm0 =	vmand vm1, vm12  }
0x6b: {  	v29 =	vld [tilespmem:$0x440];
	vm12 =	vgt.f32 v37, $9.999999740e-06;
	v0 =	vsel vm0, $0xFFFFFFFF, v33;
	vm0 =	vmand vm8, vm4  }
0x6c: {  	[tilespmem:$0x1FCB0] =	vst v16;
	v30 =	vld [tilespmem:$0x4C0];
	vm0 =	vmand vm0, vm10;
	v16 =	vand.u32 $0x7FFFFFFF, v41;
	v33 =	vand.u32 $0x7FFFFFFF, v51  }
0x6d: {  	v28 =	vld [tilespmem:$0x4A0];
	[tilespmem:$0x1FD80] =	vst v51;
	vm10 =	vgt.f32 v32, $9.999999740e-06;
	v51 =	vimm.s32 $0x0;
	v6 =	vand.u32 $0x7FFFFFFF, v48  }
0x6e: {  	[tilespmem:$0x1FD40] =	vst v43;
	v34 =	vld [tilespmem:$0x5A0];
	v9 =	vand.u32 $0x7FFFFFFF, v44;
	v10 =	vand.u32 $0x7FFFFFFF, v57;
	v15 =	vand.u32 $0x7FFFFFFF, v61  }
0x6f: {  	[tilespmem:$0x1FA60] =	vst v0;
	v43 =	vand.u32 $0x7FFFFFFF, v38;
	v0 =	vsel vm0, $0xFFFFFFFF, v39;
	vm0 =	vmand vm11, vm12  }
0x70: {  	v62 =	vld [tilespmem:$0x430];
	vm12 =	vgt.f32 v52, $9.999999740e-06;
	vm11 =	vgt.f32 v16, $9.999999740e-06;
	vm4 =	vgt.f32 v33, $9.999999740e-06  }
0x71: {  	[tilespmem:$0x1FDA0] =	vst v55;
	v52 =	vand.u32 $0x7FFFFFFF, v55;
	v55 =	vand.u32 $0x7FFFFFFF, v58;
	v56 =	vand.u32 $0x7FFFFFFF, v29  }
0x72: {  	v45 =	vld [tilespmem:$0x570];
	[tilespmem:$0x1FC80] =	vst v59;
	v59 =	vand.u32 $0x7FFFFFFF, v30;
	vm0 =	vmand vm0, vm13;
	vm13 =	vgt.f32 v53, $9.999999740e-06  }
0x73: {  	v53 =	vand.u32 $0x7FFFFFFF, v28;
	v8 =	vand.u32 $0x7FFFFFFF, v34;
	vm0 =	vmand vm0, vm14  }
0x74: {  	vm14 =	vgt.f32 v54, $9.999999740e-06;
	vm1 =	vmand vm12, vm13;
	vm12 =	vgt.f32 v18, $9.999999740e-06  }
0x75: {  	[tilespmem:$0x1FB40] =	vst v0;
	vm13 =	vgt.f32 v19, $9.999999740e-06;
	v54 =	vand.u32 $0x7FFFFFFF, v62;
	v0 =	vsel vm0, $0xFFFFFFFF, v49  }
0x76: {  	v39 =	vld [tilespmem:$0x550];
	vm0 =	vgt.f32 v47, $9.999999740e-06;
	vm1 =	vmand vm1, vm13;
	v49 =	vimm.s32 $0x0  }
0x77: {  	vm13 =	vgt.f32 v54, $9.999999740e-06;
	v47 =	vand.u32 $0x7FFFFFFF, v45;
	vm0 =	vmand vm0, vm15  }
0x78: {  	vm15 =	vmand vm14, vm11;
	vm14 =	vgt.f32 v27, $9.999999740e-06;
	vm10 =	vmand vm1, vm10  }
0x79: {  	vm1 =	vgt.f32 v53, $9.999999740e-06;
	v53 =	vimm.s32 $0x0;
	vm0 =	vmand vm0, vm12  }
0x7a: {  	v54 =	vld [tilespmem:$0x470];
	vm2 =	vmand vm15, vm14;
	vm15 =	vgt.f32 v31, $9.999999740e-06;
	vm14 =	vgt.f32 v55, $9.999999740e-06  }
0x7b: {  	[tilespmem:$0x1FD60] =	vst v41;
	v41 =	vld [tilespmem:$0x5F0];
	v27 =	vand.u32 $0x7FFFFFFF, v39;
	vm15 =	vmand vm0, vm15;
	vm12 =	vmand vm2, vm4  }
0x7c: {  	[tilespmem:$0x1F760] =	vst v1;
	v55 =	vld [tilespmem:$0x4E0];
	vm0 =	vgt.f32 v52, $9.999999740e-06;
	vm4 =	vgt.f32 v56, $9.999999740e-06;
	v1 =	vsel vm15, $0xFFFFFFFF, v49  }
0x7d: {  	[tilespmem:$0x1F780] =	vst v34;
	vm0 =	vmand vm0, vm1;
	vm1 =	vmand vm13, vm14;
	vm14 =	vgt.f32 v63, $9.999999740e-06  }
0x7e: {  	v56 =	vld [tilespmem:$0x460];
	[tilespmem:$0x1FC60] =	vst v1;
	v1 =	vsel vm10, $0xFFFFFFFF, v50;
	vm0 =	vmand vm0, vm14;
	vm14 =	vgt.f32 v9, $9.999999740e-06  }
0x7f: {  	v52 =	vld [tilespmem:$0x560];
	v34 =	vand.u32 $0x7FFFFFFF, v54;
	[tilespmem:$0x1FCC0] =	vst v1;
	v1 =	vsel vm12, $0xFFFFFFFF, v51;
	vm12 =	vgt.f32 v59, $9.999999740e-06  }
0x80: {  	v37 =	vld [tilespmem:$0x700];
	v9 =	vand.u32 $0x7FFFFFFF, v41;
	v59 =	vimm.s32 $0x0;
	vm13 =	vmand vm4, vm12  }
0x81: {  	v49 =	vld [tilespmem:$0x4D0];
	vm4 =	vgt.f32 v6, $9.999999740e-06;
	vm12 =	vgt.f32 v7, $9.999999740e-06;
	v19 =	vand.u32 $0x7FFFFFFF, v55  }
0x82: {  	v32 =	vld [tilespmem:$0x610];
	v7 =	vimm.s32 $0x0;
	vm1 =	vmand vm1, vm4;
	vm2 =	vmand vm13, vm12  }
0x83: {  	[tilespmem:$0x1FE60] =	vst v29;
	v29 =	vld [tilespmem:$0x690];
	vm13 =	vgt.f32 v8, $9.999999740e-06;
	vm4 =	vgt.f32 v10, $9.999999740e-06;
	v18 =	vand.u32 $0x7FFFFFFF, v56  }
0x84: {  	v50 =	vld [tilespmem:$0x4F0];
	vm12 =	vgt.f32 v15, $9.999999740e-06;
	vm11 =	vgt.f32 v19, $9.999999740e-06;
	v33 =	vand.u32 $0x7FFFFFFF, v52  }
0x85: {  	[tilespmem:$0x1FE70] =	vst v30;
	v30 =	vld [tilespmem:$0x600];
	v15 =	vand.u32 $0x7FFFFFFF, v37;
	v8 =	vimm.s32 $0x0;
	vm8 =	vmand vm0, vm13  }
0x86: {  	v31 =	vld [tilespmem:$0x680];
	vm13 =	vmand vm1, vm14;
	vm14 =	vmand vm2, vm4;
	v16 =	vand.u32 $0x7FFFFFFF, v49  }
0x87: {  	v51 =	vld [tilespmem:$0x5D0];
	vm10 =	vgt.f32 v18, $9.999999740e-06;
	vm2 =	vgt.f32 v27, $9.999999740e-06;
	vm3 =	vgt.f32 v33, $9.999999740e-06  }
0x88: {  	v36 =	vld [tilespmem:$0x710];
	[tilespmem:$0x1FBA0] =	vst v0;
	v27 =	vand.u32 $0x7FFFFFFF, v32;
	v33 =	vand.u32 $0x7FFFFFFF, v29;
	v0 =	vsel vm8, $0xFFFFFFFF, v11  }
0x89: {  	vm4 =	vgt.f32 v16, $9.999999740e-06;
	vm1 =	vmand vm10, vm11;
	v40 =	vand.u32 $0x7FFFFFFF, v50  }
0x8a: {  	vm11 =	vgt.f32 v47, $9.999999740e-06;
	v11 =	vand.u32 $0x7FFFFFFF, v30;
	[tilespmem:$0x1FD90] =	vst v0;
	v0 =	vsel vm13, $0xFFFFFFFF, v13  }
0x8b: {  	v4 =	vld [tilespmem:$0x980];
	vm0 =	vmand vm12, vm4;
	vm12 =	vgt.f32 v34, $9.999999740e-06;
	vm4 =	vgt.f32 v40, $9.999999740e-06  }
0x8c: {  	v63 =	vld [tilespmem:$0x780];
	vm1 =	vmand vm1, vm3;
	v42 =	vand.u32 $0x7FFFFFFF, v51;
	v13 =	vand.u32 $0x7FFFFFFF, v31  }
0x8d: {  	v19 =	vld [tilespmem:$0x720];
	v40 =	vand.u32 $0x7FFFFFFF, v36;
	[tilespmem:$0x1FDD0] =	vst v0;
	v0 =	vsel vm14, $0xFFFFFFFF, v14;
	vm0 =	vmand vm0, vm2  }
0x8e: {  	v47 =	vld [tilespmem:$0x630];
	vm2 =	vmand vm12, vm4;
	vm3 =	vgt.f32 v42, $9.999999740e-06;
	vm12 =	vgt.f32 v43, $9.999999740e-06  }
0x8f: {  	v34 =	vld [tilespmem:$0x790];
	vm10 =	vgt.f32 v13, $9.999999740e-06;
	v14 =	vimm.s32 $0x0;
	vm4 =	vmand vm0, vm3  }
0x90: {  	v10 =	vld [tilespmem:$0x7A0];
	vm12 =	vmand vm1, vm12;
	vm0 =	vmand vm2, vm11;
	vm1 =	vgt.f32 v9, $9.999999740e-06  }
0x91: {  	v43 =	vld [tilespmem:$0x620];
	[tilespmem:$0x1FDF0] =	vst v0;
	vm11 =	vgt.f32 v11, $9.999999740e-06;
	v0 =	vsel vm4, $0xFFFFFFFF, v53;
	vm0 =	vmand vm0, vm1  }
0x92: {  	v42 =	vld [tilespmem:$0x6A0];
	vm1 =	vgt.f32 v15, $9.999999740e-06;
	v53 =	vand.u32 $0x7FFFFFFF, v63;
	[tilespmem:$0x1FE10] =	vst v0;
	v0 =	vsel vm12, $0xFFFFFFFF, v59  }
0x93: {  	v9 =	vld [tilespmem:$0x880];
	vm2 =	vgt.f32 v53, $9.999999740e-06;
	v15 =	vand.u32 $0x7FFFFFFF, v47;
	[tilespmem:$0x1FE20] =	vst v0;
	v0 =	vsel vm0, $0xFFFFFFFF, v14  }
0x94: {  	v11 =	vld [tilespmem:$0x7B0];
	vm0 =	vmand vm11, vm10;
	vm11 =	vgt.f32 v27, $9.999999740e-06;
	v59 =	vand.u32 $0x7FFFFFFF, v34  }
0x95: {  	vm10 =	vgt.f32 v33, $9.999999740e-06;
	v14 =	vand.u32 $0x7FFFFFFF, v19;
	vm3 =	vgt.f32 v59, $9.999999740e-06;
	v59 =	vld [tilespmem:$0x1F890]  }
0x96: {  	[tilespmem:$0x1F790] =	vst v63;
	v33 =	vld [tilespmem:$0x6B0];
	vm0 =	vmand vm0, vm1;
	vm11 =	vmand vm11, vm10;
	vm10 =	vgt.f32 v40, $9.999999740e-06  }
0x97: {  	v27 =	vld [tilespmem:$0x730];
	[tilespmem:$0x1FE40] =	vst v0;
	v63 =	vand.u32 $0x7FFFFFFF, v43;
	v0 =	vand.u32 $0x7FFFFFFF, v42;
	vm1 =	vmand vm11, vm10  }
0x98: {  	v40 =	vld [tilespmem:$0x1F880];
	vm10 =	vgt.f32 v63, $9.999999740e-06;
	vm11 =	vgt.f32 v0, $9.999999740e-06;
	vm0 =	vmand vm0, vm2  }
0x99: {  	[tilespmem:$0x1F7B0] =	vst v10;
	v53 =	vld [tilespmem:$0x640];
	v63 =	vand.u32 $0x7FFFFFFF, v10;
	v10 =	vimm.s32 $0x0;
	v0 =	vsel vm0, $0xFFFFFFFF, v7  }
0x9a: {  	[tilespmem:$0x1F750] =	vst v2;
	vm0 =	vmand vm1, vm3;
	vm1 =	vgt.f32 v14, $9.999999740e-06;
	v2 =	vmul.f32 v59, v9;
	v59 =	vld [tilespmem:$0x1F8E0]  }
0x9b: {  	v18 =	vld [tilespmem:$0x900];
	[tilespmem:$0x1F7A0] =	vst v0;
	v0 =	vsel vm0, $0xFFFFFFFF, v8;
	vm0 =	vmand vm10, vm11;
	vm11 =	vgt.f32 v15, $9.999999740e-06  }
0x9c: {  	[tilespmem:$0x1FD10] =	vst v1;
	v13 =	vld [tilespmem:$0x1F8C0];
	v8 =	vand.u32 $0x7FFFFFFF, v11;
	v16 =	vand.u32 $0x7FFFFFFF, v33;
	vm0 =	vmand vm0, vm1  }
0x9d: {  	v15 =	vld [tilespmem:$0x1F8A0];
	[tilespmem:$0x1F7C0] =	vst v0;
	v0 =	vand.u32 $0x7FFFFFFF, v27;
	vm10 =	vgt.f32 v16, $9.999999740e-06;
	v1 =	vmul.f32 v40, v12  }
0x9e: {  	v14 =	vld [tilespmem:$0x6C0];
	v16 =	vand.u32 $0x7FFFFFFF, v53;
	vm1 =	vmand vm11, vm10;
	vm11 =	vgt.f32 v63, $9.999999740e-06  }
0x9f: {  	vm10 =	vgt.f32 v0, $9.999999740e-06;
	vm0 =	vmand vm0, vm11;
	v63 =	vmul.f32 v59, v9;
	v59 =	vld [tilespmem:$0x1F8D0]  }
0xa0: {  	vm11 =	vmand vm1, vm10;
	vm10 =	vgt.f32 v8, $9.999999740e-06;
	v0 =	vsel vm0, $0xFFFFFFFF, v10;
	v10 =	vld [tilespmem:$0x1F910]  }
0xa1: {  	vm0 =	vmand vm11, vm10;
	vm11 =	vgt.f32 v16, $9.999999740e-06;
	v16 =	vld [tilespmem:$0x1F920]  }
0xa2: {  	[tilespmem:$0x1F770] =	vst v3;
	v1 =	vadd.f32 v2, v1;
	v2 =	vmul.f32 v13, v18;
	v8 =	vld [tilespmem:$0x1F8F0];
	v3 =	vmul.f32 v15, v12  }
0xa3: {  	v40 =	vand.u32 $0x7FFFFFFF, v14;
	v15 =	vld [tilespmem:$0x1F950]  }
0xa4: {  	v1 =	vadd.f32 v2, v1;
	v2 =	vadd.f32 v63, v3;
	v63 =	vmul.f32 v59, v4;
	v59 =	vld [tilespmem:$0x1F960]  }
0xa5: {  	[tilespmem:$0x1F7D0] =	vst v11;
	v11 =	vimm.s32 $0x0;
	vm10 =	vgt.f32 v40, $9.999999740e-06  }
0xa6: {  	[tilespmem:$0x1F7E0] =	vst v0;
	v0 =	vsel vm0, $0xFFFFFFFF, v11;
	v11 =	vmul.f32 v10, v12;
	v40 =	vmul.f32 v16, v9;
	_ =	sdelay $0x1  }
0xa7: {  	v6 =	vmul.f32 v8, v18;
	v8 =	vld [tilespmem:$0x1F900];
	v5 =	vadd.f32 v40, v11  }
0xa8: {  	v10 =	vld [tilespmem:$0x1F930];
	v40 =	vmul.f32 v15, v12;
	v16 =	vadd.f32 v63, v1;
	v63 =	vmul.f32 v59, v9  }
0xa9: {  	v15 =	vld [tilespmem:$0x1F990]  }
0xaa: {  	v1 =	vadd.f32 v63, v40;
	v40 =	vld [tilespmem:$0x1F9A0];
	_ =	sdelay $0x3  }
0xab: {  	v13 =	vld [tilespmem:$0x740];
	v2 =	vadd.f32 v6, v2;
	v6 =	vmul.f32 v8, v4;
	v11 =	vmul.f32 v10, v18  }
0xac: {  	v10 =	vld [tilespmem:$0x1F940];
	v8 =	vmul.f32 v15, v12;
	v59 =	vmul.f32 v40, v9  }
0xad: {  	v5 =	vadd.f32 v11, v5;
	v11 =	vld [tilespmem:$0x1F970]  }
0xae: {  	v6 =	vadd.f32 v6, v2;
	v2 =	vadd.f32 v59, v8;
	v8 =	vld [tilespmem:$0x1F840];
	_ =	sdelay $0x3  }
0xaf: {  	vm0 =	vmand vm11, vm10;
	v63 =	vand.u32 $0x7FFFFFFF, v13;
	v3 =	vmul.f32 v10, v4;
	v10 =	vld [tilespmem:$0x1F980]  }
0xb0: {  	vm11 =	vgt.f32 v63, $9.999999740e-06;
	v63 =	vld [tilespmem:$0x1F830];
	v7 =	vmul.f32 v11, v18;
	vm10 =	vnez.u8 v8  }
0xb1: {  	v15 =	vadd.f32 v3, v5;
	v11 =	vld [tilespmem:$0x1F9B0];
	v3 =	vnsel vm10, $0xFF800000, v6  }
0xb2: {  	[tilespmem:$0x1F800] =	vst v16;
	v1 =	vadd.f32 v7, v1;
	v7 =	vmax.f32 v16, v3;
	v16 =	vld [tilespmem:$0x1F9D0];
	_ =	sdelay $0x2  }
0xb3: {  	v5 =	vmul.f32 v10, v4;
	v10 =	vld [tilespmem:$0x1F9C0]  }
0xb4: {  	vm0 =	vmand vm0, vm11;
	vm11 =	vnez.u8 v63;
	v59 =	vmul.f32 v35, v9;
	v35 =	vld [tilespmem:$0x1FA30]  }
0xb5: {  	[tilespmem:$0x1F810] =	vst v6;
	v6 =	vmul.f32 v11, v18;
	v11 =	vld [tilespmem:$0x1F9F0];
	v3 =	vsel vm11, v7, v3;
	v40 =	vmul.f32 v16, v12  }
0xb6: {  	[tilespmem:$0x1F820] =	vst v15;
	v63 =	vadd.f32 v5, v1;
	v7 =	vmax.f32 v3, v15;
	v15 =	vld [tilespmem:$0x1FA10]  }
0xb7: {  	v1 =	vadd.f32 v6, v2;
	v2 =	vadd.f32 v59, v40;
	v59 =	vld [tilespmem:$0x1F850];
	_ =	sdelay $0x2  }
0xb8: {  	v5 =	vmul.f32 v10, v4;
	v6 =	vmul.f32 v11, v18;
	v11 =	vld [tilespmem:$0x1FA00]  }
0xb9: {  	v16 =	vmul.f32 v15, v12;
	v40 =	vmul.f32 v35, v9;
	v15 =	vld [tilespmem:$0x1FA40]  }
0xba: {  	v35 =	vld [tilespmem:$0x1FA80];
	vm10 =	vnez.u8 v59;
	v59 =	vadd.f32 v5, v1  }
0xbb: {  	v1 =	vadd.f32 v6, v2;
	v2 =	vadd.f32 v40, v16;
	v16 =	vld [tilespmem:$0x1FA70];
	_ =	sdelay $0x3  }
0xbc: {  	v5 =	vmul.f32 v11, v4;
	v6 =	vmul.f32 v15, v18  }
0xbd: {  	v40 =	vmul.f32 v35, v9;
	v15 =	vld [tilespmem:$0x1FA90];
	v10 =	vmul.f32 v16, v12  }
0xbe: {  	v35 =	vld [tilespmem:$0x1FAC0];
	v11 =	vadd.f32 v5, v1  }
0xbf: {  	v1 =	vadd.f32 v6, v2;
	v2 =	vadd.f32 v40, v10;
	v10 =	vld [tilespmem:$0x1FA50]  }
0xc0: {  	v16 =	vld [tilespmem:$0x1FAB0]  }
0xc1: {  	v8 =	vld [tilespmem:$0x1F860];
	_ =	sdelay $0x2  }
0xc2: {  	v6 =	vmul.f32 v15, v18;
	v5 =	vmul.f32 v10, v4  }
0xc3: {  	v3 =	vsel vm10, v7, v3;
	v15 =	vld [tilespmem:$0x1FAD0];
	v40 =	vmul.f32 v35, v9;
	v10 =	vmul.f32 v16, v12  }
0xc4: {  	vm11 =	vnez.u8 v8;
	v7 =	vmax.f32 v3, v63;
	v35 =	vld [tilespmem:$0x1FB00];
	v8 =	vadd.f32 v5, v1  }
0xc5: {  	v3 =	vsel vm11, v7, v3;
	v1 =	vadd.f32 v6, v2;
	v2 =	vadd.f32 v40, v10;
	v10 =	vld [tilespmem:$0x1FAA0]  }
0xc6: {  	v7 =	vmax.f32 v3, v59;
	v16 =	vld [tilespmem:$0x1FAF0]  }
0xc7: {  	v3 =	vsel vm7, v7, v3;
	v7 =	vld [tilespmem:$0x1F870];
	_ =	sdelay $0x1  }
0xc8: {  	v40 =	vmul.f32 v35, v9;
	v35 =	vld [tilespmem:$0x1FAE0]  }
0xc9: {  	v5 =	vmul.f32 v10, v4  }
0xca: {  	v10 =	vmul.f32 v15, v18;
	v15 =	vmul.f32 v16, v12  }
0xcb: {  	vm10 =	vnez.u8 v7;
	v7 =	vadd.f32 v5, v1  }
0xcc: {  	v1 =	vadd.f32 v10, v2;
	v2 =	vadd.f32 v40, v15;
	v40 =	vld [tilespmem:$0x1FB10]  }
0xcd: {  	v5 =	vmul.f32 v35, v4;
	v35 =	vld [tilespmem:$0x1FB50];
	_ =	sdelay $0x2  }
0xce: {  	v6 =	vmax.f32 v3, v11  }
0xcf: {  	v3 =	vsel vm10, v6, v3;
	v16 =	vmul.f32 v17, v12  }
0xd0: {  	v6 =	vmax.f32 v3, v8;
	v10 =	vmul.f32 v40, v18;
	v40 =	vmul.f32 v35, v9  }
0xd1: {  	v3 =	vsel vm9, v6, v3;
	v6 =	vadd.f32 v5, v1;
	v35 =	vld [tilespmem:$0x1FB20]  }
0xd2: {  	v1 =	vadd.f32 v10, v2;
	v10 =	vadd.f32 v40, v16;
	v40 =	vld [tilespmem:$0x1FB60];
	_ =	sdelay $0x1  }
0xd3: {  	[tilespmem:$0x1FB30] =	vst v17  }
0xd4: {  	[tilespmem:$0x1FB80] =	vst v20;
	v17 =	vmul.f32 v20, v12;
	v20 =	vld [tilespmem:$0x1FB70]  }
0xd5: {  	[tilespmem:$0x1FB90] =	vst v23;
	v2 =	vmul.f32 v35, v4;
	v35 =	vmul.f32 v23, v9;
	v23 =	vld [tilespmem:$0x1FBB0]  }
0xd6: {  	v15 =	vmul.f32 v40, v18;
	v40 =	vld [tilespmem:$0x7C0]  }
0xd7: {  	v5 =	vmax.f32 v3, v7  }
0xd8: {  	v3 =	vsel vm5, v5, v3  }
0xd9: {  	[tilespmem:$0x1FBD0] =	vst v21;
	v5 =	vadd.f32 v2, v1;
	v1 =	vadd.f32 v15, v10;
	v15 =	vmul.f32 v20, v4  }
0xda: {  	[tilespmem:$0x1FBE0] =	vst v22;
	v10 =	vadd.f32 v35, v17;
	v20 =	vmul.f32 v21, v12;
	v21 =	vmul.f32 v22, v9;
	v22 =	vld [tilespmem:$0x1FBC0]  }
0xdb: {  	v35 =	vmax.f32 v3, v6;
	v16 =	vmul.f32 v23, v18;
	v23 =	vld [tilespmem:$0x1FC00];
	v17 =	vand.u32 $0x7FFFFFFF, v40  }
0xdc: {  	v3 =	vsel vm6, v35, v3;
	vm6 =	vgt.f32 v17, $9.999999740e-06;
	v17 =	vld [tilespmem:$0x1F750];
	_ =	sdelay $0x2  }
0xdd: {  	v35 =	vadd.f32 v15, v1;
	v15 =	vadd.f32 v21, v20  }
0xde: {  	v10 =	vadd.f32 v16, v10;
	v16 =	vmul.f32 v22, v4;
	v22 =	vld [tilespmem:$0x1FC20];
	v21 =	vmul.f32 v23, v18  }
0xdf: {  	v20 =	vmax.f32 v3, v5;
	vm3 =	vmand vm0, vm6;
	v23 =	vld [tilespmem:$0x1FC30];
	vm6 =	vnez.u8 v17  }
0xe0: {  	v17 =	vsel vm6, v20, v3;
	v3 =	vadd.f32 v16, v10;
	v10 =	vadd.f32 v21, v15;
	v21 =	vld [tilespmem:$0x1FC10];
	_ =	sdelay $0x1  }
0xe1: {  	v2 =	vld [tilespmem:$0x650]  }
0xe2: {  	v1 =	vld [tilespmem:$0x6D0]  }
0xe3: {  	v20 =	vmul.f32 v22, v12  }
0xe4: {  	v23 =	vmul.f32 v23, v9;
	v16 =	vmul.f32 v21, v4;
	_ =	sdelay $0x1  }
0xe5: {  	v21 =	vand.u32 $0x7FFFFFFF, v2;
	v10 =	vadd.f32 v16, v10;
	v16 =	vadd.f32 v23, v20;
	v23 =	vld [tilespmem:$0x1F770]  }
0xe6: {  	vm11 =	vmmov vm7;
	v22 =	vand.u32 $0x7FFFFFFF, v1;
	vm7 =	vgt.f32 v21, $9.999999740e-06;
	v21 =	vld [tilespmem:$0x1F760]  }
0xe7: {  	vm10 =	vgt.f32 v22, $9.999999740e-06;
	v22 =	vld [tilespmem:$0x1FC40];
	_ =	sdelay $0x2  }
0xe8: {  	vm0 =	vmand vm7, vm10;
	vm10 =	vnez.u8 v23;
	v23 =	vld [tilespmem:$0x1FA60]  }
0xe9: {  	v15 =	vmax.f32 v17, v35;
	vm7 =	vnez.u8 v21  }
0xea: {  	v20 =	vmul.f32 v22, v18;
	v22 =	vld [tilespmem:$0x1FC50];
	v15 =	vsel vm7, v15, v17  }
0xeb: {  	v21 =	vld [tilespmem:$0x1FC80];
	v17 =	vmax.f32 v15, v3  }
0xec: {  	v15 =	vsel vm10, v17, v15;
	v17 =	vld [tilespmem:$0x1FC70]  }
0xed: {  	v16 =	vadd.f32 v20, v16;
	v20 =	vmax.f32 v15, v10;
	vm1 =	vnez.u8 v23  }
0xee: {  	v20 =	vsel vm1, v20, v15;
	v15 =	vld [tilespmem:$0x1FC90];
	_ =	sdelay $0x1  }
0xef: {  	v22 =	vmul.f32 v22, v4  }
0xf0: {  	v21 =	vmul.f32 v21, v9;
	v23 =	vld [tilespmem:$0x1FD00];
	v17 =	vmul.f32 v17, v12;
	_ =	sdelay $0x1  }
0xf1: {  	v17 =	vadd.f32 v21, v17;
	v21 =	vmul.f32 v15, v18;
	v15 =	vadd.f32 v22, v16;
	v16 =	vld [tilespmem:$0x1FCB0]  }
0xf2: {  	v22 =	vld [tilespmem:$0x1FCD0];
	_ =	sdelay $0x1  }
0xf3: {  	[tilespmem:$0x1FD20] =	vst v24;
	v17 =	vadd.f32 v21, v17;
	v21 =	vmul.f32 v23, v12;
	v23 =	vmul.f32 v24, v9;
	v24 =	vld [tilespmem:$0x1FCA0];
	_ =	sdelay $0x2  }
0xf4: {  	v16 =	vmul.f32 v16, v12;
	v22 =	vmul.f32 v22, v9  }
0xf5: {  	[tilespmem:$0x1FA20] =	vst v15;
	v21 =	vadd.f32 v23, v21;
	v23 =	vmax.f32 v20, v15;
	v15 =	vld [tilespmem:$0x1FB40]  }
0xf6: {  	[tilespmem:$0x1FCE0] =	vst v25;
	v16 =	vadd.f32 v22, v16;
	v22 =	vmul.f32 v24, v4;
	v24 =	vmul.f32 v25, v18  }
0xf7: {  	[tilespmem:$0x1FD30] =	vst v26;
	v25 =	vmul.f32 v26, v18;
	v26 =	vld [tilespmem:$0x1FD40]  }
0xf8: {  	v16 =	vadd.f32 v24, v16;
	v24 =	vld [tilespmem:$0x1FD60]  }
0xf9: {  	v21 =	vadd.f32 v25, v21;
	v25 =	vld [tilespmem:$0x1FCF0]  }
0xfa: {  	vm1 =	vnez.u8 v15;
	v15 =	vld [tilespmem:$0x1FBA0]  }
0xfb: {  	v20 =	vsel vm1, v23, v20;
	v23 =	vld [tilespmem:$0x1FD50];
	_ =	sdelay $0x3  }
0xfc: {  	v17 =	vadd.f32 v22, v17;
	v26 =	vmul.f32 v26, v4;
	v25 =	vmul.f32 v25, v4  }
0xfd: {  	vm1 =	vnez.u8 v15;
	v15 =	vld [tilespmem:$0x1FD70];
	v22 =	vmul.f32 v23, v12;
	v23 =	vmul.f32 v24, v9  }
0xfe: {  	v26 =	vadd.f32 v26, v21;
	v21 =	vld [tilespmem:$0x1FD80]  }
0xff: {  	v23 =	vadd.f32 v23, v22;
	v22 =	vadd.f32 v25, v16;
	v25 =	vld [tilespmem:$0x1FDA0];
	_ =	sdelay $0x1  }
0x100: {  	v24 =	vmax.f32 v20, v17  }
0x101: {  	v20 =	vsel vm1, v24, v20;
	v24 =	vmul.f32 v15, v18  }
0x102: {  	[tilespmem:$0x1FE00] =	vst v58;
	v16 =	vmul.f32 v21, v4  }
0x103: {  	[tilespmem:$0x1FDE0] =	vst v62;
	v21 =	vadd.f32 v24, v23;
	v24 =	vmul.f32 v28, v9;
	v23 =	vmul.f32 v25, v12  }
0x104: {  	[tilespmem:$0x1F7F0] =	vst v0;
	v0 =	vmul.f32 v62, v12;
	v62 =	vmul.f32 v58, v9  }
0x105: {  	[tilespmem:$0x1FDC0] =	vst v46;
	v58 =	vadd.f32 v16, v21;
	v16 =	vadd.f32 v24, v23;
	v23 =	vmul.f32 v46, v18;
	v46 =	vld [tilespmem:$0x1FE70]  }
0x106: {  	[tilespmem:$0x1FDB0] =	vst v28;
	v28 =	vld [tilespmem:$0x1FE60];
	_ =	sdelay $0x1  }
0x107: {  	v15 =	vld [tilespmem:$0x750]  }
0x108: {  	v25 =	vmax.f32 v20, v22;
	v21 =	vadd.f32 v62, v0;
	v62 =	vld [tilespmem:$0x1FCC0]  }
0x109: {  	[tilespmem:$0x1FE30] =	vst v48;
	v20 =	vsel vm15, v25, v20;
	v24 =	vmul.f32 v48, v18;
	v48 =	vmul.f32 v46, v9;
	v46 =	vld [tilespmem:$0x1F780]  }
0x10a: {  	[tilespmem:$0x1FBF0] =	vst v26;
	v25 =	vmax.f32 v20, v26;
	v26 =	vmul.f32 v28, v12;
	_ =	sdelay $0x1  }
0x10b: {  	[tilespmem:$0x1FE50] =	vst v44;
	v16 =	vadd.f32 v23, v16;
	v23 =	vadd.f32 v48, v26;
	v26 =	vmul.f32 v44, v4;
	v44 =	vld [tilespmem:$0x1FD10]  }
0x10c: {  	v0 =	vand.u32 $0x7FFFFFFF, v15;
	v21 =	vadd.f32 v24, v21;
	vm15 =	vnez.u8 v62  }
0x10d: {  	v62 =	vld [tilespmem:$0x7D0];
	v20 =	vsel vm15, v25, v20;
	vm15 =	vgt.f32 v0, $9.999999740e-06;
	v24 =	vmul.f32 v46, v4  }
0x10e: {  	[tilespmem:$0x1FF10] =	vst v54;
	v54 =	vmul.f32 v54, v12;
	v28 =	vmul.f32 v51, v4;
	vm0 =	vmand vm0, vm15  }
0x10f: {  	[tilespmem:$0x1FE80] =	vst v60;
	v48 =	vmul.f32 v60, v18;
	v60 =	vadd.f32 v26, v21;
	v25 =	vadd.f32 v24, v16  }
0x110: {  	[tilespmem:$0x1FE90] =	vst v57;
	v24 =	vmax.f32 v20, v58;
	vm15 =	vnez.u8 v44;
	v44 =	vimm.s32 $0x0  }
0x111: {  	[tilespmem:$0x1FEB0] =	vst v61;
	v16 =	vsel vm15, v24, v20;
	v20 =	vadd.f32 v48, v23;
	v23 =	vmul.f32 v57, v4  }
0x112: {  	[tilespmem:$0x1FED0] =	vst v39;
	v48 =	vand.u32 $0x7FFFFFFF, v62;
	v57 =	vmul.f32 v61, v12;
	v61 =	vmul.f32 v49, v9  }
0x113: {  	[tilespmem:$0x1FEC0] =	vst v49;
	v49 =	vmul.f32 v39, v18;
	v39 =	vmul.f32 v52, v18;
	vm15 =	vgt.f32 v48, $9.999999740e-06  }
0x114: {  	[tilespmem:$0x1FF00] =	vst v52;
	v52 =	vmul.f32 v29, v9;
	v21 =	vmax.f32 v16, v25;
	vm2 =	vmand vm0, vm15  }
0x115: {  	v16 =	vsel vm8, v21, v16;
	v48 =	vadd.f32 v61, v57;
	v57 =	vmul.f32 v56, v12  }
0x116: {  	[tilespmem:$0x1FEE0] =	vst v56;
	v61 =	vmul.f32 v55, v9;
	v56 =	vmul.f32 v50, v9;
	v0 =	vsel vm2, $0xFFFFFFFF, v44  }
0x117: {  	[tilespmem:$0x1FF30] =	vst v45;
	v44 =	vadd.f32 v23, v20;
	v21 =	vmax.f32 v16, v60;
	v20 =	vadd.f32 v49, v48  }
0x118: {  	[tilespmem:$0x1FEF0] =	vst v55;
	v16 =	vsel vm13, v21, v16;
	v21 =	vadd.f32 v61, v57;
	v61 =	vmul.f32 v45, v18;
	v45 =	vld [tilespmem:$0x6E0]  }
0x119: {  	[tilespmem:$0x1FF20] =	vst v50;
	v50 =	vmul.f32 v32, v12;
	v57 =	vmul.f32 v38, v4;
	v55 =	vadd.f32 v28, v20  }
0x11a: {  	[tilespmem:$0x1FEA0] =	vst v0;
	v48 =	vld [tilespmem:$0x660];
	v0 =	vmax.f32 v16, v44;
	v21 =	vadd.f32 v39, v21;
	v20 =	vadd.f32 v56, v54  }
0x11b: {  	v16 =	vsel vm14, v0, v16;
	v0 =	vmul.f32 v30, v12;
	v39 =	vmul.f32 v31, v9  }
0x11c: {  	v49 =	vmax.f32 v16, v55;
	v56 =	vadd.f32 v57, v21;
	v20 =	vadd.f32 v61, v20  }
0x11d: {  	v61 =	vadd.f32 v39, v0;
	v0 =	vadd.f32 v52, v50;
	v50 =	vand.u32 $0x7FFFFFFF, v45  }
0x11e: {  	[tilespmem:$0x1FF40] =	vst v41;
	v39 =	vmul.f32 v41, v4;
	v41 =	vmul.f32 v37, v18;
	vm8 =	vgt.f32 v50, $9.999999740e-06;
	v50 =	vld [tilespmem:$0x1F790]  }
0x11f: {  	v52 =	vmul.f32 v36, v18;
	v16 =	vsel vm4, v49, v16;
	v49 =	vand.u32 $0x7FFFFFFF, v48  }
0x120: {  	[tilespmem:$0x1FF70] =	vst v37;
	v37 =	vmul.f32 v34, v4;
	vm4 =	vgt.f32 v49, $9.999999740e-06  }
0x121: {  	v54 =	vmax.f32 v16, v56;
	v57 =	vadd.f32 v41, v61;
	v61 =	vadd.f32 v52, v0  }
0x122: {  	[tilespmem:$0x1FFA0] =	vst v36;
	v49 =	vld [tilespmem:$0x1FE40];
	v52 =	vmul.f32 v43, v12;
	v16 =	vsel vm12, v54, v16;
	v54 =	vmul.f32 v42, v9  }
0x123: {  	[tilespmem:$0x1FF50] =	vst v30;
	v30 =	vadd.f32 v39, v20;
	v36 =	vmul.f32 v50, v4  }
0x124: {  	v26 =	vadd.f32 v37, v61;
	v37 =	vmul.f32 v33, v9;
	v61 =	vadd.f32 v54, v52  }
0x125: {  	[tilespmem:$0x1FF80] =	vst v32;
	v52 =	vmul.f32 v14, v9;
	v24 =	vadd.f32 v36, v57;
	v57 =	vmul.f32 v19, v18  }
0x126: {  	[tilespmem:$0x1FFD0] =	vst v53;
	v54 =	vmov v47;
	v36 =	vmul.f32 v47, v12;
	v47 =	vmul.f32 v53, v12;
	v53 =	vld [tilespmem:$0x1F7A0]  }
0x127: {  	[tilespmem:$0x1FF90] =	vst v29;
	v29 =	vld [tilespmem:$0x1F7F0];
	v32 =	vmax.f32 v16, v30;
	vm12 =	vnez.u8 v49;
	v20 =	vadd.f32 v57, v61  }
0x128: {  	v41 =	vld [tilespmem:$0x760];
	v57 =	vadd.f32 v37, v36;
	v61 =	vadd.f32 v52, v47;
	v37 =	vmul.f32 v13, v18  }
0x129: {  	v16 =	vsel vm12, v32, v16;
	v32 =	vld [tilespmem:$0x670]  }
0x12a: {  	v21 =	vadd.f32 v37, v61;
	v37 =	vld [tilespmem:$0x1F7D0]  }
0x12b: {  	v39 =	vmax.f32 v16, v24;
	v61 =	vld [tilespmem:$0x1F7E0];
	vm15 =	vnez.u8 v53  }
0x12c: {  	v16 =	vsel vm15, v39, v16;
	v39 =	vld [tilespmem:$0x1F7B0]  }
0x12d: {  	v49 =	vmov v19;
	v19 =	vand.u32 $0x7FFFFFFF, v41;
	v53 =	vld [tilespmem:$0x1F7C0]  }
0x12e: {  	[tilespmem:$0x1FF60] =	vst v31;
	v28 =	vmul.f32 v48, v12;
	vm13 =	vgt.f32 v19, $9.999999740e-06;
	v19 =	vmul.f32 v45, v9  }
0x12f: {  	[tilespmem:$0x1FFB0] =	vst v34;
	v34 =	vld [tilespmem:$0x6F0];
	vm0 =	vmand vm4, vm8;
	vm4 =	vnez.u8 v29;
	v36 =	vmul.f32 v27, v18  }
0x130: {  	[tilespmem:$0x1FFF0] =	vst v13;
	vm0 =	vmand vm0, vm13;
	v13 =	vmul.f32 v2, v12;
	v0 =	vadd.f32 v19, v28  }
0x131: {  	[tilespmem:$0x1FFE0] =	vst v14;
	v12 =	vmul.f32 v32, v12;
	v47 =	vmax.f32 v16, v26;
	v14 =	vmul.f32 v39, v4  }
0x132: {  	[tilespmem:$0x1FFC0] =	vst v33;
	v33 =	vld [tilespmem:$0x7E0];
	v31 =	vmul.f32 v37, v4;
	vm8 =	vnez.u8 v61;
	vm13 =	vnez.u8 v53  }
0x133: {  	v28 =	vld [tilespmem:$0x7F0];
	v23 =	vadd.f32 v14, v20;
	v20 =	vadd.f32 v36, v57;
	v36 =	vmul.f32 v40, v4  }
0x134: {  	v16 =	vsel vm13, v47, v16;
	v14 =	vmul.f32 v1, v9;
	v9 =	vmul.f32 v34, v9  }
0x135: {  	v57 =	vmax.f32 v16, v23;
	v20 =	vadd.f32 v31, v20;
	v21 =	vadd.f32 v36, v21  }
0x136: {  	v53 =	vmovc v1;
	v36 =	vmul.f32 v15, v18;
	v31 =	vld [tilespmem:$0x770];
	v1 =	vadd.f32 v14, v13;
	v9 =	vadd.f32 v9, v12  }
0x137: {  	v47 =	vmovc v40;
	v40 =	vmovc v15;
	v14 =	vand.u32 $0x7FFFFFFF, v33;
	v15 =	vand.u32 $0x7FFFFFFF, v32;
	v16 =	vsel vm8, v57, v16  }
0x138: {  	v52 =	vmovc v27;
	v13 =	vand.u32 $0x7FFFFFFF, v28;
	vm14 =	vgt.f32 v14, $9.999999740e-06;
	v27 =	vmax.f32 v16, v20  }
0x139: {  	v1 =	vadd.f32 v36, v1;
	vm1 =	vmand vm0, vm14;
	v57 =	vmovc v2;
	v2 =	vmul.f32 v62, v4  }
0x13a: {  	vm0 =	vgt.f32 v15, $9.999999740e-06;
	v61 =	vsel vm4, v27, v16;
	v27 =	vmul.f32 v41, v18  }
0x13b: {  	v29 =	vmax.f32 v61, v21;
	v18 =	vmul.f32 v31, v18;
	v16 =	vadd.f32 v2, v1  }
0x13c: {  	v0 =	vadd.f32 v27, v0;
	v2 =	vmul.f32 v33, v4;
	v27 =	vand.u32 $0x7FFFFFFF, v34  }
0x13d: {  	v1 =	vsel vm3, v29, v61;
	v29 =	vmul.f32 v28, v4;
	vm14 =	vgt.f32 v27, $9.999999740e-06  }
0x13e: {  	v9 =	vadd.f32 v18, v9;
	v15 =	vadd.f32 v2, v0;
	v36 =	vmax.f32 v1, v16  }
0x13f: {  	v4 =	vand.u32 $0x7FFFFFFF, v31;
	vm0 =	vmand vm0, vm14;
	v0 =	vsel vm2, v36, v1  }
0x140: {  	v18 =	vld [tilespmem:$0xA00];
	vm2 =	vgt.f32 v4, $9.999999740e-06;
	v9 =	vadd.f32 v29, v9;
	v12 =	vmax.f32 v0, v15  }
0x141: {  	v36 =	vld [tilespmem:$0xA80];
	vm0 =	vmand vm0, vm2;
	vm2 =	vgt.f32 v13, $9.999999740e-06;
	v0 =	vsel vm1, v12, v0  }
0x142: {  	vm0 =	vmand vm0, vm2;
	v14 =	vmax.f32 v0, v9  }
0x143: {  	v0 =	vsel vm0, v14, v0  }
0x144: {  	(xrf0) =	vmax.scan.msk.f32 $0xffff, v0  }
0x145: {  	(xrf0) =	vmax.scan.msk.f32 $0xffff, v18  }
0x146: {  	(xrf0) =	vmax.scan.msk.f32 $0xffff, v36;
	_ =	sdelay $0x3  }
0x147: {  	v0, _, _ =	vpop (xrf0)  }
0x148: {  	(v2sf) =	vpush v0, $0xF;
	v19, _, _ =	vpop (xrf0)  }
0x149: {  	(v2sf) =	vpush v19, $0xF;
	v27, _, _ =	vpop (xrf0)  }
0x14a: {  	(v2sf) =	vpush v27, $0xF;
	_ =	sdelay $0xc  }
0x14b: {  	v29 =	vld [tilespmem:$0x1F800];
	s21 =	spop (v2sf)  }
0x14c: {  	v61 =	vld [tilespmem:$0x1F810];
	s22 =	spop (v2sf)  }
0x14d: {  	v27 =	vld [tilespmem:$0x1F820];
	s4 =	smax.f32 s21, s22;
	s23 =	spop (v2sf)  }
0x14e: {  	s4 =	smax.f32 s4, s23  }
0x14f: {  	v0 =	vmov s4  }
0x150: {  	v1 =	vsub.f32 v29, v0  }
0x151: {  	v4 =	vsub.f32 v61, v0  }
0x152: {  	v29 =	vsub.f32 v27, v0;
	v1 =	vmul.f32 $1.442695020e+00, v1  }
0x153: {  	v61 =	vsub.f32 v63, v0;
	v12 =	vmul.f32 $1.442695020e+00, v4  }
0x154: {  	v2 =	vsub.f32 v59, v0;
	v63 =	vmul.f32 $1.442695020e+00, v29;
	(erf) = vpow2.f32 v1  }
0x155: {  	v11 =	vsub.f32 v11, v0;
	v4 =	vmul.f32 $1.442695020e+00, v61;
	(erf) = vpow2.f32 v12  }
0x156: {  	v8 =	vsub.f32 v8, v0;
	v14 =	vmul.f32 $1.442695020e+00, v2;
	(erf) = vpow2.f32 v63  }
0x157: {  	v7 =	vsub.f32 v7, v0;
	v11 =	vmul.f32 $1.442695020e+00, v11;
	(erf) = vpow2.f32 v4  }
0x158: {  	v6 =	vsub.f32 v6, v0;
	v19 =	vmul.f32 $1.442695020e+00, v8;
	(erf) = vpow2.f32 v14  }
0x159: {  	v7 =	vmul.f32 $1.442695020e+00, v7;
	(erf) = vpow2.f32 v11  }
0x15a: {  	v27 =	vmul.f32 $1.442695020e+00, v6;
	v12 =	vld [tilespmem:$0x1F830];
	(erf) = vpow2.f32 v19  }
0x15b: {  	v19 =	vld [tilespmem:$0x1F840];
	(erf) = vpow2.f32 v7  }
0x15c: {  	(erf) = vpow2.f32 v27;
	v27 =	vld [tilespmem:$0x1F850];
	_ =	sdelay $0x2  }
0x15d: {  	vm2 =	vnez.u8 v12;
	v29 =	vpop (erf)  }
0x15e: {  	v13 =	vsub.f32 v35, v0;
	v35 =	vld [tilespmem:$0x1F860];
	v59 =	vpop (erf);
	v1 =	vnsel vm2, $0x0, v29;
	vm2 =	vnez.u8 v19  }
0x15f: {  	v61 =	vpop (erf);
	v6 =	vnsel vm2, $0x0, v59;
	vm2 =	vnez.u8 v27  }
0x160: {  	v7 =	vnsel vm2, $0x0, v61;
	v61 =	vld [tilespmem:$0x1F870];
	_ =	sdelay $0x1  }
0x161: {  	v5 =	vsub.f32 v5, v0  }
0x162: {  	vm12 =	vnez.u8 v35;
	v63 =	vpop (erf)  }
0x163: {  	v5 =	vmul.f32 $1.442695020e+00, v5;
	v14 =	vpop (erf);
	v8 =	vnsel vm12, $0x0, v63;
	v63 =	vld [tilespmem:$0x1F880]  }
0x164: {  	v29 =	vpop (erf);
	vm14 =	vnez.u8 v61  }
0x165: {  	(erf) = vpow2.f32 v5;
	v5 =	vnsel vm14, $0x0, v29;
	v29 =	vld [tilespmem:$0x1F8A0];
	_ =	sdelay $0x1  }
0x166: {  	v2 =	vmul.f32 $1.442695020e+00, v13  }
0x167: {  	v11 =	vnsel vm11, $0x0, v14;
	v59 =	vpop (erf);
	v4 =	vmul.f32 v1, v63  }
0x168: {  	v27 =	vld [tilespmem:$0x1F890];
	v12 =	vnsel vm9, $0x0, v59;
	v19 =	vpop (erf);
	(erf) = vpow2.f32 v2;
	v2 =	vsub.f32 v3, v0  }
0x169: {  	v59 =	vld [tilespmem:$0x1F8B0];
	v14 =	vnsel vm5, $0x0, v19;
	v3 =	vadd.f32 $0.0e+00, v4;
	v19 =	vmul.f32 v6, v29  }
0x16a: {  	v61 =	vld [tilespmem:$0x1F8C0]  }
0x16b: {  	v4 =	vadd.f32 v3, v19;
	v19 =	vld [tilespmem:$0x1F8D0];
	_ =	sdelay $0x2  }
0x16c: {  	v13 =	vmul.f32 v1, v27  }
0x16d: {  	v35 =	vpop (erf);
	v2 =	vmul.f32 $1.442695020e+00, v2;
	vm9 =	vnez.u8 v59;
	v59 =	vld [tilespmem:$0x1F8E0];
	v63 =	vmul.f32 v1, v61  }
0x16e: {  	v27 =	vnsel vm9, $0x0, v35;
	v61 =	vld [tilespmem:$0x1F8F0];
	v35 =	vmul.f32 v1, v19  }
0x16f: {  	(erf) = vpow2.f32 v2;
	v2 =	vadd.f32 $0.0e+00, v13;
	v13 =	vadd.f32 $0.0e+00, v63;
	v63 =	vld [tilespmem:$0x1F900]  }
0x170: {  	v19 =	vadd.f32 $0.0e+00, v35;
	v35 =	vld [tilespmem:$0x1F910];
	_ =	sdelay $0x1  }
0x171: {  	v1 =	vadd.f32 $0.0e+00, v1  }
0x172: {  	v29 =	vmul.f32 v6, v59;
	v59 =	vpop (erf);
	v61 =	vmul.f32 v6, v61  }
0x173: {  	v3 =	vadd.f32 v1, v6;
	v6 =	vmul.f32 v6, v63;
	v63 =	vnsel vm6, $0x0, v59;
	v59 =	vld [tilespmem:$0x1F930]  }
0x174: {  	v1 =	vmul.f32 v7, v35;
	v35 =	vld [tilespmem:$0x1F920];
	_ =	sdelay $0x1  }
0x175: {  	v2 =	vadd.f32 v2, v29;
	v29 =	vld [tilespmem:$0x1F950];
	_ =	sdelay $0x1  }
0x176: {  	v13 =	vadd.f32 v13, v61;
	v61 =	vld [tilespmem:$0x1F940];
	v6 =	vadd.f32 v19, v6;
	v19 =	vmul.f32 v7, v59  }
0x177: {  	v59 =	vld [tilespmem:$0x1F960];
	v1 =	vadd.f32 v4, v1;
	v4 =	vmul.f32 v7, v35  }
0x178: {  	v13 =	vadd.f32 v13, v19;
	v19 =	vld [tilespmem:$0x1F970];
	v35 =	vpop (erf)  }
0x179: {  	v2 =	vadd.f32 v2, v4;
	v4 =	vmul.f32 v8, v29;
	v29 =	vnsel vm7, $0x0, v35;
	v35 =	vld [tilespmem:$0x1F980]  }
0x17a: {  	v3 =	vadd.f32 v3, v7  }
0x17b: {  	v10 =	vsub.f32 v10, v0;
	v7 =	vmul.f32 v7, v61  }
0x17c: {  	v3 =	vadd.f32 v3, v8  }
0x17d: {  	v61 =	vmul.f32 $1.442695020e+00, v10;
	v6 =	vadd.f32 v6, v7;
	v10 =	vmul.f32 v8, v19  }
0x17e: {  	v1 =	vadd.f32 v1, v4;
	v4 =	vmul.f32 v8, v59;
	v59 =	vld [tilespmem:$0x1F990];
	v8 =	vmul.f32 v8, v35  }
0x17f: {  	v19 =	vld [tilespmem:$0x1F9C0]  }
0x180: {  	v6 =	vadd.f32 v6, v8;
	v8 =	vld [tilespmem:$0x1F9A0]  }
0x181: {  	v10 =	vadd.f32 v13, v10;
	v13 =	vld [tilespmem:$0x1F9B0]  }
0x182: {  	v35 =	vld [tilespmem:$0x1F9D0]  }
0x183: {  	(erf) = vpow2.f32 v61;
	v61 =	vpop (erf);
	v2 =	vadd.f32 v2, v4;
	v4 =	vmul.f32 v11, v59  }
0x184: {  	v7 =	vnsel vm10, $0x0, v61;
	v61 =	vld [tilespmem:$0x1F9E0]  }
0x185: {  	v1 =	vadd.f32 v1, v4;
	v4 =	vmul.f32 v11, v8  }
0x186: {  	v3 =	vadd.f32 v3, v11;
	v8 =	vmul.f32 v11, v13;
	v11 =	vmul.f32 v11, v19;
	v19 =	vld [tilespmem:$0x1F9F0]  }
0x187: {  	v13 =	vmul.f32 v5, v35;
	v35 =	vld [tilespmem:$0x1FA00];
	_ =	sdelay $0x1  }
0x188: {  	v59 =	vadd.f32 v10, v8;
	v8 =	vmul.f32 v5, v61;
	v61 =	vld [tilespmem:$0x1FA20]  }
0x189: {  	v1 =	vadd.f32 v1, v13;
	v13 =	vld [tilespmem:$0x1FA30]  }
0x18a: {  	v10 =	vmul.f32 v5, v19;
	v19 =	vld [tilespmem:$0x1FA40]  }
0x18b: {  	v3 =	vadd.f32 v3, v5;
	v5 =	vmul.f32 v5, v35;
	v35 =	vld [tilespmem:$0x1FA50]  }
0x18c: {  	v2 =	vadd.f32 v2, v4;
	v4 =	vadd.f32 v59, v10;
	v59 =	vld [tilespmem:$0x1FA10]  }
0x18d: {  	v10 =	vsub.f32 v61, v0;
	v61 =	vld [tilespmem:$0x1FA60];
	_ =	sdelay $0x1  }
0x18e: {  	v6 =	vadd.f32 v6, v11;
	v11 =	vmul.f32 v12, v19  }
0x18f: {  	v3 =	vadd.f32 v3, v12;
	v2 =	vadd.f32 v2, v8;
	v19 =	vld [tilespmem:$0x1FA90]  }
0x190: {  	v5 =	vadd.f32 v6, v5;
	v6 =	vmul.f32 v12, v13;
	v4 =	vadd.f32 v4, v11;
	v11 =	vld [tilespmem:$0x1FA70]  }
0x191: {  	v8 =	vmul.f32 v12, v59;
	v12 =	vmul.f32 v12, v35;
	v59 =	vpop (erf);
	vm10 =	vnez.u8 v61;
	v35 =	vld [tilespmem:$0x1FAA0]  }
0x192: {  	v13 =	vnsel vm10, $0x0, v59;
	v59 =	vsub.f32 v17, v0;
	v17 =	vld [tilespmem:$0x1FAD0]  }
0x193: {  	v10 =	vmul.f32 $1.442695020e+00, v10;
	v5 =	vadd.f32 v5, v12;
	v12 =	vld [tilespmem:$0x1FA80]  }
0x194: {  	v61 =	vld [tilespmem:$0x1FAB0]  }
0x195: {  	(erf) = vpow2.f32 v10;
	v10 =	vmul.f32 v14, v19;
	v19 =	vld [tilespmem:$0x1FAE0]  }
0x196: {  	v2 =	vadd.f32 v2, v6;
	v6 =	vmul.f32 v14, v11;
	v11 =	vmul.f32 v14, v35;
	v35 =	vld [tilespmem:$0x1FAF0]  }
0x197: {  	v4 =	vadd.f32 v4, v10;
	v10 =	vmul.f32 v27, v17;
	v17 =	vld [tilespmem:$0x1FB40]  }
0x198: {  	v3 =	vadd.f32 v3, v14;
	v1 =	vadd.f32 v1, v8;
	v8 =	vmul.f32 v14, v12;
	v14 =	vld [tilespmem:$0x1FAC0]  }
0x199: {  	v12 =	vmul.f32 $1.442695020e+00, v59;
	v59 =	vld [tilespmem:$0x1FB00]  }
0x19a: {  	v1 =	vadd.f32 v1, v6;
	v6 =	vmul.f32 v27, v61;
	v61 =	vld [tilespmem:$0x1FB10]  }
0x19b: {  	v5 =	vadd.f32 v5, v11;
	v11 =	vmul.f32 v27, v19;
	v19 =	vsub.f32 v22, v0;
	v22 =	vld [tilespmem:$0x1FB50]  }
0x19c: {  	(erf) = vpow2.f32 v12;
	v12 =	vld [tilespmem:$0x1FB30]  }
0x19d: {  	v3 =	vadd.f32 v3, v27;
	v5 =	vadd.f32 v5, v11;
	v11 =	vld [tilespmem:$0x1FB20]  }
0x19e: {  	v2 =	vadd.f32 v2, v8;
	v1 =	vadd.f32 v1, v6;
	v6 =	vmul.f32 v27, v14;
	v27 =	vld [tilespmem:$0x1FB60]  }
0x19f: {  	v3 =	vadd.f32 v3, v63;
	v4 =	vadd.f32 v4, v10;
	v10 =	vmul.f32 v63, v61;
	v61 =	vld [tilespmem:$0x1FB90]  }
0x1a0: {  	v8 =	vmul.f32 v63, v59;
	v2 =	vadd.f32 v2, v6;
	v6 =	vmul.f32 v63, v35;
	v35 =	vld [tilespmem:$0x1FB70]  }
0x1a1: {  	v3 =	vadd.f32 v3, v29;
	vm11 =	vnez.u8 v17;
	v17 =	vld [tilespmem:$0x1FBC0];
	v4 =	vadd.f32 v4, v10  }
0x1a2: {  	v14 =	vpop (erf);
	v59 =	vld [tilespmem:$0x1FB80];
	v1 =	vadd.f32 v1, v6;
	v2 =	vadd.f32 v2, v8;
	v8 =	vmul.f32 v29, v12  }
0x1a3: {  	v10 =	vnsel vm11, $0x0, v14;
	v6 =	vmul.f32 v63, v11;
	v11 =	vmul.f32 v29, v27;
	v27 =	vld [tilespmem:$0x1FBF0]  }
0x1a4: {  	v14 =	vmul.f32 v7, v61;
	v61 =	vld [tilespmem:$0x1FC20];
	v1 =	vadd.f32 v1, v8;
	v8 =	vmul.f32 v29, v22  }
0x1a5: {  	v5 =	vadd.f32 v5, v6;
	v6 =	vmul.f32 $1.442695020e+00, v19;
	v19 =	vld [tilespmem:$0x1FBD0];
	v12 =	vmul.f32 v29, v35  }
0x1a6: {  	v3 =	vadd.f32 v3, v7;
	v22 =	vld [tilespmem:$0x1FBE0];
	v2 =	vadd.f32 v2, v8  }
0x1a7: {  	v5 =	vadd.f32 v5, v12;
	v12 =	vld [tilespmem:$0x1FBA0]  }
0x1a8: {  	v3 =	vadd.f32 v3, v13;
	v2 =	vadd.f32 v2, v14;
	v14 =	vld [tilespmem:$0x1FBB0]  }
0x1a9: {  	v9 =	vsub.f32 v9, v0;
	v29 =	vld [tilespmem:$0x1FC00];
	v8 =	vmul.f32 v7, v59  }
0x1aa: {  	v18 =	vsub.f32 v18, v0;
	v3 =	vadd.f32 v3, v10;
	v59 =	vld [tilespmem:$0x1FC10]  }
0x1ab: {  	v4 =	vadd.f32 v4, v11;
	v1 =	vadd.f32 v1, v8;
	v11 =	vmul.f32 v13, v19;
	v19 =	vld [tilespmem:$0x1FC40]  }
0x1ac: {  	(erf) = vpow2.f32 v6;
	vm12 =	vnez.u8 v12;
	v12 =	vmul.f32 v13, v22;
	v22 =	vld [tilespmem:$0x1FC50]  }
0x1ad: {  	v63 =	vpop (erf);
	v1 =	vadd.f32 v1, v11;
	v8 =	vmul.f32 v7, v14;
	v7 =	vmul.f32 v7, v17;
	v17 =	vld [tilespmem:$0x1FC30]  }
0x1ae: {  	v6 =	vnsel vm12, $0x0, v63;
	v14 =	vsub.f32 v27, v0;
	v63 =	vsub.f32 v58, v0;
	v58 =	vld [tilespmem:$0x1FC80]  }
0x1af: {  	v2 =	vadd.f32 v2, v12;
	v5 =	vadd.f32 v5, v7;
	v7 =	vmul.f32 v13, v29;
	v29 =	vld [tilespmem:$0x1FC60]  }
0x1b0: {  	v4 =	vadd.f32 v4, v8;
	v35 =	vmul.f32 $1.442695020e+00, v14;
	v8 =	vmul.f32 v10, v61;
	v61 =	vld [tilespmem:$0x1FC90]  }
0x1b1: {  	v12 =	vmul.f32 v10, v19;
	v3 =	vadd.f32 v3, v6;
	v11 =	vmul.f32 $1.442695020e+00, v63;
	v63 =	vld [tilespmem:$0x1FCA0]  }
0x1b2: {  	v4 =	vadd.f32 v4, v7;
	v7 =	vmul.f32 v13, v59;
	(erf) = vpow2.f32 v35;
	v35 =	vld [tilespmem:$0x1FC70]  }
0x1b3: {  	v9 =	vmul.f32 $1.442695020e+00, v9;
	v1 =	vadd.f32 v1, v8;
	v59 =	vsub.f32 v25, v0;
	v25 =	vld [tilespmem:$0x1FCF0]  }
0x1b4: {  	(erf) = vpow2.f32 v11;
	v5 =	vadd.f32 v5, v7;
	v4 =	vadd.f32 v4, v12;
	v12 =	vld [tilespmem:$0x1FCB0]  }
0x1b5: {  	v27 =	vpop (erf);
	v7 =	vmul.f32 v10, v17;
	v10 =	vmul.f32 v10, v22;
	v22 =	vld [tilespmem:$0x1FCE0];
	vm14 =	vnez.u8 v29  }
0x1b6: {  	v8 =	vmul.f32 v6, v58;
	v17 =	vld [tilespmem:$0x1FCC0];
	v11 =	vmul.f32 v6, v61;
	v13 =	vnsel vm14, $0x0, v27  }
0x1b7: {  	v19 =	vld [tilespmem:$0x1FCD0];
	v2 =	vadd.f32 v2, v7;
	v5 =	vadd.f32 v5, v10;
	v10 =	vmul.f32 $1.442695020e+00, v59  }
0x1b8: {  	v7 =	vmul.f32 v6, v35;
	v6 =	vmul.f32 v6, v63;
	v4 =	vadd.f32 v4, v11;
	v35 =	vld [tilespmem:$0x1FD10]  }
0x1b9: {  	v27 =	vld [tilespmem:$0x1FD00];
	v3 =	vadd.f32 v3, v13;
	v2 =	vadd.f32 v2, v8;
	(erf) = vpow2.f32 v10  }
0x1ba: {  	v58 =	vld [tilespmem:$0x1FD20];
	v1 =	vadd.f32 v1, v7;
	v7 =	vmul.f32 v13, v12;
	v8 =	vmul.f32 v13, v22  }
0x1bb: {  	v59 =	vld [tilespmem:$0x1FD30];
	v10 =	vmul.f32 v13, v25;
	v5 =	vadd.f32 v5, v6;
	vm5 =	vnez.u8 v17  }
0x1bc: {  	v61 =	vld [tilespmem:$0x1FD40];
	v1 =	vadd.f32 v1, v7;
	v14 =	vpop (erf);
	v7 =	vmul.f32 v13, v19;
	v4 =	vadd.f32 v4, v8  }
0x1bd: {  	v63 =	vld [tilespmem:$0x1FD50];
	v5 =	vadd.f32 v5, v10;
	v6 =	vnsel vm5, $0x0, v14;
	v29 =	vpop (erf);
	vm6 =	vnez.u8 v35  }
0x1be: {  	v12 =	vld [tilespmem:$0x1FD60];
	v11 =	vmul.f32 v6, v27;
	v2 =	vadd.f32 v2, v7;
	v7 =	vnsel vm6, $0x0, v29  }
0x1bf: {  	v8 =	vmul.f32 v6, v58;
	v3 =	vadd.f32 v3, v6;
	v27 =	vsub.f32 v60, v0  }
0x1c0: {  	v19 =	vld [tilespmem:$0x1FD90];
	v10 =	vmul.f32 v6, v59;
	v58 =	vsub.f32 v44, v0;
	v59 =	vsub.f32 v55, v0  }
0x1c1: {  	v14 =	vld [tilespmem:$0x1FD70];
	v6 =	vmul.f32 v6, v61;
	v61 =	vsub.f32 v56, v0;
	v1 =	vadd.f32 v1, v11  }
0x1c2: {  	v17 =	vld [tilespmem:$0x1FD80];
	v11 =	vmul.f32 v7, v63;
	v2 =	vadd.f32 v2, v8;
	v4 =	vadd.f32 v4, v10  }
0x1c3: {  	v8 =	vmul.f32 v7, v12;
	v5 =	vadd.f32 v5, v6;
	v29 =	vmul.f32 $1.442695020e+00, v27  }
0x1c4: {  	v25 =	vld [tilespmem:$0x1FDB0];
	v3 =	vadd.f32 v3, v7;
	v60 =	vmul.f32 $1.442695020e+00, v58;
	v63 =	vmul.f32 $1.442695020e+00, v59  }
0x1c5: {  	v56 =	vld [tilespmem:$0x1FDD0];
	v12 =	vsub.f32 v30, v0;
	vm7 =	vnez.u8 v19;
	v19 =	vsub.f32 v26, v0  }
0x1c6: {  	v22 =	vld [tilespmem:$0x1FDA0];
	v26 =	vsub.f32 v20, v0;
	v2 =	vadd.f32 v2, v8;
	v8 =	vmul.f32 v7, v14  }
0x1c7: {  	v35 =	vld [tilespmem:$0x1FDC0];
	v1 =	vadd.f32 v1, v11;
	v7 =	vmul.f32 v7, v17;
	(erf) = vpow2.f32 v29  }
0x1c8: {  	v13 =	vpop (erf);
	v14 =	vsub.f32 v24, v0;
	v17 =	vmul.f32 $1.442695020e+00, v12;
	v24 =	vsub.f32 v23, v0  }
0x1c9: {  	v29 =	vsub.f32 v21, v0;
	v6 =	vnsel vm7, $0x0, v13;
	(erf) = vpow2.f32 v60  }
0x1ca: {  	v13 =	vmul.f32 $1.442695020e+00, v61;
	v30 =	vmul.f32 $1.442695020e+00, v26;
	vm9 =	vnez.u8 v56  }
0x1cb: {  	v10 =	vmul.f32 v6, v22;
	v11 =	vmul.f32 v6, v25;
	v4 =	vadd.f32 v4, v8  }
0x1cc: {  	v3 =	vadd.f32 v3, v6;
	v8 =	vmul.f32 v6, v35;
	v6 =	vmul.f32 v6, v46  }
0x1cd: {  	v59 =	vld [tilespmem:$0x1FDE0];
	v5 =	vadd.f32 v5, v7;
	(erf) = vpow2.f32 v63;
	v22 =	vmul.f32 $1.442695020e+00, v14  }
0x1ce: {  	v23 =	vld [tilespmem:$0x1FE40];
	v25 =	vmul.f32 $1.442695020e+00, v19;
	v27 =	vmul.f32 $1.442695020e+00, v24;
	v35 =	vsub.f32 v16, v0  }
0x1cf: {  	v61 =	vld [tilespmem:$0x1FDF0];
	v44 =	vmul.f32 $1.442695020e+00, v29;
	v46 =	vsub.f32 v15, v0;
	(erf) = vpow2.f32 v13  }
0x1d0: {  	v15 =	vld [tilespmem:$0x1FE00];
	v0 =	vsub.f32 v36, v0;
	v1 =	vadd.f32 v1, v10;
	(erf) = vpow2.f32 v17  }
0x1d1: {  	v19 =	vld [tilespmem:$0x1FE20];
	v2 =	vadd.f32 v2, v11;
	v7 =	vmul.f32 $1.442695020e+00, v35;
	(erf) = vpow2.f32 v22  }
0x1d2: {  	v4 =	vadd.f32 v4, v8;
	v58 =	vmul.f32 $1.442695020e+00, v46;
	v17 =	vld [tilespmem:$0x1FE10];
	(erf) = vpow2.f32 v25  }
0x1d3: {  	v24 =	vld [tilespmem:$0x1FE50];
	v5 =	vadd.f32 v5, v6;
	v0 =	vmul.f32 $1.442695020e+00, v0;
	(erf) = vpow2.f32 v27;
	v55 =	vpop (erf)  }
0x1d4: {  	v22 =	vld [tilespmem:$0x1FE30];
	vm14 =	vnez.u8 v23;
	(erf) = vpow2.f32 v30;
	v6 =	vnsel vm9, $0x0, v55  }
0x1d5: {  	vm10 =	vnez.u8 v61;
	(erf) = vpow2.f32 v44;
	v60 =	vpop (erf);
	v3 =	vadd.f32 v3, v6  }
0x1d6: {  	vm12 =	vnez.u8 v19;
	v27 =	vld [tilespmem:$0x1FE60];
	(erf) = vpow2.f32 v7;
	v7 =	vnsel vm10, $0x0, v60  }
0x1d7: {  	v30 =	vld [tilespmem:$0x1FE70];
	vm11 =	vnez.u8 v17;
	v10 =	vmul.f32 v6, v59;
	v63 =	vpop (erf);
	v3 =	vadd.f32 v3, v7  }
0x1d8: {  	v46 =	vld [tilespmem:$0x1FE80];
	(erf) = vpow2.f32 v58;
	v11 =	vmul.f32 v6, v15;
	v8 =	vnsel vm11, $0x0, v63  }
0x1d9: {  	v55 =	vld [tilespmem:$0x1FE90];
	v12 =	vmul.f32 v6, v22;
	v6 =	vmul.f32 v6, v24;
	v16 =	vpop (erf);
	v3 =	vadd.f32 v3, v8  }
0x1da: {  	v58 =	vld [tilespmem:$0x1FEA0];
	(erf) = vpow2.f32 v9;
	v1 =	vadd.f32 v1, v10;
	v10 =	vnsel vm12, $0x0, v16  }
0x1db: {  	v59 =	vld [tilespmem:$0x1FEB0];
	v14 =	vmul.f32 v7, v27;
	v2 =	vadd.f32 v2, v11;
	v20 =	vpop (erf);
	v3 =	vadd.f32 v3, v10  }
0x1dc: {  	v60 =	vld [tilespmem:$0x1FEC0];
	v4 =	vadd.f32 v4, v12;
	v15 =	vmul.f32 v7, v30;
	v11 =	vnsel vm14, $0x0, v20  }
0x1dd: {  	v5 =	vadd.f32 v5, v6;
	v16 =	vmul.f32 v7, v46;
	v21 =	vpop (erf);
	v3 =	vadd.f32 v3, v11  }
0x1de: {  	v61 =	vld [tilespmem:$0x1FED0];
	v9 =	vnsel vm15, $0x0, v21;
	v1 =	vadd.f32 v1, v14;
	v2 =	vadd.f32 v2, v15  }
0x1df: {  	v22 =	vld [tilespmem:$0x1FEE0];
	v25 =	vpop (erf);
	v7 =	vmul.f32 v7, v55;
	v4 =	vadd.f32 v4, v16;
	v3 =	vadd.f32 v3, v9  }
0x1e0: {  	v21 =	vmul.f32 v8, v51;
	v13 =	vnsel vm13, $0x0, v25;
	vm15 =	vnez.u8 v58  }
0x1e1: {  	v23 =	vld [tilespmem:$0x1FEF0];
	v26 =	vpop (erf);
	v19 =	vmul.f32 v8, v59;
	v16 =	vmul.f32 v8, v60;
	v3 =	vadd.f32 v3, v13  }
0x1e2: {  	v25 =	vmul.f32 $1.442695020e+00, v18;
	v50 =	vmul.f32 v9, v50;
	v12 =	vnsel vm8, $0x0, v26  }
0x1e3: {  	v24 =	vld [tilespmem:$0x1FF00];
	v29 =	vpop (erf);
	v5 =	vadd.f32 v5, v7;
	v7 =	vmul.f32 v8, v61;
	v3 =	vadd.f32 v3, v12  }
0x1e4: {  	v27 =	vld [tilespmem:$0x1FF10];
	v8 =	vmul.f32 v10, v22;
	v6 =	vnsel vm4, $0x0, v29;
	v1 =	vadd.f32 v1, v19  }
0x1e5: {  	v26 =	vmul.f32 v10, v38;
	v35 =	vpop (erf);
	v2 =	vadd.f32 v2, v16;
	v29 =	vld [tilespmem:$0x1FF20];
	v3 =	vadd.f32 v3, v6  }
0x1e6: {  	v16 =	vmul.f32 v10, v23;
	v14 =	vnsel vm3, $0x0, v35;
	v4 =	vadd.f32 v4, v7  }
0x1e7: {  	(erf) = vpow2.f32 v25;
	v44 =	vpop (erf);
	v5 =	vadd.f32 v5, v21;
	v35 =	vld [tilespmem:$0x1FF40];
	v3 =	vadd.f32 v3, v14  }
0x1e8: {  	v30 =	vld [tilespmem:$0x1FF30];
	v7 =	vmul.f32 v10, v24;
	v15 =	vnsel vm15, $0x0, v44;
	v1 =	vadd.f32 v1, v8  }
0x1e9: {  	v56 =	vpop (erf);
	v2 =	vadd.f32 v2, v16;
	v8 =	vmul.f32 v11, v27;
	v44 =	vld [tilespmem:$0x1FF60];
	v3 =	vadd.f32 v3, v15  }
0x1ea: {  	v38 =	vld [tilespmem:$0x1FF50];
	v17 =	vnsel vm1, $0x0, v56;
	v4 =	vadd.f32 v4, v7;
	v7 =	vmul.f32 v11, v29  }
0x1eb: {  	v55 =	vld [tilespmem:$0x1FF90];
	(erf) = vpow2.f32 v0;
	v63 =	vpop (erf);
	v5 =	vadd.f32 v5, v26;
	v3 =	vadd.f32 v3, v17  }
0x1ec: {  	v46 =	vld [tilespmem:$0x1FF70];
	v19 =	vnsel vm0, $0x0, v63;
	v2 =	vadd.f32 v2, v7;
	v7 =	vmul.f32 v11, v35  }
0x1ed: {  	v58 =	vld [tilespmem:$0x1FFB0];
	v1 =	vadd.f32 v1, v8;
	v8 =	vmul.f32 v11, v30;
	v3 =	vadd.f32 v3, v19  }
0x1ee: {  	v51 =	vld [tilespmem:$0x1FF80];
	v59 =	vmul.f32 v12, v43;
	v5 =	vadd.f32 v5, v7;
	v7 =	vmul.f32 v9, v44  }
0x1ef: {  	v20 =	vld [tilespmem:$0x1FFC0];
	v61 =	vmul.f32 v12, v42;
	v36 =	vadd.f32 v4, v8;
	v4 =	vmul.f32 v9, v38;
	(xrf2) =	vadd.scan.msk.f32 $0xffff, v3  }
0x1f0: {  	v23 =	vld [tilespmem:$0x1FFE0];
	v21 =	vmul.f32 v6, v52;
	v2 =	vadd.f32 v2, v7;
	v7 =	vmul.f32 v13, v55  }
0x1f1: {  	v16 =	vmul.f32 v6, v54;
	v56 =	vld [tilespmem:$0x1FFA0];
	v27 =	vmul.f32 v15, v57;
	v1 =	vadd.f32 v1, v4  }
0x1f2: {  	v4 =	vadd.f32 v5, v50;
	v5 =	vmul.f32 v13, v58;
	v2 =	vadd.f32 v2, v7  }
0x1f3: {  	v8 =	vmul.f32 v9, v46;
	v60 =	vpop (erf);
	v3 =	vmul.f32 v13, v51  }
0x1f4: {  	v22 =	vld [tilespmem:$0x1FFD0];
	(xrf0) =	vmax.scan.msk.f32 $0xffff, v60;
	v4 =	vadd.f32 v4, v5;
	v5 =	vmul.f32 v6, v20;
	v2 =	vadd.f32 v2, v61  }
0x1f5: {  	v63 =	vmul.f32 v12, v49;
	v0 =	vadd.f32 v36, v8;
	v18 =	vpop (erf);
	v1 =	vadd.f32 v1, v3  }
0x1f6: {  	(xrf0) =	vmax.scan.msk.f32 $0xffff, v18;
	v2 =	vadd.f32 v2, v5;
	v5 =	vmul.f32 v14, v23;
	v3 =	vmul.f32 v13, v56  }
0x1f7: {  	v30 =	vmul.f32 v17, v48;
	v13 =	vmul.f32 v12, v39;
	v1 =	vadd.f32 v1, v59  }
0x1f8: {  	v24 =	vld [tilespmem:$0x1FFF0];
	v41 =	vmul.f32 v17, v41;
	v2 =	vadd.f32 v2, v5;
	v0 =	vadd.f32 v0, v3  }
0x1f9: {  	v7 =	vmul.f32 v14, v22;
	v4 =	vadd.f32 v4, v13;
	v1 =	vadd.f32 v1, v16;
	v25, _, _ =	vpop (xrf2)  }
0x1fa: {  	v6 =	vmul.f32 v6, v37;
	v26, _, _ =	vpop (xrf0);
	v0 =	vadd.f32 v0, v63;
	(v2sf) =	vpush v25, $0xF  }
0x1fb: {  	v29 =	vmul.f32 v14, v47;
	v1 =	vadd.f32 v1, v7;
	(v2sf) =	vpush v26, $0xF  }
0x1fc: {  	v36 =	vmul.f32 v15, v53;
	v35, _, _ =	vpop (xrf0);
	v4 =	vadd.f32 v4, v6;
	v0 =	vadd.f32 v0, v21  }
0x1fd: {  	v6 =	vmul.f32 v14, v24;
	v1 =	vadd.f32 v1, v27;
	(v2sf) =	vpush v35, $0xF  }
0x1fe: {  	v38 =	vmul.f32 v19, v32;
	v2 =	vadd.f32 v2, v36;
	v39 =	vmul.f32 v17, v45  }
0x1ff: {  	v37 =	vmul.f32 v15, v40;
	v0 =	vadd.f32 v0, v6;
	v1 =	vadd.f32 v1, v30  }
0x200: {  	v42 =	vmul.f32 v19, v34;
	v2 =	vadd.f32 v2, v39;
	v4 =	vadd.f32 v4, v29  }
0x201: {  	v40 =	vmul.f32 v15, v62;
	v0 =	vadd.f32 v0, v37;
	v1 =	vadd.f32 v1, v38  }
0x202: {  	v43 =	vmul.f32 v17, v33;
	v2 =	vadd.f32 v2, v42  }
0x203: {  	v44 =	vmul.f32 v19, v31;
	v4 =	vadd.f32 v4, v40;
	v0 =	vadd.f32 v0, v41;
	(xrf2) =	vadd.scan.msk.f32 $0xffff, v1  }
0x204: {  	(xrf2) =	vadd.scan.msk.f32 $0xffff, v2  }
0x205: {  	v45 =	vmul.f32 v19, v28;
	v1 =	vadd.f32 v4, v43;
	v0 =	vadd.f32 v0, v44;
	_ =	sdelay $0x1  }
0x206: {  	v1 =	vadd.f32 v1, v45;
	(xrf2) =	vadd.scan.msk.f32 $0xffff, v0  }
0x207: {  	v47 =	vld [tilespmem:$0xB80]  }
0x208: {  	v46 =	vld [tilespmem:$0xB00];
	(xrf2) =	vadd.scan.msk.f32 $0xffff, v1;
	s24 =	spop (v2sf)  }
0x209: {  	s25 =	spop (v2sf)  }
0x20a: {  	v48 =	vld [tilespmem:$0xC00];
	s4 =	sadd.f32 s24, s25  }
0x20b: {  	s26 =	spop (v2sf)  }
0x20c: {  	v50 =	vld [tilespmem:$0xC80];
	v2 =	vmul.f32 v18, v47;
	v49, _, _ =	vpop (xrf2);
	s4 =	sadd.f32 s4, s26  }
0x20d: {  	v0 =	vmul.f32 v60, v46;
	v4 =	vbroadcast v49, $0xF;
	v51, _, _ =	vpop (xrf2)  }
0x20e: {  	v52 =	vld [tilespmem:$0xD00];
	v54 =	vbroadcast v51, $0xF;
	v53 =	vmov s4  }
0x20f: {  	v0 =	vadd.f32 v2, v0;
	v1 =	vmul.f32 v4, v48;
	(erf) = vrcp.f32 v53  }
0x210: {  	v56 =	vld [tilespmem:$0xD80];
	v55, _, _ =	vpop (xrf2)  }
0x211: {  	v58 =	vbroadcast v55, $0xF;
	v57 =	vmul.f32 v54, v50;
	v0 =	vadd.f32 v1, v0  }
0x212: {  	v59, _, _ =	vpop (xrf2)  }
0x213: {  	v60 =	vmul.f32 v58, v52;
	v61 =	vbroadcast v59, $0xF;
	v0 =	vadd.f32 v0, v57;
	_ =	sdelay $0x1  }
0x214: {  	v62 =	vmul.f32 v61, v56;
	v0 =	vadd.f32 v0, v60;
	_ =	sdelay $0x1  }
0x215: {  	v0 =	vadd.f32 v0, v62  }
0x216: {  	v63 =	vpop (erf)  }
0x217: {  	v0 =	vmul.f32 v0, v63  }
0x218: {  	s28 =	sadd.s32 $0x1600, s3;
	s29 =	sshll.u32 s1, $0x4  }
0x219: {  	s30 =	simm.s32 $0x1000;
	s31 =	simm.s32 $0x3;
	s3 =	sadd.s32 s28, s29;
	[tilespmem:$0x1000] =	vst v0  }
0x21a: {  	[hbm4b:s3+s2] =	stream.linear.scatter [tilespmem:s30], [sflag:$0x3], $0x80, $0x38;
	[tilespmem:$0x1080] =	vst v63  }
0x21b: {  	_ =	swait.ge [sflag:s31], $0x80  }
0x21c: {  	[sflag:s31] =	ssyncset.done $0x0  }
0x21d: {  	[sflag:s31] =	ssyncadd.s32 $0xFFFFFF80  }
.LBB2_2:
0x21e: {  	_ =	sfence.sel $0x180000  }
0x21f: {  	[bflag:$0x0] =	sbarrier.arrive $0xFFFF  }
0x220: {  	p0 =	sne.s32 s1, $0x0;
	_ =	strace $0x90000047  }
0x221: {  	s0 =	sadd.s32 @!p0 $0x100000, s0;
	[bflag:$0x2] =	sbarrier.arrive $0xFFFF  }
0x222: {  	[sflag:s0] =	ssyncadd.tile.s32 @!p0 $0x1;
	_ =	shalt  }
.Lfunc_end2:
_tile_overlayer_lowered:
.L_overlay_start_2:
0x223: {  	(tag) =	ssettag $0x2  }
0x224: {  	s0 =	rddreg [dreg:$0x0];
	s2 =	stileid.u32  }
0x225: {  	s1 =	rddreg [dreg:$0x1];
	p0 =	sne.s32 s2, $0x0  }
0x226: {  	s3 =	rddreg [dreg:$0x2];
	[bflag:$0x3] =	sbarrier.arrive $0xFFFF;
	s2 =	simm.s32 @!p0 $0x1C03  }
0x227: {  	[timem:s3], [sflag:s2] =	dma.local @!p0 [hbm:s0], s1  }
0x228: {  	s0 =	simm.s32 @!p0 $0x3  }
0x229: {  	_ =	swait.ge @!p0 [sflag:s0], s1  }
0x22a: {  	s1 =	ssub.s32 @!p0 $0x0, s1;
	[sflag:s0] =	ssyncset.done @!p0 $0x0  }
0x22b: {  	[sflag:s0] =	ssyncadd.s32 @!p0 s1  }
0x22c: {  	[bflag:$0x3] =	sbarrier.arrive $0xFFFF  }
0x22d: {  	_ =	shalt  }

</sc_bundles>
